<compile_context>
chip_gen: v7x
topology: tpu7x:2x2x1
jax: 0.10.2.dev20260603
libtpu: 0.0.44.dev20260713+nightly
codegen_flags: <defaults>
</compile_context>

<pallas_src>
import functools

import jax
import jax.numpy as jnp
from jax import lax
from jax.experimental import pallas as pl
from jax.experimental.pallas import tpu as pltpu
from jax.experimental.pallas import tpu_sc as plsc

N = 10000
FEAT, HID, NCLS = 128, 32, 16
E = 320000
NC, NS = 2, 16
NW = NC * NS
EPAD = 327680
ZPS = 632
NPAD = NS * ZPS
CW = 8
CH1 = 128
CH23 = 256
TOT1 = EPAD // CH1
TOT23 = EPAD // CH23
N0_1, N1_1 = 112, 48
N0_23, N1_23 = 56, 24
assert 16 * (N0_1 + N1_1) == TOT1 and 16 * (N0_23 + N1_23) == TOT23


def _seg_mesh():
    return plsc.VectorSubcoreMesh(core_axis_name="c", subcore_axis_name="s",
                                  num_cores=NC, num_subcores=NS)


def _core_base_n(c, s, n0, n1):
    base = lax.select(c == 0, s * n0, 16 * n0 + s * n1)
    nch = lax.select(c == 0, jnp.int32(n0), jnp.int32(n1))
    return base, nch


def _seg_sum_count(table, colF, rowF):
    feat = table.shape[1]

    @functools.partial(
        pl.kernel,
        out_type=(jax.ShapeDtypeStruct((NC * NPAD, feat), jnp.float32),
                  jax.ShapeDtypeStruct((NC * NPAD, CW), jnp.float32)),
        mesh=_seg_mesh(),
        compiler_params=pltpu.CompilerParams(use_tc_tiling_on_sc=False),
        scratch_types=[
            pltpu.VMEM((1, CH1), jnp.int32),
            pltpu.VMEM((1, CH1), jnp.int32),
            pltpu.VMEM((1, CH1), jnp.int32),
            pltpu.VMEM((1, CH1), jnp.int32),
            pltpu.VMEM((CH1, feat), jnp.float32),
            pltpu.VMEM((CH1, feat), jnp.float32),
            pltpu.VMEM((CH1, CW), jnp.float32),
            pltpu.VMEM_SHARED((NPAD, feat), jnp.float32),
            pltpu.VMEM_SHARED((NPAD, CW), jnp.float32),
            pltpu.SemaphoreType.DMA,
            pltpu.SemaphoreType.DMA,
            pltpu.SemaphoreType.DMA,
            pltpu.SemaphoreType.DMA,
        ],
    )
    def body(table_h, colF_h, rowF_h, zf_h, zc_h, ones_h,
             s_out, c_out, col0, col1, rix0, rix1, rows0, rows1, onesv,
             accS, accC, g0, g1, s0, s1):
        c = lax.axis_index("c")
        s = lax.axis_index("s")
        base, nch = _core_base_n(c, s, N0_1, N1_1)
        pltpu.sync_copy(zf_h.at[pl.ds(0, CH1)], rows0)
        pltpu.sync_copy(zc_h.at[pl.ds(0, CH1)], onesv)
        off8 = 0
        while off8 < ZPS:
            nk = min(CH1, ZPS - off8)
            pltpu.sync_copy(rows0.at[pl.ds(0, nk)],
                            accS.at[pl.ds(s * ZPS + off8, nk)])
            pltpu.sync_copy(onesv.at[pl.ds(0, nk)],
                            accC.at[pl.ds(s * ZPS + off8, nk)])
            off8 += nk
        pltpu.sync_copy(ones_h, onesv)
        plsc.subcore_barrier()

        bufs = ((col0, rix0, rows0, g0, s0), (col1, rix1, rows1, g1, s1))
        for b, (cb, ib, rb, gb, sb) in enumerate(bufs):
            pltpu.sync_copy(colF_h.at[base + b], cb.at[0])
            pltpu.sync_copy(rowF_h.at[base + b], ib.at[0])
            pltpu.async_copy(table_h.at[cb.at[0]], rb, gb)

        def half(j, cb, ib, rb, gb, sb):
            pltpu.make_async_copy(table_h.at[cb.at[0]], rb, gb).wait()
            pltpu.async_copy(rb, accS.at[ib.at[0]], sb, add=True)
            pltpu.async_copy(onesv, accC.at[ib.at[0]], sb, add=True)
            j2 = j + 2

            @pl.when(j2 < nch)
            def _():
                pltpu.sync_copy(colF_h.at[base + j2], cb.at[0])

            pltpu.make_async_copy(rb, accS.at[ib.at[0]], sb).wait()
            pltpu.make_async_copy(onesv, accC.at[ib.at[0]], sb).wait()

            @pl.when(j2 < nch)
            def _():
                pltpu.sync_copy(rowF_h.at[base + j2], ib.at[0])
                pltpu.async_copy(table_h.at[cb.at[0]], rb, gb)

        def step(i, carry):
            half(2 * i, col0, rix0, rows0, g0, s0)
            half(2 * i + 1, col1, rix1, rows1, g1, s1)
            return carry

        lax.fori_loop(0, nch // 2, step, 0)
        plsc.subcore_barrier()
        off = c * NPAD + s * ZPS
        off8 = 0
        while off8 < ZPS:
            nk = min(CH1, ZPS - off8)
            pltpu.sync_copy(accS.at[pl.ds(s * ZPS + off8, nk)],
                            rows0.at[pl.ds(0, nk)])
            pltpu.sync_copy(rows0.at[pl.ds(0, nk)],
                            s_out.at[pl.ds(off + off8, nk)])
            pltpu.sync_copy(accC.at[pl.ds(s * ZPS + off8, nk)],
                            onesv.at[pl.ds(0, nk)])
            pltpu.sync_copy(onesv.at[pl.ds(0, nk)],
                            c_out.at[pl.ds(off + off8, nk)])
            off8 += nk

    zf = jnp.zeros((CH1, feat), jnp.float32)
    zc = jnp.zeros((CH1, CW), jnp.float32)
    ones = jnp.ones((CH1, CW), jnp.float32)
    return body(table, colF, rowF, zf, zc, ones)


def _seg_sum(table, colF, rowF):
    feat = table.shape[1]

    @functools.partial(
        pl.kernel,
        out_type=jax.ShapeDtypeStruct((NC * NPAD, feat), jnp.float32),
        mesh=_seg_mesh(),
        compiler_params=pltpu.CompilerParams(use_tc_tiling_on_sc=False),
        scratch_types=[
            pltpu.VMEM((1, CH23), jnp.int32),
            pltpu.VMEM((1, CH23), jnp.int32),
            pltpu.VMEM((1, CH23), jnp.int32),
            pltpu.VMEM((1, CH23), jnp.int32),
            pltpu.VMEM((CH23, feat), jnp.float32),
            pltpu.VMEM((CH23, feat), jnp.float32),
            pltpu.VMEM_SHARED((NPAD, feat), jnp.float32),
            pltpu.SemaphoreType.DMA,
            pltpu.SemaphoreType.DMA,
            pltpu.SemaphoreType.DMA,
            pltpu.SemaphoreType.DMA,
        ],
    )
    def body(table_h, colF_h, rowF_h, zf_h,
             s_out, col0, col1, rix0, rix1, rows0, rows1, accS,
             g0, g1, s0, s1):
        c = lax.axis_index("c")
        s = lax.axis_index("s")
        base, nch = _core_base_n(c, s, N0_23, N1_23)
        pltpu.sync_copy(zf_h.at[pl.ds(0, CH23)], rows0)
        off8 = 0
        while off8 < ZPS:
            nk = min(CH23, ZPS - off8)
            pltpu.sync_copy(rows0.at[pl.ds(0, nk)],
                            accS.at[pl.ds(s * ZPS + off8, nk)])
            off8 += nk
        plsc.subcore_barrier()

        bufs = ((col0, rix0, rows0, g0, s0), (col1, rix1, rows1, g1, s1))
        for b, (cb, ib, rb, gb, sb) in enumerate(bufs):
            pltpu.sync_copy(colF_h.at[base + b], cb.at[0])
            pltpu.sync_copy(rowF_h.at[base + b], ib.at[0])
            pltpu.async_copy(table_h.at[cb.at[0]], rb, gb)

        def half(j, cb, ib, rb, gb, sb):
            pltpu.make_async_copy(table_h.at[cb.at[0]], rb, gb).wait()
            pltpu.async_copy(rb, accS.at[ib.at[0]], sb, add=True)
            j2 = j + 2

            @pl.when(j2 < nch)
            def _():
                pltpu.sync_copy(colF_h.at[base + j2], cb.at[0])

            pltpu.make_async_copy(rb, accS.at[ib.at[0]], sb).wait()

            @pl.when(j2 < nch)
            def _():
                pltpu.sync_copy(rowF_h.at[base + j2], ib.at[0])
                pltpu.async_copy(table_h.at[cb.at[0]], rb, gb)

        def step(i, carry):
            half(2 * i, col0, rix0, rows0, g0, s0)
            half(2 * i + 1, col1, rix1, rows1, g1, s1)
            return carry

        lax.fori_loop(0, nch // 2, step, 0)
        plsc.subcore_barrier()
        off = c * NPAD + s * ZPS
        off8 = 0
        while off8 < ZPS:
            nk = min(CH23, ZPS - off8)
            pltpu.sync_copy(accS.at[pl.ds(s * ZPS + off8, nk)],
                            rows0.at[pl.ds(0, nk)])
            pltpu.sync_copy(rows0.at[pl.ds(0, nk)],
                            s_out.at[pl.ds(off + off8, nk)])
            off8 += nk

    zf = jnp.zeros((CH23, feat), jnp.float32)
    return body(table, colF, rowF, zf)


def _lrelu(v):
    return jnp.where(v >= 0, v, 0.2 * v)


BM = 1000


def _dot(a, b):
    return jnp.dot(a, b, preferred_element_type=jnp.float32)


def _tc1_body(x, s0, s1, c0, c1, wg1t, wg2t, wb1t, wb2t, r1, w1,
              out1, xw_o, y1_o):
    cc = c0[:, :1] + c1[:, :1]
    nb = (s0[:, :] + s1[:, :]) / jnp.maximum(cc, 1.0)
    dinv = lax.rsqrt(cc + 1.0)
    xv = x[:, :]
    g = _lrelu(_dot(xv, wg1t[:, :]) + _dot(nb, wg2t[:, :])) + 1.0
    b = _lrelu(_dot(xv, wb1t[:, :]) + _dot(nb, wb2t[:, :]))
    out1[:, :] = xv + g * r1[:, :] + b - nb
    xw = _dot(xv, w1[:, :])
    xw_o[:, :] = xw
    y1_o[:, :] = dinv * xw


def _tc2_body(sy0, sy1, xw, c0, c1, b1, w2, x1_o, xw2_o, y2_o):
    cc = c0[:, :1] + c1[:, :1]
    dinv = lax.rsqrt(cc + 1.0)
    h1 = dinv * (sy0[:, :] + sy1[:, :]) + dinv * dinv * xw[:, :] + b1[:, :]
    x1 = jnp.where(h1 > 0, h1, jnp.exp(h1) - 1.0)
    x1_o[:, :] = x1
    xw2 = _dot(x1, w2[:, :])
    xw2_o[:, :] = xw2
    y2_o[:, :] = dinv * xw2


def _tc3_body(sn0, sn1, sy0, sy1, x1, xw2, c0, c1,
              wg1t, wg2t, wb1t, wb2t, r2, b2, out2, h2_o, logp_o):
    cc = c0[:, :1] + c1[:, :1]
    dinv = lax.rsqrt(cc + 1.0)
    nb = (sn0[:, :] + sn1[:, :]) / jnp.maximum(cc, 1.0)
    x1v = x1[:, :]
    g = _lrelu(_dot(x1v, wg1t[:, :]) + _dot(nb, wg2t[:, :])) + 1.0
    b = _lrelu(_dot(x1v, wb1t[:, :]) + _dot(nb, wb2t[:, :]))
    out2[:, :] = x1v + g * r2[:, :] + b - nb
    h2 = dinv * (sy0[:, :] + sy1[:, :]) + dinv * dinv * xw2[:, :] + b2[:, :]
    h2_o[:, :] = h2
    m = jnp.max(h2, axis=1, keepdims=True)
    sh = h2 - m
    logp_o[:, :] = sh - jnp.log(jnp.sum(jnp.exp(sh), axis=1, keepdims=True))


def _row_spec(w):
    return pl.BlockSpec((BM, w), lambda i: (i, 0))


def _full_spec(h, w):
    return pl.BlockSpec((h, w), lambda i: (0, 0))


def _f32(shape):
    return jax.ShapeDtypeStruct(shape, jnp.float32)


def kernel(x, edge_index, head, Wg1_1, Wg2_1, Wb1_1, Wb2_1, r_1, W_1, b_1,
           Wg1_2, Wg2_2, Wb1_2, Wb2_2, r_2, W_2, b_2):
    del head
    grid = (N // BM,)
    row, col = edge_index[0], edge_index[1]
    padE = EPAD - E
    rowp = jnp.concatenate([row, jnp.full((padE,), N, jnp.int32)])
    colp = jnp.concatenate([col, jnp.zeros((padE,), jnp.int32)])
    rowF1 = rowp.reshape(TOT1, CH1)
    colF1 = colp.reshape(TOT1, CH1)
    rowF2 = rowp.reshape(TOT23, CH23)
    colF2 = colp.reshape(TOT23, CH23)

    S, C = _seg_sum_count(x, colF1, rowF1)
    s0, s1 = S[:N], S[NPAD:NPAD + N]
    c0, c1 = C[:N], C[NPAD:NPAD + N]

    tc1 = pl.pallas_call(
        _tc1_body,
        grid=grid,
        in_specs=[_row_spec(FEAT), _row_spec(FEAT), _row_spec(FEAT),
                  _row_spec(CW), _row_spec(CW),
                  _full_spec(FEAT, FEAT), _full_spec(FEAT, FEAT),
                  _full_spec(FEAT, FEAT), _full_spec(FEAT, FEAT),
                  _full_spec(1, FEAT), _full_spec(FEAT, HID)],
        out_specs=[_row_spec(FEAT), _row_spec(HID), _row_spec(HID)],
        out_shape=[_f32((N, FEAT)), _f32((N, HID)), _f32((N, HID))],
    )
    out1, xw, y1 = tc1(x, s0, s1, c0, c1, Wg1_1.T, Wg2_1.T, Wb1_1.T, Wb2_1.T,
                       r_1, W_1)

    Sy = _seg_sum(y1, colF2, rowF2)

    tc2 = pl.pallas_call(
        _tc2_body,
        grid=grid,
        in_specs=[_row_spec(HID), _row_spec(HID), _row_spec(HID),
                  _row_spec(CW), _row_spec(CW),
                  _full_spec(1, HID), _full_spec(HID, NCLS)],
        out_specs=[_row_spec(HID), _row_spec(NCLS), _row_spec(NCLS)],
        out_shape=[_f32((N, HID)), _f32((N, NCLS)), _f32((N, NCLS))],
    )
    x1, xw2, y2 = tc2(Sy[:N], Sy[NPAD:NPAD + N], xw, c0, c1,
                      b_1.reshape(1, HID), W_2)

    z2 = jnp.concatenate([x1, y2], axis=1)
    Sz = _seg_sum(z2, colF2, rowF2)
    Sz3 = Sz.reshape(NC, NPAD, HID + NCLS)
    sn0, sn1 = Sz3[0, :N, :HID], Sz3[1, :N, :HID]
    sy0, sy1 = Sz3[0, :N, HID:], Sz3[1, :N, HID:]

    tc3 = pl.pallas_call(
        _tc3_body,
        grid=grid,
        in_specs=[_row_spec(HID), _row_spec(HID), _row_spec(NCLS),
                  _row_spec(NCLS), _row_spec(HID), _row_spec(NCLS),
                  _row_spec(CW), _row_spec(CW),
                  _full_spec(HID, HID), _full_spec(HID, HID),
                  _full_spec(HID, HID), _full_spec(HID, HID),
                  _full_spec(1, HID), _full_spec(1, NCLS)],
        out_specs=[_row_spec(HID), _row_spec(NCLS), _row_spec(NCLS)],
        out_shape=[_f32((N, HID)), _f32((N, NCLS)), _f32((N, NCLS))],
    )
    out2, h2, logp = tc3(sn0, sn1, sy0, sy1, x1, xw2, c0, c1,
                         Wg1_2.T, Wg2_2.T, Wb1_2.T, Wb2_2.T,
                         r_2, b_2.reshape(1, NCLS))
    return (h2, logp, out1, out2)

# --- scband reference (transcript-rebuilt; emitter-appended) ---
"""Pipeline reference for scband-tail-gnn-26345329394247 (READ-ONLY COPY).

The authoritative reference and input builder live on the scoring server;
editing this copy changes nothing except your own understanding.
"""

import jax, jax.numpy as jnp
import numpy as np

N, E, FEAT, HID, NCLS = 10000, 320000, 128, 32, 16

def lrelu(v):
    return jnp.where(v >= 0, v, 0.2 * v)

def relation(ft, nb, Wg1, Wg2, Wb1, Wb2, r):
    gamma = lrelu(ft @ Wg1.T + nb @ Wg2.T) + 1.0
    beta = lrelu(ft @ Wb1.T + nb @ Wb2.T)
    return ft + (gamma * r + beta) - nb

def gcn_conv(x, row, col, W, b):
    n = x.shape[0]
    sl = jnp.arange(n, dtype=row.dtype)
    r2 = jnp.concatenate([row, sl])
    c2 = jnp.concatenate([col, sl])
    deg = jax.ops.segment_sum(jnp.ones(r2.shape[0], dtype=x.dtype), r2, num_segments=n)
    dinv = jnp.where(deg > 0, 1.0 / jnp.sqrt(deg), 0.0)
    norm = dinv[r2] * dinv[c2]
    out = jax.ops.segment_sum(norm[:, None] * (x @ W)[c2], r2, num_segments=n)
    return out + b

def trans_gcn(x, row, col, Wg1, Wg2, Wb1, Wb2, r, W, b):
    n = x.shape[0]
    cnt = jax.ops.segment_sum(jnp.ones(col.shape[0], dtype=x.dtype), row, num_segments=n)
    nb = jax.ops.segment_sum(x[col], row, num_segments=n) / jnp.maximum(cnt, 1.0)[:, None]
    out = relation(x, nb, Wg1, Wg2, Wb1, Wb2, r)
    h_k = gcn_conv(x, row, col, W, b)
    return h_k, out

def setup_inputs(seed: int = 0):
    key = jax.random.key(seed)
    ks = jax.random.split(key, 16)
    inp = {}
    inp['x'] = jax.random.normal(ks[0], (N, FEAT), dtype=jnp.float32)
    inp['edge_index'] = jax.random.randint(ks[1], (2, E), 0, N, dtype=jnp.int32)
    inp['head'] = 1
    inp['Wg1_1'] = 0.1 * jax.random.normal(ks[2], (FEAT, FEAT), dtype=jnp.float32)
    inp['Wg2_1'] = 0.1 * jax.random.normal(ks[3], (FEAT, FEAT), dtype=jnp.float32)
    inp['Wb1_1'] = 0.1 * jax.random.normal(ks[4], (FEAT, FEAT), dtype=jnp.float32)
    inp['Wb2_1'] = 0.1 * jax.random.normal(ks[5], (FEAT, FEAT), dtype=jnp.float32)
    inp['r_1'] = 0.1 * jax.random.normal(ks[6], (1, FEAT), dtype=jnp.float32)
    inp['W_1'] = 0.1 * jax.random.normal(ks[7], (FEAT, HID), dtype=jnp.float32)
    inp['b_1'] = jnp.zeros((HID,), dtype=jnp.float32)
    inp['Wg1_2'] = 0.1 * jax.random.normal(ks[8], (HID, HID), dtype=jnp.float32)
    inp['Wg2_2'] = 0.1 * jax.random.normal(ks[9], (HID, HID), dtype=jnp.float32)
    inp['Wb1_2'] = 0.1 * jax.random.normal(ks[10], (HID, HID), dtype=jnp.float32)
    inp['Wb2_2'] = 0.1 * jax.random.normal(ks[11], (HID, HID), dtype=jnp.float32)
    inp['r_2'] = 0.1 * jax.random.normal(ks[12], (1, HID), dtype=jnp.float32)
    inp['W_2'] = 0.1 * jax.random.normal(ks[13], (HID, NCLS), dtype=jnp.float32)
    inp['b_2'] = jnp.zeros((NCLS,), dtype=jnp.float32)
    return inp

def reference(x, edge_index, head, Wg1_1, Wg2_1, Wb1_1, Wb2_1, r_1, W_1, b_1, Wg1_2, Wg2_2, Wb1_2, Wb2_2, r_2, W_2, b_2):
    # TailGNN arch=1 (TransGCN stack), ver=1 (Relation), ablation=0, head=True, eval mode (dropout=identity)
    row, col = edge_index[0], edge_index[1]
    h1, out1 = trans_gcn(x, row, col, Wg1_1, Wg2_1, Wb1_1, Wb2_1, r_1, W_1, b_1)
    x1 = jax.nn.elu(h1)
    h2, out2 = trans_gcn(x1, row, col, Wg1_2, Wg2_2, Wb1_2, Wb2_2, r_2, W_2, b_2)
    logp = jax.nn.log_softmax(h2, axis=1)
    return (h2, logp, out1, out2)

if __name__ == "__main__":
    import jax
    _d = setup_inputs()
    print(jax.jit(kernel)(*tuple(_d.values())))

</pallas_src>

<mosaic_0001>
#map = affine_map<(d0, d1) -> (0, 0)>
module attributes {stable_mosaic.version = 14 : i64} {
  func.func @body(%arg0: i32, %arg1: i32, %arg2: memref<10000x48xf32, #tpu.memory_space<hbm>>, %arg3: memref<1280x256xi32, #tpu.memory_space<hbm>>, %arg4: memref<1280x256xi32, #tpu.memory_space<hbm>>, %arg5: memref<256x48xf32, #tpu.memory_space<hbm>>, %arg6: memref<20224x48xf32, #tpu.memory_space<hbm>>, %arg7: memref<1x256xi32, #tpu.memory_space<vmem>>, %arg8: memref<1x256xi32, #tpu.memory_space<vmem>>, %arg9: memref<1x256xi32, #tpu.memory_space<vmem>>, %arg10: memref<1x256xi32, #tpu.memory_space<vmem>>, %arg11: memref<256x48xf32, #tpu.memory_space<vmem>>, %arg12: memref<256x48xf32, #tpu.memory_space<vmem>>, %arg13: memref<10112x48xf32, #tpu.memory_space<vmem_shared>>, %arg14: memref<!tpu.dma_semaphore, #tpu.memory_space<semaphore_mem>>, %arg15: memref<!tpu.dma_semaphore, #tpu.memory_space<semaphore_mem>>, %arg16: memref<!tpu.dma_semaphore, #tpu.memory_space<semaphore_mem>>, %arg17: memref<!tpu.dma_semaphore, #tpu.memory_space<semaphore_mem>>) attributes {dimension_semantics = [#tpu.dimension_semantics<core_parallel>, #tpu.dimension_semantics<subcore_parallel>], iteration_bounds = array<i64: 2, 16>, scalar_prefetch = 0 : i64, scratch_operands = 11 : i64, tpu.core_type = #tpu.core_type<sc_vector_subcore>, window_params = [{transform_indices = #map}, {transform_indices = #map}, {transform_indices = #map}, {transform_indices = #map}, {transform_indices = #map}]} {
    %eq3A = arith.constant 0 : i32
    %eq3A_0 = arith.cmpi eq, %arg0, %eq3A : i32
    %mul3A = arith.constant 56 : i32
    %mul3A_1 = arith.muli %arg1, %mul3A : i32
    %mul3A_2 = arith.constant 24 : i32
    %mul3A_3 = arith.muli %arg1, %mul3A_2 : i32
    %add3A = arith.constant 896 : i32
    %add3A_4 = arith.addi %add3A, %mul3A_3 : i32
    %select_n3A = arith.select %eq3A_0, %mul3A_1, %add3A_4 : i32
    %eq3A_5 = arith.constant 0 : i32
    %eq3A_6 = arith.cmpi eq, %arg0, %eq3A_5 : i32
    %select_n3A_7 = arith.constant 24 : i32
    %select_n3A_8 = arith.constant 56 : i32
    %select_n3A_9 = arith.select %eq3A_6, %select_n3A_8, %select_n3A_7 : i32
    "tpu.region"() ({
      %run_scoped3A_96 = tpu.sem_alloc : memref<!tpu.dma_semaphore, #tpu.memory_space<semaphore_mem>>
      %dma_start3A_97 = arith.constant 0 : i32
      %dma_start3A_98 = arith.constant 0 : i32
      %dma_start3A_99 = tpu.memref_slice %arg5[%dma_start3A_97, %dma_start3A_98] : memref<256x48xf32, #tpu.memory_space<hbm>> -> memref<256x48xf32, #tpu.memory_space<hbm>>
      %dma_start3A_100 = arith.constant 0 : i32
      %dma_start3A_101 = arith.constant 0 : i32
      %dma_start3A_102 = tpu.memref_slice %arg5[%dma_start3A_100, %dma_start3A_101] : memref<256x48xf32, #tpu.memory_space<hbm>> -> memref<256x48xf32, #tpu.memory_space<hbm>>
      tpu.enqueue_dma source(%dma_start3A_102 : memref<256x48xf32, #tpu.memory_space<hbm>>) target(%arg11 : memref<256x48xf32, #tpu.memory_space<vmem>>) target_semaphore(%run_scoped3A_96 : memref<!tpu.dma_semaphore, #tpu.memory_space<semaphore_mem>>)
      %dma_wait3A = arith.constant 0 : i32
      %dma_wait3A_103 = arith.constant 0 : i32
      %dma_wait3A_104 = tpu.memref_slice %arg5[%dma_wait3A, %dma_wait3A_103] : memref<256x48xf32, #tpu.memory_space<hbm>> -> memref<256x48xf32, #tpu.memory_space<hbm>>
      %dma_wait3A_105 = arith.constant 0 : i32
      %dma_wait3A_106 = arith.constant 0 : i32
      %dma_wait3A_107 = tpu.memref_slice %arg5[%dma_wait3A_105, %dma_wait3A_106] : memref<256x48xf32, #tpu.memory_space<hbm>> -> memref<256x48xf32, #tpu.memory_space<hbm>>
      tpu.wait_dma2 semaphore(%run_scoped3A_96 : memref<!tpu.dma_semaphore, #tpu.memory_space<semaphore_mem>>) src(%dma_wait3A_107 : memref<256x48xf32, #tpu.memory_space<hbm>>) dst(%arg11 : memref<256x48xf32, #tpu.memory_space<vmem>>)
      tpu.yield
    }) : () -> ()
    %mul3A_10 = arith.constant 632 : i32
    %mul3A_11 = arith.muli %arg1, %mul3A_10 : i32
    %add3A_12 = arith.constant 0 : i32
    %add3A_13 = arith.addi %mul3A_11, %add3A_12 : i32
    "tpu.region"() ({
      %run_scoped3A_96 = tpu.sem_alloc : memref<!tpu.dma_semaphore, #tpu.memory_space<semaphore_mem>>
      %dma_start3A_97 = arith.constant 0 : i32
      %dma_start3A_98 = arith.constant 0 : i32
      %dma_start3A_99 = tpu.memref_slice %arg11[%dma_start3A_97, %dma_start3A_98] : memref<256x48xf32, #tpu.memory_space<vmem>> -> memref<256x48xf32, #tpu.memory_space<vmem>>
      %dma_start3A_100 = arith.constant 0 : i32
      %dma_start3A_101 = tpu.memref_slice %arg13[%add3A_13, %dma_start3A_100] : memref<10112x48xf32, #tpu.memory_space<vmem_shared>> -> memref<256x48xf32, #tpu.memory_space<vmem_shared>>
      %dma_start3A_102 = arith.constant 0 : i32
      %dma_start3A_103 = tpu.memref_slice %arg13[%add3A_13, %dma_start3A_102] : memref<10112x48xf32, #tpu.memory_space<vmem_shared>> -> memref<256x48xf32, #tpu.memory_space<vmem_shared>>
      %dma_start3A_104 = arith.constant 0 : i32
      %dma_start3A_105 = arith.constant 0 : i32
      %dma_start3A_106 = tpu.memref_slice %arg11[%dma_start3A_104, %dma_start3A_105] : memref<256x48xf32, #tpu.memory_space<vmem>> -> memref<256x48xf32, #tpu.memory_space<vmem>>
      tpu.enqueue_dma source(%dma_start3A_106 : memref<256x48xf32, #tpu.memory_space<vmem>>) target(%dma_start3A_103 : memref<256x48xf32, #tpu.memory_space<vmem_shared>>) target_semaphore(%run_scoped3A_96 : memref<!tpu.dma_semaphore, #tpu.memory_space<semaphore_mem>>)
      %dma_wait3A = arith.constant 0 : i32
      %dma_wait3A_107 = arith.constant 0 : i32
      %dma_wait3A_108 = tpu.memref_slice %arg11[%dma_wait3A, %dma_wait3A_107] : memref<256x48xf32, #tpu.memory_space<vmem>> -> memref<256x48xf32, #tpu.memory_space<vmem>>
      %dma_wait3A_109 = arith.constant 0 : i32
      %dma_wait3A_110 = tpu.memref_slice %arg13[%add3A_13, %dma_wait3A_109] : memref<10112x48xf32, #tpu.memory_space<vmem_shared>> -> memref<256x48xf32, #tpu.memory_space<vmem_shared>>
      %dma_wait3A_111 = arith.constant 0 : i32
      %dma_wait3A_112 = tpu.memref_slice %arg13[%add3A_13, %dma_wait3A_111] : memref<10112x48xf32, #tpu.memory_space<vmem_shared>> -> memref<256x48xf32, #tpu.memory_space<vmem_shared>>
      %dma_wait3A_113 = arith.constant 0 : i32
      %dma_wait3A_114 = arith.constant 0 : i32
      %dma_wait3A_115 = tpu.memref_slice %arg11[%dma_wait3A_113, %dma_wait3A_114] : memref<256x48xf32, #tpu.memory_space<vmem>> -> memref<256x48xf32, #tpu.memory_space<vmem>>
      tpu.wait_dma2 semaphore(%run_scoped3A_96 : memref<!tpu.dma_semaphore, #tpu.memory_space<semaphore_mem>>) src(%dma_wait3A_115 : memref<256x48xf32, #tpu.memory_space<vmem>>) dst(%dma_wait3A_112 : memref<256x48xf32, #tpu.memory_space<vmem_shared>>)
      tpu.yield
    }) : () -> ()
    %mul3A_14 = arith.constant 632 : i32
    %mul3A_15 = arith.muli %arg1, %mul3A_14 : i32
    %add3A_16 = arith.constant 256 : i32
    %add3A_17 = arith.addi %mul3A_15, %add3A_16 : i32
    "tpu.region"() ({
      %run_scoped3A_96 = tpu.sem_alloc : memref<!tpu.dma_semaphore, #tpu.memory_space<semaphore_mem>>
      %dma_start3A_97 = arith.constant 0 : i32
      %dma_start3A_98 = arith.constant 0 : i32
      %dma_start3A_99 = tpu.memref_slice %arg11[%dma_start3A_97, %dma_start3A_98] : memref<256x48xf32, #tpu.memory_space<vmem>> -> memref<256x48xf32, #tpu.memory_space<vmem>>
      %dma_start3A_100 = arith.constant 0 : i32
      %dma_start3A_101 = tpu.memref_slice %arg13[%add3A_17, %dma_start3A_100] : memref<10112x48xf32, #tpu.memory_space<vmem_shared>> -> memref<256x48xf32, #tpu.memory_space<vmem_shared>>
      %dma_start3A_102 = arith.constant 0 : i32
      %dma_start3A_103 = tpu.memref_slice %arg13[%add3A_17, %dma_start3A_102] : memref<10112x48xf32, #tpu.memory_space<vmem_shared>> -> memref<256x48xf32, #tpu.memory_space<vmem_shared>>
      %dma_start3A_104 = arith.constant 0 : i32
      %dma_start3A_105 = arith.constant 0 : i32
      %dma_start3A_106 = tpu.memref_slice %arg11[%dma_start3A_104, %dma_start3A_105] : memref<256x48xf32, #tpu.memory_space<vmem>> -> memref<256x48xf32, #tpu.memory_space<vmem>>
      tpu.enqueue_dma source(%dma_start3A_106 : memref<256x48xf32, #tpu.memory_space<vmem>>) target(%dma_start3A_103 : memref<256x48xf32, #tpu.memory_space<vmem_shared>>) target_semaphore(%run_scoped3A_96 : memref<!tpu.dma_semaphore, #tpu.memory_space<semaphore_mem>>)
      %dma_wait3A = arith.constant 0 : i32
      %dma_wait3A_107 = arith.constant 0 : i32
      %dma_wait3A_108 = tpu.memref_slice %arg11[%dma_wait3A, %dma_wait3A_107] : memref<256x48xf32, #tpu.memory_space<vmem>> -> memref<256x48xf32, #tpu.memory_space<vmem>>
      %dma_wait3A_109 = arith.constant 0 : i32
      %dma_wait3A_110 = tpu.memref_slice %arg13[%add3A_17, %dma_wait3A_109] : memref<10112x48xf32, #tpu.memory_space<vmem_shared>> -> memref<256x48xf32, #tpu.memory_space<vmem_shared>>
      %dma_wait3A_111 = arith.constant 0 : i32
      %dma_wait3A_112 = tpu.memref_slice %arg13[%add3A_17, %dma_wait3A_111] : memref<10112x48xf32, #tpu.memory_space<vmem_shared>> -> memref<256x48xf32, #tpu.memory_space<vmem_shared>>
      %dma_wait3A_113 = arith.constant 0 : i32
      %dma_wait3A_114 = arith.constant 0 : i32
      %dma_wait3A_115 = tpu.memref_slice %arg11[%dma_wait3A_113, %dma_wait3A_114] : memref<256x48xf32, #tpu.memory_space<vmem>> -> memref<256x48xf32, #tpu.memory_space<vmem>>
      tpu.wait_dma2 semaphore(%run_scoped3A_96 : memref<!tpu.dma_semaphore, #tpu.memory_space<semaphore_mem>>) src(%dma_wait3A_115 : memref<256x48xf32, #tpu.memory_space<vmem>>) dst(%dma_wait3A_112 : memref<256x48xf32, #tpu.memory_space<vmem_shared>>)
      tpu.yield
    }) : () -> ()
    %mul3A_18 = arith.constant 632 : i32
    %mul3A_19 = arith.muli %arg1, %mul3A_18 : i32
    %add3A_20 = arith.constant 512 : i32
    %add3A_21 = arith.addi %mul3A_19, %add3A_20 : i32
    "tpu.region"() ({
      %run_scoped3A_96 = tpu.sem_alloc : memref<!tpu.dma_semaphore, #tpu.memory_space<semaphore_mem>>
      %dma_start3A_97 = arith.constant 0 : i32
      %dma_start3A_98 = arith.constant 0 : i32
      %dma_start3A_99 = tpu.memref_slice %arg11[%dma_start3A_97, %dma_start3A_98] : memref<256x48xf32, #tpu.memory_space<vmem>> -> memref<120x48xf32, #tpu.memory_space<vmem>>
      %dma_start3A_100 = arith.constant 0 : i32
      %dma_start3A_101 = tpu.memref_slice %arg13[%add3A_21, %dma_start3A_100] : memref<10112x48xf32, #tpu.memory_space<vmem_shared>> -> memref<120x48xf32, #tpu.memory_space<vmem_shared>>
      %dma_start3A_102 = arith.constant 0 : i32
      %dma_start3A_103 = tpu.memref_slice %arg13[%add3A_21, %dma_start3A_102] : memref<10112x48xf32, #tpu.memory_space<vmem_shared>> -> memref<120x48xf32, #tpu.memory_space<vmem_shared>>
      %dma_start3A_104 = arith.constant 0 : i32
      %dma_start3A_105 = arith.constant 0 : i32
      %dma_start3A_106 = tpu.memref_slice %arg11[%dma_start3A_104, %dma_start3A_105] : memref<256x48xf32, #tpu.memory_space<vmem>> -> memref<120x48xf32, #tpu.memory_space<vmem>>
      tpu.enqueue_dma source(%dma_start3A_106 : memref<120x48xf32, #tpu.memory_space<vmem>>) target(%dma_start3A_103 : memref<120x48xf32, #tpu.memory_space<vmem_shared>>) target_semaphore(%run_scoped3A_96 : memref<!tpu.dma_semaphore, #tpu.memory_space<semaphore_mem>>)
      %dma_wait3A = arith.constant 0 : i32
      %dma_wait3A_107 = arith.constant 0 : i32
      %dma_wait3A_108 = tpu.memref_slice %arg11[%dma_wait3A, %dma_wait3A_107] : memref<256x48xf32, #tpu.memory_space<vmem>> -> memref<120x48xf32, #tpu.memory_space<vmem>>
      %dma_wait3A_109 = arith.constant 0 : i32
      %dma_wait3A_110 = tpu.memref_slice %arg13[%add3A_21, %dma_wait3A_109] : memref<10112x48xf32, #tpu.memory_space<vmem_shared>> -> memref<120x48xf32, #tpu.memory_space<vmem_shared>>
      %dma_wait3A_111 = arith.constant 0 : i32
      %dma_wait3A_112 = tpu.memref_slice %arg13[%add3A_21, %dma_wait3A_111] : memref<10112x48xf32, #tpu.memory_space<vmem_shared>> -> memref<120x48xf32, #tpu.memory_space<vmem_shared>>
      %dma_wait3A_113 = arith.constant 0 : i32
      %dma_wait3A_114 = arith.constant 0 : i32
      %dma_wait3A_115 = tpu.memref_slice %arg11[%dma_wait3A_113, %dma_wait3A_114] : memref<256x48xf32, #tpu.memory_space<vmem>> -> memref<120x48xf32, #tpu.memory_space<vmem>>
      tpu.wait_dma2 semaphore(%run_scoped3A_96 : memref<!tpu.dma_semaphore, #tpu.memory_space<semaphore_mem>>) src(%dma_wait3A_115 : memref<120x48xf32, #tpu.memory_space<vmem>>) dst(%dma_wait3A_112 : memref<120x48xf32, #tpu.memory_space<vmem_shared>>)
      tpu.yield
    }) : () -> ()
    %barrier3A = arith.constant 0 : index
    tpu.barrier barrier_id(%barrier3A)
    %add3A_22 = arith.constant 0 : i32
    %add3A_23 = arith.addi %select_n3A, %add3A_22 : i32
    %run_scoped3A = arith.constant 0 : i32
    "tpu.region"() ({
      %run_scoped3A_96 = tpu.sem_alloc : memref<!tpu.dma_semaphore, #tpu.memory_space<semaphore_mem>>
      %dma_start3A_97 = arith.constant 0 : i32
      %dma_start3A_98 = tpu.memref_slice %arg7[%run_scoped3A, %dma_start3A_97] : memref<1x256xi32, #tpu.memory_space<vmem>> -> memref<1x256xi32, #tpu.memory_space<vmem>>
      %dma_start3A_99 = tpu.memref_squeeze %dma_start3A_98 : memref<1x256xi32, #tpu.memory_space<vmem>> -> memref<256xi32, #tpu.memory_space<vmem>>
      %dma_start3A_100 = arith.constant 0 : i32
      %dma_start3A_101 = tpu.memref_slice %arg3[%add3A_23, %dma_start3A_100] : memref<1280x256xi32, #tpu.memory_space<hbm>> -> memref<1x256xi32, #tpu.memory_space<hbm>>
      %dma_start3A_102 = tpu.memref_squeeze %dma_start3A_101 : memref<1x256xi32, #tpu.memory_space<hbm>> -> memref<256xi32, #tpu.memory_space<hbm>>
      %dma_start3A_103 = arith.constant 0 : i32
      %dma_start3A_104 = tpu.memref_slice %arg7[%run_scoped3A, %dma_start3A_103] : memref<1x256xi32, #tpu.memory_space<vmem>> -> memref<1x256xi32, #tpu.memory_space<vmem>>
      %dma_start3A_105 = tpu.memref_squeeze %dma_start3A_104 : memref<1x256xi32, #tpu.memory_space<vmem>> -> memref<256xi32, #tpu.memory_space<vmem>>
      %dma_start3A_106 = arith.constant 0 : i32
      %dma_start3A_107 = tpu.memref_slice %arg3[%add3A_23, %dma_start3A_106] : memref<1280x256xi32, #tpu.memory_space<hbm>> -> memref<1x256xi32, #tpu.memory_space<hbm>>
      %dma_start3A_108 = tpu.memref_squeeze %dma_start3A_107 : memref<1x256xi32, #tpu.memory_space<hbm>> -> memref<256xi32, #tpu.memory_space<hbm>>
      tpu.enqueue_dma source(%dma_start3A_108 : memref<256xi32, #tpu.memory_space<hbm>>) target(%dma_start3A_105 : memref<256xi32, #tpu.memory_space<vmem>>) target_semaphore(%run_scoped3A_96 : memref<!tpu.dma_semaphore, #tpu.memory_space<semaphore_mem>>)
      %dma_wait3A = arith.constant 0 : i32
      %dma_wait3A_109 = tpu.memref_slice %arg7[%run_scoped3A, %dma_wait3A] : memref<1x256xi32, #tpu.memory_space<vmem>> -> memref<1x256xi32, #tpu.memory_space<vmem>>
      %dma_wait3A_110 = tpu.memref_squeeze %dma_wait3A_109 : memref<1x256xi32, #tpu.memory_space<vmem>> -> memref<256xi32, #tpu.memory_space<vmem>>
      %dma_wait3A_111 = arith.constant 0 : i32
      %dma_wait3A_112 = tpu.memref_slice %arg3[%add3A_23, %dma_wait3A_111] : memref<1280x256xi32, #tpu.memory_space<hbm>> -> memref<1x256xi32, #tpu.memory_space<hbm>>
      %dma_wait3A_113 = tpu.memref_squeeze %dma_wait3A_112 : memref<1x256xi32, #tpu.memory_space<hbm>> -> memref<256xi32, #tpu.memory_space<hbm>>
      %dma_wait3A_114 = arith.constant 0 : i32
      %dma_wait3A_115 = tpu.memref_slice %arg7[%run_scoped3A, %dma_wait3A_114] : memref<1x256xi32, #tpu.memory_space<vmem>> -> memref<1x256xi32, #tpu.memory_space<vmem>>
      %dma_wait3A_116 = tpu.memref_squeeze %dma_wait3A_115 : memref<1x256xi32, #tpu.memory_space<vmem>> -> memref<256xi32, #tpu.memory_space<vmem>>
      %dma_wait3A_117 = arith.constant 0 : i32
      %dma_wait3A_118 = tpu.memref_slice %arg3[%add3A_23, %dma_wait3A_117] : memref<1280x256xi32, #tpu.memory_space<hbm>> -> memref<1x256xi32, #tpu.memory_space<hbm>>
      %dma_wait3A_119 = tpu.memref_squeeze %dma_wait3A_118 : memref<1x256xi32, #tpu.memory_space<hbm>> -> memref<256xi32, #tpu.memory_space<hbm>>
      tpu.wait_dma2 semaphore(%run_scoped3A_96 : memref<!tpu.dma_semaphore, #tpu.memory_space<semaphore_mem>>) src(%dma_wait3A_119 : memref<256xi32, #tpu.memory_space<hbm>>) dst(%dma_wait3A_116 : memref<256xi32, #tpu.memory_space<vmem>>)
      tpu.yield
    }) : () -> ()
    %add3A_24 = arith.constant 0 : i32
    %add3A_25 = arith.addi %select_n3A, %add3A_24 : i32
    %run_scoped3A_26 = arith.constant 0 : i32
    "tpu.region"() ({
      %run_scoped3A_96 = tpu.sem_alloc : memref<!tpu.dma_semaphore, #tpu.memory_space<semaphore_mem>>
      %dma_start3A_97 = arith.constant 0 : i32
      %dma_start3A_98 = tpu.memref_slice %arg9[%run_scoped3A_26, %dma_start3A_97] : memref<1x256xi32, #tpu.memory_space<vmem>> -> memref<1x256xi32, #tpu.memory_space<vmem>>
      %dma_start3A_99 = tpu.memref_squeeze %dma_start3A_98 : memref<1x256xi32, #tpu.memory_space<vmem>> -> memref<256xi32, #tpu.memory_space<vmem>>
      %dma_start3A_100 = arith.constant 0 : i32
      %dma_start3A_101 = tpu.memref_slice %arg4[%add3A_25, %dma_start3A_100] : memref<1280x256xi32, #tpu.memory_space<hbm>> -> memref<1x256xi32, #tpu.memory_space<hbm>>
      %dma_start3A_102 = tpu.memref_squeeze %dma_start3A_101 : memref<1x256xi32, #tpu.memory_space<hbm>> -> memref<256xi32, #tpu.memory_space<hbm>>
      %dma_start3A_103 = arith.constant 0 : i32
      %dma_start3A_104 = tpu.memref_slice %arg9[%run_scoped3A_26, %dma_start3A_103] : memref<1x256xi32, #tpu.memory_space<vmem>> -> memref<1x256xi32, #tpu.memory_space<vmem>>
      %dma_start3A_105 = tpu.memref_squeeze %dma_start3A_104 : memref<1x256xi32, #tpu.memory_space<vmem>> -> memref<256xi32, #tpu.memory_space<vmem>>
      %dma_start3A_106 = arith.constant 0 : i32
      %dma_start3A_107 = tpu.memref_slice %arg4[%add3A_25, %dma_start3A_106] : memref<1280x256xi32, #tpu.memory_space<hbm>> -> memref<1x256xi32, #tpu.memory_space<hbm>>
      %dma_start3A_108 = tpu.memref_squeeze %dma_start3A_107 : memref<1x256xi32, #tpu.memory_space<hbm>> -> memref<256xi32, #tpu.memory_space<hbm>>
      tpu.enqueue_dma source(%dma_start3A_108 : memref<256xi32, #tpu.memory_space<hbm>>) target(%dma_start3A_105 : memref<256xi32, #tpu.memory_space<vmem>>) target_semaphore(%run_scoped3A_96 : memref<!tpu.dma_semaphore, #tpu.memory_space<semaphore_mem>>)
      %dma_wait3A = arith.constant 0 : i32
      %dma_wait3A_109 = tpu.memref_slice %arg9[%run_scoped3A_26, %dma_wait3A] : memref<1x256xi32, #tpu.memory_space<vmem>> -> memref<1x256xi32, #tpu.memory_space<vmem>>
      %dma_wait3A_110 = tpu.memref_squeeze %dma_wait3A_109 : memref<1x256xi32, #tpu.memory_space<vmem>> -> memref<256xi32, #tpu.memory_space<vmem>>
      %dma_wait3A_111 = arith.constant 0 : i32
      %dma_wait3A_112 = tpu.memref_slice %arg4[%add3A_25, %dma_wait3A_111] : memref<1280x256xi32, #tpu.memory_space<hbm>> -> memref<1x256xi32, #tpu.memory_space<hbm>>
      %dma_wait3A_113 = tpu.memref_squeeze %dma_wait3A_112 : memref<1x256xi32, #tpu.memory_space<hbm>> -> memref<256xi32, #tpu.memory_space<hbm>>
      %dma_wait3A_114 = arith.constant 0 : i32
      %dma_wait3A_115 = tpu.memref_slice %arg9[%run_scoped3A_26, %dma_wait3A_114] : memref<1x256xi32, #tpu.memory_space<vmem>> -> memref<1x256xi32, #tpu.memory_space<vmem>>
      %dma_wait3A_116 = tpu.memref_squeeze %dma_wait3A_115 : memref<1x256xi32, #tpu.memory_space<vmem>> -> memref<256xi32, #tpu.memory_space<vmem>>
      %dma_wait3A_117 = arith.constant 0 : i32
      %dma_wait3A_118 = tpu.memref_slice %arg4[%add3A_25, %dma_wait3A_117] : memref<1280x256xi32, #tpu.memory_space<hbm>> -> memref<1x256xi32, #tpu.memory_space<hbm>>
      %dma_wait3A_119 = tpu.memref_squeeze %dma_wait3A_118 : memref<1x256xi32, #tpu.memory_space<hbm>> -> memref<256xi32, #tpu.memory_space<hbm>>
      tpu.wait_dma2 semaphore(%run_scoped3A_96 : memref<!tpu.dma_semaphore, #tpu.memory_space<semaphore_mem>>) src(%dma_wait3A_119 : memref<256xi32, #tpu.memory_space<hbm>>) dst(%dma_wait3A_116 : memref<256xi32, #tpu.memory_space<vmem>>)
      tpu.yield
    }) : () -> ()
    %dma_start3A = arith.constant 0 : i32
    %dma_start3A_27 = arith.constant 0 : i32
    %dma_start3A_28 = tpu.memref_slice %arg7[%dma_start3A, %dma_start3A_27] : memref<1x256xi32, #tpu.memory_space<vmem>> -> memref<1x256xi32, #tpu.memory_space<vmem>>
    %dma_start3A_29 = tpu.memref_squeeze %dma_start3A_28 : memref<1x256xi32, #tpu.memory_space<vmem>> -> memref<256xi32, #tpu.memory_space<vmem>>
    %dma_start3A_30 = arith.constant 0 : i32
    %dma_start3A_31 = arith.constant 0 : i32
    %dma_start3A_32 = tpu.memref_slice %arg2[%dma_start3A_30, %dma_start3A_31] : memref<10000x48xf32, #tpu.memory_space<hbm>> -> memref<10000x48xf32, #tpu.memory_space<hbm>>
    tpu.enqueue_indirect_dma source(%dma_start3A_32 : memref<10000x48xf32, #tpu.memory_space<hbm>>) target(%arg11 : memref<256x48xf32, #tpu.memory_space<vmem>>) offsets(%dma_start3A_29 : memref<256xi32, #tpu.memory_space<vmem>>) semaphore(%arg14 : memref<!tpu.dma_semaphore, #tpu.memory_space<semaphore_mem>>)
    %add3A_33 = arith.constant 1 : i32
    %add3A_34 = arith.addi %select_n3A, %add3A_33 : i32
    %run_scoped3A_35 = arith.constant 0 : i32
    "tpu.region"() ({
      %run_scoped3A_96 = tpu.sem_alloc : memref<!tpu.dma_semaphore, #tpu.memory_space<semaphore_mem>>
      %dma_start3A_97 = arith.constant 0 : i32
      %dma_start3A_98 = tpu.memref_slice %arg8[%run_scoped3A_35, %dma_start3A_97] : memref<1x256xi32, #tpu.memory_space<vmem>> -> memref<1x256xi32, #tpu.memory_space<vmem>>
      %dma_start3A_99 = tpu.memref_squeeze %dma_start3A_98 : memref<1x256xi32, #tpu.memory_space<vmem>> -> memref<256xi32, #tpu.memory_space<vmem>>
      %dma_start3A_100 = arith.constant 0 : i32
      %dma_start3A_101 = tpu.memref_slice %arg3[%add3A_34, %dma_start3A_100] : memref<1280x256xi32, #tpu.memory_space<hbm>> -> memref<1x256xi32, #tpu.memory_space<hbm>>
      %dma_start3A_102 = tpu.memref_squeeze %dma_start3A_101 : memref<1x256xi32, #tpu.memory_space<hbm>> -> memref<256xi32, #tpu.memory_space<hbm>>
      %dma_start3A_103 = arith.constant 0 : i32
      %dma_start3A_104 = tpu.memref_slice %arg8[%run_scoped3A_35, %dma_start3A_103] : memref<1x256xi32, #tpu.memory_space<vmem>> -> memref<1x256xi32, #tpu.memory_space<vmem>>
      %dma_start3A_105 = tpu.memref_squeeze %dma_start3A_104 : memref<1x256xi32, #tpu.memory_space<vmem>> -> memref<256xi32, #tpu.memory_space<vmem>>
      %dma_start3A_106 = arith.constant 0 : i32
      %dma_start3A_107 = tpu.memref_slice %arg3[%add3A_34, %dma_start3A_106] : memref<1280x256xi32, #tpu.memory_space<hbm>> -> memref<1x256xi32, #tpu.memory_space<hbm>>
      %dma_start3A_108 = tpu.memref_squeeze %dma_start3A_107 : memref<1x256xi32, #tpu.memory_space<hbm>> -> memref<256xi32, #tpu.memory_space<hbm>>
      tpu.enqueue_dma source(%dma_start3A_108 : memref<256xi32, #tpu.memory_space<hbm>>) target(%dma_start3A_105 : memref<256xi32, #tpu.memory_space<vmem>>) target_semaphore(%run_scoped3A_96 : memref<!tpu.dma_semaphore, #tpu.memory_space<semaphore_mem>>)
      %dma_wait3A = arith.constant 0 : i32
      %dma_wait3A_109 = tpu.memref_slice %arg8[%run_scoped3A_35, %dma_wait3A] : memref<1x256xi32, #tpu.memory_space<vmem>> -> memref<1x256xi32, #tpu.memory_space<vmem>>
      %dma_wait3A_110 = tpu.memref_squeeze %dma_wait3A_109 : memref<1x256xi32, #tpu.memory_space<vmem>> -> memref<256xi32, #tpu.memory_space<vmem>>
      %dma_wait3A_111 = arith.constant 0 : i32
      %dma_wait3A_112 = tpu.memref_slice %arg3[%add3A_34, %dma_wait3A_111] : memref<1280x256xi32, #tpu.memory_space<hbm>> -> memref<1x256xi32, #tpu.memory_space<hbm>>
      %dma_wait3A_113 = tpu.memref_squeeze %dma_wait3A_112 : memref<1x256xi32, #tpu.memory_space<hbm>> -> memref<256xi32, #tpu.memory_space<hbm>>
      %dma_wait3A_114 = arith.constant 0 : i32
      %dma_wait3A_115 = tpu.memref_slice %arg8[%run_scoped3A_35, %dma_wait3A_114] : memref<1x256xi32, #tpu.memory_space<vmem>> -> memref<1x256xi32, #tpu.memory_space<vmem>>
      %dma_wait3A_116 = tpu.memref_squeeze %dma_wait3A_115 : memref<1x256xi32, #tpu.memory_space<vmem>> -> memref<256xi32, #tpu.memory_space<vmem>>
      %dma_wait3A_117 = arith.constant 0 : i32
      %dma_wait3A_118 = tpu.memref_slice %arg3[%add3A_34, %dma_wait3A_117] : memref<1280x256xi32, #tpu.memory_space<hbm>> -> memref<1x256xi32, #tpu.memory_space<hbm>>
      %dma_wait3A_119 = tpu.memref_squeeze %dma_wait3A_118 : memref<1x256xi32, #tpu.memory_space<hbm>> -> memref<256xi32, #tpu.memory_space<hbm>>
      tpu.wait_dma2 semaphore(%run_scoped3A_96 : memref<!tpu.dma_semaphore, #tpu.memory_space<semaphore_mem>>) src(%dma_wait3A_119 : memref<256xi32, #tpu.memory_space<hbm>>) dst(%dma_wait3A_116 : memref<256xi32, #tpu.memory_space<vmem>>)
      tpu.yield
    }) : () -> ()
    %add3A_36 = arith.constant 1 : i32
    %add3A_37 = arith.addi %select_n3A, %add3A_36 : i32
    %run_scoped3A_38 = arith.constant 0 : i32
    "tpu.region"() ({
      %run_scoped3A_96 = tpu.sem_alloc : memref<!tpu.dma_semaphore, #tpu.memory_space<semaphore_mem>>
      %dma_start3A_97 = arith.constant 0 : i32
      %dma_start3A_98 = tpu.memref_slice %arg10[%run_scoped3A_38, %dma_start3A_97] : memref<1x256xi32, #tpu.memory_space<vmem>> -> memref<1x256xi32, #tpu.memory_space<vmem>>
      %dma_start3A_99 = tpu.memref_squeeze %dma_start3A_98 : memref<1x256xi32, #tpu.memory_space<vmem>> -> memref<256xi32, #tpu.memory_space<vmem>>
      %dma_start3A_100 = arith.constant 0 : i32
      %dma_start3A_101 = tpu.memref_slice %arg4[%add3A_37, %dma_start3A_100] : memref<1280x256xi32, #tpu.memory_space<hbm>> -> memref<1x256xi32, #tpu.memory_space<hbm>>
      %dma_start3A_102 = tpu.memref_squeeze %dma_start3A_101 : memref<1x256xi32, #tpu.memory_space<hbm>> -> memref<256xi32, #tpu.memory_space<hbm>>
      %dma_start3A_103 = arith.constant 0 : i32
      %dma_start3A_104 = tpu.memref_slice %arg10[%run_scoped3A_38, %dma_start3A_103] : memref<1x256xi32, #tpu.memory_space<vmem>> -> memref<1x256xi32, #tpu.memory_space<vmem>>
      %dma_start3A_105 = tpu.memref_squeeze %dma_start3A_104 : memref<1x256xi32, #tpu.memory_space<vmem>> -> memref<256xi32, #tpu.memory_space<vmem>>
      %dma_start3A_106 = arith.constant 0 : i32
      %dma_start3A_107 = tpu.memref_slice %arg4[%add3A_37, %dma_start3A_106] : memref<1280x256xi32, #tpu.memory_space<hbm>> -> memref<1x256xi32, #tpu.memory_space<hbm>>
      %dma_start3A_108 = tpu.memref_squeeze %dma_start3A_107 : memref<1x256xi32, #tpu.memory_space<hbm>> -> memref<256xi32, #tpu.memory_space<hbm>>
      tpu.enqueue_dma source(%dma_start3A_108 : memref<256xi32, #tpu.memory_space<hbm>>) target(%dma_start3A_105 : memref<256xi32, #tpu.memory_space<vmem>>) target_semaphore(%run_scoped3A_96 : memref<!tpu.dma_semaphore, #tpu.memory_space<semaphore_mem>>)
      %dma_wait3A = arith.constant 0 : i32
      %dma_wait3A_109 = tpu.memref_slice %arg10[%run_scoped3A_38, %dma_wait3A] : memref<1x256xi32, #tpu.memory_space<vmem>> -> memref<1x256xi32, #tpu.memory_space<vmem>>
      %dma_wait3A_110 = tpu.memref_squeeze %dma_wait3A_109 : memref<1x256xi32, #tpu.memory_space<vmem>> -> memref<256xi32, #tpu.memory_space<vmem>>
      %dma_wait3A_111 = arith.constant 0 : i32
      %dma_wait3A_112 = tpu.memref_slice %arg4[%add3A_37, %dma_wait3A_111] : memref<1280x256xi32, #tpu.memory_space<hbm>> -> memref<1x256xi32, #tpu.memory_space<hbm>>
      %dma_wait3A_113 = tpu.memref_squeeze %dma_wait3A_112 : memref<1x256xi32, #tpu.memory_space<hbm>> -> memref<256xi32, #tpu.memory_space<hbm>>
      %dma_wait3A_114 = arith.constant 0 : i32
      %dma_wait3A_115 = tpu.memref_slice %arg10[%run_scoped3A_38, %dma_wait3A_114] : memref<1x256xi32, #tpu.memory_space<vmem>> -> memref<1x256xi32, #tpu.memory_space<vmem>>
      %dma_wait3A_116 = tpu.memref_squeeze %dma_wait3A_115 : memref<1x256xi32, #tpu.memory_space<vmem>> -> memref<256xi32, #tpu.memory_space<vmem>>
      %dma_wait3A_117 = arith.constant 0 : i32
      %dma_wait3A_118 = tpu.memref_slice %arg4[%add3A_37, %dma_wait3A_117] : memref<1280x256xi32, #tpu.memory_space<hbm>> -> memref<1x256xi32, #tpu.memory_space<hbm>>
      %dma_wait3A_119 = tpu.memref_squeeze %dma_wait3A_118 : memref<1x256xi32, #tpu.memory_space<hbm>> -> memref<256xi32, #tpu.memory_space<hbm>>
      tpu.wait_dma2 semaphore(%run_scoped3A_96 : memref<!tpu.dma_semaphore, #tpu.memory_space<semaphore_mem>>) src(%dma_wait3A_119 : memref<256xi32, #tpu.memory_space<hbm>>) dst(%dma_wait3A_116 : memref<256xi32, #tpu.memory_space<vmem>>)
      tpu.yield
    }) : () -> ()
    %dma_start3A_39 = arith.constant 0 : i32
    %dma_start3A_40 = arith.constant 0 : i32
    %dma_start3A_41 = tpu.memref_slice %arg8[%dma_start3A_39, %dma_start3A_40] : memref<1x256xi32, #tpu.memory_space<vmem>> -> memref<1x256xi32, #tpu.memory_space<vmem>>
    %dma_start3A_42 = tpu.memref_squeeze %dma_start3A_41 : memref<1x256xi32, #tpu.memory_space<vmem>> -> memref<256xi32, #tpu.memory_space<vmem>>
    %dma_start3A_43 = arith.constant 0 : i32
    %dma_start3A_44 = arith.constant 0 : i32
    %dma_start3A_45 = tpu.memref_slice %arg2[%dma_start3A_43, %dma_start3A_44] : memref<10000x48xf32, #tpu.memory_space<hbm>> -> memref<10000x48xf32, #tpu.memory_space<hbm>>
    tpu.enqueue_indirect_dma source(%dma_start3A_45 : memref<10000x48xf32, #tpu.memory_space<hbm>>) target(%arg12 : memref<256x48xf32, #tpu.memory_space<vmem>>) offsets(%dma_start3A_42 : memref<256xi32, #tpu.memory_space<vmem>>) semaphore(%arg15 : memref<!tpu.dma_semaphore, #tpu.memory_space<semaphore_mem>>)
    %jit3A = arith.constant 2 : i32
    %div3A = arith.divsi %select_n3A_9, %jit3A : i32
    %sign3A = arith.constant 0 : i32
    %sign3A_46 = arith.cmpi sgt, %select_n3A_9, %sign3A : i32
    %sign3A_47 = arith.extui %sign3A_46 : i1 to i32
    %sign3A_48 = arith.constant 0 : i32
    %sign3A_49 = arith.cmpi slt, %select_n3A_9, %sign3A_48 : i32
    %sign3A_50 = arith.extui %sign3A_49 : i1 to i32
    %sign3A_51 = arith.subi %sign3A_47, %sign3A_50 : i32
    %sign3A_52 = arith.constant 0 : i32
    %sign3A_53 = arith.cmpi sgt, %jit3A, %sign3A_52 : i32
    %sign3A_54 = arith.extui %sign3A_53 : i1 to i32
    %sign3A_55 = arith.constant 0 : i32
    %sign3A_56 = arith.cmpi slt, %jit3A, %sign3A_55 : i32
    %sign3A_57 = arith.extui %sign3A_56 : i1 to i32
    %sign3A_58 = arith.subi %sign3A_54, %sign3A_57 : i32
    %ne3A = arith.cmpi ne, %sign3A_51, %sign3A_58 : i32
    %rem3A = arith.remsi %select_n3A_9, %jit3A : i32
    %ne3A_59 = arith.constant 0 : i32
    %ne3A_60 = arith.cmpi ne, %rem3A, %ne3A_59 : i32
    %and3A = arith.andi %ne3A, %ne3A_60 : i1
    %sub3A = arith.constant 1 : i32
    %sub3A_61 = arith.subi %div3A, %sub3A : i32
    %select_n3A_62 = arith.select %and3A, %sub3A_61, %div3A : i32
    %while3A = arith.constant 0 : i32
    %while3A_63 = arith.constant 0 : i32
    %while3A_64 = arith.subi %select_n3A_62, %while3A_63 : i32
    %while3A_65 = arith.addi %while3A_63, %while3A_64 : i32
    %while3A_66 = arith.constant 1 : i32
    %while3A_67 = arith.divsi %while3A_64, %while3A_66 : i32
    %while3A_68 = arith.muli %while3A_67, %while3A_66 : i32
    %while3A_69 = arith.addi %while3A_63, %while3A_68 : i32
    %while3A_70 = arith.constant 1 : i32
    scf.for %while3A_96 = %while3A_63 to %while3A_69 step %while3A_70  : i32 {
      %mul3A_97 = arith.constant 2 : i32
      %mul3A_98 = arith.muli %mul3A_97, %while3A_96 : i32
      %dma_wait3A = arith.constant 0 : i32
      %dma_wait3A_99 = arith.constant 0 : i32
      %dma_wait3A_100 = tpu.memref_slice %arg7[%dma_wait3A, %dma_wait3A_99] : memref<1x256xi32, #tpu.memory_space<vmem>> -> memref<1x256xi32, #tpu.memory_space<vmem>>
      %dma_wait3A_101 = tpu.memref_squeeze %dma_wait3A_100 : memref<1x256xi32, #tpu.memory_space<vmem>> -> memref<256xi32, #tpu.memory_space<vmem>>
      %dma_wait3A_102 = arith.constant 0 : i32
      %dma_wait3A_103 = arith.constant 0 : i32
      %dma_wait3A_104 = tpu.memref_slice %arg2[%dma_wait3A_102, %dma_wait3A_103] : memref<10000x48xf32, #tpu.memory_space<hbm>> -> memref<10000x48xf32, #tpu.memory_space<hbm>>
      tpu.wait_indirect_dma semaphore(%arg14 : memref<!tpu.dma_semaphore, #tpu.memory_space<semaphore_mem>>) src(%dma_wait3A_104 : memref<10000x48xf32, #tpu.memory_space<hbm>>) dst(%arg11 : memref<256x48xf32, #tpu.memory_space<vmem>>)
      %dma_start3A_105 = arith.constant 0 : i32
      %dma_start3A_106 = arith.constant 0 : i32
      %dma_start3A_107 = tpu.memref_slice %arg9[%dma_start3A_105, %dma_start3A_106] : memref<1x256xi32, #tpu.memory_space<vmem>> -> memref<1x256xi32, #tpu.memory_space<vmem>>
      %dma_start3A_108 = tpu.memref_squeeze %dma_start3A_107 : memref<1x256xi32, #tpu.memory_space<vmem>> -> memref<256xi32, #tpu.memory_space<vmem>>
      %dma_start3A_109 = arith.constant 0 : i32
      %dma_start3A_110 = arith.constant 0 : i32
      %dma_start3A_111 = tpu.memref_slice %arg13[%dma_start3A_109, %dma_start3A_110] : memref<10112x48xf32, #tpu.memory_space<vmem_shared>> -> memref<10112x48xf32, #tpu.memory_space<vmem_shared>>
      tpu.enqueue_indirect_dma source(%arg11 : memref<256x48xf32, #tpu.memory_space<vmem>>) target(%dma_start3A_111 : memref<10112x48xf32, #tpu.memory_space<vmem_shared>>) offsets(%dma_start3A_108 : memref<256xi32, #tpu.memory_space<vmem>>) semaphore(%arg16 : memref<!tpu.dma_semaphore, #tpu.memory_space<semaphore_mem>>) {add = true}
      %add3A_112 = arith.constant 2 : i32
      %add3A_113 = arith.addi %mul3A_98, %add3A_112 : i32
      %lt3A = arith.cmpi slt, %add3A_113, %select_n3A_9 : i32
      %convert_element_type3A = arith.extui %lt3A : i1 to i32
      %cond3A = arith.constant 0 : i32
      %cond3A_114 = arith.cmpi ne, %convert_element_type3A, %cond3A : i32
      scf.if %cond3A_114 {
        %add3A_161 = arith.addi %select_n3A, %add3A_113 : i32
        %run_scoped3A_162 = arith.constant 0 : i32
        "tpu.region"() ({
          %run_scoped3A_163 = tpu.sem_alloc : memref<!tpu.dma_semaphore, #tpu.memory_space<semaphore_mem>>
          %dma_start3A_164 = arith.constant 0 : i32
          %dma_start3A_165 = tpu.memref_slice %arg7[%run_scoped3A_162, %dma_start3A_164] : memref<1x256xi32, #tpu.memory_space<vmem>> -> memref<1x256xi32, #tpu.memory_space<vmem>>
          %dma_start3A_166 = tpu.memref_squeeze %dma_start3A_165 : memref<1x256xi32, #tpu.memory_space<vmem>> -> memref<256xi32, #tpu.memory_space<vmem>>
          %dma_start3A_167 = arith.constant 0 : i32
          %dma_start3A_168 = tpu.memref_slice %arg3[%add3A_161, %dma_start3A_167] : memref<1280x256xi32, #tpu.memory_space<hbm>> -> memref<1x256xi32, #tpu.memory_space<hbm>>
          %dma_start3A_169 = tpu.memref_squeeze %dma_start3A_168 : memref<1x256xi32, #tpu.memory_space<hbm>> -> memref<256xi32, #tpu.memory_space<hbm>>
          %dma_start3A_170 = arith.constant 0 : i32
          %dma_start3A_171 = tpu.memref_slice %arg7[%run_scoped3A_162, %dma_start3A_170] : memref<1x256xi32, #tpu.memory_space<vmem>> -> memref<1x256xi32, #tpu.memory_space<vmem>>
          %dma_start3A_172 = tpu.memref_squeeze %dma_start3A_171 : memref<1x256xi32, #tpu.memory_space<vmem>> -> memref<256xi32, #tpu.memory_space<vmem>>
          %dma_start3A_173 = arith.constant 0 : i32
          %dma_start3A_174 = tpu.memref_slice %arg3[%add3A_161, %dma_start3A_173] : memref<1280x256xi32, #tpu.memory_space<hbm>> -> memref<1x256xi32, #tpu.memory_space<hbm>>
          %dma_start3A_175 = tpu.memref_squeeze %dma_start3A_174 : memref<1x256xi32, #tpu.memory_space<hbm>> -> memref<256xi32, #tpu.memory_space<hbm>>
          tpu.enqueue_dma source(%dma_start3A_175 : memref<256xi32, #tpu.memory_space<hbm>>) target(%dma_start3A_172 : memref<256xi32, #tpu.memory_space<vmem>>) target_semaphore(%run_scoped3A_163 : memref<!tpu.dma_semaphore, #tpu.memory_space<semaphore_mem>>)
          %dma_wait3A_176 = arith.constant 0 : i32
          %dma_wait3A_177 = tpu.memref_slice %arg7[%run_scoped3A_162, %dma_wait3A_176] : memref<1x256xi32, #tpu.memory_space<vmem>> -> memref<1x256xi32, #tpu.memory_space<vmem>>
          %dma_wait3A_178 = tpu.memref_squeeze %dma_wait3A_177 : memref<1x256xi32, #tpu.memory_space<vmem>> -> memref<256xi32, #tpu.memory_space<vmem>>
          %dma_wait3A_179 = arith.constant 0 : i32
          %dma_wait3A_180 = tpu.memref_slice %arg3[%add3A_161, %dma_wait3A_179] : memref<1280x256xi32, #tpu.memory_space<hbm>> -> memref<1x256xi32, #tpu.memory_space<hbm>>
          %dma_wait3A_181 = tpu.memref_squeeze %dma_wait3A_180 : memref<1x256xi32, #tpu.memory_space<hbm>> -> memref<256xi32, #tpu.memory_space<hbm>>
          %dma_wait3A_182 = arith.constant 0 : i32
          %dma_wait3A_183 = tpu.memref_slice %arg7[%run_scoped3A_162, %dma_wait3A_182] : memref<1x256xi32, #tpu.memory_space<vmem>> -> memref<1x256xi32, #tpu.memory_space<vmem>>
          %dma_wait3A_184 = tpu.memref_squeeze %dma_wait3A_183 : memref<1x256xi32, #tpu.memory_space<vmem>> -> memref<256xi32, #tpu.memory_space<vmem>>
          %dma_wait3A_185 = arith.constant 0 : i32
          %dma_wait3A_186 = tpu.memref_slice %arg3[%add3A_161, %dma_wait3A_185] : memref<1280x256xi32, #tpu.memory_space<hbm>> -> memref<1x256xi32, #tpu.memory_space<hbm>>
          %dma_wait3A_187 = tpu.memref_squeeze %dma_wait3A_186 : memref<1x256xi32, #tpu.memory_space<hbm>> -> memref<256xi32, #tpu.memory_space<hbm>>
          tpu.wait_dma2 semaphore(%run_scoped3A_163 : memref<!tpu.dma_semaphore, #tpu.memory_space<semaphore_mem>>) src(%dma_wait3A_187 : memref<256xi32, #tpu.memory_space<hbm>>) dst(%dma_wait3A_184 : memref<256xi32, #tpu.memory_space<vmem>>)
          tpu.yield
        }) : () -> ()
      } else {
      }
      %dma_wait3A_115 = arith.constant 0 : i32
      %dma_wait3A_116 = arith.constant 0 : i32
      %dma_wait3A_117 = tpu.memref_slice %arg9[%dma_wait3A_115, %dma_wait3A_116] : memref<1x256xi32, #tpu.memory_space<vmem>> -> memref<1x256xi32, #tpu.memory_space<vmem>>
      %dma_wait3A_118 = tpu.memref_squeeze %dma_wait3A_117 : memref<1x256xi32, #tpu.memory_space<vmem>> -> memref<256xi32, #tpu.memory_space<vmem>>
      %dma_wait3A_119 = arith.constant 0 : i32
      %dma_wait3A_120 = arith.constant 0 : i32
      %dma_wait3A_121 = tpu.memref_slice %arg13[%dma_wait3A_119, %dma_wait3A_120] : memref<10112x48xf32, #tpu.memory_space<vmem_shared>> -> memref<10112x48xf32, #tpu.memory_space<vmem_shared>>
      tpu.wait_indirect_dma semaphore(%arg16 : memref<!tpu.dma_semaphore, #tpu.memory_space<semaphore_mem>>) src(%arg11 : memref<256x48xf32, #tpu.memory_space<vmem>>) dst(%dma_wait3A_121 : memref<10112x48xf32, #tpu.memory_space<vmem_shared>>)
      %lt3A_122 = arith.cmpi slt, %add3A_113, %select_n3A_9 : i32
      %convert_element_type3A_123 = arith.extui %lt3A_122 : i1 to i32
      %cond3A_124 = arith.constant 0 : i32
      %cond3A_125 = arith.cmpi ne, %convert_element_type3A_123, %cond3A_124 : i32
      scf.if %cond3A_125 {
        %add3A_161 = arith.addi %select_n3A, %add3A_113 : i32
        %run_scoped3A_162 = arith.constant 0 : i32
        "tpu.region"() ({
          %run_scoped3A_170 = tpu.sem_alloc : memref<!tpu.dma_semaphore, #tpu.memory_space<semaphore_mem>>
          %dma_start3A_171 = arith.constant 0 : i32
          %dma_start3A_172 = tpu.memref_slice %arg9[%run_scoped3A_162, %dma_start3A_171] : memref<1x256xi32, #tpu.memory_space<vmem>> -> memref<1x256xi32, #tpu.memory_space<vmem>>
          %dma_start3A_173 = tpu.memref_squeeze %dma_start3A_172 : memref<1x256xi32, #tpu.memory_space<vmem>> -> memref<256xi32, #tpu.memory_space<vmem>>
          %dma_start3A_174 = arith.constant 0 : i32
          %dma_start3A_175 = tpu.memref_slice %arg4[%add3A_161, %dma_start3A_174] : memref<1280x256xi32, #tpu.memory_space<hbm>> -> memref<1x256xi32, #tpu.memory_space<hbm>>
          %dma_start3A_176 = tpu.memref_squeeze %dma_start3A_175 : memref<1x256xi32, #tpu.memory_space<hbm>> -> memref<256xi32, #tpu.memory_space<hbm>>
          %dma_start3A_177 = arith.constant 0 : i32
          %dma_start3A_178 = tpu.memref_slice %arg9[%run_scoped3A_162, %dma_start3A_177] : memref<1x256xi32, #tpu.memory_space<vmem>> -> memref<1x256xi32, #tpu.memory_space<vmem>>
          %dma_start3A_179 = tpu.memref_squeeze %dma_start3A_178 : memref<1x256xi32, #tpu.memory_space<vmem>> -> memref<256xi32, #tpu.memory_space<vmem>>
          %dma_start3A_180 = arith.constant 0 : i32
          %dma_start3A_181 = tpu.memref_slice %arg4[%add3A_161, %dma_start3A_180] : memref<1280x256xi32, #tpu.memory_space<hbm>> -> memref<1x256xi32, #tpu.memory_space<hbm>>
          %dma_start3A_182 = tpu.memref_squeeze %dma_start3A_181 : memref<1x256xi32, #tpu.memory_space<hbm>> -> memref<256xi32, #tpu.memory_space<hbm>>
          tpu.enqueue_dma source(%dma_start3A_182 : memref<256xi32, #tpu.memory_space<hbm>>) target(%dma_start3A_179 : memref<256xi32, #tpu.memory_space<vmem>>) target_semaphore(%run_scoped3A_170 : memref<!tpu.dma_semaphore, #tpu.memory_space<semaphore_mem>>)
          %dma_wait3A_183 = arith.constant 0 : i32
          %dma_wait3A_184 = tpu.memref_slice %arg9[%run_scoped3A_162, %dma_wait3A_183] : memref<1x256xi32, #tpu.memory_space<vmem>> -> memref<1x256xi32, #tpu.memory_space<vmem>>
          %dma_wait3A_185 = tpu.memref_squeeze %dma_wait3A_184 : memref<1x256xi32, #tpu.memory_space<vmem>> -> memref<256xi32, #tpu.memory_space<vmem>>
          %dma_wait3A_186 = arith.constant 0 : i32
          %dma_wait3A_187 = tpu.memref_slice %arg4[%add3A_161, %dma_wait3A_186] : memref<1280x256xi32, #tpu.memory_space<hbm>> -> memref<1x256xi32, #tpu.memory_space<hbm>>
          %dma_wait3A_188 = tpu.memref_squeeze %dma_wait3A_187 : memref<1x256xi32, #tpu.memory_space<hbm>> -> memref<256xi32, #tpu.memory_space<hbm>>
          %dma_wait3A_189 = arith.constant 0 : i32
          %dma_wait3A_190 = tpu.memref_slice %arg9[%run_scoped3A_162, %dma_wait3A_189] : memref<1x256xi32, #tpu.memory_space<vmem>> -> memref<1x256xi32, #tpu.memory_space<vmem>>
          %dma_wait3A_191 = tpu.memref_squeeze %dma_wait3A_190 : memref<1x256xi32, #tpu.memory_space<vmem>> -> memref<256xi32, #tpu.memory_space<vmem>>
          %dma_wait3A_192 = arith.constant 0 : i32
          %dma_wait3A_193 = tpu.memref_slice %arg4[%add3A_161, %dma_wait3A_192] : memref<1280x256xi32, #tpu.memory_space<hbm>> -> memref<1x256xi32, #tpu.memory_space<hbm>>
          %dma_wait3A_194 = tpu.memref_squeeze %dma_wait3A_193 : memref<1x256xi32, #tpu.memory_space<hbm>> -> memref<256xi32, #tpu.memory_space<hbm>>
          tpu.wait_dma2 semaphore(%run_scoped3A_170 : memref<!tpu.dma_semaphore, #tpu.memory_space<semaphore_mem>>) src(%dma_wait3A_194 : memref<256xi32, #tpu.memory_space<hbm>>) dst(%dma_wait3A_191 : memref<256xi32, #tpu.memory_space<vmem>>)
          tpu.yield
        }) : () -> ()
        %dma_start3A_163 = arith.constant 0 : i32
        %dma_start3A_164 = arith.constant 0 : i32
        %dma_start3A_165 = tpu.memref_slice %arg7[%dma_start3A_163, %dma_start3A_164] : memref<1x256xi32, #tpu.memory_space<vmem>> -> memref<1x256xi32, #tpu.memory_space<vmem>>
        %dma_start3A_166 = tpu.memref_squeeze %dma_start3A_165 : memref<1x256xi32, #tpu.memory_space<vmem>> -> memref<256xi32, #tpu.memory_space<vmem>>
        %dma_start3A_167 = arith.constant 0 : i32
        %dma_start3A_168 = arith.constant 0 : i32
        %dma_start3A_169 = tpu.memref_slice %arg2[%dma_start3A_167, %dma_start3A_168] : memref<10000x48xf32, #tpu.memory_space<hbm>> -> memref<10000x48xf32, #tpu.memory_space<hbm>>
        tpu.enqueue_indirect_dma source(%dma_start3A_169 : memref<10000x48xf32, #tpu.memory_space<hbm>>) target(%arg11 : memref<256x48xf32, #tpu.memory_space<vmem>>) offsets(%dma_start3A_166 : memref<256xi32, #tpu.memory_space<vmem>>) semaphore(%arg14 : memref<!tpu.dma_semaphore, #tpu.memory_space<semaphore_mem>>)
      } else {
      }
      %mul3A_126 = arith.constant 2 : i32
      %mul3A_127 = arith.muli %mul3A_126, %while3A_96 : i32
      %add3A_128 = arith.constant 1 : i32
      %add3A_129 = arith.addi %mul3A_127, %add3A_128 : i32
      %dma_wait3A_130 = arith.constant 0 : i32
      %dma_wait3A_131 = arith.constant 0 : i32
      %dma_wait3A_132 = tpu.memref_slice %arg8[%dma_wait3A_130, %dma_wait3A_131] : memref<1x256xi32, #tpu.memory_space<vmem>> -> memref<1x256xi32, #tpu.memory_space<vmem>>
      %dma_wait3A_133 = tpu.memref_squeeze %dma_wait3A_132 : memref<1x256xi32, #tpu.memory_space<vmem>> -> memref<256xi32, #tpu.memory_space<vmem>>
      %dma_wait3A_134 = arith.constant 0 : i32
      %dma_wait3A_135 = arith.constant 0 : i32
      %dma_wait3A_136 = tpu.memref_slice %arg2[%dma_wait3A_134, %dma_wait3A_135] : memref<10000x48xf32, #tpu.memory_space<hbm>> -> memref<10000x48xf32, #tpu.memory_space<hbm>>
      tpu.wait_indirect_dma semaphore(%arg15 : memref<!tpu.dma_semaphore, #tpu.memory_space<semaphore_mem>>) src(%dma_wait3A_136 : memref<10000x48xf32, #tpu.memory_space<hbm>>) dst(%arg12 : memref<256x48xf32, #tpu.memory_space<vmem>>)
      %dma_start3A_137 = arith.constant 0 : i32
      %dma_start3A_138 = arith.constant 0 : i32
      %dma_start3A_139 = tpu.memref_slice %arg10[%dma_start3A_137, %dma_start3A_138] : memref<1x256xi32, #tpu.memory_space<vmem>> -> memref<1x256xi32, #tpu.memory_space<vmem>>
      %dma_start3A_140 = tpu.memref_squeeze %dma_start3A_139 : memref<1x256xi32, #tpu.memory_space<vmem>> -> memref<256xi32, #tpu.memory_space<vmem>>
      %dma_start3A_141 = arith.constant 0 : i32
      %dma_start3A_142 = arith.constant 0 : i32
      %dma_start3A_143 = tpu.memref_slice %arg13[%dma_start3A_141, %dma_start3A_142] : memref<10112x48xf32, #tpu.memory_space<vmem_shared>> -> memref<10112x48xf32, #tpu.memory_space<vmem_shared>>
      tpu.enqueue_indirect_dma source(%arg12 : memref<256x48xf32, #tpu.memory_space<vmem>>) target(%dma_start3A_143 : memref<10112x48xf32, #tpu.memory_space<vmem_shared>>) offsets(%dma_start3A_140 : memref<256xi32, #tpu.memory_space<vmem>>) semaphore(%arg17 : memref<!tpu.dma_semaphore, #tpu.memory_space<semaphore_mem>>) {add = true}
      %add3A_144 = arith.constant 2 : i32
      %add3A_145 = arith.addi %add3A_129, %add3A_144 : i32
      %lt3A_146 = arith.cmpi slt, %add3A_145, %select_n3A_9 : i32
      %convert_element_type3A_147 = arith.extui %lt3A_146 : i1 to i32
      %cond3A_148 = arith.constant 0 : i32
      %cond3A_149 = arith.cmpi ne, %convert_element_type3A_147, %cond3A_148 : i32
      scf.if %cond3A_149 {
        %add3A_161 = arith.addi %select_n3A, %add3A_145 : i32
        %run_scoped3A_162 = arith.constant 0 : i32
        "tpu.region"() ({
          %run_scoped3A_163 = tpu.sem_alloc : memref<!tpu.dma_semaphore, #tpu.memory_space<semaphore_mem>>
          %dma_start3A_164 = arith.constant 0 : i32
          %dma_start3A_165 = tpu.memref_slice %arg8[%run_scoped3A_162, %dma_start3A_164] : memref<1x256xi32, #tpu.memory_space<vmem>> -> memref<1x256xi32, #tpu.memory_space<vmem>>
          %dma_start3A_166 = tpu.memref_squeeze %dma_start3A_165 : memref<1x256xi32, #tpu.memory_space<vmem>> -> memref<256xi32, #tpu.memory_space<vmem>>
          %dma_start3A_167 = arith.constant 0 : i32
          %dma_start3A_168 = tpu.memref_slice %arg3[%add3A_161, %dma_start3A_167] : memref<1280x256xi32, #tpu.memory_space<hbm>> -> memref<1x256xi32, #tpu.memory_space<hbm>>
          %dma_start3A_169 = tpu.memref_squeeze %dma_start3A_168 : memref<1x256xi32, #tpu.memory_space<hbm>> -> memref<256xi32, #tpu.memory_space<hbm>>
          %dma_start3A_170 = arith.constant 0 : i32
          %dma_start3A_171 = tpu.memref_slice %arg8[%run_scoped3A_162, %dma_start3A_170] : memref<1x256xi32, #tpu.memory_space<vmem>> -> memref<1x256xi32, #tpu.memory_space<vmem>>
          %dma_start3A_172 = tpu.memref_squeeze %dma_start3A_171 : memref<1x256xi32, #tpu.memory_space<vmem>> -> memref<256xi32, #tpu.memory_space<vmem>>
          %dma_start3A_173 = arith.constant 0 : i32
          %dma_start3A_174 = tpu.memref_slice %arg3[%add3A_161, %dma_start3A_173] : memref<1280x256xi32, #tpu.memory_space<hbm>> -> memref<1x256xi32, #tpu.memory_space<hbm>>
          %dma_start3A_175 = tpu.memref_squeeze %dma_start3A_174 : memref<1x256xi32, #tpu.memory_space<hbm>> -> memref<256xi32, #tpu.memory_space<hbm>>
          tpu.enqueue_dma source(%dma_start3A_175 : memref<256xi32, #tpu.memory_space<hbm>>) target(%dma_start3A_172 : memref<256xi32, #tpu.memory_space<vmem>>) target_semaphore(%run_scoped3A_163 : memref<!tpu.dma_semaphore, #tpu.memory_space<semaphore_mem>>)
          %dma_wait3A_176 = arith.constant 0 : i32
          %dma_wait3A_177 = tpu.memref_slice %arg8[%run_scoped3A_162, %dma_wait3A_176] : memref<1x256xi32, #tpu.memory_space<vmem>> -> memref<1x256xi32, #tpu.memory_space<vmem>>
          %dma_wait3A_178 = tpu.memref_squeeze %dma_wait3A_177 : memref<1x256xi32, #tpu.memory_space<vmem>> -> memref<256xi32, #tpu.memory_space<vmem>>
          %dma_wait3A_179 = arith.constant 0 : i32
          %dma_wait3A_180 = tpu.memref_slice %arg3[%add3A_161, %dma_wait3A_179] : memref<1280x256xi32, #tpu.memory_space<hbm>> -> memref<1x256xi32, #tpu.memory_space<hbm>>
          %dma_wait3A_181 = tpu.memref_squeeze %dma_wait3A_180 : memref<1x256xi32, #tpu.memory_space<hbm>> -> memref<256xi32, #tpu.memory_space<hbm>>
          %dma_wait3A_182 = arith.constant 0 : i32
          %dma_wait3A_183 = tpu.memref_slice %arg8[%run_scoped3A_162, %dma_wait3A_182] : memref<1x256xi32, #tpu.memory_space<vmem>> -> memref<1x256xi32, #tpu.memory_space<vmem>>
          %dma_wait3A_184 = tpu.memref_squeeze %dma_wait3A_183 : memref<1x256xi32, #tpu.memory_space<vmem>> -> memref<256xi32, #tpu.memory_space<vmem>>
          %dma_wait3A_185 = arith.constant 0 : i32
          %dma_wait3A_186 = tpu.memref_slice %arg3[%add3A_161, %dma_wait3A_185] : memref<1280x256xi32, #tpu.memory_space<hbm>> -> memref<1x256xi32, #tpu.memory_space<hbm>>
          %dma_wait3A_187 = tpu.memref_squeeze %dma_wait3A_186 : memref<1x256xi32, #tpu.memory_space<hbm>> -> memref<256xi32, #tpu.memory_space<hbm>>
          tpu.wait_dma2 semaphore(%run_scoped3A_163 : memref<!tpu.dma_semaphore, #tpu.memory_space<semaphore_mem>>) src(%dma_wait3A_187 : memref<256xi32, #tpu.memory_space<hbm>>) dst(%dma_wait3A_184 : memref<256xi32, #tpu.memory_space<vmem>>)
          tpu.yield
        }) : () -> ()
      } else {
      }
      %dma_wait3A_150 = arith.constant 0 : i32
      %dma_wait3A_151 = arith.constant 0 : i32
      %dma_wait3A_152 = tpu.memref_slice %arg10[%dma_wait3A_150, %dma_wait3A_151] : memref<1x256xi32, #tpu.memory_space<vmem>> -> memref<1x256xi32, #tpu.memory_space<vmem>>
      %dma_wait3A_153 = tpu.memref_squeeze %dma_wait3A_152 : memref<1x256xi32, #tpu.memory_space<vmem>> -> memref<256xi32, #tpu.memory_space<vmem>>
      %dma_wait3A_154 = arith.constant 0 : i32
      %dma_wait3A_155 = arith.constant 0 : i32
      %dma_wait3A_156 = tpu.memref_slice %arg13[%dma_wait3A_154, %dma_wait3A_155] : memref<10112x48xf32, #tpu.memory_space<vmem_shared>> -> memref<10112x48xf32, #tpu.memory_space<vmem_shared>>
      tpu.wait_indirect_dma semaphore(%arg17 : memref<!tpu.dma_semaphore, #tpu.memory_space<semaphore_mem>>) src(%arg12 : memref<256x48xf32, #tpu.memory_space<vmem>>) dst(%dma_wait3A_156 : memref<10112x48xf32, #tpu.memory_space<vmem_shared>>)
      %lt3A_157 = arith.cmpi slt, %add3A_145, %select_n3A_9 : i32
      %convert_element_type3A_158 = arith.extui %lt3A_157 : i1 to i32
      %cond3A_159 = arith.constant 0 : i32
      %cond3A_160 = arith.cmpi ne, %convert_element_type3A_158, %cond3A_159 : i32
      scf.if %cond3A_160 {
        %add3A_161 = arith.addi %select_n3A, %add3A_145 : i32
        %run_scoped3A_162 = arith.constant 0 : i32
        "tpu.region"() ({
          %run_scoped3A_170 = tpu.sem_alloc : memref<!tpu.dma_semaphore, #tpu.memory_space<semaphore_mem>>
          %dma_start3A_171 = arith.constant 0 : i32
          %dma_start3A_172 = tpu.memref_slice %arg10[%run_scoped3A_162, %dma_start3A_171] : memref<1x256xi32, #tpu.memory_space<vmem>> -> memref<1x256xi32, #tpu.memory_space<vmem>>
          %dma_start3A_173 = tpu.memref_squeeze %dma_start3A_172 : memref<1x256xi32, #tpu.memory_space<vmem>> -> memref<256xi32, #tpu.memory_space<vmem>>
          %dma_start3A_174 = arith.constant 0 : i32
          %dma_start3A_175 = tpu.memref_slice %arg4[%add3A_161, %dma_start3A_174] : memref<1280x256xi32, #tpu.memory_space<hbm>> -> memref<1x256xi32, #tpu.memory_space<hbm>>
          %dma_start3A_176 = tpu.memref_squeeze %dma_start3A_175 : memref<1x256xi32, #tpu.memory_space<hbm>> -> memref<256xi32, #tpu.memory_space<hbm>>
          %dma_start3A_177 = arith.constant 0 : i32
          %dma_start3A_178 = tpu.memref_slice %arg10[%run_scoped3A_162, %dma_start3A_177] : memref<1x256xi32, #tpu.memory_space<vmem>> -> memref<1x256xi32, #tpu.memory_space<vmem>>
          %dma_start3A_179 = tpu.memref_squeeze %dma_start3A_178 : memref<1x256xi32, #tpu.memory_space<vmem>> -> memref<256xi32, #tpu.memory_space<vmem>>
          %dma_start3A_180 = arith.constant 0 : i32
          %dma_start3A_181 = tpu.memref_slice %arg4[%add3A_161, %dma_start3A_180] : memref<1280x256xi32, #tpu.memory_space<hbm>> -> memref<1x256xi32, #tpu.memory_space<hbm>>
          %dma_start3A_182 = tpu.memref_squeeze %dma_start3A_181 : memref<1x256xi32, #tpu.memory_space<hbm>> -> memref<256xi32, #tpu.memory_space<hbm>>
          tpu.enqueue_dma source(%dma_start3A_182 : memref<256xi32, #tpu.memory_space<hbm>>) target(%dma_start3A_179 : memref<256xi32, #tpu.memory_space<vmem>>) target_semaphore(%run_scoped3A_170 : memref<!tpu.dma_semaphore, #tpu.memory_space<semaphore_mem>>)
          %dma_wait3A_183 = arith.constant 0 : i32
          %dma_wait3A_184 = tpu.memref_slice %arg10[%run_scoped3A_162, %dma_wait3A_183] : memref<1x256xi32, #tpu.memory_space<vmem>> -> memref<1x256xi32, #tpu.memory_space<vmem>>
          %dma_wait3A_185 = tpu.memref_squeeze %dma_wait3A_184 : memref<1x256xi32, #tpu.memory_space<vmem>> -> memref<256xi32, #tpu.memory_space<vmem>>
          %dma_wait3A_186 = arith.constant 0 : i32
          %dma_wait3A_187 = tpu.memref_slice %arg4[%add3A_161, %dma_wait3A_186] : memref<1280x256xi32, #tpu.memory_space<hbm>> -> memref<1x256xi32, #tpu.memory_space<hbm>>
          %dma_wait3A_188 = tpu.memref_squeeze %dma_wait3A_187 : memref<1x256xi32, #tpu.memory_space<hbm>> -> memref<256xi32, #tpu.memory_space<hbm>>
          %dma_wait3A_189 = arith.constant 0 : i32
          %dma_wait3A_190 = tpu.memref_slice %arg10[%run_scoped3A_162, %dma_wait3A_189] : memref<1x256xi32, #tpu.memory_space<vmem>> -> memref<1x256xi32, #tpu.memory_space<vmem>>
          %dma_wait3A_191 = tpu.memref_squeeze %dma_wait3A_190 : memref<1x256xi32, #tpu.memory_space<vmem>> -> memref<256xi32, #tpu.memory_space<vmem>>
          %dma_wait3A_192 = arith.constant 0 : i32
          %dma_wait3A_193 = tpu.memref_slice %arg4[%add3A_161, %dma_wait3A_192] : memref<1280x256xi32, #tpu.memory_space<hbm>> -> memref<1x256xi32, #tpu.memory_space<hbm>>
          %dma_wait3A_194 = tpu.memref_squeeze %dma_wait3A_193 : memref<1x256xi32, #tpu.memory_space<hbm>> -> memref<256xi32, #tpu.memory_space<hbm>>
          tpu.wait_dma2 semaphore(%run_scoped3A_170 : memref<!tpu.dma_semaphore, #tpu.memory_space<semaphore_mem>>) src(%dma_wait3A_194 : memref<256xi32, #tpu.memory_space<hbm>>) dst(%dma_wait3A_191 : memref<256xi32, #tpu.memory_space<vmem>>)
          tpu.yield
        }) : () -> ()
        %dma_start3A_163 = arith.constant 0 : i32
        %dma_start3A_164 = arith.constant 0 : i32
        %dma_start3A_165 = tpu.memref_slice %arg8[%dma_start3A_163, %dma_start3A_164] : memref<1x256xi32, #tpu.memory_space<vmem>> -> memref<1x256xi32, #tpu.memory_space<vmem>>
        %dma_start3A_166 = tpu.memref_squeeze %dma_start3A_165 : memref<1x256xi32, #tpu.memory_space<vmem>> -> memref<256xi32, #tpu.memory_space<vmem>>
        %dma_start3A_167 = arith.constant 0 : i32
        %dma_start3A_168 = arith.constant 0 : i32
        %dma_start3A_169 = tpu.memref_slice %arg2[%dma_start3A_167, %dma_start3A_168] : memref<10000x48xf32, #tpu.memory_space<hbm>> -> memref<10000x48xf32, #tpu.memory_space<hbm>>
        tpu.enqueue_indirect_dma source(%dma_start3A_169 : memref<10000x48xf32, #tpu.memory_space<hbm>>) target(%arg12 : memref<256x48xf32, #tpu.memory_space<vmem>>) offsets(%dma_start3A_166 : memref<256xi32, #tpu.memory_space<vmem>>) semaphore(%arg15 : memref<!tpu.dma_semaphore, #tpu.memory_space<semaphore_mem>>)
      } else {
      }
    }
    %while3A_71 = arith.constant 1 : i32
    scf.for %while3A_96 = %while3A_69 to %while3A_65 step %while3A_71  : i32 {
      %mul3A_97 = arith.constant 2 : i32
      %mul3A_98 = arith.muli %mul3A_97, %while3A_96 : i32
      %dma_wait3A = arith.constant 0 : i32
      %dma_wait3A_99 = arith.constant 0 : i32
      %dma_wait3A_100 = tpu.memref_slice %arg7[%dma_wait3A, %dma_wait3A_99] : memref<1x256xi32, #tpu.memory_space<vmem>> -> memref<1x256xi32, #tpu.memory_space<vmem>>
      %dma_wait3A_101 = tpu.memref_squeeze %dma_wait3A_100 : memref<1x256xi32, #tpu.memory_space<vmem>> -> memref<256xi32, #tpu.memory_space<vmem>>
      %dma_wait3A_102 = arith.constant 0 : i32
      %dma_wait3A_103 = arith.constant 0 : i32
      %dma_wait3A_104 = tpu.memref_slice %arg2[%dma_wait3A_102, %dma_wait3A_103] : memref<10000x48xf32, #tpu.memory_space<hbm>> -> memref<10000x48xf32, #tpu.memory_space<hbm>>
      tpu.wait_indirect_dma semaphore(%arg14 : memref<!tpu.dma_semaphore, #tpu.memory_space<semaphore_mem>>) src(%dma_wait3A_104 : memref<10000x48xf32, #tpu.memory_space<hbm>>) dst(%arg11 : memref<256x48xf32, #tpu.memory_space<vmem>>)
      %dma_start3A_105 = arith.constant 0 : i32
      %dma_start3A_106 = arith.constant 0 : i32
      %dma_start3A_107 = tpu.memref_slice %arg9[%dma_start3A_105, %dma_start3A_106] : memref<1x256xi32, #tpu.memory_space<vmem>> -> memref<1x256xi32, #tpu.memory_space<vmem>>
      %dma_start3A_108 = tpu.memref_squeeze %dma_start3A_107 : memref<1x256xi32, #tpu.memory_space<vmem>> -> memref<256xi32, #tpu.memory_space<vmem>>
      %dma_start3A_109 = arith.constant 0 : i32
      %dma_start3A_110 = arith.constant 0 : i32
      %dma_start3A_111 = tpu.memref_slice %arg13[%dma_start3A_109, %dma_start3A_110] : memref<10112x48xf32, #tpu.memory_space<vmem_shared>> -> memref<10112x48xf32, #tpu.memory_space<vmem_shared>>
      tpu.enqueue_indirect_dma source(%arg11 : memref<256x48xf32, #tpu.memory_space<vmem>>) target(%dma_start3A_111 : memref<10112x48xf32, #tpu.memory_space<vmem_shared>>) offsets(%dma_start3A_108 : memref<256xi32, #tpu.memory_space<vmem>>) semaphore(%arg16 : memref<!tpu.dma_semaphore, #tpu.memory_space<semaphore_mem>>) {add = true}
      %add3A_112 = arith.constant 2 : i32
      %add3A_113 = arith.addi %mul3A_98, %add3A_112 : i32
      %lt3A = arith.cmpi slt, %add3A_113, %select_n3A_9 : i32
      %convert_element_type3A = arith.extui %lt3A : i1 to i32
      %cond3A = arith.constant 0 : i32
      %cond3A_114 = arith.cmpi ne, %convert_element_type3A, %cond3A : i32
      scf.if %cond3A_114 {
        %add3A_161 = arith.addi %select_n3A, %add3A_113 : i32
        %run_scoped3A_162 = arith.constant 0 : i32
        "tpu.region"() ({
          %run_scoped3A_163 = tpu.sem_alloc : memref<!tpu.dma_semaphore, #tpu.memory_space<semaphore_mem>>
          %dma_start3A_164 = arith.constant 0 : i32
          %dma_start3A_165 = tpu.memref_slice %arg7[%run_scoped3A_162, %dma_start3A_164] : memref<1x256xi32, #tpu.memory_space<vmem>> -> memref<1x256xi32, #tpu.memory_space<vmem>>
          %dma_start3A_166 = tpu.memref_squeeze %dma_start3A_165 : memref<1x256xi32, #tpu.memory_space<vmem>> -> memref<256xi32, #tpu.memory_space<vmem>>
          %dma_start3A_167 = arith.constant 0 : i32
          %dma_start3A_168 = tpu.memref_slice %arg3[%add3A_161, %dma_start3A_167] : memref<1280x256xi32, #tpu.memory_space<hbm>> -> memref<1x256xi32, #tpu.memory_space<hbm>>
          %dma_start3A_169 = tpu.memref_squeeze %dma_start3A_168 : memref<1x256xi32, #tpu.memory_space<hbm>> -> memref<256xi32, #tpu.memory_space<hbm>>
          %dma_start3A_170 = arith.constant 0 : i32
          %dma_start3A_171 = tpu.memref_slice %arg7[%run_scoped3A_162, %dma_start3A_170] : memref<1x256xi32, #tpu.memory_space<vmem>> -> memref<1x256xi32, #tpu.memory_space<vmem>>
          %dma_start3A_172 = tpu.memref_squeeze %dma_start3A_171 : memref<1x256xi32, #tpu.memory_space<vmem>> -> memref<256xi32, #tpu.memory_space<vmem>>
          %dma_start3A_173 = arith.constant 0 : i32
          %dma_start3A_174 = tpu.memref_slice %arg3[%add3A_161, %dma_start3A_173] : memref<1280x256xi32, #tpu.memory_space<hbm>> -> memref<1x256xi32, #tpu.memory_space<hbm>>
          %dma_start3A_175 = tpu.memref_squeeze %dma_start3A_174 : memref<1x256xi32, #tpu.memory_space<hbm>> -> memref<256xi32, #tpu.memory_space<hbm>>
          tpu.enqueue_dma source(%dma_start3A_175 : memref<256xi32, #tpu.memory_space<hbm>>) target(%dma_start3A_172 : memref<256xi32, #tpu.memory_space<vmem>>) target_semaphore(%run_scoped3A_163 : memref<!tpu.dma_semaphore, #tpu.memory_space<semaphore_mem>>)
          %dma_wait3A_176 = arith.constant 0 : i32
          %dma_wait3A_177 = tpu.memref_slice %arg7[%run_scoped3A_162, %dma_wait3A_176] : memref<1x256xi32, #tpu.memory_space<vmem>> -> memref<1x256xi32, #tpu.memory_space<vmem>>
          %dma_wait3A_178 = tpu.memref_squeeze %dma_wait3A_177 : memref<1x256xi32, #tpu.memory_space<vmem>> -> memref<256xi32, #tpu.memory_space<vmem>>
          %dma_wait3A_179 = arith.constant 0 : i32
          %dma_wait3A_180 = tpu.memref_slice %arg3[%add3A_161, %dma_wait3A_179] : memref<1280x256xi32, #tpu.memory_space<hbm>> -> memref<1x256xi32, #tpu.memory_space<hbm>>
          %dma_wait3A_181 = tpu.memref_squeeze %dma_wait3A_180 : memref<1x256xi32, #tpu.memory_space<hbm>> -> memref<256xi32, #tpu.memory_space<hbm>>
          %dma_wait3A_182 = arith.constant 0 : i32
          %dma_wait3A_183 = tpu.memref_slice %arg7[%run_scoped3A_162, %dma_wait3A_182] : memref<1x256xi32, #tpu.memory_space<vmem>> -> memref<1x256xi32, #tpu.memory_space<vmem>>
          %dma_wait3A_184 = tpu.memref_squeeze %dma_wait3A_183 : memref<1x256xi32, #tpu.memory_space<vmem>> -> memref<256xi32, #tpu.memory_space<vmem>>
          %dma_wait3A_185 = arith.constant 0 : i32
          %dma_wait3A_186 = tpu.memref_slice %arg3[%add3A_161, %dma_wait3A_185] : memref<1280x256xi32, #tpu.memory_space<hbm>> -> memref<1x256xi32, #tpu.memory_space<hbm>>
          %dma_wait3A_187 = tpu.memref_squeeze %dma_wait3A_186 : memref<1x256xi32, #tpu.memory_space<hbm>> -> memref<256xi32, #tpu.memory_space<hbm>>
          tpu.wait_dma2 semaphore(%run_scoped3A_163 : memref<!tpu.dma_semaphore, #tpu.memory_space<semaphore_mem>>) src(%dma_wait3A_187 : memref<256xi32, #tpu.memory_space<hbm>>) dst(%dma_wait3A_184 : memref<256xi32, #tpu.memory_space<vmem>>)
          tpu.yield
        }) : () -> ()
      } else {
      }
      %dma_wait3A_115 = arith.constant 0 : i32
      %dma_wait3A_116 = arith.constant 0 : i32
      %dma_wait3A_117 = tpu.memref_slice %arg9[%dma_wait3A_115, %dma_wait3A_116] : memref<1x256xi32, #tpu.memory_space<vmem>> -> memref<1x256xi32, #tpu.memory_space<vmem>>
      %dma_wait3A_118 = tpu.memref_squeeze %dma_wait3A_117 : memref<1x256xi32, #tpu.memory_space<vmem>> -> memref<256xi32, #tpu.memory_space<vmem>>
      %dma_wait3A_119 = arith.constant 0 : i32
      %dma_wait3A_120 = arith.constant 0 : i32
      %dma_wait3A_121 = tpu.memref_slice %arg13[%dma_wait3A_119, %dma_wait3A_120] : memref<10112x48xf32, #tpu.memory_space<vmem_shared>> -> memref<10112x48xf32, #tpu.memory_space<vmem_shared>>
      tpu.wait_indirect_dma semaphore(%arg16 : memref<!tpu.dma_semaphore, #tpu.memory_space<semaphore_mem>>) src(%arg11 : memref<256x48xf32, #tpu.memory_space<vmem>>) dst(%dma_wait3A_121 : memref<10112x48xf32, #tpu.memory_space<vmem_shared>>)
      %lt3A_122 = arith.cmpi slt, %add3A_113, %select_n3A_9 : i32
      %convert_element_type3A_123 = arith.extui %lt3A_122 : i1 to i32
      %cond3A_124 = arith.constant 0 : i32
      %cond3A_125 = arith.cmpi ne, %convert_element_type3A_123, %cond3A_124 : i32
      scf.if %cond3A_125 {
        %add3A_161 = arith.addi %select_n3A, %add3A_113 : i32
        %run_scoped3A_162 = arith.constant 0 : i32
        "tpu.region"() ({
          %run_scoped3A_170 = tpu.sem_alloc : memref<!tpu.dma_semaphore, #tpu.memory_space<semaphore_mem>>
          %dma_start3A_171 = arith.constant 0 : i32
          %dma_start3A_172 = tpu.memref_slice %arg9[%run_scoped3A_162, %dma_start3A_171] : memref<1x256xi32, #tpu.memory_space<vmem>> -> memref<1x256xi32, #tpu.memory_space<vmem>>
          %dma_start3A_173 = tpu.memref_squeeze %dma_start3A_172 : memref<1x256xi32, #tpu.memory_space<vmem>> -> memref<256xi32, #tpu.memory_space<vmem>>
          %dma_start3A_174 = arith.constant 0 : i32
          %dma_start3A_175 = tpu.memref_slice %arg4[%add3A_161, %dma_start3A_174] : memref<1280x256xi32, #tpu.memory_space<hbm>> -> memref<1x256xi32, #tpu.memory_space<hbm>>
          %dma_start3A_176 = tpu.memref_squeeze %dma_start3A_175 : memref<1x256xi32, #tpu.memory_space<hbm>> -> memref<256xi32, #tpu.memory_space<hbm>>
          %dma_start3A_177 = arith.constant 0 : i32
          %dma_start3A_178 = tpu.memref_slice %arg9[%run_scoped3A_162, %dma_start3A_177] : memref<1x256xi32, #tpu.memory_space<vmem>> -> memref<1x256xi32, #tpu.memory_space<vmem>>
          %dma_start3A_179 = tpu.memref_squeeze %dma_start3A_178 : memref<1x256xi32, #tpu.memory_space<vmem>> -> memref<256xi32, #tpu.memory_space<vmem>>
          %dma_start3A_180 = arith.constant 0 : i32
          %dma_start3A_181 = tpu.memref_slice %arg4[%add3A_161, %dma_start3A_180] : memref<1280x256xi32, #tpu.memory_space<hbm>> -> memref<1x256xi32, #tpu.memory_space<hbm>>
          %dma_start3A_182 = tpu.memref_squeeze %dma_start3A_181 : memref<1x256xi32, #tpu.memory_space<hbm>> -> memref<256xi32, #tpu.memory_space<hbm>>
          tpu.enqueue_dma source(%dma_start3A_182 : memref<256xi32, #tpu.memory_space<hbm>>) target(%dma_start3A_179 : memref<256xi32, #tpu.memory_space<vmem>>) target_semaphore(%run_scoped3A_170 : memref<!tpu.dma_semaphore, #tpu.memory_space<semaphore_mem>>)
          %dma_wait3A_183 = arith.constant 0 : i32
          %dma_wait3A_184 = tpu.memref_slice %arg9[%run_scoped3A_162, %dma_wait3A_183] : memref<1x256xi32, #tpu.memory_space<vmem>> -> memref<1x256xi32, #tpu.memory_space<vmem>>
          %dma_wait3A_185 = tpu.memref_squeeze %dma_wait3A_184 : memref<1x256xi32, #tpu.memory_space<vmem>> -> memref<256xi32, #tpu.memory_space<vmem>>
          %dma_wait3A_186 = arith.constant 0 : i32
          %dma_wait3A_187 = tpu.memref_slice %arg4[%add3A_161, %dma_wait3A_186] : memref<1280x256xi32, #tpu.memory_space<hbm>> -> memref<1x256xi32, #tpu.memory_space<hbm>>
          %dma_wait3A_188 = tpu.memref_squeeze %dma_wait3A_187 : memref<1x256xi32, #tpu.memory_space<hbm>> -> memref<256xi32, #tpu.memory_space<hbm>>
          %dma_wait3A_189 = arith.constant 0 : i32
          %dma_wait3A_190 = tpu.memref_slice %arg9[%run_scoped3A_162, %dma_wait3A_189] : memref<1x256xi32, #tpu.memory_space<vmem>> -> memref<1x256xi32, #tpu.memory_space<vmem>>
          %dma_wait3A_191 = tpu.memref_squeeze %dma_wait3A_190 : memref<1x256xi32, #tpu.memory_space<vmem>> -> memref<256xi32, #tpu.memory_space<vmem>>
          %dma_wait3A_192 = arith.constant 0 : i32
          %dma_wait3A_193 = tpu.memref_slice %arg4[%add3A_161, %dma_wait3A_192] : memref<1280x256xi32, #tpu.memory_space<hbm>> -> memref<1x256xi32, #tpu.memory_space<hbm>>
          %dma_wait3A_194 = tpu.memref_squeeze %dma_wait3A_193 : memref<1x256xi32, #tpu.memory_space<hbm>> -> memref<256xi32, #tpu.memory_space<hbm>>
          tpu.wait_dma2 semaphore(%run_scoped3A_170 : memref<!tpu.dma_semaphore, #tpu.memory_space<semaphore_mem>>) src(%dma_wait3A_194 : memref<256xi32, #tpu.memory_space<hbm>>) dst(%dma_wait3A_191 : memref<256xi32, #tpu.memory_space<vmem>>)
          tpu.yield
        }) : () -> ()
        %dma_start3A_163 = arith.constant 0 : i32
        %dma_start3A_164 = arith.constant 0 : i32
        %dma_start3A_165 = tpu.memref_slice %arg7[%dma_start3A_163, %dma_start3A_164] : memref<1x256xi32, #tpu.memory_space<vmem>> -> memref<1x256xi32, #tpu.memory_space<vmem>>
        %dma_start3A_166 = tpu.memref_squeeze %dma_start3A_165 : memref<1x256xi32, #tpu.memory_space<vmem>> -> memref<256xi32, #tpu.memory_space<vmem>>
        %dma_start3A_167 = arith.constant 0 : i32
        %dma_start3A_168 = arith.constant 0 : i32
        %dma_start3A_169 = tpu.memref_slice %arg2[%dma_start3A_167, %dma_start3A_168] : memref<10000x48xf32, #tpu.memory_space<hbm>> -> memref<10000x48xf32, #tpu.memory_space<hbm>>
        tpu.enqueue_indirect_dma source(%dma_start3A_169 : memref<10000x48xf32, #tpu.memory_space<hbm>>) target(%arg11 : memref<256x48xf32, #tpu.memory_space<vmem>>) offsets(%dma_start3A_166 : memref<256xi32, #tpu.memory_space<vmem>>) semaphore(%arg14 : memref<!tpu.dma_semaphore, #tpu.memory_space<semaphore_mem>>)
      } else {
      }
      %mul3A_126 = arith.constant 2 : i32
      %mul3A_127 = arith.muli %mul3A_126, %while3A_96 : i32
      %add3A_128 = arith.constant 1 : i32
      %add3A_129 = arith.addi %mul3A_127, %add3A_128 : i32
      %dma_wait3A_130 = arith.constant 0 : i32
      %dma_wait3A_131 = arith.constant 0 : i32
      %dma_wait3A_132 = tpu.memref_slice %arg8[%dma_wait3A_130, %dma_wait3A_131] : memref<1x256xi32, #tpu.memory_space<vmem>> -> memref<1x256xi32, #tpu.memory_space<vmem>>
      %dma_wait3A_133 = tpu.memref_squeeze %dma_wait3A_132 : memref<1x256xi32, #tpu.memory_space<vmem>> -> memref<256xi32, #tpu.memory_space<vmem>>
      %dma_wait3A_134 = arith.constant 0 : i32
      %dma_wait3A_135 = arith.constant 0 : i32
      %dma_wait3A_136 = tpu.memref_slice %arg2[%dma_wait3A_134, %dma_wait3A_135] : memref<10000x48xf32, #tpu.memory_space<hbm>> -> memref<10000x48xf32, #tpu.memory_space<hbm>>
      tpu.wait_indirect_dma semaphore(%arg15 : memref<!tpu.dma_semaphore, #tpu.memory_space<semaphore_mem>>) src(%dma_wait3A_136 : memref<10000x48xf32, #tpu.memory_space<hbm>>) dst(%arg12 : memref<256x48xf32, #tpu.memory_space<vmem>>)
      %dma_start3A_137 = arith.constant 0 : i32
      %dma_start3A_138 = arith.constant 0 : i32
      %dma_start3A_139 = tpu.memref_slice %arg10[%dma_start3A_137, %dma_start3A_138] : memref<1x256xi32, #tpu.memory_space<vmem>> -> memref<1x256xi32, #tpu.memory_space<vmem>>
      %dma_start3A_140 = tpu.memref_squeeze %dma_start3A_139 : memref<1x256xi32, #tpu.memory_space<vmem>> -> memref<256xi32, #tpu.memory_space<vmem>>
      %dma_start3A_141 = arith.constant 0 : i32
      %dma_start3A_142 = arith.constant 0 : i32
      %dma_start3A_143 = tpu.memref_slice %arg13[%dma_start3A_141, %dma_start3A_142] : memref<10112x48xf32, #tpu.memory_space<vmem_shared>> -> memref<10112x48xf32, #tpu.memory_space<vmem_shared>>
      tpu.enqueue_indirect_dma source(%arg12 : memref<256x48xf32, #tpu.memory_space<vmem>>) target(%dma_start3A_143 : memref<10112x48xf32, #tpu.memory_space<vmem_shared>>) offsets(%dma_start3A_140 : memref<256xi32, #tpu.memory_space<vmem>>) semaphore(%arg17 : memref<!tpu.dma_semaphore, #tpu.memory_space<semaphore_mem>>) {add = true}
      %add3A_144 = arith.constant 2 : i32
      %add3A_145 = arith.addi %add3A_129, %add3A_144 : i32
      %lt3A_146 = arith.cmpi slt, %add3A_145, %select_n3A_9 : i32
      %convert_element_type3A_147 = arith.extui %lt3A_146 : i1 to i32
      %cond3A_148 = arith.constant 0 : i32
      %cond3A_149 = arith.cmpi ne, %convert_element_type3A_147, %cond3A_148 : i32
      scf.if %cond3A_149 {
        %add3A_161 = arith.addi %select_n3A, %add3A_145 : i32
        %run_scoped3A_162 = arith.constant 0 : i32
        "tpu.region"() ({
          %run_scoped3A_163 = tpu.sem_alloc : memref<!tpu.dma_semaphore, #tpu.memory_space<semaphore_mem>>
          %dma_start3A_164 = arith.constant 0 : i32
          %dma_start3A_165 = tpu.memref_slice %arg8[%run_scoped3A_162, %dma_start3A_164] : memref<1x256xi32, #tpu.memory_space<vmem>> -> memref<1x256xi32, #tpu.memory_space<vmem>>
          %dma_start3A_166 = tpu.memref_squeeze %dma_start3A_165 : memref<1x256xi32, #tpu.memory_space<vmem>> -> memref<256xi32, #tpu.memory_space<vmem>>
          %dma_start3A_167 = arith.constant 0 : i32
          %dma_start3A_168 = tpu.memref_slice %arg3[%add3A_161, %dma_start3A_167] : memref<1280x256xi32, #tpu.memory_space<hbm>> -> memref<1x256xi32, #tpu.memory_space<hbm>>
          %dma_start3A_169 = tpu.memref_squeeze %dma_start3A_168 : memref<1x256xi32, #tpu.memory_space<hbm>> -> memref<256xi32, #tpu.memory_space<hbm>>
          %dma_start3A_170 = arith.constant 0 : i32
          %dma_start3A_171 = tpu.memref_slice %arg8[%run_scoped3A_162, %dma_start3A_170] : memref<1x256xi32, #tpu.memory_space<vmem>> -> memref<1x256xi32, #tpu.memory_space<vmem>>
          %dma_start3A_172 = tpu.memref_squeeze %dma_start3A_171 : memref<1x256xi32, #tpu.memory_space<vmem>> -> memref<256xi32, #tpu.memory_space<vmem>>
          %dma_start3A_173 = arith.constant 0 : i32
          %dma_start3A_174 = tpu.memref_slice %arg3[%add3A_161, %dma_start3A_173] : memref<1280x256xi32, #tpu.memory_space<hbm>> -> memref<1x256xi32, #tpu.memory_space<hbm>>
          %dma_start3A_175 = tpu.memref_squeeze %dma_start3A_174 : memref<1x256xi32, #tpu.memory_space<hbm>> -> memref<256xi32, #tpu.memory_space<hbm>>
          tpu.enqueue_dma source(%dma_start3A_175 : memref<256xi32, #tpu.memory_space<hbm>>) target(%dma_start3A_172 : memref<256xi32, #tpu.memory_space<vmem>>) target_semaphore(%run_scoped3A_163 : memref<!tpu.dma_semaphore, #tpu.memory_space<semaphore_mem>>)
          %dma_wait3A_176 = arith.constant 0 : i32
          %dma_wait3A_177 = tpu.memref_slice %arg8[%run_scoped3A_162, %dma_wait3A_176] : memref<1x256xi32, #tpu.memory_space<vmem>> -> memref<1x256xi32, #tpu.memory_space<vmem>>
          %dma_wait3A_178 = tpu.memref_squeeze %dma_wait3A_177 : memref<1x256xi32, #tpu.memory_space<vmem>> -> memref<256xi32, #tpu.memory_space<vmem>>
          %dma_wait3A_179 = arith.constant 0 : i32
          %dma_wait3A_180 = tpu.memref_slice %arg3[%add3A_161, %dma_wait3A_179] : memref<1280x256xi32, #tpu.memory_space<hbm>> -> memref<1x256xi32, #tpu.memory_space<hbm>>
          %dma_wait3A_181 = tpu.memref_squeeze %dma_wait3A_180 : memref<1x256xi32, #tpu.memory_space<hbm>> -> memref<256xi32, #tpu.memory_space<hbm>>
          %dma_wait3A_182 = arith.constant 0 : i32
          %dma_wait3A_183 = tpu.memref_slice %arg8[%run_scoped3A_162, %dma_wait3A_182] : memref<1x256xi32, #tpu.memory_space<vmem>> -> memref<1x256xi32, #tpu.memory_space<vmem>>
          %dma_wait3A_184 = tpu.memref_squeeze %dma_wait3A_183 : memref<1x256xi32, #tpu.memory_space<vmem>> -> memref<256xi32, #tpu.memory_space<vmem>>
          %dma_wait3A_185 = arith.constant 0 : i32
          %dma_wait3A_186 = tpu.memref_slice %arg3[%add3A_161, %dma_wait3A_185] : memref<1280x256xi32, #tpu.memory_space<hbm>> -> memref<1x256xi32, #tpu.memory_space<hbm>>
          %dma_wait3A_187 = tpu.memref_squeeze %dma_wait3A_186 : memref<1x256xi32, #tpu.memory_space<hbm>> -> memref<256xi32, #tpu.memory_space<hbm>>
          tpu.wait_dma2 semaphore(%run_scoped3A_163 : memref<!tpu.dma_semaphore, #tpu.memory_space<semaphore_mem>>) src(%dma_wait3A_187 : memref<256xi32, #tpu.memory_space<hbm>>) dst(%dma_wait3A_184 : memref<256xi32, #tpu.memory_space<vmem>>)
          tpu.yield
        }) : () -> ()
      } else {
      }
      %dma_wait3A_150 = arith.constant 0 : i32
      %dma_wait3A_151 = arith.constant 0 : i32
      %dma_wait3A_152 = tpu.memref_slice %arg10[%dma_wait3A_150, %dma_wait3A_151] : memref<1x256xi32, #tpu.memory_space<vmem>> -> memref<1x256xi32, #tpu.memory_space<vmem>>
      %dma_wait3A_153 = tpu.memref_squeeze %dma_wait3A_152 : memref<1x256xi32, #tpu.memory_space<vmem>> -> memref<256xi32, #tpu.memory_space<vmem>>
      %dma_wait3A_154 = arith.constant 0 : i32
      %dma_wait3A_155 = arith.constant 0 : i32
      %dma_wait3A_156 = tpu.memref_slice %arg13[%dma_wait3A_154, %dma_wait3A_155] : memref<10112x48xf32, #tpu.memory_space<vmem_shared>> -> memref<10112x48xf32, #tpu.memory_space<vmem_shared>>
      tpu.wait_indirect_dma semaphore(%arg17 : memref<!tpu.dma_semaphore, #tpu.memory_space<semaphore_mem>>) src(%arg12 : memref<256x48xf32, #tpu.memory_space<vmem>>) dst(%dma_wait3A_156 : memref<10112x48xf32, #tpu.memory_space<vmem_shared>>)
      %lt3A_157 = arith.cmpi slt, %add3A_145, %select_n3A_9 : i32
      %convert_element_type3A_158 = arith.extui %lt3A_157 : i1 to i32
      %cond3A_159 = arith.constant 0 : i32
      %cond3A_160 = arith.cmpi ne, %convert_element_type3A_158, %cond3A_159 : i32
      scf.if %cond3A_160 {
        %add3A_161 = arith.addi %select_n3A, %add3A_145 : i32
        %run_scoped3A_162 = arith.constant 0 : i32
        "tpu.region"() ({
          %run_scoped3A_170 = tpu.sem_alloc : memref<!tpu.dma_semaphore, #tpu.memory_space<semaphore_mem>>
          %dma_start3A_171 = arith.constant 0 : i32
          %dma_start3A_172 = tpu.memref_slice %arg10[%run_scoped3A_162, %dma_start3A_171] : memref<1x256xi32, #tpu.memory_space<vmem>> -> memref<1x256xi32, #tpu.memory_space<vmem>>
          %dma_start3A_173 = tpu.memref_squeeze %dma_start3A_172 : memref<1x256xi32, #tpu.memory_space<vmem>> -> memref<256xi32, #tpu.memory_space<vmem>>
          %dma_start3A_174 = arith.constant 0 : i32
          %dma_start3A_175 = tpu.memref_slice %arg4[%add3A_161, %dma_start3A_174] : memref<1280x256xi32, #tpu.memory_space<hbm>> -> memref<1x256xi32, #tpu.memory_space<hbm>>
          %dma_start3A_176 = tpu.memref_squeeze %dma_start3A_175 : memref<1x256xi32, #tpu.memory_space<hbm>> -> memref<256xi32, #tpu.memory_space<hbm>>
          %dma_start3A_177 = arith.constant 0 : i32
          %dma_start3A_178 = tpu.memref_slice %arg10[%run_scoped3A_162, %dma_start3A_177] : memref<1x256xi32, #tpu.memory_space<vmem>> -> memref<1x256xi32, #tpu.memory_space<vmem>>
          %dma_start3A_179 = tpu.memref_squeeze %dma_start3A_178 : memref<1x256xi32, #tpu.memory_space<vmem>> -> memref<256xi32, #tpu.memory_space<vmem>>
          %dma_start3A_180 = arith.constant 0 : i32
          %dma_start3A_181 = tpu.memref_slice %arg4[%add3A_161, %dma_start3A_180] : memref<1280x256xi32, #tpu.memory_space<hbm>> -> memref<1x256xi32, #tpu.memory_space<hbm>>
          %dma_start3A_182 = tpu.memref_squeeze %dma_start3A_181 : memref<1x256xi32, #tpu.memory_space<hbm>> -> memref<256xi32, #tpu.memory_space<hbm>>
          tpu.enqueue_dma source(%dma_start3A_182 : memref<256xi32, #tpu.memory_space<hbm>>) target(%dma_start3A_179 : memref<256xi32, #tpu.memory_space<vmem>>) target_semaphore(%run_scoped3A_170 : memref<!tpu.dma_semaphore, #tpu.memory_space<semaphore_mem>>)
          %dma_wait3A_183 = arith.constant 0 : i32
          %dma_wait3A_184 = tpu.memref_slice %arg10[%run_scoped3A_162, %dma_wait3A_183] : memref<1x256xi32, #tpu.memory_space<vmem>> -> memref<1x256xi32, #tpu.memory_space<vmem>>
          %dma_wait3A_185 = tpu.memref_squeeze %dma_wait3A_184 : memref<1x256xi32, #tpu.memory_space<vmem>> -> memref<256xi32, #tpu.memory_space<vmem>>
          %dma_wait3A_186 = arith.constant 0 : i32
          %dma_wait3A_187 = tpu.memref_slice %arg4[%add3A_161, %dma_wait3A_186] : memref<1280x256xi32, #tpu.memory_space<hbm>> -> memref<1x256xi32, #tpu.memory_space<hbm>>
          %dma_wait3A_188 = tpu.memref_squeeze %dma_wait3A_187 : memref<1x256xi32, #tpu.memory_space<hbm>> -> memref<256xi32, #tpu.memory_space<hbm>>
          %dma_wait3A_189 = arith.constant 0 : i32
          %dma_wait3A_190 = tpu.memref_slice %arg10[%run_scoped3A_162, %dma_wait3A_189] : memref<1x256xi32, #tpu.memory_space<vmem>> -> memref<1x256xi32, #tpu.memory_space<vmem>>
          %dma_wait3A_191 = tpu.memref_squeeze %dma_wait3A_190 : memref<1x256xi32, #tpu.memory_space<vmem>> -> memref<256xi32, #tpu.memory_space<vmem>>
          %dma_wait3A_192 = arith.constant 0 : i32
          %dma_wait3A_193 = tpu.memref_slice %arg4[%add3A_161, %dma_wait3A_192] : memref<1280x256xi32, #tpu.memory_space<hbm>> -> memref<1x256xi32, #tpu.memory_space<hbm>>
          %dma_wait3A_194 = tpu.memref_squeeze %dma_wait3A_193 : memref<1x256xi32, #tpu.memory_space<hbm>> -> memref<256xi32, #tpu.memory_space<hbm>>
          tpu.wait_dma2 semaphore(%run_scoped3A_170 : memref<!tpu.dma_semaphore, #tpu.memory_space<semaphore_mem>>) src(%dma_wait3A_194 : memref<256xi32, #tpu.memory_space<hbm>>) dst(%dma_wait3A_191 : memref<256xi32, #tpu.memory_space<vmem>>)
          tpu.yield
        }) : () -> ()
        %dma_start3A_163 = arith.constant 0 : i32
        %dma_start3A_164 = arith.constant 0 : i32
        %dma_start3A_165 = tpu.memref_slice %arg8[%dma_start3A_163, %dma_start3A_164] : memref<1x256xi32, #tpu.memory_space<vmem>> -> memref<1x256xi32, #tpu.memory_space<vmem>>
        %dma_start3A_166 = tpu.memref_squeeze %dma_start3A_165 : memref<1x256xi32, #tpu.memory_space<vmem>> -> memref<256xi32, #tpu.memory_space<vmem>>
        %dma_start3A_167 = arith.constant 0 : i32
        %dma_start3A_168 = arith.constant 0 : i32
        %dma_start3A_169 = tpu.memref_slice %arg2[%dma_start3A_167, %dma_start3A_168] : memref<10000x48xf32, #tpu.memory_space<hbm>> -> memref<10000x48xf32, #tpu.memory_space<hbm>>
        tpu.enqueue_indirect_dma source(%dma_start3A_169 : memref<10000x48xf32, #tpu.memory_space<hbm>>) target(%arg12 : memref<256x48xf32, #tpu.memory_space<vmem>>) offsets(%dma_start3A_166 : memref<256xi32, #tpu.memory_space<vmem>>) semaphore(%arg15 : memref<!tpu.dma_semaphore, #tpu.memory_space<semaphore_mem>>)
      } else {
      }
    }
    %barrier3A_72 = arith.constant 0 : index
    tpu.barrier barrier_id(%barrier3A_72)
    %mul3A_73 = arith.constant 10112 : i32
    %mul3A_74 = arith.muli %arg0, %mul3A_73 : i32
    %mul3A_75 = arith.constant 632 : i32
    %mul3A_76 = arith.muli %arg1, %mul3A_75 : i32
    %add3A_77 = arith.addi %mul3A_74, %mul3A_76 : i32
    %mul3A_78 = arith.constant 632 : i32
    %mul3A_79 = arith.muli %arg1, %mul3A_78 : i32
    %add3A_80 = arith.constant 0 : i32
    %add3A_81 = arith.addi %mul3A_79, %add3A_80 : i32
    "tpu.region"() ({
      %run_scoped3A_96 = tpu.sem_alloc : memref<!tpu.dma_semaphore, #tpu.memory_space<semaphore_mem>>
      %dma_start3A_97 = arith.constant 0 : i32
      %dma_start3A_98 = arith.constant 0 : i32
      %dma_start3A_99 = tpu.memref_slice %arg11[%dma_start3A_97, %dma_start3A_98] : memref<256x48xf32, #tpu.memory_space<vmem>> -> memref<256x48xf32, #tpu.memory_space<vmem>>
      %dma_start3A_100 = arith.constant 0 : i32
      %dma_start3A_101 = tpu.memref_slice %arg13[%add3A_81, %dma_start3A_100] : memref<10112x48xf32, #tpu.memory_space<vmem_shared>> -> memref<256x48xf32, #tpu.memory_space<vmem_shared>>
      %dma_start3A_102 = arith.constant 0 : i32
      %dma_start3A_103 = arith.constant 0 : i32
      %dma_start3A_104 = tpu.memref_slice %arg11[%dma_start3A_102, %dma_start3A_103] : memref<256x48xf32, #tpu.memory_space<vmem>> -> memref<256x48xf32, #tpu.memory_space<vmem>>
      %dma_start3A_105 = arith.constant 0 : i32
      %dma_start3A_106 = tpu.memref_slice %arg13[%add3A_81, %dma_start3A_105] : memref<10112x48xf32, #tpu.memory_space<vmem_shared>> -> memref<256x48xf32, #tpu.memory_space<vmem_shared>>
      tpu.enqueue_dma source(%dma_start3A_106 : memref<256x48xf32, #tpu.memory_space<vmem_shared>>) target(%dma_start3A_104 : memref<256x48xf32, #tpu.memory_space<vmem>>) target_semaphore(%run_scoped3A_96 : memref<!tpu.dma_semaphore, #tpu.memory_space<semaphore_mem>>)
      %dma_wait3A = arith.constant 0 : i32
      %dma_wait3A_107 = arith.constant 0 : i32
      %dma_wait3A_108 = tpu.memref_slice %arg11[%dma_wait3A, %dma_wait3A_107] : memref<256x48xf32, #tpu.memory_space<vmem>> -> memref<256x48xf32, #tpu.memory_space<vmem>>
      %dma_wait3A_109 = arith.constant 0 : i32
      %dma_wait3A_110 = tpu.memref_slice %arg13[%add3A_81, %dma_wait3A_109] : memref<10112x48xf32, #tpu.memory_space<vmem_shared>> -> memref<256x48xf32, #tpu.memory_space<vmem_shared>>
      %dma_wait3A_111 = arith.constant 0 : i32
      %dma_wait3A_112 = arith.constant 0 : i32
      %dma_wait3A_113 = tpu.memref_slice %arg11[%dma_wait3A_111, %dma_wait3A_112] : memref<256x48xf32, #tpu.memory_space<vmem>> -> memref<256x48xf32, #tpu.memory_space<vmem>>
      %dma_wait3A_114 = arith.constant 0 : i32
      %dma_wait3A_115 = tpu.memref_slice %arg13[%add3A_81, %dma_wait3A_114] : memref<10112x48xf32, #tpu.memory_space<vmem_shared>> -> memref<256x48xf32, #tpu.memory_space<vmem_shared>>
      tpu.wait_dma2 semaphore(%run_scoped3A_96 : memref<!tpu.dma_semaphore, #tpu.memory_space<semaphore_mem>>) src(%dma_wait3A_115 : memref<256x48xf32, #tpu.memory_space<vmem_shared>>) dst(%dma_wait3A_113 : memref<256x48xf32, #tpu.memory_space<vmem>>)
      tpu.yield
    }) : () -> ()
    %add3A_82 = arith.constant 0 : i32
    %add3A_83 = arith.addi %add3A_77, %add3A_82 : i32
    "tpu.region"() ({
      %run_scoped3A_96 = tpu.sem_alloc : memref<!tpu.dma_semaphore, #tpu.memory_space<semaphore_mem>>
      %dma_start3A_97 = arith.constant 0 : i32
      %dma_start3A_98 = arith.constant 0 : i32
      %dma_start3A_99 = tpu.memref_slice %arg11[%dma_start3A_97, %dma_start3A_98] : memref<256x48xf32, #tpu.memory_space<vmem>> -> memref<256x48xf32, #tpu.memory_space<vmem>>
      %dma_start3A_100 = arith.constant 0 : i32
      %dma_start3A_101 = tpu.memref_slice %arg6[%add3A_83, %dma_start3A_100] : memref<20224x48xf32, #tpu.memory_space<hbm>> -> memref<256x48xf32, #tpu.memory_space<hbm>>
      %dma_start3A_102 = arith.constant 0 : i32
      %dma_start3A_103 = tpu.memref_slice %arg6[%add3A_83, %dma_start3A_102] : memref<20224x48xf32, #tpu.memory_space<hbm>> -> memref<256x48xf32, #tpu.memory_space<hbm>>
      %dma_start3A_104 = arith.constant 0 : i32
      %dma_start3A_105 = arith.constant 0 : i32
      %dma_start3A_106 = tpu.memref_slice %arg11[%dma_start3A_104, %dma_start3A_105] : memref<256x48xf32, #tpu.memory_space<vmem>> -> memref<256x48xf32, #tpu.memory_space<vmem>>
      tpu.enqueue_dma source(%dma_start3A_106 : memref<256x48xf32, #tpu.memory_space<vmem>>) target(%dma_start3A_103 : memref<256x48xf32, #tpu.memory_space<hbm>>) target_semaphore(%run_scoped3A_96 : memref<!tpu.dma_semaphore, #tpu.memory_space<semaphore_mem>>)
      %dma_wait3A = arith.constant 0 : i32
      %dma_wait3A_107 = arith.constant 0 : i32
      %dma_wait3A_108 = tpu.memref_slice %arg11[%dma_wait3A, %dma_wait3A_107] : memref<256x48xf32, #tpu.memory_space<vmem>> -> memref<256x48xf32, #tpu.memory_space<vmem>>
      %dma_wait3A_109 = arith.constant 0 : i32
      %dma_wait3A_110 = tpu.memref_slice %arg6[%add3A_83, %dma_wait3A_109] : memref<20224x48xf32, #tpu.memory_space<hbm>> -> memref<256x48xf32, #tpu.memory_space<hbm>>
      %dma_wait3A_111 = arith.constant 0 : i32
      %dma_wait3A_112 = tpu.memref_slice %arg6[%add3A_83, %dma_wait3A_111] : memref<20224x48xf32, #tpu.memory_space<hbm>> -> memref<256x48xf32, #tpu.memory_space<hbm>>
      %dma_wait3A_113 = arith.constant 0 : i32
      %dma_wait3A_114 = arith.constant 0 : i32
      %dma_wait3A_115 = tpu.memref_slice %arg11[%dma_wait3A_113, %dma_wait3A_114] : memref<256x48xf32, #tpu.memory_space<vmem>> -> memref<256x48xf32, #tpu.memory_space<vmem>>
      tpu.wait_dma2 semaphore(%run_scoped3A_96 : memref<!tpu.dma_semaphore, #tpu.memory_space<semaphore_mem>>) src(%dma_wait3A_115 : memref<256x48xf32, #tpu.memory_space<vmem>>) dst(%dma_wait3A_112 : memref<256x48xf32, #tpu.memory_space<hbm>>)
      tpu.yield
    }) : () -> ()
    %mul3A_84 = arith.constant 632 : i32
    %mul3A_85 = arith.muli %arg1, %mul3A_84 : i32
    %add3A_86 = arith.constant 256 : i32
    %add3A_87 = arith.addi %mul3A_85, %add3A_86 : i32
    "tpu.region"() ({
      %run_scoped3A_96 = tpu.sem_alloc : memref<!tpu.dma_semaphore, #tpu.memory_space<semaphore_mem>>
      %dma_start3A_97 = arith.constant 0 : i32
      %dma_start3A_98 = arith.constant 0 : i32
      %dma_start3A_99 = tpu.memref_slice %arg11[%dma_start3A_97, %dma_start3A_98] : memref<256x48xf32, #tpu.memory_space<vmem>> -> memref<256x48xf32, #tpu.memory_space<vmem>>
      %dma_start3A_100 = arith.constant 0 : i32
      %dma_start3A_101 = tpu.memref_slice %arg13[%add3A_87, %dma_start3A_100] : memref<10112x48xf32, #tpu.memory_space<vmem_shared>> -> memref<256x48xf32, #tpu.memory_space<vmem_shared>>
      %dma_start3A_102 = arith.constant 0 : i32
      %dma_start3A_103 = arith.constant 0 : i32
      %dma_start3A_104 = tpu.memref_slice %arg11[%dma_start3A_102, %dma_start3A_103] : memref<256x48xf32, #tpu.memory_space<vmem>> -> memref<256x48xf32, #tpu.memory_space<vmem>>
      %dma_start3A_105 = arith.constant 0 : i32
      %dma_start3A_106 = tpu.memref_slice %arg13[%add3A_87, %dma_start3A_105] : memref<10112x48xf32, #tpu.memory_space<vmem_shared>> -> memref<256x48xf32, #tpu.memory_space<vmem_shared>>
      tpu.enqueue_dma source(%dma_start3A_106 : memref<256x48xf32, #tpu.memory_space<vmem_shared>>) target(%dma_start3A_104 : memref<256x48xf32, #tpu.memory_space<vmem>>) target_semaphore(%run_scoped3A_96 : memref<!tpu.dma_semaphore, #tpu.memory_space<semaphore_mem>>)
      %dma_wait3A = arith.constant 0 : i32
      %dma_wait3A_107 = arith.constant 0 : i32
      %dma_wait3A_108 = tpu.memref_slice %arg11[%dma_wait3A, %dma_wait3A_107] : memref<256x48xf32, #tpu.memory_space<vmem>> -> memref<256x48xf32, #tpu.memory_space<vmem>>
      %dma_wait3A_109 = arith.constant 0 : i32
      %dma_wait3A_110 = tpu.memref_slice %arg13[%add3A_87, %dma_wait3A_109] : memref<10112x48xf32, #tpu.memory_space<vmem_shared>> -> memref<256x48xf32, #tpu.memory_space<vmem_shared>>
      %dma_wait3A_111 = arith.constant 0 : i32
      %dma_wait3A_112 = arith.constant 0 : i32
      %dma_wait3A_113 = tpu.memref_slice %arg11[%dma_wait3A_111, %dma_wait3A_112] : memref<256x48xf32, #tpu.memory_space<vmem>> -> memref<256x48xf32, #tpu.memory_space<vmem>>
      %dma_wait3A_114 = arith.constant 0 : i32
      %dma_wait3A_115 = tpu.memref_slice %arg13[%add3A_87, %dma_wait3A_114] : memref<10112x48xf32, #tpu.memory_space<vmem_shared>> -> memref<256x48xf32, #tpu.memory_space<vmem_shared>>
      tpu.wait_dma2 semaphore(%run_scoped3A_96 : memref<!tpu.dma_semaphore, #tpu.memory_space<semaphore_mem>>) src(%dma_wait3A_115 : memref<256x48xf32, #tpu.memory_space<vmem_shared>>) dst(%dma_wait3A_113 : memref<256x48xf32, #tpu.memory_space<vmem>>)
      tpu.yield
    }) : () -> ()
    %add3A_88 = arith.constant 256 : i32
    %add3A_89 = arith.addi %add3A_77, %add3A_88 : i32
    "tpu.region"() ({
      %run_scoped3A_96 = tpu.sem_alloc : memref<!tpu.dma_semaphore, #tpu.memory_space<semaphore_mem>>
      %dma_start3A_97 = arith.constant 0 : i32
      %dma_start3A_98 = arith.constant 0 : i32
      %dma_start3A_99 = tpu.memref_slice %arg11[%dma_start3A_97, %dma_start3A_98] : memref<256x48xf32, #tpu.memory_space<vmem>> -> memref<256x48xf32, #tpu.memory_space<vmem>>
      %dma_start3A_100 = arith.constant 0 : i32
      %dma_start3A_101 = tpu.memref_slice %arg6[%add3A_89, %dma_start3A_100] : memref<20224x48xf32, #tpu.memory_space<hbm>> -> memref<256x48xf32, #tpu.memory_space<hbm>>
      %dma_start3A_102 = arith.constant 0 : i32
      %dma_start3A_103 = tpu.memref_slice %arg6[%add3A_89, %dma_start3A_102] : memref<20224x48xf32, #tpu.memory_space<hbm>> -> memref<256x48xf32, #tpu.memory_space<hbm>>
      %dma_start3A_104 = arith.constant 0 : i32
      %dma_start3A_105 = arith.constant 0 : i32
      %dma_start3A_106 = tpu.memref_slice %arg11[%dma_start3A_104, %dma_start3A_105] : memref<256x48xf32, #tpu.memory_space<vmem>> -> memref<256x48xf32, #tpu.memory_space<vmem>>
      tpu.enqueue_dma source(%dma_start3A_106 : memref<256x48xf32, #tpu.memory_space<vmem>>) target(%dma_start3A_103 : memref<256x48xf32, #tpu.memory_space<hbm>>) target_semaphore(%run_scoped3A_96 : memref<!tpu.dma_semaphore, #tpu.memory_space<semaphore_mem>>)
      %dma_wait3A = arith.constant 0 : i32
      %dma_wait3A_107 = arith.constant 0 : i32
      %dma_wait3A_108 = tpu.memref_slice %arg11[%dma_wait3A, %dma_wait3A_107] : memref<256x48xf32, #tpu.memory_space<vmem>> -> memref<256x48xf32, #tpu.memory_space<vmem>>
      %dma_wait3A_109 = arith.constant 0 : i32
      %dma_wait3A_110 = tpu.memref_slice %arg6[%add3A_89, %dma_wait3A_109] : memref<20224x48xf32, #tpu.memory_space<hbm>> -> memref<256x48xf32, #tpu.memory_space<hbm>>
      %dma_wait3A_111 = arith.constant 0 : i32
      %dma_wait3A_112 = tpu.memref_slice %arg6[%add3A_89, %dma_wait3A_111] : memref<20224x48xf32, #tpu.memory_space<hbm>> -> memref<256x48xf32, #tpu.memory_space<hbm>>
      %dma_wait3A_113 = arith.constant 0 : i32
      %dma_wait3A_114 = arith.constant 0 : i32
      %dma_wait3A_115 = tpu.memref_slice %arg11[%dma_wait3A_113, %dma_wait3A_114] : memref<256x48xf32, #tpu.memory_space<vmem>> -> memref<256x48xf32, #tpu.memory_space<vmem>>
      tpu.wait_dma2 semaphore(%run_scoped3A_96 : memref<!tpu.dma_semaphore, #tpu.memory_space<semaphore_mem>>) src(%dma_wait3A_115 : memref<256x48xf32, #tpu.memory_space<vmem>>) dst(%dma_wait3A_112 : memref<256x48xf32, #tpu.memory_space<hbm>>)
      tpu.yield
    }) : () -> ()
    %mul3A_90 = arith.constant 632 : i32
    %mul3A_91 = arith.muli %arg1, %mul3A_90 : i32
    %add3A_92 = arith.constant 512 : i32
    %add3A_93 = arith.addi %mul3A_91, %add3A_92 : i32
    "tpu.region"() ({
      %run_scoped3A_96 = tpu.sem_alloc : memref<!tpu.dma_semaphore, #tpu.memory_space<semaphore_mem>>
      %dma_start3A_97 = arith.constant 0 : i32
      %dma_start3A_98 = arith.constant 0 : i32
      %dma_start3A_99 = tpu.memref_slice %arg11[%dma_start3A_97, %dma_start3A_98] : memref<256x48xf32, #tpu.memory_space<vmem>> -> memref<120x48xf32, #tpu.memory_space<vmem>>
      %dma_start3A_100 = arith.constant 0 : i32
      %dma_start3A_101 = tpu.memref_slice %arg13[%add3A_93, %dma_start3A_100] : memref<10112x48xf32, #tpu.memory_space<vmem_shared>> -> memref<120x48xf32, #tpu.memory_space<vmem_shared>>
      %dma_start3A_102 = arith.constant 0 : i32
      %dma_start3A_103 = arith.constant 0 : i32
      %dma_start3A_104 = tpu.memref_slice %arg11[%dma_start3A_102, %dma_start3A_103] : memref<256x48xf32, #tpu.memory_space<vmem>> -> memref<120x48xf32, #tpu.memory_space<vmem>>
      %dma_start3A_105 = arith.constant 0 : i32
      %dma_start3A_106 = tpu.memref_slice %arg13[%add3A_93, %dma_start3A_105] : memref<10112x48xf32, #tpu.memory_space<vmem_shared>> -> memref<120x48xf32, #tpu.memory_space<vmem_shared>>
      tpu.enqueue_dma source(%dma_start3A_106 : memref<120x48xf32, #tpu.memory_space<vmem_shared>>) target(%dma_start3A_104 : memref<120x48xf32, #tpu.memory_space<vmem>>) target_semaphore(%run_scoped3A_96 : memref<!tpu.dma_semaphore, #tpu.memory_space<semaphore_mem>>)
      %dma_wait3A = arith.constant 0 : i32
      %dma_wait3A_107 = arith.constant 0 : i32
      %dma_wait3A_108 = tpu.memref_slice %arg11[%dma_wait3A, %dma_wait3A_107] : memref<256x48xf32, #tpu.memory_space<vmem>> -> memref<120x48xf32, #tpu.memory_space<vmem>>
      %dma_wait3A_109 = arith.constant 0 : i32
      %dma_wait3A_110 = tpu.memref_slice %arg13[%add3A_93, %dma_wait3A_109] : memref<10112x48xf32, #tpu.memory_space<vmem_shared>> -> memref<120x48xf32, #tpu.memory_space<vmem_shared>>
      %dma_wait3A_111 = arith.constant 0 : i32
      %dma_wait3A_112 = arith.constant 0 : i32
      %dma_wait3A_113 = tpu.memref_slice %arg11[%dma_wait3A_111, %dma_wait3A_112] : memref<256x48xf32, #tpu.memory_space<vmem>> -> memref<120x48xf32, #tpu.memory_space<vmem>>
      %dma_wait3A_114 = arith.constant 0 : i32
      %dma_wait3A_115 = tpu.memref_slice %arg13[%add3A_93, %dma_wait3A_114] : memref<10112x48xf32, #tpu.memory_space<vmem_shared>> -> memref<120x48xf32, #tpu.memory_space<vmem_shared>>
      tpu.wait_dma2 semaphore(%run_scoped3A_96 : memref<!tpu.dma_semaphore, #tpu.memory_space<semaphore_mem>>) src(%dma_wait3A_115 : memref<120x48xf32, #tpu.memory_space<vmem_shared>>) dst(%dma_wait3A_113 : memref<120x48xf32, #tpu.memory_space<vmem>>)
      tpu.yield
    }) : () -> ()
    %add3A_94 = arith.constant 512 : i32
    %add3A_95 = arith.addi %add3A_77, %add3A_94 : i32
    "tpu.region"() ({
      %run_scoped3A_96 = tpu.sem_alloc : memref<!tpu.dma_semaphore, #tpu.memory_space<semaphore_mem>>
      %dma_start3A_97 = arith.constant 0 : i32
      %dma_start3A_98 = arith.constant 0 : i32
      %dma_start3A_99 = tpu.memref_slice %arg11[%dma_start3A_97, %dma_start3A_98] : memref<256x48xf32, #tpu.memory_space<vmem>> -> memref<120x48xf32, #tpu.memory_space<vmem>>
      %dma_start3A_100 = arith.constant 0 : i32
      %dma_start3A_101 = tpu.memref_slice %arg6[%add3A_95, %dma_start3A_100] : memref<20224x48xf32, #tpu.memory_space<hbm>> -> memref<120x48xf32, #tpu.memory_space<hbm>>
      %dma_start3A_102 = arith.constant 0 : i32
      %dma_start3A_103 = tpu.memref_slice %arg6[%add3A_95, %dma_start3A_102] : memref<20224x48xf32, #tpu.memory_space<hbm>> -> memref<120x48xf32, #tpu.memory_space<hbm>>
      %dma_start3A_104 = arith.constant 0 : i32
      %dma_start3A_105 = arith.constant 0 : i32
      %dma_start3A_106 = tpu.memref_slice %arg11[%dma_start3A_104, %dma_start3A_105] : memref<256x48xf32, #tpu.memory_space<vmem>> -> memref<120x48xf32, #tpu.memory_space<vmem>>
      tpu.enqueue_dma source(%dma_start3A_106 : memref<120x48xf32, #tpu.memory_space<vmem>>) target(%dma_start3A_103 : memref<120x48xf32, #tpu.memory_space<hbm>>) target_semaphore(%run_scoped3A_96 : memref<!tpu.dma_semaphore, #tpu.memory_space<semaphore_mem>>)
      %dma_wait3A = arith.constant 0 : i32
      %dma_wait3A_107 = arith.constant 0 : i32
      %dma_wait3A_108 = tpu.memref_slice %arg11[%dma_wait3A, %dma_wait3A_107] : memref<256x48xf32, #tpu.memory_space<vmem>> -> memref<120x48xf32, #tpu.memory_space<vmem>>
      %dma_wait3A_109 = arith.constant 0 : i32
      %dma_wait3A_110 = tpu.memref_slice %arg6[%add3A_95, %dma_wait3A_109] : memref<20224x48xf32, #tpu.memory_space<hbm>> -> memref<120x48xf32, #tpu.memory_space<hbm>>
      %dma_wait3A_111 = arith.constant 0 : i32
      %dma_wait3A_112 = tpu.memref_slice %arg6[%add3A_95, %dma_wait3A_111] : memref<20224x48xf32, #tpu.memory_space<hbm>> -> memref<120x48xf32, #tpu.memory_space<hbm>>
      %dma_wait3A_113 = arith.constant 0 : i32
      %dma_wait3A_114 = arith.constant 0 : i32
      %dma_wait3A_115 = tpu.memref_slice %arg11[%dma_wait3A_113, %dma_wait3A_114] : memref<256x48xf32, #tpu.memory_space<vmem>> -> memref<120x48xf32, #tpu.memory_space<vmem>>
      tpu.wait_dma2 semaphore(%run_scoped3A_96 : memref<!tpu.dma_semaphore, #tpu.memory_space<semaphore_mem>>) src(%dma_wait3A_115 : memref<120x48xf32, #tpu.memory_space<vmem>>) dst(%dma_wait3A_112 : memref<120x48xf32, #tpu.memory_space<hbm>>)
      tpu.yield
    }) : () -> ()
    return
  }
}

#map = affine_map<(d0, d1) -> (0, 0)>
module attributes {stable_mosaic.version = 14 : i64} {
  func.func @body(%arg0: i32, %arg1: i32, %arg2: memref<10000x32xf32, #tpu.memory_space<hbm>>, %arg3: memref<1280x256xi32, #tpu.memory_space<hbm>>, %arg4: memref<1280x256xi32, #tpu.memory_space<hbm>>, %arg5: memref<256x32xf32, #tpu.memory_space<hbm>>, %arg6: memref<20224x32xf32, #tpu.memory_space<hbm>>, %arg7: memref<1x256xi32, #tpu.memory_space<vmem>>, %arg8: memref<1x256xi32, #tpu.memory_space<vmem>>, %arg9: memref<1x256xi32, #tpu.memory_space<vmem>>, %arg10: memref<1x256xi32, #tpu.memory_space<vmem>>, %arg11: memref<256x32xf32, #tpu.memory_space<vmem>>, %arg12: memref<256x32xf32, #tpu.memory_space<vmem>>, %arg13: memref<10112x32xf32, #tpu.memory_space<vmem_shared>>, %arg14: memref<!tpu.dma_semaphore, #tpu.memory_space<semaphore_mem>>, %arg15: memref<!tpu.dma_semaphore, #tpu.memory_space<semaphore_mem>>, %arg16: memref<!tpu.dma_semaphore, #tpu.memory_space<semaphore_mem>>, %arg17: memref<!tpu.dma_semaphore, #tpu.memory_space<semaphore_mem>>) attributes {dimension_semantics = [#tpu.dimension_semantics<core_parallel>, #tpu.dimension_semantics<subcore_parallel>], iteration_bounds = array<i64: 2, 16>, scalar_prefetch = 0 : i64, scratch_operands = 11 : i64, tpu.core_type = #tpu.core_type<sc_vector_subcore>, window_params = [{transform_indices = #map}, {transform_indices = #map}, {transform_indices = #map}, {transform_indices = #map}, {transform_indices = #map}]} {
    %eq3A = arith.constant 0 : i32
    %eq3A_0 = arith.cmpi eq, %arg0, %eq3A : i32
    %mul3A = arith.constant 56 : i32
    %mul3A_1 = arith.muli %arg1, %mul3A : i32
    %mul3A_2 = arith.constant 24 : i32
    %mul3A_3 = arith.muli %arg1, %mul3A_2 : i32
    %add3A = arith.constant 896 : i32
    %add3A_4 = arith.addi %add3A, %mul3A_3 : i32
    %select_n3A = arith.select %eq3A_0, %mul3A_1, %add3A_4 : i32
    %eq3A_5 = arith.constant 0 : i32
    %eq3A_6 = arith.cmpi eq, %arg0, %eq3A_5 : i32
    %select_n3A_7 = arith.constant 24 : i32
    %select_n3A_8 = arith.constant 56 : i32
    %select_n3A_9 = arith.select %eq3A_6, %select_n3A_8, %select_n3A_7 : i32
    "tpu.region"() ({
      %run_scoped3A_96 = tpu.sem_alloc : memref<!tpu.dma_semaphore, #tpu.memory_space<semaphore_mem>>
      %dma_start3A_97 = arith.constant 0 : i32
      %dma_start3A_98 = arith.constant 0 : i32
      %dma_start3A_99 = tpu.memref_slice %arg5[%dma_start3A_97, %dma_start3A_98] : memref<256x32xf32, #tpu.memory_space<hbm>> -> memref<256x32xf32, #tpu.memory_space<hbm>>
      %dma_start3A_100 = arith.constant 0 : i32
      %dma_start3A_101 = arith.constant 0 : i32
      %dma_start3A_102 = tpu.memref_slice %arg5[%dma_start3A_100, %dma_start3A_101] : memref<256x32xf32, #tpu.memory_space<hbm>> -> memref<256x32xf32, #tpu.memory_space<hbm>>
      tpu.enqueue_dma source(%dma_start3A_102 : memref<256x32xf32, #tpu.memory_space<hbm>>) target(%arg11 : memref<256x32xf32, #tpu.memory_space<vmem>>) target_semaphore(%run_scoped3A_96 : memref<!tpu.dma_semaphore, #tpu.memory_space<semaphore_mem>>)
      %dma_wait3A = arith.constant 0 : i32
      %dma_wait3A_103 = arith.constant 0 : i32
      %dma_wait3A_104 = tpu.memref_slice %arg5[%dma_wait3A, %dma_wait3A_103] : memref<256x32xf32, #tpu.memory_space<hbm>> -> memref<256x32xf32, #tpu.memory_space<hbm>>
      %dma_wait3A_105 = arith.constant 0 : i32
      %dma_wait3A_106 = arith.constant 0 : i32
      %dma_wait3A_107 = tpu.memref_slice %arg5[%dma_wait3A_105, %dma_wait3A_106] : memref<256x32xf32, #tpu.memory_space<hbm>> -> memref<256x32xf32, #tpu.memory_space<hbm>>
      tpu.wait_dma2 semaphore(%run_scoped3A_96 : memref<!tpu.dma_semaphore, #tpu.memory_space<semaphore_mem>>) src(%dma_wait3A_107 : memref<256x32xf32, #tpu.memory_space<hbm>>) dst(%arg11 : memref<256x32xf32, #tpu.memory_space<vmem>>)
      tpu.yield
    }) : () -> ()
    %mul3A_10 = arith.constant 632 : i32
    %mul3A_11 = arith.muli %arg1, %mul3A_10 : i32
    %add3A_12 = arith.constant 0 : i32
    %add3A_13 = arith.addi %mul3A_11, %add3A_12 : i32
    "tpu.region"() ({
      %run_scoped3A_96 = tpu.sem_alloc : memref<!tpu.dma_semaphore, #tpu.memory_space<semaphore_mem>>
      %dma_start3A_97 = arith.constant 0 : i32
      %dma_start3A_98 = arith.constant 0 : i32
      %dma_start3A_99 = tpu.memref_slice %arg11[%dma_start3A_97, %dma_start3A_98] : memref<256x32xf32, #tpu.memory_space<vmem>> -> memref<256x32xf32, #tpu.memory_space<vmem>>
      %dma_start3A_100 = arith.constant 0 : i32
      %dma_start3A_101 = tpu.memref_slice %arg13[%add3A_13, %dma_start3A_100] : memref<10112x32xf32, #tpu.memory_space<vmem_shared>> -> memref<256x32xf32, #tpu.memory_space<vmem_shared>>
      %dma_start3A_102 = arith.constant 0 : i32
      %dma_start3A_103 = tpu.memref_slice %arg13[%add3A_13, %dma_start3A_102] : memref<10112x32xf32, #tpu.memory_space<vmem_shared>> -> memref<256x32xf32, #tpu.memory_space<vmem_shared>>
      %dma_start3A_104 = arith.constant 0 : i32
      %dma_start3A_105 = arith.constant 0 : i32
      %dma_start3A_106 = tpu.memref_slice %arg11[%dma_start3A_104, %dma_start3A_105] : memref<256x32xf32, #tpu.memory_space<vmem>> -> memref<256x32xf32, #tpu.memory_space<vmem>>
      tpu.enqueue_dma source(%dma_start3A_106 : memref<256x32xf32, #tpu.memory_space<vmem>>) target(%dma_start3A_103 : memref<256x32xf32, #tpu.memory_space<vmem_shared>>) target_semaphore(%run_scoped3A_96 : memref<!tpu.dma_semaphore, #tpu.memory_space<semaphore_mem>>)
      %dma_wait3A = arith.constant 0 : i32
      %dma_wait3A_107 = arith.constant 0 : i32
      %dma_wait3A_108 = tpu.memref_slice %arg11[%dma_wait3A, %dma_wait3A_107] : memref<256x32xf32, #tpu.memory_space<vmem>> -> memref<256x32xf32, #tpu.memory_space<vmem>>
      %dma_wait3A_109 = arith.constant 0 : i32
      %dma_wait3A_110 = tpu.memref_slice %arg13[%add3A_13, %dma_wait3A_109] : memref<10112x32xf32, #tpu.memory_space<vmem_shared>> -> memref<256x32xf32, #tpu.memory_space<vmem_shared>>
      %dma_wait3A_111 = arith.constant 0 : i32
      %dma_wait3A_112 = tpu.memref_slice %arg13[%add3A_13, %dma_wait3A_111] : memref<10112x32xf32, #tpu.memory_space<vmem_shared>> -> memref<256x32xf32, #tpu.memory_space<vmem_shared>>
      %dma_wait3A_113 = arith.constant 0 : i32
      %dma_wait3A_114 = arith.constant 0 : i32
      %dma_wait3A_115 = tpu.memref_slice %arg11[%dma_wait3A_113, %dma_wait3A_114] : memref<256x32xf32, #tpu.memory_space<vmem>> -> memref<256x32xf32, #tpu.memory_space<vmem>>
      tpu.wait_dma2 semaphore(%run_scoped3A_96 : memref<!tpu.dma_semaphore, #tpu.memory_space<semaphore_mem>>) src(%dma_wait3A_115 : memref<256x32xf32, #tpu.memory_space<vmem>>) dst(%dma_wait3A_112 : memref<256x32xf32, #tpu.memory_space<vmem_shared>>)
      tpu.yield
    }) : () -> ()
    %mul3A_14 = arith.constant 632 : i32
    %mul3A_15 = arith.muli %arg1, %mul3A_14 : i32
    %add3A_16 = arith.constant 256 : i32
    %add3A_17 = arith.addi %mul3A_15, %add3A_16 : i32
    "tpu.region"() ({
      %run_scoped3A_96 = tpu.sem_alloc : memref<!tpu.dma_semaphore, #tpu.memory_space<semaphore_mem>>
      %dma_start3A_97 = arith.constant 0 : i32
      %dma_start3A_98 = arith.constant 0 : i32
      %dma_start3A_99 = tpu.memref_slice %arg11[%dma_start3A_97, %dma_start3A_98] : memref<256x32xf32, #tpu.memory_space<vmem>> -> memref<256x32xf32, #tpu.memory_space<vmem>>
      %dma_start3A_100 = arith.constant 0 : i32
      %dma_start3A_101 = tpu.memref_slice %arg13[%add3A_17, %dma_start3A_100] : memref<10112x32xf32, #tpu.memory_space<vmem_shared>> -> memref<256x32xf32, #tpu.memory_space<vmem_shared>>
      %dma_start3A_102 = arith.constant 0 : i32
      %dma_start3A_103 = tpu.memref_slice %arg13[%add3A_17, %dma_start3A_102] : memref<10112x32xf32, #tpu.memory_space<vmem_shared>> -> memref<256x32xf32, #tpu.memory_space<vmem_shared>>
      %dma_start3A_104 = arith.constant 0 : i32
      %dma_start3A_105 = arith.constant 0 : i32
      %dma_start3A_106 = tpu.memref_slice %arg11[%dma_start3A_104, %dma_start3A_105] : memref<256x32xf32, #tpu.memory_space<vmem>> -> memref<256x32xf32, #tpu.memory_space<vmem>>
      tpu.enqueue_dma source(%dma_start3A_106 : memref<256x32xf32, #tpu.memory_space<vmem>>) target(%dma_start3A_103 : memref<256x32xf32, #tpu.memory_space<vmem_shared>>) target_semaphore(%run_scoped3A_96 : memref<!tpu.dma_semaphore, #tpu.memory_space<semaphore_mem>>)
      %dma_wait3A = arith.constant 0 : i32
      %dma_wait3A_107 = arith.constant 0 : i32
      %dma_wait3A_108 = tpu.memref_slice %arg11[%dma_wait3A, %dma_wait3A_107] : memref<256x32xf32, #tpu.memory_space<vmem>> -> memref<256x32xf32, #tpu.memory_space<vmem>>
      %dma_wait3A_109 = arith.constant 0 : i32
      %dma_wait3A_110 = tpu.memref_slice %arg13[%add3A_17, %dma_wait3A_109] : memref<10112x32xf32, #tpu.memory_space<vmem_shared>> -> memref<256x32xf32, #tpu.memory_space<vmem_shared>>
      %dma_wait3A_111 = arith.constant 0 : i32
      %dma_wait3A_112 = tpu.memref_slice %arg13[%add3A_17, %dma_wait3A_111] : memref<10112x32xf32, #tpu.memory_space<vmem_shared>> -> memref<256x32xf32, #tpu.memory_space<vmem_shared>>
      %dma_wait3A_113 = arith.constant 0 : i32
      %dma_wait3A_114 = arith.constant 0 : i32
      %dma_wait3A_115 = tpu.memref_slice %arg11[%dma_wait3A_113, %dma_wait3A_114] : memref<256x32xf32, #tpu.memory_space<vmem>> -> memref<256x32xf32, #tpu.memory_space<vmem>>
      tpu.wait_dma2 semaphore(%run_scoped3A_96 : memref<!tpu.dma_semaphore, #tpu.memory_space<semaphore_mem>>) src(%dma_wait3A_115 : memref<256x32xf32, #tpu.memory_space<vmem>>) dst(%dma_wait3A_112 : memref<256x32xf32, #tpu.memory_space<vmem_shared>>)
      tpu.yield
    }) : () -> ()
    %mul3A_18 = arith.constant 632 : i32
    %mul3A_19 = arith.muli %arg1, %mul3A_18 : i32
    %add3A_20 = arith.constant 512 : i32
    %add3A_21 = arith.addi %mul3A_19, %add3A_20 : i32
    "tpu.region"() ({
      %run_scoped3A_96 = tpu.sem_alloc : memref<!tpu.dma_semaphore, #tpu.memory_space<semaphore_mem>>
      %dma_start3A_97 = arith.constant 0 : i32
      %dma_start3A_98 = arith.constant 0 : i32
      %dma_start3A_99 = tpu.memref_slice %arg11[%dma_start3A_97, %dma_start3A_98] : memref<256x32xf32, #tpu.memory_space<vmem>> -> memref<120x32xf32, #tpu.memory_space<vmem>>
      %dma_start3A_100 = arith.constant 0 : i32
      %dma_start3A_101 = tpu.memref_slice %arg13[%add3A_21, %dma_start3A_100] : memref<10112x32xf32, #tpu.memory_space<vmem_shared>> -> memref<120x32xf32, #tpu.memory_space<vmem_shared>>
      %dma_start3A_102 = arith.constant 0 : i32
      %dma_start3A_103 = tpu.memref_slice %arg13[%add3A_21, %dma_start3A_102] : memref<10112x32xf32, #tpu.memory_space<vmem_shared>> -> memref<120x32xf32, #tpu.memory_space<vmem_shared>>
      %dma_start3A_104 = arith.constant 0 : i32
      %dma_start3A_105 = arith.constant 0 : i32
      %dma_start3A_106 = tpu.memref_slice %arg11[%dma_start3A_104, %dma_start3A_105] : memref<256x32xf32, #tpu.memory_space<vmem>> -> memref<120x32xf32, #tpu.memory_space<vmem>>
      tpu.enqueue_dma source(%dma_start3A_106 : memref<120x32xf32, #tpu.memory_space<vmem>>) target(%dma_start3A_103 : memref<120x32xf32, #tpu.memory_space<vmem_shared>>) target_semaphore(%run_scoped3A_96 : memref<!tpu.dma_semaphore, #tpu.memory_space<semaphore_mem>>)
      %dma_wait3A = arith.constant 0 : i32
      %dma_wait3A_107 = arith.constant 0 : i32
      %dma_wait3A_108 = tpu.memref_slice %arg11[%dma_wait3A, %dma_wait3A_107] : memref<256x32xf32, #tpu.memory_space<vmem>> -> memref<120x32xf32, #tpu.memory_space<vmem>>
      %dma_wait3A_109 = arith.constant 0 : i32
      %dma_wait3A_110 = tpu.memref_slice %arg13[%add3A_21, %dma_wait3A_109] : memref<10112x32xf32, #tpu.memory_space<vmem_shared>> -> memref<120x32xf32, #tpu.memory_space<vmem_shared>>
      %dma_wait3A_111 = arith.constant 0 : i32
      %dma_wait3A_112 = tpu.memref_slice %arg13[%add3A_21, %dma_wait3A_111] : memref<10112x32xf32, #tpu.memory_space<vmem_shared>> -> memref<120x32xf32, #tpu.memory_space<vmem_shared>>
      %dma_wait3A_113 = arith.constant 0 : i32
      %dma_wait3A_114 = arith.constant 0 : i32
      %dma_wait3A_115 = tpu.memref_slice %arg11[%dma_wait3A_113, %dma_wait3A_114] : memref<256x32xf32, #tpu.memory_space<vmem>> -> memref<120x32xf32, #tpu.memory_space<vmem>>
      tpu.wait_dma2 semaphore(%run_scoped3A_96 : memref<!tpu.dma_semaphore, #tpu.memory_space<semaphore_mem>>) src(%dma_wait3A_115 : memref<120x32xf32, #tpu.memory_space<vmem>>) dst(%dma_wait3A_112 : memref<120x32xf32, #tpu.memory_space<vmem_shared>>)
      tpu.yield
    }) : () -> ()
    %barrier3A = arith.constant 0 : index
    tpu.barrier barrier_id(%barrier3A)
    %add3A_22 = arith.constant 0 : i32
    %add3A_23 = arith.addi %select_n3A, %add3A_22 : i32
    %run_scoped3A = arith.constant 0 : i32
    "tpu.region"() ({
      %run_scoped3A_96 = tpu.sem_alloc : memref<!tpu.dma_semaphore, #tpu.memory_space<semaphore_mem>>
      %dma_start3A_97 = arith.constant 0 : i32
      %dma_start3A_98 = tpu.memref_slice %arg7[%run_scoped3A, %dma_start3A_97] : memref<1x256xi32, #tpu.memory_space<vmem>> -> memref<1x256xi32, #tpu.memory_space<vmem>>
      %dma_start3A_99 = tpu.memref_squeeze %dma_start3A_98 : memref<1x256xi32, #tpu.memory_space<vmem>> -> memref<256xi32, #tpu.memory_space<vmem>>
      %dma_start3A_100 = arith.constant 0 : i32
      %dma_start3A_101 = tpu.memref_slice %arg3[%add3A_23, %dma_start3A_100] : memref<1280x256xi32, #tpu.memory_space<hbm>> -> memref<1x256xi32, #tpu.memory_space<hbm>>
      %dma_start3A_102 = tpu.memref_squeeze %dma_start3A_101 : memref<1x256xi32, #tpu.memory_space<hbm>> -> memref<256xi32, #tpu.memory_space<hbm>>
      %dma_start3A_103 = arith.constant 0 : i32
      %dma_start3A_104 = tpu.memref_slice %arg7[%run_scoped3A, %dma_start3A_103] : memref<1x256xi32, #tpu.memory_space<vmem>> -> memref<1x256xi32, #tpu.memory_space<vmem>>
      %dma_start3A_105 = tpu.memref_squeeze %dma_start3A_104 : memref<1x256xi32, #tpu.memory_space<vmem>> -> memref<256xi32, #tpu.memory_space<vmem>>
      %dma_start3A_106 = arith.constant 0 : i32
      %dma_start3A_107 = tpu.memref_slice %arg3[%add3A_23, %dma_start3A_106] : memref<1280x256xi32, #tpu.memory_space<hbm>> -> memref<1x256xi32, #tpu.memory_space<hbm>>
      %dma_start3A_108 = tpu.memref_squeeze %dma_start3A_107 : memref<1x256xi32, #tpu.memory_space<hbm>> -> memref<256xi32, #tpu.memory_space<hbm>>
      tpu.enqueue_dma source(%dma_start3A_108 : memref<256xi32, #tpu.memory_space<hbm>>) target(%dma_start3A_105 : memref<256xi32, #tpu.memory_space<vmem>>) target_semaphore(%run_scoped3A_96 : memref<!tpu.dma_semaphore, #tpu.memory_space<semaphore_mem>>)
      %dma_wait3A = arith.constant 0 : i32
      %dma_wait3A_109 = tpu.memref_slice %arg7[%run_scoped3A, %dma_wait3A] : memref<1x256xi32, #tpu.memory_space<vmem>> -> memref<1x256xi32, #tpu.memory_space<vmem>>
      %dma_wait3A_110 = tpu.memref_squeeze %dma_wait3A_109 : memref<1x256xi32, #tpu.memory_space<vmem>> -> memref<256xi32, #tpu.memory_space<vmem>>
      %dma_wait3A_111 = arith.constant 0 : i32
      %dma_wait3A_112 = tpu.memref_slice %arg3[%add3A_23, %dma_wait3A_111] : memref<1280x256xi32, #tpu.memory_space<hbm>> -> memref<1x256xi32, #tpu.memory_space<hbm>>
      %dma_wait3A_113 = tpu.memref_squeeze %dma_wait3A_112 : memref<1x256xi32, #tpu.memory_space<hbm>> -> memref<256xi32, #tpu.memory_space<hbm>>
      %dma_wait3A_114 = arith.constant 0 : i32
      %dma_wait3A_115 = tpu.memref_slice %arg7[%run_scoped3A, %dma_wait3A_114] : memref<1x256xi32, #tpu.memory_space<vmem>> -> memref<1x256xi32, #tpu.memory_space<vmem>>
      %dma_wait3A_116 = tpu.memref_squeeze %dma_wait3A_115 : memref<1x256xi32, #tpu.memory_space<vmem>> -> memref<256xi32, #tpu.memory_space<vmem>>
      %dma_wait3A_117 = arith.constant 0 : i32
      %dma_wait3A_118 = tpu.memref_slice %arg3[%add3A_23, %dma_wait3A_117] : memref<1280x256xi32, #tpu.memory_space<hbm>> -> memref<1x256xi32, #tpu.memory_space<hbm>>
      %dma_wait3A_119 = tpu.memref_squeeze %dma_wait3A_118 : memref<1x256xi32, #tpu.memory_space<hbm>> -> memref<256xi32, #tpu.memory_space<hbm>>
      tpu.wait_dma2 semaphore(%run_scoped3A_96 : memref<!tpu.dma_semaphore, #tpu.memory_space<semaphore_mem>>) src(%dma_wait3A_119 : memref<256xi32, #tpu.memory_space<hbm>>) dst(%dma_wait3A_116 : memref<256xi32, #tpu.memory_space<vmem>>)
      tpu.yield
    }) : () -> ()
    %add3A_24 = arith.constant 0 : i32
    %add3A_25 = arith.addi %select_n3A, %add3A_24 : i32
    %run_scoped3A_26 = arith.constant 0 : i32
    "tpu.region"() ({
      %run_scoped3A_96 = tpu.sem_alloc : memref<!tpu.dma_semaphore, #tpu.memory_space<semaphore_mem>>
      %dma_start3A_97 = arith.constant 0 : i32
      %dma_start3A_98 = tpu.memref_slice %arg9[%run_scoped3A_26, %dma_start3A_97] : memref<1x256xi32, #tpu.memory_space<vmem>> -> memref<1x256xi32, #tpu.memory_space<vmem>>
      %dma_start3A_99 = tpu.memref_squeeze %dma_start3A_98 : memref<1x256xi32, #tpu.memory_space<vmem>> -> memref<256xi32, #tpu.memory_space<vmem>>
      %dma_start3A_100 = arith.constant 0 : i32
      %dma_start3A_101 = tpu.memref_slice %arg4[%add3A_25, %dma_start3A_100] : memref<1280x256xi32, #tpu.memory_space<hbm>> -> memref<1x256xi32, #tpu.memory_space<hbm>>
      %dma_start3A_102 = tpu.memref_squeeze %dma_start3A_101 : memref<1x256xi32, #tpu.memory_space<hbm>> -> memref<256xi32, #tpu.memory_space<hbm>>
      %dma_start3A_103 = arith.constant 0 : i32
      %dma_start3A_104 = tpu.memref_slice %arg9[%run_scoped3A_26, %dma_start3A_103] : memref<1x256xi32, #tpu.memory_space<vmem>> -> memref<1x256xi32, #tpu.memory_space<vmem>>
      %dma_start3A_105 = tpu.memref_squeeze %dma_start3A_104 : memref<1x256xi32, #tpu.memory_space<vmem>> -> memref<256xi32, #tpu.memory_space<vmem>>
      %dma_start3A_106 = arith.constant 0 : i32
      %dma_start3A_107 = tpu.memref_slice %arg4[%add3A_25, %dma_start3A_106] : memref<1280x256xi32, #tpu.memory_space<hbm>> -> memref<1x256xi32, #tpu.memory_space<hbm>>
      %dma_start3A_108 = tpu.memref_squeeze %dma_start3A_107 : memref<1x256xi32, #tpu.memory_space<hbm>> -> memref<256xi32, #tpu.memory_space<hbm>>
      tpu.enqueue_dma source(%dma_start3A_108 : memref<256xi32, #tpu.memory_space<hbm>>) target(%dma_start3A_105 : memref<256xi32, #tpu.memory_space<vmem>>) target_semaphore(%run_scoped3A_96 : memref<!tpu.dma_semaphore, #tpu.memory_space<semaphore_mem>>)
      %dma_wait3A = arith.constant 0 : i32
      %dma_wait3A_109 = tpu.memref_slice %arg9[%run_scoped3A_26, %dma_wait3A] : memref<1x256xi32, #tpu.memory_space<vmem>> -> memref<1x256xi32, #tpu.memory_space<vmem>>
      %dma_wait3A_110 = tpu.memref_squeeze %dma_wait3A_109 : memref<1x256xi32, #tpu.memory_space<vmem>> -> memref<256xi32, #tpu.memory_space<vmem>>
      %dma_wait3A_111 = arith.constant 0 : i32
      %dma_wait3A_112 = tpu.memref_slice %arg4[%add3A_25, %dma_wait3A_111] : memref<1280x256xi32, #tpu.memory_space<hbm>> -> memref<1x256xi32, #tpu.memory_space<hbm>>
      %dma_wait3A_113 = tpu.memref_squeeze %dma_wait3A_112 : memref<1x256xi32, #tpu.memory_space<hbm>> -> memref<256xi32, #tpu.memory_space<hbm>>
      %dma_wait3A_114 = arith.constant 0 : i32
      %dma_wait3A_115 = tpu.memref_slice %arg9[%run_scoped3A_26, %dma_wait3A_114] : memref<1x256xi32, #tpu.memory_space<vmem>> -> memref<1x256xi32, #tpu.memory_space<vmem>>
      %dma_wait3A_116 = tpu.memref_squeeze %dma_wait3A_115 : memref<1x256xi32, #tpu.memory_space<vmem>> -> memref<256xi32, #tpu.memory_space<vmem>>
      %dma_wait3A_117 = arith.constant 0 : i32
      %dma_wait3A_118 = tpu.memref_slice %arg4[%add3A_25, %dma_wait3A_117] : memref<1280x256xi32, #tpu.memory_space<hbm>> -> memref<1x256xi32, #tpu.memory_space<hbm>>
      %dma_wait3A_119 = tpu.memref_squeeze %dma_wait3A_118 : memref<1x256xi32, #tpu.memory_space<hbm>> -> memref<256xi32, #tpu.memory_space<hbm>>
      tpu.wait_dma2 semaphore(%run_scoped3A_96 : memref<!tpu.dma_semaphore, #tpu.memory_space<semaphore_mem>>) src(%dma_wait3A_119 : memref<256xi32, #tpu.memory_space<hbm>>) dst(%dma_wait3A_116 : memref<256xi32, #tpu.memory_space<vmem>>)
      tpu.yield
    }) : () -> ()
    %dma_start3A = arith.constant 0 : i32
    %dma_start3A_27 = arith.constant 0 : i32
    %dma_start3A_28 = tpu.memref_slice %arg7[%dma_start3A, %dma_start3A_27] : memref<1x256xi32, #tpu.memory_space<vmem>> -> memref<1x256xi32, #tpu.memory_space<vmem>>
    %dma_start3A_29 = tpu.memref_squeeze %dma_start3A_28 : memref<1x256xi32, #tpu.memory_space<vmem>> -> memref<256xi32, #tpu.memory_space<vmem>>
    %dma_start3A_30 = arith.constant 0 : i32
    %dma_start3A_31 = arith.constant 0 : i32
    %dma_start3A_32 = tpu.memref_slice %arg2[%dma_start3A_30, %dma_start3A_31] : memref<10000x32xf32, #tpu.memory_space<hbm>> -> memref<10000x32xf32, #tpu.memory_space<hbm>>
    tpu.enqueue_indirect_dma source(%dma_start3A_32 : memref<10000x32xf32, #tpu.memory_space<hbm>>) target(%arg11 : memref<256x32xf32, #tpu.memory_space<vmem>>) offsets(%dma_start3A_29 : memref<256xi32, #tpu.memory_space<vmem>>) semaphore(%arg14 : memref<!tpu.dma_semaphore, #tpu.memory_space<semaphore_mem>>)
    %add3A_33 = arith.constant 1 : i32
    %add3A_34 = arith.addi %select_n3A, %add3A_33 : i32
    %run_scoped3A_35 = arith.constant 0 : i32
    "tpu.region"() ({
      %run_scoped3A_96 = tpu.sem_alloc : memref<!tpu.dma_semaphore, #tpu.memory_space<semaphore_mem>>
      %dma_start3A_97 = arith.constant 0 : i32
      %dma_start3A_98 = tpu.memref_slice %arg8[%run_scoped3A_35, %dma_start3A_97] : memref<1x256xi32, #tpu.memory_space<vmem>> -> memref<1x256xi32, #tpu.memory_space<vmem>>
      %dma_start3A_99 = tpu.memref_squeeze %dma_start3A_98 : memref<1x256xi32, #tpu.memory_space<vmem>> -> memref<256xi32, #tpu.memory_space<vmem>>
      %dma_start3A_100 = arith.constant 0 : i32
      %dma_start3A_101 = tpu.memref_slice %arg3[%add3A_34, %dma_start3A_100] : memref<1280x256xi32, #tpu.memory_space<hbm>> -> memref<1x256xi32, #tpu.memory_space<hbm>>
      %dma_start3A_102 = tpu.memref_squeeze %dma_start3A_101 : memref<1x256xi32, #tpu.memory_space<hbm>> -> memref<256xi32, #tpu.memory_space<hbm>>
      %dma_start3A_103 = arith.constant 0 : i32
      %dma_start3A_104 = tpu.memref_slice %arg8[%run_scoped3A_35, %dma_start3A_103] : memref<1x256xi32, #tpu.memory_space<vmem>> -> memref<1x256xi32, #tpu.memory_space<vmem>>
      %dma_start3A_105 = tpu.memref_squeeze %dma_start3A_104 : memref<1x256xi32, #tpu.memory_space<vmem>> -> memref<256xi32, #tpu.memory_space<vmem>>
      %dma_start3A_106 = arith.constant 0 : i32
      %dma_start3A_107 = tpu.memref_slice %arg3[%add3A_34, %dma_start3A_106] : memref<1280x256xi32, #tpu.memory_space<hbm>> -> memref<1x256xi32, #tpu.memory_space<hbm>>
      %dma_start3A_108 = tpu.memref_squeeze %dma_start3A_107 : memref<1x256xi32, #tpu.memory_space<hbm>> -> memref<256xi32, #tpu.memory_space<hbm>>
      tpu.enqueue_dma source(%dma_start3A_108 : memref<256xi32, #tpu.memory_space<hbm>>) target(%dma_start3A_105 : memref<256xi32, #tpu.memory_space<vmem>>) target_semaphore(%run_scoped3A_96 : memref<!tpu.dma_semaphore, #tpu.memory_space<semaphore_mem>>)
      %dma_wait3A = arith.constant 0 : i32
      %dma_wait3A_109 = tpu.memref_slice %arg8[%run_scoped3A_35, %dma_wait3A] : memref<1x256xi32, #tpu.memory_space<vmem>> -> memref<1x256xi32, #tpu.memory_space<vmem>>
      %dma_wait3A_110 = tpu.memref_squeeze %dma_wait3A_109 : memref<1x256xi32, #tpu.memory_space<vmem>> -> memref<256xi32, #tpu.memory_space<vmem>>
      %dma_wait3A_111 = arith.constant 0 : i32
      %dma_wait3A_112 = tpu.memref_slice %arg3[%add3A_34, %dma_wait3A_111] : memref<1280x256xi32, #tpu.memory_space<hbm>> -> memref<1x256xi32, #tpu.memory_space<hbm>>
      %dma_wait3A_113 = tpu.memref_squeeze %dma_wait3A_112 : memref<1x256xi32, #tpu.memory_space<hbm>> -> memref<256xi32, #tpu.memory_space<hbm>>
      %dma_wait3A_114 = arith.constant 0 : i32
      %dma_wait3A_115 = tpu.memref_slice %arg8[%run_scoped3A_35, %dma_wait3A_114] : memref<1x256xi32, #tpu.memory_space<vmem>> -> memref<1x256xi32, #tpu.memory_space<vmem>>
      %dma_wait3A_116 = tpu.memref_squeeze %dma_wait3A_115 : memref<1x256xi32, #tpu.memory_space<vmem>> -> memref<256xi32, #tpu.memory_space<vmem>>
      %dma_wait3A_117 = arith.constant 0 : i32
      %dma_wait3A_118 = tpu.memref_slice %arg3[%add3A_34, %dma_wait3A_117] : memref<1280x256xi32, #tpu.memory_space<hbm>> -> memref<1x256xi32, #tpu.memory_space<hbm>>
      %dma_wait3A_119 = tpu.memref_squeeze %dma_wait3A_118 : memref<1x256xi32, #tpu.memory_space<hbm>> -> memref<256xi32, #tpu.memory_space<hbm>>
      tpu.wait_dma2 semaphore(%run_scoped3A_96 : memref<!tpu.dma_semaphore, #tpu.memory_space<semaphore_mem>>) src(%dma_wait3A_119 : memref<256xi32, #tpu.memory_space<hbm>>) dst(%dma_wait3A_116 : memref<256xi32, #tpu.memory_space<vmem>>)
      tpu.yield
    }) : () -> ()
    %add3A_36 = arith.constant 1 : i32
    %add3A_37 = arith.addi %select_n3A, %add3A_36 : i32
    %run_scoped3A_38 = arith.constant 0 : i32
    "tpu.region"() ({
      %run_scoped3A_96 = tpu.sem_alloc : memref<!tpu.dma_semaphore, #tpu.memory_space<semaphore_mem>>
      %dma_start3A_97 = arith.constant 0 : i32
      %dma_start3A_98 = tpu.memref_slice %arg10[%run_scoped3A_38, %dma_start3A_97] : memref<1x256xi32, #tpu.memory_space<vmem>> -> memref<1x256xi32, #tpu.memory_space<vmem>>
      %dma_start3A_99 = tpu.memref_squeeze %dma_start3A_98 : memref<1x256xi32, #tpu.memory_space<vmem>> -> memref<256xi32, #tpu.memory_space<vmem>>
      %dma_start3A_100 = arith.constant 0 : i32
      %dma_start3A_101 = tpu.memref_slice %arg4[%add3A_37, %dma_start3A_100] : memref<1280x256xi32, #tpu.memory_space<hbm>> -> memref<1x256xi32, #tpu.memory_space<hbm>>
      %dma_start3A_102 = tpu.memref_squeeze %dma_start3A_101 : memref<1x256xi32, #tpu.memory_space<hbm>> -> memref<256xi32, #tpu.memory_space<hbm>>
      %dma_start3A_103 = arith.constant 0 : i32
      %dma_start3A_104 = tpu.memref_slice %arg10[%run_scoped3A_38, %dma_start3A_103] : memref<1x256xi32, #tpu.memory_space<vmem>> -> memref<1x256xi32, #tpu.memory_space<vmem>>
      %dma_start3A_105 = tpu.memref_squeeze %dma_start3A_104 : memref<1x256xi32, #tpu.memory_space<vmem>> -> memref<256xi32, #tpu.memory_space<vmem>>
      %dma_start3A_106 = arith.constant 0 : i32
      %dma_start3A_107 = tpu.memref_slice %arg4[%add3A_37, %dma_start3A_106] : memref<1280x256xi32, #tpu.memory_space<hbm>> -> memref<1x256xi32, #tpu.memory_space<hbm>>
      %dma_start3A_108 = tpu.memref_squeeze %dma_start3A_107 : memref<1x256xi32, #tpu.memory_space<hbm>> -> memref<256xi32, #tpu.memory_space<hbm>>
      tpu.enqueue_dma source(%dma_start3A_108 : memref<256xi32, #tpu.memory_space<hbm>>) target(%dma_start3A_105 : memref<256xi32, #tpu.memory_space<vmem>>) target_semaphore(%run_scoped3A_96 : memref<!tpu.dma_semaphore, #tpu.memory_space<semaphore_mem>>)
      %dma_wait3A = arith.constant 0 : i32
      %dma_wait3A_109 = tpu.memref_slice %arg10[%run_scoped3A_38, %dma_wait3A] : memref<1x256xi32, #tpu.memory_space<vmem>> -> memref<1x256xi32, #tpu.memory_space<vmem>>
      %dma_wait3A_110 = tpu.memref_squeeze %dma_wait3A_109 : memref<1x256xi32, #tpu.memory_space<vmem>> -> memref<256xi32, #tpu.memory_space<vmem>>
      %dma_wait3A_111 = arith.constant 0 : i32
      %dma_wait3A_112 = tpu.memref_slice %arg4[%add3A_37, %dma_wait3A_111] : memref<1280x256xi32, #tpu.memory_space<hbm>> -> memref<1x256xi32, #tpu.memory_space<hbm>>
      %dma_wait3A_113 = tpu.memref_squeeze %dma_wait3A_112 : memref<1x256xi32, #tpu.memory_space<hbm>> -> memref<256xi32, #tpu.memory_space<hbm>>
      %dma_wait3A_114 = arith.constant 0 : i32
      %dma_wait3A_115 = tpu.memref_slice %arg10[%run_scoped3A_38, %dma_wait3A_114] : memref<1x256xi32, #tpu.memory_space<vmem>> -> memref<1x256xi32, #tpu.memory_space<vmem>>
      %dma_wait3A_116 = tpu.memref_squeeze %dma_wait3A_115 : memref<1x256xi32, #tpu.memory_space<vmem>> -> memref<256xi32, #tpu.memory_space<vmem>>
      %dma_wait3A_117 = arith.constant 0 : i32
      %dma_wait3A_118 = tpu.memref_slice %arg4[%add3A_37, %dma_wait3A_117] : memref<1280x256xi32, #tpu.memory_space<hbm>> -> memref<1x256xi32, #tpu.memory_space<hbm>>
      %dma_wait3A_119 = tpu.memref_squeeze %dma_wait3A_118 : memref<1x256xi32, #tpu.memory_space<hbm>> -> memref<256xi32, #tpu.memory_space<hbm>>
      tpu.wait_dma2 semaphore(%run_scoped3A_96 : memref<!tpu.dma_semaphore, #tpu.memory_space<semaphore_mem>>) src(%dma_wait3A_119 : memref<256xi32, #tpu.memory_space<hbm>>) dst(%dma_wait3A_116 : memref<256xi32, #tpu.memory_space<vmem>>)
      tpu.yield
    }) : () -> ()
    %dma_start3A_39 = arith.constant 0 : i32
    %dma_start3A_40 = arith.constant 0 : i32
    %dma_start3A_41 = tpu.memref_slice %arg8[%dma_start3A_39, %dma_start3A_40] : memref<1x256xi32, #tpu.memory_space<vmem>> -> memref<1x256xi32, #tpu.memory_space<vmem>>
    %dma_start3A_42 = tpu.memref_squeeze %dma_start3A_41 : memref<1x256xi32, #tpu.memory_space<vmem>> -> memref<256xi32, #tpu.memory_space<vmem>>
    %dma_start3A_43 = arith.constant 0 : i32
    %dma_start3A_44 = arith.constant 0 : i32
    %dma_start3A_45 = tpu.memref_slice %arg2[%dma_start3A_43, %dma_start3A_44] : memref<10000x32xf32, #tpu.memory_space<hbm>> -> memref<10000x32xf32, #tpu.memory_space<hbm>>
    tpu.enqueue_indirect_dma source(%dma_start3A_45 : memref<10000x32xf32, #tpu.memory_space<hbm>>) target(%arg12 : memref<256x32xf32, #tpu.memory_space<vmem>>) offsets(%dma_start3A_42 : memref<256xi32, #tpu.memory_space<vmem>>) semaphore(%arg15 : memref<!tpu.dma_semaphore, #tpu.memory_space<semaphore_mem>>)
    %jit3A = arith.constant 2 : i32
    %div3A = arith.divsi %select_n3A_9, %jit3A : i32
    %sign3A = arith.constant 0 : i32
    %sign3A_46 = arith.cmpi sgt, %select_n3A_9, %sign3A : i32
    %sign3A_47 = arith.extui %sign3A_46 : i1 to i32
    %sign3A_48 = arith.constant 0 : i32
    %sign3A_49 = arith.cmpi slt, %select_n3A_9, %sign3A_48 : i32
    %sign3A_50 = arith.extui %sign3A_49 : i1 to i32
    %sign3A_51 = arith.subi %sign3A_47, %sign3A_50 : i32
    %sign3A_52 = arith.constant 0 : i32
    %sign3A_53 = arith.cmpi sgt, %jit3A, %sign3A_52 : i32
    %sign3A_54 = arith.extui %sign3A_53 : i1 to i32
    %sign3A_55 = arith.constant 0 : i32
    %sign3A_56 = arith.cmpi slt, %jit3A, %sign3A_55 : i32
    %sign3A_57 = arith.extui %sign3A_56 : i1 to i32
    %sign3A_58 = arith.subi %sign3A_54, %sign3A_57 : i32
    %ne3A = arith.cmpi ne, %sign3A_51, %sign3A_58 : i32
    %rem3A = arith.remsi %select_n3A_9, %jit3A : i32
    %ne3A_59 = arith.constant 0 : i32
    %ne3A_60 = arith.cmpi ne, %rem3A, %ne3A_59 : i32
    %and3A = arith.andi %ne3A, %ne3A_60 : i1
    %sub3A = arith.constant 1 : i32
    %sub3A_61 = arith.subi %div3A, %sub3A : i32
    %select_n3A_62 = arith.select %and3A, %sub3A_61, %div3A : i32
    %while3A = arith.constant 0 : i32
    %while3A_63 = arith.constant 0 : i32
    %while3A_64 = arith.subi %select_n3A_62, %while3A_63 : i32
    %while3A_65 = arith.addi %while3A_63, %while3A_64 : i32
    %while3A_66 = arith.constant 1 : i32
    %while3A_67 = arith.divsi %while3A_64, %while3A_66 : i32
    %while3A_68 = arith.muli %while3A_67, %while3A_66 : i32
    %while3A_69 = arith.addi %while3A_63, %while3A_68 : i32
    %while3A_70 = arith.constant 1 : i32
    scf.for %while3A_96 = %while3A_63 to %while3A_69 step %while3A_70  : i32 {
      %mul3A_97 = arith.constant 2 : i32
      %mul3A_98 = arith.muli %mul3A_97, %while3A_96 : i32
      %dma_wait3A = arith.constant 0 : i32
      %dma_wait3A_99 = arith.constant 0 : i32
      %dma_wait3A_100 = tpu.memref_slice %arg7[%dma_wait3A, %dma_wait3A_99] : memref<1x256xi32, #tpu.memory_space<vmem>> -> memref<1x256xi32, #tpu.memory_space<vmem>>
      %dma_wait3A_101 = tpu.memref_squeeze %dma_wait3A_100 : memref<1x256xi32, #tpu.memory_space<vmem>> -> memref<256xi32, #tpu.memory_space<vmem>>
      %dma_wait3A_102 = arith.constant 0 : i32
      %dma_wait3A_103 = arith.constant 0 : i32
      %dma_wait3A_104 = tpu.memref_slice %arg2[%dma_wait3A_102, %dma_wait3A_103] : memref<10000x32xf32, #tpu.memory_space<hbm>> -> memref<10000x32xf32, #tpu.memory_space<hbm>>
      tpu.wait_indirect_dma semaphore(%arg14 : memref<!tpu.dma_semaphore, #tpu.memory_space<semaphore_mem>>) src(%dma_wait3A_104 : memref<10000x32xf32, #tpu.memory_space<hbm>>) dst(%arg11 : memref<256x32xf32, #tpu.memory_space<vmem>>)
      %dma_start3A_105 = arith.constant 0 : i32
      %dma_start3A_106 = arith.constant 0 : i32
      %dma_start3A_107 = tpu.memref_slice %arg9[%dma_start3A_105, %dma_start3A_106] : memref<1x256xi32, #tpu.memory_space<vmem>> -> memref<1x256xi32, #tpu.memory_space<vmem>>
      %dma_start3A_108 = tpu.memref_squeeze %dma_start3A_107 : memref<1x256xi32, #tpu.memory_space<vmem>> -> memref<256xi32, #tpu.memory_space<vmem>>
      %dma_start3A_109 = arith.constant 0 : i32
      %dma_start3A_110 = arith.constant 0 : i32
      %dma_start3A_111 = tpu.memref_slice %arg13[%dma_start3A_109, %dma_start3A_110] : memref<10112x32xf32, #tpu.memory_space<vmem_shared>> -> memref<10112x32xf32, #tpu.memory_space<vmem_shared>>
      tpu.enqueue_indirect_dma source(%arg11 : memref<256x32xf32, #tpu.memory_space<vmem>>) target(%dma_start3A_111 : memref<10112x32xf32, #tpu.memory_space<vmem_shared>>) offsets(%dma_start3A_108 : memref<256xi32, #tpu.memory_space<vmem>>) semaphore(%arg16 : memref<!tpu.dma_semaphore, #tpu.memory_space<semaphore_mem>>) {add = true}
      %add3A_112 = arith.constant 2 : i32
      %add3A_113 = arith.addi %mul3A_98, %add3A_112 : i32
      %lt3A = arith.cmpi slt, %add3A_113, %select_n3A_9 : i32
      %convert_element_type3A = arith.extui %lt3A : i1 to i32
      %cond3A = arith.constant 0 : i32
      %cond3A_114 = arith.cmpi ne, %convert_element_type3A, %cond3A : i32
      scf.if %cond3A_114 {
        %add3A_161 = arith.addi %select_n3A, %add3A_113 : i32
        %run_scoped3A_162 = arith.constant 0 : i32
        "tpu.region"() ({
          %run_scoped3A_163 = tpu.sem_alloc : memref<!tpu.dma_semaphore, #tpu.memory_space<semaphore_mem>>
          %dma_start3A_164 = arith.constant 0 : i32
          %dma_start3A_165 = tpu.memref_slice %arg7[%run_scoped3A_162, %dma_start3A_164] : memref<1x256xi32, #tpu.memory_space<vmem>> -> memref<1x256xi32, #tpu.memory_space<vmem>>
          %dma_start3A_166 = tpu.memref_squeeze %dma_start3A_165 : memref<1x256xi32, #tpu.memory_space<vmem>> -> memref<256xi32, #tpu.memory_space<vmem>>
          %dma_start3A_167 = arith.constant 0 : i32
          %dma_start3A_168 = tpu.memref_slice %arg3[%add3A_161, %dma_start3A_167] : memref<1280x256xi32, #tpu.memory_space<hbm>> -> memref<1x256xi32, #tpu.memory_space<hbm>>
          %dma_start3A_169 = tpu.memref_squeeze %dma_start3A_168 : memref<1x256xi32, #tpu.memory_space<hbm>> -> memref<256xi32, #tpu.memory_space<hbm>>
          %dma_start3A_170 = arith.constant 0 : i32
          %dma_start3A_171 = tpu.memref_slice %arg7[%run_scoped3A_162, %dma_start3A_170] : memref<1x256xi32, #tpu.memory_space<vmem>> -> memref<1x256xi32, #tpu.memory_space<vmem>>
          %dma_start3A_172 = tpu.memref_squeeze %dma_start3A_171 : memref<1x256xi32, #tpu.memory_space<vmem>> -> memref<256xi32, #tpu.memory_space<vmem>>
          %dma_start3A_173 = arith.constant 0 : i32
          %dma_start3A_174 = tpu.memref_slice %arg3[%add3A_161, %dma_start3A_173] : memref<1280x256xi32, #tpu.memory_space<hbm>> -> memref<1x256xi32, #tpu.memory_space<hbm>>
          %dma_start3A_175 = tpu.memref_squeeze %dma_start3A_174 : memref<1x256xi32, #tpu.memory_space<hbm>> -> memref<256xi32, #tpu.memory_space<hbm>>
          tpu.enqueue_dma source(%dma_start3A_175 : memref<256xi32, #tpu.memory_space<hbm>>) target(%dma_start3A_172 : memref<256xi32, #tpu.memory_space<vmem>>) target_semaphore(%run_scoped3A_163 : memref<!tpu.dma_semaphore, #tpu.memory_space<semaphore_mem>>)
          %dma_wait3A_176 = arith.constant 0 : i32
          %dma_wait3A_177 = tpu.memref_slice %arg7[%run_scoped3A_162, %dma_wait3A_176] : memref<1x256xi32, #tpu.memory_space<vmem>> -> memref<1x256xi32, #tpu.memory_space<vmem>>
          %dma_wait3A_178 = tpu.memref_squeeze %dma_wait3A_177 : memref<1x256xi32, #tpu.memory_space<vmem>> -> memref<256xi32, #tpu.memory_space<vmem>>
          %dma_wait3A_179 = arith.constant 0 : i32
          %dma_wait3A_180 = tpu.memref_slice %arg3[%add3A_161, %dma_wait3A_179] : memref<1280x256xi32, #tpu.memory_space<hbm>> -> memref<1x256xi32, #tpu.memory_space<hbm>>
          %dma_wait3A_181 = tpu.memref_squeeze %dma_wait3A_180 : memref<1x256xi32, #tpu.memory_space<hbm>> -> memref<256xi32, #tpu.memory_space<hbm>>
          %dma_wait3A_182 = arith.constant 0 : i32
          %dma_wait3A_183 = tpu.memref_slice %arg7[%run_scoped3A_162, %dma_wait3A_182] : memref<1x256xi32, #tpu.memory_space<vmem>> -> memref<1x256xi32, #tpu.memory_space<vmem>>
          %dma_wait3A_184 = tpu.memref_squeeze %dma_wait3A_183 : memref<1x256xi32, #tpu.memory_space<vmem>> -> memref<256xi32, #tpu.memory_space<vmem>>
          %dma_wait3A_185 = arith.constant 0 : i32
          %dma_wait3A_186 = tpu.memref_slice %arg3[%add3A_161, %dma_wait3A_185] : memref<1280x256xi32, #tpu.memory_space<hbm>> -> memref<1x256xi32, #tpu.memory_space<hbm>>
          %dma_wait3A_187 = tpu.memref_squeeze %dma_wait3A_186 : memref<1x256xi32, #tpu.memory_space<hbm>> -> memref<256xi32, #tpu.memory_space<hbm>>
          tpu.wait_dma2 semaphore(%run_scoped3A_163 : memref<!tpu.dma_semaphore, #tpu.memory_space<semaphore_mem>>) src(%dma_wait3A_187 : memref<256xi32, #tpu.memory_space<hbm>>) dst(%dma_wait3A_184 : memref<256xi32, #tpu.memory_space<vmem>>)
          tpu.yield
        }) : () -> ()
      } else {
      }
      %dma_wait3A_115 = arith.constant 0 : i32
      %dma_wait3A_116 = arith.constant 0 : i32
      %dma_wait3A_117 = tpu.memref_slice %arg9[%dma_wait3A_115, %dma_wait3A_116] : memref<1x256xi32, #tpu.memory_space<vmem>> -> memref<1x256xi32, #tpu.memory_space<vmem>>
      %dma_wait3A_118 = tpu.memref_squeeze %dma_wait3A_117 : memref<1x256xi32, #tpu.memory_space<vmem>> -> memref<256xi32, #tpu.memory_space<vmem>>
      %dma_wait3A_119 = arith.constant 0 : i32
      %dma_wait3A_120 = arith.constant 0 : i32
      %dma_wait3A_121 = tpu.memref_slice %arg13[%dma_wait3A_119, %dma_wait3A_120] : memref<10112x32xf32, #tpu.memory_space<vmem_shared>> -> memref<10112x32xf32, #tpu.memory_space<vmem_shared>>
      tpu.wait_indirect_dma semaphore(%arg16 : memref<!tpu.dma_semaphore, #tpu.memory_space<semaphore_mem>>) src(%arg11 : memref<256x32xf32, #tpu.memory_space<vmem>>) dst(%dma_wait3A_121 : memref<10112x32xf32, #tpu.memory_space<vmem_shared>>)
      %lt3A_122 = arith.cmpi slt, %add3A_113, %select_n3A_9 : i32
      %convert_element_type3A_123 = arith.extui %lt3A_122 : i1 to i32
      %cond3A_124 = arith.constant 0 : i32
      %cond3A_125 = arith.cmpi ne, %convert_element_type3A_123, %cond3A_124 : i32
      scf.if %cond3A_125 {
        %add3A_161 = arith.addi %select_n3A, %add3A_113 : i32
        %run_scoped3A_162 = arith.constant 0 : i32
        "tpu.region"() ({
          %run_scoped3A_170 = tpu.sem_alloc : memref<!tpu.dma_semaphore, #tpu.memory_space<semaphore_mem>>
          %dma_start3A_171 = arith.constant 0 : i32
          %dma_start3A_172 = tpu.memref_slice %arg9[%run_scoped3A_162, %dma_start3A_171] : memref<1x256xi32, #tpu.memory_space<vmem>> -> memref<1x256xi32, #tpu.memory_space<vmem>>
          %dma_start3A_173 = tpu.memref_squeeze %dma_start3A_172 : memref<1x256xi32, #tpu.memory_space<vmem>> -> memref<256xi32, #tpu.memory_space<vmem>>
          %dma_start3A_174 = arith.constant 0 : i32
          %dma_start3A_175 = tpu.memref_slice %arg4[%add3A_161, %dma_start3A_174] : memref<1280x256xi32, #tpu.memory_space<hbm>> -> memref<1x256xi32, #tpu.memory_space<hbm>>
          %dma_start3A_176 = tpu.memref_squeeze %dma_start3A_175 : memref<1x256xi32, #tpu.memory_space<hbm>> -> memref<256xi32, #tpu.memory_space<hbm>>
          %dma_start3A_177 = arith.constant 0 : i32
          %dma_start3A_178 = tpu.memref_slice %arg9[%run_scoped3A_162, %dma_start3A_177] : memref<1x256xi32, #tpu.memory_space<vmem>> -> memref<1x256xi32, #tpu.memory_space<vmem>>
          %dma_start3A_179 = tpu.memref_squeeze %dma_start3A_178 : memref<1x256xi32, #tpu.memory_space<vmem>> -> memref<256xi32, #tpu.memory_space<vmem>>
          %dma_start3A_180 = arith.constant 0 : i32
          %dma_start3A_181 = tpu.memref_slice %arg4[%add3A_161, %dma_start3A_180] : memref<1280x256xi32, #tpu.memory_space<hbm>> -> memref<1x256xi32, #tpu.memory_space<hbm>>
          %dma_start3A_182 = tpu.memref_squeeze %dma_start3A_181 : memref<1x256xi32, #tpu.memory_space<hbm>> -> memref<256xi32, #tpu.memory_space<hbm>>
          tpu.enqueue_dma source(%dma_start3A_182 : memref<256xi32, #tpu.memory_space<hbm>>) target(%dma_start3A_179 : memref<256xi32, #tpu.memory_space<vmem>>) target_semaphore(%run_scoped3A_170 : memref<!tpu.dma_semaphore, #tpu.memory_space<semaphore_mem>>)
          %dma_wait3A_183 = arith.constant 0 : i32
          %dma_wait3A_184 = tpu.memref_slice %arg9[%run_scoped3A_162, %dma_wait3A_183] : memref<1x256xi32, #tpu.memory_space<vmem>> -> memref<1x256xi32, #tpu.memory_space<vmem>>
          %dma_wait3A_185 = tpu.memref_squeeze %dma_wait3A_184 : memref<1x256xi32, #tpu.memory_space<vmem>> -> memref<256xi32, #tpu.memory_space<vmem>>
          %dma_wait3A_186 = arith.constant 0 : i32
          %dma_wait3A_187 = tpu.memref_slice %arg4[%add3A_161, %dma_wait3A_186] : memref<1280x256xi32, #tpu.memory_space<hbm>> -> memref<1x256xi32, #tpu.memory_space<hbm>>
          %dma_wait3A_188 = tpu.memref_squeeze %dma_wait3A_187 : memref<1x256xi32, #tpu.memory_space<hbm>> -> memref<256xi32, #tpu.memory_space<hbm>>
          %dma_wait3A_189 = arith.constant 0 : i32
          %dma_wait3A_190 = tpu.memref_slice %arg9[%run_scoped3A_162, %dma_wait3A_189] : memref<1x256xi32, #tpu.memory_space<vmem>> -> memref<1x256xi32, #tpu.memory_space<vmem>>
          %dma_wait3A_191 = tpu.memref_squeeze %dma_wait3A_190 : memref<1x256xi32, #tpu.memory_space<vmem>> -> memref<256xi32, #tpu.memory_space<vmem>>
          %dma_wait3A_192 = arith.constant 0 : i32
          %dma_wait3A_193 = tpu.memref_slice %arg4[%add3A_161, %dma_wait3A_192] : memref<1280x256xi32, #tpu.memory_space<hbm>> -> memref<1x256xi32, #tpu.memory_space<hbm>>
          %dma_wait3A_194 = tpu.memref_squeeze %dma_wait3A_193 : memref<1x256xi32, #tpu.memory_space<hbm>> -> memref<256xi32, #tpu.memory_space<hbm>>
          tpu.wait_dma2 semaphore(%run_scoped3A_170 : memref<!tpu.dma_semaphore, #tpu.memory_space<semaphore_mem>>) src(%dma_wait3A_194 : memref<256xi32, #tpu.memory_space<hbm>>) dst(%dma_wait3A_191 : memref<256xi32, #tpu.memory_space<vmem>>)
          tpu.yield
        }) : () -> ()
        %dma_start3A_163 = arith.constant 0 : i32
        %dma_start3A_164 = arith.constant 0 : i32
        %dma_start3A_165 = tpu.memref_slice %arg7[%dma_start3A_163, %dma_start3A_164] : memref<1x256xi32, #tpu.memory_space<vmem>> -> memref<1x256xi32, #tpu.memory_space<vmem>>
        %dma_start3A_166 = tpu.memref_squeeze %dma_start3A_165 : memref<1x256xi32, #tpu.memory_space<vmem>> -> memref<256xi32, #tpu.memory_space<vmem>>
        %dma_start3A_167 = arith.constant 0 : i32
        %dma_start3A_168 = arith.constant 0 : i32
        %dma_start3A_169 = tpu.memref_slice %arg2[%dma_start3A_167, %dma_start3A_168] : memref<10000x32xf32, #tpu.memory_space<hbm>> -> memref<10000x32xf32, #tpu.memory_space<hbm>>
        tpu.enqueue_indirect_dma source(%dma_start3A_169 : memref<10000x32xf32, #tpu.memory_space<hbm>>) target(%arg11 : memref<256x32xf32, #tpu.memory_space<vmem>>) offsets(%dma_start3A_166 : memref<256xi32, #tpu.memory_space<vmem>>) semaphore(%arg14 : memref<!tpu.dma_semaphore, #tpu.memory_space<semaphore_mem>>)
      } else {
      }
      %mul3A_126 = arith.constant 2 : i32
      %mul3A_127 = arith.muli %mul3A_126, %while3A_96 : i32
      %add3A_128 = arith.constant 1 : i32
      %add3A_129 = arith.addi %mul3A_127, %add3A_128 : i32
      %dma_wait3A_130 = arith.constant 0 : i32
      %dma_wait3A_131 = arith.constant 0 : i32
      %dma_wait3A_132 = tpu.memref_slice %arg8[%dma_wait3A_130, %dma_wait3A_131] : memref<1x256xi32, #tpu.memory_space<vmem>> -> memref<1x256xi32, #tpu.memory_space<vmem>>
      %dma_wait3A_133 = tpu.memref_squeeze %dma_wait3A_132 : memref<1x256xi32, #tpu.memory_space<vmem>> -> memref<256xi32, #tpu.memory_space<vmem>>
      %dma_wait3A_134 = arith.constant 0 : i32
      %dma_wait3A_135 = arith.constant 0 : i32
      %dma_wait3A_136 = tpu.memref_slice %arg2[%dma_wait3A_134, %dma_wait3A_135] : memref<10000x32xf32, #tpu.memory_space<hbm>> -> memref<10000x32xf32, #tpu.memory_space<hbm>>
      tpu.wait_indirect_dma semaphore(%arg15 : memref<!tpu.dma_semaphore, #tpu.memory_space<semaphore_mem>>) src(%dma_wait3A_136 : memref<10000x32xf32, #tpu.memory_space<hbm>>) dst(%arg12 : memref<256x32xf32, #tpu.memory_space<vmem>>)
      %dma_start3A_137 = arith.constant 0 : i32
      %dma_start3A_138 = arith.constant 0 : i32
      %dma_start3A_139 = tpu.memref_slice %arg10[%dma_start3A_137, %dma_start3A_138] : memref<1x256xi32, #tpu.memory_space<vmem>> -> memref<1x256xi32, #tpu.memory_space<vmem>>
      %dma_start3A_140 = tpu.memref_squeeze %dma_start3A_139 : memref<1x256xi32, #tpu.memory_space<vmem>> -> memref<256xi32, #tpu.memory_space<vmem>>
      %dma_start3A_141 = arith.constant 0 : i32
      %dma_start3A_142 = arith.constant 0 : i32
      %dma_start3A_143 = tpu.memref_slice %arg13[%dma_start3A_141, %dma_start3A_142] : memref<10112x32xf32, #tpu.memory_space<vmem_shared>> -> memref<10112x32xf32, #tpu.memory_space<vmem_shared>>
      tpu.enqueue_indirect_dma source(%arg12 : memref<256x32xf32, #tpu.memory_space<vmem>>) target(%dma_start3A_143 : memref<10112x32xf32, #tpu.memory_space<vmem_shared>>) offsets(%dma_start3A_140 : memref<256xi32, #tpu.memory_space<vmem>>) semaphore(%arg17 : memref<!tpu.dma_semaphore, #tpu.memory_space<semaphore_mem>>) {add = true}
      %add3A_144 = arith.constant 2 : i32
      %add3A_145 = arith.addi %add3A_129, %add3A_144 : i32
      %lt3A_146 = arith.cmpi slt, %add3A_145, %select_n3A_9 : i32
      %convert_element_type3A_147 = arith.extui %lt3A_146 : i1 to i32
      %cond3A_148 = arith.constant 0 : i32
      %cond3A_149 = arith.cmpi ne, %convert_element_type3A_147, %cond3A_148 : i32
      scf.if %cond3A_149 {
        %add3A_161 = arith.addi %select_n3A, %add3A_145 : i32
        %run_scoped3A_162 = arith.constant 0 : i32
        "tpu.region"() ({
          %run_scoped3A_163 = tpu.sem_alloc : memref<!tpu.dma_semaphore, #tpu.memory_space<semaphore_mem>>
          %dma_start3A_164 = arith.constant 0 : i32
          %dma_start3A_165 = tpu.memref_slice %arg8[%run_scoped3A_162, %dma_start3A_164] : memref<1x256xi32, #tpu.memory_space<vmem>> -> memref<1x256xi32, #tpu.memory_space<vmem>>
          %dma_start3A_166 = tpu.memref_squeeze %dma_start3A_165 : memref<1x256xi32, #tpu.memory_space<vmem>> -> memref<256xi32, #tpu.memory_space<vmem>>
          %dma_start3A_167 = arith.constant 0 : i32
          %dma_start3A_168 = tpu.memref_slice %arg3[%add3A_161, %dma_start3A_167] : memref<1280x256xi32, #tpu.memory_space<hbm>> -> memref<1x256xi32, #tpu.memory_space<hbm>>
          %dma_start3A_169 = tpu.memref_squeeze %dma_start3A_168 : memref<1x256xi32, #tpu.memory_space<hbm>> -> memref<256xi32, #tpu.memory_space<hbm>>
          %dma_start3A_170 = arith.constant 0 : i32
          %dma_start3A_171 = tpu.memref_slice %arg8[%run_scoped3A_162, %dma_start3A_170] : memref<1x256xi32, #tpu.memory_space<vmem>> -> memref<1x256xi32, #tpu.memory_space<vmem>>
          %dma_start3A_172 = tpu.memref_squeeze %dma_start3A_171 : memref<1x256xi32, #tpu.memory_space<vmem>> -> memref<256xi32, #tpu.memory_space<vmem>>
          %dma_start3A_173 = arith.constant 0 : i32
          %dma_start3A_174 = tpu.memref_slice %arg3[%add3A_161, %dma_start3A_173] : memref<1280x256xi32, #tpu.memory_space<hbm>> -> memref<1x256xi32, #tpu.memory_space<hbm>>
          %dma_start3A_175 = tpu.memref_squeeze %dma_start3A_174 : memref<1x256xi32, #tpu.memory_space<hbm>> -> memref<256xi32, #tpu.memory_space<hbm>>
          tpu.enqueue_dma source(%dma_start3A_175 : memref<256xi32, #tpu.memory_space<hbm>>) target(%dma_start3A_172 : memref<256xi32, #tpu.memory_space<vmem>>) target_semaphore(%run_scoped3A_163 : memref<!tpu.dma_semaphore, #tpu.memory_space<semaphore_mem>>)
          %dma_wait3A_176 = arith.constant 0 : i32
          %dma_wait3A_177 = tpu.memref_slice %arg8[%run_scoped3A_162, %dma_wait3A_176] : memref<1x256xi32, #tpu.memory_space<vmem>> -> memref<1x256xi32, #tpu.memory_space<vmem>>
          %dma_wait3A_178 = tpu.memref_squeeze %dma_wait3A_177 : memref<1x256xi32, #tpu.memory_space<vmem>> -> memref<256xi32, #tpu.memory_space<vmem>>
          %dma_wait3A_179 = arith.constant 0 : i32
          %dma_wait3A_180 = tpu.memref_slice %arg3[%add3A_161, %dma_wait3A_179] : memref<1280x256xi32, #tpu.memory_space<hbm>> -> memref<1x256xi32, #tpu.memory_space<hbm>>
          %dma_wait3A_181 = tpu.memref_squeeze %dma_wait3A_180 : memref<1x256xi32, #tpu.memory_space<hbm>> -> memref<256xi32, #tpu.memory_space<hbm>>
          %dma_wait3A_182 = arith.constant 0 : i32
          %dma_wait3A_183 = tpu.memref_slice %arg8[%run_scoped3A_162, %dma_wait3A_182] : memref<1x256xi32, #tpu.memory_space<vmem>> -> memref<1x256xi32, #tpu.memory_space<vmem>>
          %dma_wait3A_184 = tpu.memref_squeeze %dma_wait3A_183 : memref<1x256xi32, #tpu.memory_space<vmem>> -> memref<256xi32, #tpu.memory_space<vmem>>
          %dma_wait3A_185 = arith.constant 0 : i32
          %dma_wait3A_186 = tpu.memref_slice %arg3[%add3A_161, %dma_wait3A_185] : memref<1280x256xi32, #tpu.memory_space<hbm>> -> memref<1x256xi32, #tpu.memory_space<hbm>>
          %dma_wait3A_187 = tpu.memref_squeeze %dma_wait3A_186 : memref<1x256xi32, #tpu.memory_space<hbm>> -> memref<256xi32, #tpu.memory_space<hbm>>
          tpu.wait_dma2 semaphore(%run_scoped3A_163 : memref<!tpu.dma_semaphore, #tpu.memory_space<semaphore_mem>>) src(%dma_wait3A_187 : memref<256xi32, #tpu.memory_space<hbm>>) dst(%dma_wait3A_184 : memref<256xi32, #tpu.memory_space<vmem>>)
          tpu.yield
        }) : () -> ()
      } else {
      }
      %dma_wait3A_150 = arith.constant 0 : i32
      %dma_wait3A_151 = arith.constant 0 : i32
      %dma_wait3A_152 = tpu.memref_slice %arg10[%dma_wait3A_150, %dma_wait3A_151] : memref<1x256xi32, #tpu.memory_space<vmem>> -> memref<1x256xi32, #tpu.memory_space<vmem>>
      %dma_wait3A_153 = tpu.memref_squeeze %dma_wait3A_152 : memref<1x256xi32, #tpu.memory_space<vmem>> -> memref<256xi32, #tpu.memory_space<vmem>>
      %dma_wait3A_154 = arith.constant 0 : i32
      %dma_wait3A_155 = arith.constant 0 : i32
      %dma_wait3A_156 = tpu.memref_slice %arg13[%dma_wait3A_154, %dma_wait3A_155] : memref<10112x32xf32, #tpu.memory_space<vmem_shared>> -> memref<10112x32xf32, #tpu.memory_space<vmem_shared>>
      tpu.wait_indirect_dma semaphore(%arg17 : memref<!tpu.dma_semaphore, #tpu.memory_space<semaphore_mem>>) src(%arg12 : memref<256x32xf32, #tpu.memory_space<vmem>>) dst(%dma_wait3A_156 : memref<10112x32xf32, #tpu.memory_space<vmem_shared>>)
      %lt3A_157 = arith.cmpi slt, %add3A_145, %select_n3A_9 : i32
      %convert_element_type3A_158 = arith.extui %lt3A_157 : i1 to i32
      %cond3A_159 = arith.constant 0 : i32
      %cond3A_160 = arith.cmpi ne, %convert_element_type3A_158, %cond3A_159 : i32
      scf.if %cond3A_160 {
        %add3A_161 = arith.addi %select_n3A, %add3A_145 : i32
        %run_scoped3A_162 = arith.constant 0 : i32
        "tpu.region"() ({
          %run_scoped3A_170 = tpu.sem_alloc : memref<!tpu.dma_semaphore, #tpu.memory_space<semaphore_mem>>
          %dma_start3A_171 = arith.constant 0 : i32
          %dma_start3A_172 = tpu.memref_slice %arg10[%run_scoped3A_162, %dma_start3A_171] : memref<1x256xi32, #tpu.memory_space<vmem>> -> memref<1x256xi32, #tpu.memory_space<vmem>>
          %dma_start3A_173 = tpu.memref_squeeze %dma_start3A_172 : memref<1x256xi32, #tpu.memory_space<vmem>> -> memref<256xi32, #tpu.memory_space<vmem>>
          %dma_start3A_174 = arith.constant 0 : i32
          %dma_start3A_175 = tpu.memref_slice %arg4[%add3A_161, %dma_start3A_174] : memref<1280x256xi32, #tpu.memory_space<hbm>> -> memref<1x256xi32, #tpu.memory_space<hbm>>
          %dma_start3A_176 = tpu.memref_squeeze %dma_start3A_175 : memref<1x256xi32, #tpu.memory_space<hbm>> -> memref<256xi32, #tpu.memory_space<hbm>>
          %dma_start3A_177 = arith.constant 0 : i32
          %dma_start3A_178 = tpu.memref_slice %arg10[%run_scoped3A_162, %dma_start3A_177] : memref<1x256xi32, #tpu.memory_space<vmem>> -> memref<1x256xi32, #tpu.memory_space<vmem>>
          %dma_start3A_179 = tpu.memref_squeeze %dma_start3A_178 : memref<1x256xi32, #tpu.memory_space<vmem>> -> memref<256xi32, #tpu.memory_space<vmem>>
          %dma_start3A_180 = arith.constant 0 : i32
          %dma_start3A_181 = tpu.memref_slice %arg4[%add3A_161, %dma_start3A_180] : memref<1280x256xi32, #tpu.memory_space<hbm>> -> memref<1x256xi32, #tpu.memory_space<hbm>>
          %dma_start3A_182 = tpu.memref_squeeze %dma_start3A_181 : memref<1x256xi32, #tpu.memory_space<hbm>> -> memref<256xi32, #tpu.memory_space<hbm>>
          tpu.enqueue_dma source(%dma_start3A_182 : memref<256xi32, #tpu.memory_space<hbm>>) target(%dma_start3A_179 : memref<256xi32, #tpu.memory_space<vmem>>) target_semaphore(%run_scoped3A_170 : memref<!tpu.dma_semaphore, #tpu.memory_space<semaphore_mem>>)
          %dma_wait3A_183 = arith.constant 0 : i32
          %dma_wait3A_184 = tpu.memref_slice %arg10[%run_scoped3A_162, %dma_wait3A_183] : memref<1x256xi32, #tpu.memory_space<vmem>> -> memref<1x256xi32, #tpu.memory_space<vmem>>
          %dma_wait3A_185 = tpu.memref_squeeze %dma_wait3A_184 : memref<1x256xi32, #tpu.memory_space<vmem>> -> memref<256xi32, #tpu.memory_space<vmem>>
          %dma_wait3A_186 = arith.constant 0 : i32
          %dma_wait3A_187 = tpu.memref_slice %arg4[%add3A_161, %dma_wait3A_186] : memref<1280x256xi32, #tpu.memory_space<hbm>> -> memref<1x256xi32, #tpu.memory_space<hbm>>
          %dma_wait3A_188 = tpu.memref_squeeze %dma_wait3A_187 : memref<1x256xi32, #tpu.memory_space<hbm>> -> memref<256xi32, #tpu.memory_space<hbm>>
          %dma_wait3A_189 = arith.constant 0 : i32
          %dma_wait3A_190 = tpu.memref_slice %arg10[%run_scoped3A_162, %dma_wait3A_189] : memref<1x256xi32, #tpu.memory_space<vmem>> -> memref<1x256xi32, #tpu.memory_space<vmem>>
          %dma_wait3A_191 = tpu.memref_squeeze %dma_wait3A_190 : memref<1x256xi32, #tpu.memory_space<vmem>> -> memref<256xi32, #tpu.memory_space<vmem>>
          %dma_wait3A_192 = arith.constant 0 : i32
          %dma_wait3A_193 = tpu.memref_slice %arg4[%add3A_161, %dma_wait3A_192] : memref<1280x256xi32, #tpu.memory_space<hbm>> -> memref<1x256xi32, #tpu.memory_space<hbm>>
          %dma_wait3A_194 = tpu.memref_squeeze %dma_wait3A_193 : memref<1x256xi32, #tpu.memory_space<hbm>> -> memref<256xi32, #tpu.memory_space<hbm>>
          tpu.wait_dma2 semaphore(%run_scoped3A_170 : memref<!tpu.dma_semaphore, #tpu.memory_space<semaphore_mem>>) src(%dma_wait3A_194 : memref<256xi32, #tpu.memory_space<hbm>>) dst(%dma_wait3A_191 : memref<256xi32, #tpu.memory_space<vmem>>)
          tpu.yield
        }) : () -> ()
        %dma_start3A_163 = arith.constant 0 : i32
        %dma_start3A_164 = arith.constant 0 : i32
        %dma_start3A_165 = tpu.memref_slice %arg8[%dma_start3A_163, %dma_start3A_164] : memref<1x256xi32, #tpu.memory_space<vmem>> -> memref<1x256xi32, #tpu.memory_space<vmem>>
        %dma_start3A_166 = tpu.memref_squeeze %dma_start3A_165 : memref<1x256xi32, #tpu.memory_space<vmem>> -> memref<256xi32, #tpu.memory_space<vmem>>
        %dma_start3A_167 = arith.constant 0 : i32
        %dma_start3A_168 = arith.constant 0 : i32
        %dma_start3A_169 = tpu.memref_slice %arg2[%dma_start3A_167, %dma_start3A_168] : memref<10000x32xf32, #tpu.memory_space<hbm>> -> memref<10000x32xf32, #tpu.memory_space<hbm>>
        tpu.enqueue_indirect_dma source(%dma_start3A_169 : memref<10000x32xf32, #tpu.memory_space<hbm>>) target(%arg12 : memref<256x32xf32, #tpu.memory_space<vmem>>) offsets(%dma_start3A_166 : memref<256xi32, #tpu.memory_space<vmem>>) semaphore(%arg15 : memref<!tpu.dma_semaphore, #tpu.memory_space<semaphore_mem>>)
      } else {
      }
    }
    %while3A_71 = arith.constant 1 : i32
    scf.for %while3A_96 = %while3A_69 to %while3A_65 step %while3A_71  : i32 {
      %mul3A_97 = arith.constant 2 : i32
      %mul3A_98 = arith.muli %mul3A_97, %while3A_96 : i32
      %dma_wait3A = arith.constant 0 : i32
      %dma_wait3A_99 = arith.constant 0 : i32
      %dma_wait3A_100 = tpu.memref_slice %arg7[%dma_wait3A, %dma_wait3A_99] : memref<1x256xi32, #tpu.memory_space<vmem>> -> memref<1x256xi32, #tpu.memory_space<vmem>>
      %dma_wait3A_101 = tpu.memref_squeeze %dma_wait3A_100 : memref<1x256xi32, #tpu.memory_space<vmem>> -> memref<256xi32, #tpu.memory_space<vmem>>
      %dma_wait3A_102 = arith.constant 0 : i32
      %dma_wait3A_103 = arith.constant 0 : i32
      %dma_wait3A_104 = tpu.memref_slice %arg2[%dma_wait3A_102, %dma_wait3A_103] : memref<10000x32xf32, #tpu.memory_space<hbm>> -> memref<10000x32xf32, #tpu.memory_space<hbm>>
      tpu.wait_indirect_dma semaphore(%arg14 : memref<!tpu.dma_semaphore, #tpu.memory_space<semaphore_mem>>) src(%dma_wait3A_104 : memref<10000x32xf32, #tpu.memory_space<hbm>>) dst(%arg11 : memref<256x32xf32, #tpu.memory_space<vmem>>)
      %dma_start3A_105 = arith.constant 0 : i32
      %dma_start3A_106 = arith.constant 0 : i32
      %dma_start3A_107 = tpu.memref_slice %arg9[%dma_start3A_105, %dma_start3A_106] : memref<1x256xi32, #tpu.memory_space<vmem>> -> memref<1x256xi32, #tpu.memory_space<vmem>>
      %dma_start3A_108 = tpu.memref_squeeze %dma_start3A_107 : memref<1x256xi32, #tpu.memory_space<vmem>> -> memref<256xi32, #tpu.memory_space<vmem>>
      %dma_start3A_109 = arith.constant 0 : i32
      %dma_start3A_110 = arith.constant 0 : i32
      %dma_start3A_111 = tpu.memref_slice %arg13[%dma_start3A_109, %dma_start3A_110] : memref<10112x32xf32, #tpu.memory_space<vmem_shared>> -> memref<10112x32xf32, #tpu.memory_space<vmem_shared>>
      tpu.enqueue_indirect_dma source(%arg11 : memref<256x32xf32, #tpu.memory_space<vmem>>) target(%dma_start3A_111 : memref<10112x32xf32, #tpu.memory_space<vmem_shared>>) offsets(%dma_start3A_108 : memref<256xi32, #tpu.memory_space<vmem>>) semaphore(%arg16 : memref<!tpu.dma_semaphore, #tpu.memory_space<semaphore_mem>>) {add = true}
      %add3A_112 = arith.constant 2 : i32
      %add3A_113 = arith.addi %mul3A_98, %add3A_112 : i32
      %lt3A = arith.cmpi slt, %add3A_113, %select_n3A_9 : i32
      %convert_element_type3A = arith.extui %lt3A : i1 to i32
      %cond3A = arith.constant 0 : i32
      %cond3A_114 = arith.cmpi ne, %convert_element_type3A, %cond3A : i32
      scf.if %cond3A_114 {
        %add3A_161 = arith.addi %select_n3A, %add3A_113 : i32
        %run_scoped3A_162 = arith.constant 0 : i32
        "tpu.region"() ({
          %run_scoped3A_163 = tpu.sem_alloc : memref<!tpu.dma_semaphore, #tpu.memory_space<semaphore_mem>>
          %dma_start3A_164 = arith.constant 0 : i32
          %dma_start3A_165 = tpu.memref_slice %arg7[%run_scoped3A_162, %dma_start3A_164] : memref<1x256xi32, #tpu.memory_space<vmem>> -> memref<1x256xi32, #tpu.memory_space<vmem>>
          %dma_start3A_166 = tpu.memref_squeeze %dma_start3A_165 : memref<1x256xi32, #tpu.memory_space<vmem>> -> memref<256xi32, #tpu.memory_space<vmem>>
          %dma_start3A_167 = arith.constant 0 : i32
          %dma_start3A_168 = tpu.memref_slice %arg3[%add3A_161, %dma_start3A_167] : memref<1280x256xi32, #tpu.memory_space<hbm>> -> memref<1x256xi32, #tpu.memory_space<hbm>>
          %dma_start3A_169 = tpu.memref_squeeze %dma_start3A_168 : memref<1x256xi32, #tpu.memory_space<hbm>> -> memref<256xi32, #tpu.memory_space<hbm>>
          %dma_start3A_170 = arith.constant 0 : i32
          %dma_start3A_171 = tpu.memref_slice %arg7[%run_scoped3A_162, %dma_start3A_170] : memref<1x256xi32, #tpu.memory_space<vmem>> -> memref<1x256xi32, #tpu.memory_space<vmem>>
          %dma_start3A_172 = tpu.memref_squeeze %dma_start3A_171 : memref<1x256xi32, #tpu.memory_space<vmem>> -> memref<256xi32, #tpu.memory_space<vmem>>
          %dma_start3A_173 = arith.constant 0 : i32
          %dma_start3A_174 = tpu.memref_slice %arg3[%add3A_161, %dma_start3A_173] : memref<1280x256xi32, #tpu.memory_space<hbm>> -> memref<1x256xi32, #tpu.memory_space<hbm>>
          %dma_start3A_175 = tpu.memref_squeeze %dma_start3A_174 : memref<1x256xi32, #tpu.memory_space<hbm>> -> memref<256xi32, #tpu.memory_space<hbm>>
          tpu.enqueue_dma source(%dma_start3A_175 : memref<256xi32, #tpu.memory_space<hbm>>) target(%dma_start3A_172 : memref<256xi32, #tpu.memory_space<vmem>>) target_semaphore(%run_scoped3A_163 : memref<!tpu.dma_semaphore, #tpu.memory_space<semaphore_mem>>)
          %dma_wait3A_176 = arith.constant 0 : i32
          %dma_wait3A_177 = tpu.memref_slice %arg7[%run_scoped3A_162, %dma_wait3A_176] : memref<1x256xi32, #tpu.memory_space<vmem>> -> memref<1x256xi32, #tpu.memory_space<vmem>>
          %dma_wait3A_178 = tpu.memref_squeeze %dma_wait3A_177 : memref<1x256xi32, #tpu.memory_space<vmem>> -> memref<256xi32, #tpu.memory_space<vmem>>
          %dma_wait3A_179 = arith.constant 0 : i32
          %dma_wait3A_180 = tpu.memref_slice %arg3[%add3A_161, %dma_wait3A_179] : memref<1280x256xi32, #tpu.memory_space<hbm>> -> memref<1x256xi32, #tpu.memory_space<hbm>>
          %dma_wait3A_181 = tpu.memref_squeeze %dma_wait3A_180 : memref<1x256xi32, #tpu.memory_space<hbm>> -> memref<256xi32, #tpu.memory_space<hbm>>
          %dma_wait3A_182 = arith.constant 0 : i32
          %dma_wait3A_183 = tpu.memref_slice %arg7[%run_scoped3A_162, %dma_wait3A_182] : memref<1x256xi32, #tpu.memory_space<vmem>> -> memref<1x256xi32, #tpu.memory_space<vmem>>
          %dma_wait3A_184 = tpu.memref_squeeze %dma_wait3A_183 : memref<1x256xi32, #tpu.memory_space<vmem>> -> memref<256xi32, #tpu.memory_space<vmem>>
          %dma_wait3A_185 = arith.constant 0 : i32
          %dma_wait3A_186 = tpu.memref_slice %arg3[%add3A_161, %dma_wait3A_185] : memref<1280x256xi32, #tpu.memory_space<hbm>> -> memref<1x256xi32, #tpu.memory_space<hbm>>
          %dma_wait3A_187 = tpu.memref_squeeze %dma_wait3A_186 : memref<1x256xi32, #tpu.memory_space<hbm>> -> memref<256xi32, #tpu.memory_space<hbm>>
          tpu.wait_dma2 semaphore(%run_scoped3A_163 : memref<!tpu.dma_semaphore, #tpu.memory_space<semaphore_mem>>) src(%dma_wait3A_187 : memref<256xi32, #tpu.memory_space<hbm>>) dst(%dma_wait3A_184 : memref<256xi32, #tpu.memory_space<vmem>>)
          tpu.yield
        }) : () -> ()
      } else {
      }
      %dma_wait3A_115 = arith.constant 0 : i32
      %dma_wait3A_116 = arith.constant 0 : i32
      %dma_wait3A_117 = tpu.memref_slice %arg9[%dma_wait3A_115, %dma_wait3A_116] : memref<1x256xi32, #tpu.memory_space<vmem>> -> memref<1x256xi32, #tpu.memory_space<vmem>>
      %dma_wait3A_118 = tpu.memref_squeeze %dma_wait3A_117 : memref<1x256xi32, #tpu.memory_space<vmem>> -> memref<256xi32, #tpu.memory_space<vmem>>
      %dma_wait3A_119 = arith.constant 0 : i32
      %dma_wait3A_120 = arith.constant 0 : i32
      %dma_wait3A_121 = tpu.memref_slice %arg13[%dma_wait3A_119, %dma_wait3A_120] : memref<10112x32xf32, #tpu.memory_space<vmem_shared>> -> memref<10112x32xf32, #tpu.memory_space<vmem_shared>>
      tpu.wait_indirect_dma semaphore(%arg16 : memref<!tpu.dma_semaphore, #tpu.memory_space<semaphore_mem>>) src(%arg11 : memref<256x32xf32, #tpu.memory_space<vmem>>) dst(%dma_wait3A_121 : memref<10112x32xf32, #tpu.memory_space<vmem_shared>>)
      %lt3A_122 = arith.cmpi slt, %add3A_113, %select_n3A_9 : i32
      %convert_element_type3A_123 = arith.extui %lt3A_122 : i1 to i32
      %cond3A_124 = arith.constant 0 : i32
      %cond3A_125 = arith.cmpi ne, %convert_element_type3A_123, %cond3A_124 : i32
      scf.if %cond3A_125 {
        %add3A_161 = arith.addi %select_n3A, %add3A_113 : i32
        %run_scoped3A_162 = arith.constant 0 : i32
        "tpu.region"() ({
          %run_scoped3A_170 = tpu.sem_alloc : memref<!tpu.dma_semaphore, #tpu.memory_space<semaphore_mem>>
          %dma_start3A_171 = arith.constant 0 : i32
          %dma_start3A_172 = tpu.memref_slice %arg9[%run_scoped3A_162, %dma_start3A_171] : memref<1x256xi32, #tpu.memory_space<vmem>> -> memref<1x256xi32, #tpu.memory_space<vmem>>
          %dma_start3A_173 = tpu.memref_squeeze %dma_start3A_172 : memref<1x256xi32, #tpu.memory_space<vmem>> -> memref<256xi32, #tpu.memory_space<vmem>>
          %dma_start3A_174 = arith.constant 0 : i32
          %dma_start3A_175 = tpu.memref_slice %arg4[%add3A_161, %dma_start3A_174] : memref<1280x256xi32, #tpu.memory_space<hbm>> -> memref<1x256xi32, #tpu.memory_space<hbm>>
          %dma_start3A_176 = tpu.memref_squeeze %dma_start3A_175 : memref<1x256xi32, #tpu.memory_space<hbm>> -> memref<256xi32, #tpu.memory_space<hbm>>
          %dma_start3A_177 = arith.constant 0 : i32
          %dma_start3A_178 = tpu.memref_slice %arg9[%run_scoped3A_162, %dma_start3A_177] : memref<1x256xi32, #tpu.memory_space<vmem>> -> memref<1x256xi32, #tpu.memory_space<vmem>>
          %dma_start3A_179 = tpu.memref_squeeze %dma_start3A_178 : memref<1x256xi32, #tpu.memory_space<vmem>> -> memref<256xi32, #tpu.memory_space<vmem>>
          %dma_start3A_180 = arith.constant 0 : i32
          %dma_start3A_181 = tpu.memref_slice %arg4[%add3A_161, %dma_start3A_180] : memref<1280x256xi32, #tpu.memory_space<hbm>> -> memref<1x256xi32, #tpu.memory_space<hbm>>
          %dma_start3A_182 = tpu.memref_squeeze %dma_start3A_181 : memref<1x256xi32, #tpu.memory_space<hbm>> -> memref<256xi32, #tpu.memory_space<hbm>>
          tpu.enqueue_dma source(%dma_start3A_182 : memref<256xi32, #tpu.memory_space<hbm>>) target(%dma_start3A_179 : memref<256xi32, #tpu.memory_space<vmem>>) target_semaphore(%run_scoped3A_170 : memref<!tpu.dma_semaphore, #tpu.memory_space<semaphore_mem>>)
          %dma_wait3A_183 = arith.constant 0 : i32
          %dma_wait3A_184 = tpu.memref_slice %arg9[%run_scoped3A_162, %dma_wait3A_183] : memref<1x256xi32, #tpu.memory_space<vmem>> -> memref<1x256xi32, #tpu.memory_space<vmem>>
          %dma_wait3A_185 = tpu.memref_squeeze %dma_wait3A_184 : memref<1x256xi32, #tpu.memory_space<vmem>> -> memref<256xi32, #tpu.memory_space<vmem>>
          %dma_wait3A_186 = arith.constant 0 : i32
          %dma_wait3A_187 = tpu.memref_slice %arg4[%add3A_161, %dma_wait3A_186] : memref<1280x256xi32, #tpu.memory_space<hbm>> -> memref<1x256xi32, #tpu.memory_space<hbm>>
          %dma_wait3A_188 = tpu.memref_squeeze %dma_wait3A_187 : memref<1x256xi32, #tpu.memory_space<hbm>> -> memref<256xi32, #tpu.memory_space<hbm>>
          %dma_wait3A_189 = arith.constant 0 : i32
          %dma_wait3A_190 = tpu.memref_slice %arg9[%run_scoped3A_162, %dma_wait3A_189] : memref<1x256xi32, #tpu.memory_space<vmem>> -> memref<1x256xi32, #tpu.memory_space<vmem>>
          %dma_wait3A_191 = tpu.memref_squeeze %dma_wait3A_190 : memref<1x256xi32, #tpu.memory_space<vmem>> -> memref<256xi32, #tpu.memory_space<vmem>>
          %dma_wait3A_192 = arith.constant 0 : i32
          %dma_wait3A_193 = tpu.memref_slice %arg4[%add3A_161, %dma_wait3A_192] : memref<1280x256xi32, #tpu.memory_space<hbm>> -> memref<1x256xi32, #tpu.memory_space<hbm>>
          %dma_wait3A_194 = tpu.memref_squeeze %dma_wait3A_193 : memref<1x256xi32, #tpu.memory_space<hbm>> -> memref<256xi32, #tpu.memory_space<hbm>>
          tpu.wait_dma2 semaphore(%run_scoped3A_170 : memref<!tpu.dma_semaphore, #tpu.memory_space<semaphore_mem>>) src(%dma_wait3A_194 : memref<256xi32, #tpu.memory_space<hbm>>) dst(%dma_wait3A_191 : memref<256xi32, #tpu.memory_space<vmem>>)
          tpu.yield
        }) : () -> ()
        %dma_start3A_163 = arith.constant 0 : i32
        %dma_start3A_164 = arith.constant 0 : i32
        %dma_start3A_165 = tpu.memref_slice %arg7[%dma_start3A_163, %dma_start3A_164] : memref<1x256xi32, #tpu.memory_space<vmem>> -> memref<1x256xi32, #tpu.memory_space<vmem>>
        %dma_start3A_166 = tpu.memref_squeeze %dma_start3A_165 : memref<1x256xi32, #tpu.memory_space<vmem>> -> memref<256xi32, #tpu.memory_space<vmem>>
        %dma_start3A_167 = arith.constant 0 : i32
        %dma_start3A_168 = arith.constant 0 : i32
        %dma_start3A_169 = tpu.memref_slice %arg2[%dma_start3A_167, %dma_start3A_168] : memref<10000x32xf32, #tpu.memory_space<hbm>> -> memref<10000x32xf32, #tpu.memory_space<hbm>>
        tpu.enqueue_indirect_dma source(%dma_start3A_169 : memref<10000x32xf32, #tpu.memory_space<hbm>>) target(%arg11 : memref<256x32xf32, #tpu.memory_space<vmem>>) offsets(%dma_start3A_166 : memref<256xi32, #tpu.memory_space<vmem>>) semaphore(%arg14 : memref<!tpu.dma_semaphore, #tpu.memory_space<semaphore_mem>>)
      } else {
      }
      %mul3A_126 = arith.constant 2 : i32
      %mul3A_127 = arith.muli %mul3A_126, %while3A_96 : i32
      %add3A_128 = arith.constant 1 : i32
      %add3A_129 = arith.addi %mul3A_127, %add3A_128 : i32
      %dma_wait3A_130 = arith.constant 0 : i32
      %dma_wait3A_131 = arith.constant 0 : i32
      %dma_wait3A_132 = tpu.memref_slice %arg8[%dma_wait3A_130, %dma_wait3A_131] : memref<1x256xi32, #tpu.memory_space<vmem>> -> memref<1x256xi32, #tpu.memory_space<vmem>>
      %dma_wait3A_133 = tpu.memref_squeeze %dma_wait3A_132 : memref<1x256xi32, #tpu.memory_space<vmem>> -> memref<256xi32, #tpu.memory_space<vmem>>
      %dma_wait3A_134 = arith.constant 0 : i32
      %dma_wait3A_135 = arith.constant 0 : i32
      %dma_wait3A_136 = tpu.memref_slice %arg2[%dma_wait3A_134, %dma_wait3A_135] : memref<10000x32xf32, #tpu.memory_space<hbm>> -> memref<10000x32xf32, #tpu.memory_space<hbm>>
      tpu.wait_indirect_dma semaphore(%arg15 : memref<!tpu.dma_semaphore, #tpu.memory_space<semaphore_mem>>) src(%dma_wait3A_136 : memref<10000x32xf32, #tpu.memory_space<hbm>>) dst(%arg12 : memref<256x32xf32, #tpu.memory_space<vmem>>)
      %dma_start3A_137 = arith.constant 0 : i32
      %dma_start3A_138 = arith.constant 0 : i32
      %dma_start3A_139 = tpu.memref_slice %arg10[%dma_start3A_137, %dma_start3A_138] : memref<1x256xi32, #tpu.memory_space<vmem>> -> memref<1x256xi32, #tpu.memory_space<vmem>>
      %dma_start3A_140 = tpu.memref_squeeze %dma_start3A_139 : memref<1x256xi32, #tpu.memory_space<vmem>> -> memref<256xi32, #tpu.memory_space<vmem>>
      %dma_start3A_141 = arith.constant 0 : i32
      %dma_start3A_142 = arith.constant 0 : i32
      %dma_start3A_143 = tpu.memref_slice %arg13[%dma_start3A_141, %dma_start3A_142] : memref<10112x32xf32, #tpu.memory_space<vmem_shared>> -> memref<10112x32xf32, #tpu.memory_space<vmem_shared>>
      tpu.enqueue_indirect_dma source(%arg12 : memref<256x32xf32, #tpu.memory_space<vmem>>) target(%dma_start3A_143 : memref<10112x32xf32, #tpu.memory_space<vmem_shared>>) offsets(%dma_start3A_140 : memref<256xi32, #tpu.memory_space<vmem>>) semaphore(%arg17 : memref<!tpu.dma_semaphore, #tpu.memory_space<semaphore_mem>>) {add = true}
      %add3A_144 = arith.constant 2 : i32
      %add3A_145 = arith.addi %add3A_129, %add3A_144 : i32
      %lt3A_146 = arith.cmpi slt, %add3A_145, %select_n3A_9 : i32
      %convert_element_type3A_147 = arith.extui %lt3A_146 : i1 to i32
      %cond3A_148 = arith.constant 0 : i32
      %cond3A_149 = arith.cmpi ne, %convert_element_type3A_147, %cond3A_148 : i32
      scf.if %cond3A_149 {
        %add3A_161 = arith.addi %select_n3A, %add3A_145 : i32
        %run_scoped3A_162 = arith.constant 0 : i32
        "tpu.region"() ({
          %run_scoped3A_163 = tpu.sem_alloc : memref<!tpu.dma_semaphore, #tpu.memory_space<semaphore_mem>>
          %dma_start3A_164 = arith.constant 0 : i32
          %dma_start3A_165 = tpu.memref_slice %arg8[%run_scoped3A_162, %dma_start3A_164] : memref<1x256xi32, #tpu.memory_space<vmem>> -> memref<1x256xi32, #tpu.memory_space<vmem>>
          %dma_start3A_166 = tpu.memref_squeeze %dma_start3A_165 : memref<1x256xi32, #tpu.memory_space<vmem>> -> memref<256xi32, #tpu.memory_space<vmem>>
          %dma_start3A_167 = arith.constant 0 : i32
          %dma_start3A_168 = tpu.memref_slice %arg3[%add3A_161, %dma_start3A_167] : memref<1280x256xi32, #tpu.memory_space<hbm>> -> memref<1x256xi32, #tpu.memory_space<hbm>>
          %dma_start3A_169 = tpu.memref_squeeze %dma_start3A_168 : memref<1x256xi32, #tpu.memory_space<hbm>> -> memref<256xi32, #tpu.memory_space<hbm>>
          %dma_start3A_170 = arith.constant 0 : i32
          %dma_start3A_171 = tpu.memref_slice %arg8[%run_scoped3A_162, %dma_start3A_170] : memref<1x256xi32, #tpu.memory_space<vmem>> -> memref<1x256xi32, #tpu.memory_space<vmem>>
          %dma_start3A_172 = tpu.memref_squeeze %dma_start3A_171 : memref<1x256xi32, #tpu.memory_space<vmem>> -> memref<256xi32, #tpu.memory_space<vmem>>
          %dma_start3A_173 = arith.constant 0 : i32
          %dma_start3A_174 = tpu.memref_slice %arg3[%add3A_161, %dma_start3A_173] : memref<1280x256xi32, #tpu.memory_space<hbm>> -> memref<1x256xi32, #tpu.memory_space<hbm>>
          %dma_start3A_175 = tpu.memref_squeeze %dma_start3A_174 : memref<1x256xi32, #tpu.memory_space<hbm>> -> memref<256xi32, #tpu.memory_space<hbm>>
          tpu.enqueue_dma source(%dma_start3A_175 : memref<256xi32, #tpu.memory_space<hbm>>) target(%dma_start3A_172 : memref<256xi32, #tpu.memory_space<vmem>>) target_semaphore(%run_scoped3A_163 : memref<!tpu.dma_semaphore, #tpu.memory_space<semaphore_mem>>)
          %dma_wait3A_176 = arith.constant 0 : i32
          %dma_wait3A_177 = tpu.memref_slice %arg8[%run_scoped3A_162, %dma_wait3A_176] : memref<1x256xi32, #tpu.memory_space<vmem>> -> memref<1x256xi32, #tpu.memory_space<vmem>>
          %dma_wait3A_178 = tpu.memref_squeeze %dma_wait3A_177 : memref<1x256xi32, #tpu.memory_space<vmem>> -> memref<256xi32, #tpu.memory_space<vmem>>
          %dma_wait3A_179 = arith.constant 0 : i32
          %dma_wait3A_180 = tpu.memref_slice %arg3[%add3A_161, %dma_wait3A_179] : memref<1280x256xi32, #tpu.memory_space<hbm>> -> memref<1x256xi32, #tpu.memory_space<hbm>>
          %dma_wait3A_181 = tpu.memref_squeeze %dma_wait3A_180 : memref<1x256xi32, #tpu.memory_space<hbm>> -> memref<256xi32, #tpu.memory_space<hbm>>
          %dma_wait3A_182 = arith.constant 0 : i32
          %dma_wait3A_183 = tpu.memref_slice %arg8[%run_scoped3A_162, %dma_wait3A_182] : memref<1x256xi32, #tpu.memory_space<vmem>> -> memref<1x256xi32, #tpu.memory_space<vmem>>
          %dma_wait3A_184 = tpu.memref_squeeze %dma_wait3A_183 : memref<1x256xi32, #tpu.memory_space<vmem>> -> memref<256xi32, #tpu.memory_space<vmem>>
          %dma_wait3A_185 = arith.constant 0 : i32
          %dma_wait3A_186 = tpu.memref_slice %arg3[%add3A_161, %dma_wait3A_185] : memref<1280x256xi32, #tpu.memory_space<hbm>> -> memref<1x256xi32, #tpu.memory_space<hbm>>
          %dma_wait3A_187 = tpu.memref_squeeze %dma_wait3A_186 : memref<1x256xi32, #tpu.memory_space<hbm>> -> memref<256xi32, #tpu.memory_space<hbm>>
          tpu.wait_dma2 semaphore(%run_scoped3A_163 : memref<!tpu.dma_semaphore, #tpu.memory_space<semaphore_mem>>) src(%dma_wait3A_187 : memref<256xi32, #tpu.memory_space<hbm>>) dst(%dma_wait3A_184 : memref<256xi32, #tpu.memory_space<vmem>>)
          tpu.yield
        }) : () -> ()
      } else {
      }
      %dma_wait3A_150 = arith.constant 0 : i32
      %dma_wait3A_151 = arith.constant 0 : i32
      %dma_wait3A_152 = tpu.memref_slice %arg10[%dma_wait3A_150, %dma_wait3A_151] : memref<1x256xi32, #tpu.memory_space<vmem>> -> memref<1x256xi32, #tpu.memory_space<vmem>>
      %dma_wait3A_153 = tpu.memref_squeeze %dma_wait3A_152 : memref<1x256xi32, #tpu.memory_space<vmem>> -> memref<256xi32, #tpu.memory_space<vmem>>
      %dma_wait3A_154 = arith.constant 0 : i32
      %dma_wait3A_155 = arith.constant 0 : i32
      %dma_wait3A_156 = tpu.memref_slice %arg13[%dma_wait3A_154, %dma_wait3A_155] : memref<10112x32xf32, #tpu.memory_space<vmem_shared>> -> memref<10112x32xf32, #tpu.memory_space<vmem_shared>>
      tpu.wait_indirect_dma semaphore(%arg17 : memref<!tpu.dma_semaphore, #tpu.memory_space<semaphore_mem>>) src(%arg12 : memref<256x32xf32, #tpu.memory_space<vmem>>) dst(%dma_wait3A_156 : memref<10112x32xf32, #tpu.memory_space<vmem_shared>>)
      %lt3A_157 = arith.cmpi slt, %add3A_145, %select_n3A_9 : i32
      %convert_element_type3A_158 = arith.extui %lt3A_157 : i1 to i32
      %cond3A_159 = arith.constant 0 : i32
      %cond3A_160 = arith.cmpi ne, %convert_element_type3A_158, %cond3A_159 : i32
      scf.if %cond3A_160 {
        %add3A_161 = arith.addi %select_n3A, %add3A_145 : i32
        %run_scoped3A_162 = arith.constant 0 : i32
        "tpu.region"() ({
          %run_scoped3A_170 = tpu.sem_alloc : memref<!tpu.dma_semaphore, #tpu.memory_space<semaphore_mem>>
          %dma_start3A_171 = arith.constant 0 : i32
          %dma_start3A_172 = tpu.memref_slice %arg10[%run_scoped3A_162, %dma_start3A_171] : memref<1x256xi32, #tpu.memory_space<vmem>> -> memref<1x256xi32, #tpu.memory_space<vmem>>
          %dma_start3A_173 = tpu.memref_squeeze %dma_start3A_172 : memref<1x256xi32, #tpu.memory_space<vmem>> -> memref<256xi32, #tpu.memory_space<vmem>>
          %dma_start3A_174 = arith.constant 0 : i32
          %dma_start3A_175 = tpu.memref_slice %arg4[%add3A_161, %dma_start3A_174] : memref<1280x256xi32, #tpu.memory_space<hbm>> -> memref<1x256xi32, #tpu.memory_space<hbm>>
          %dma_start3A_176 = tpu.memref_squeeze %dma_start3A_175 : memref<1x256xi32, #tpu.memory_space<hbm>> -> memref<256xi32, #tpu.memory_space<hbm>>
          %dma_start3A_177 = arith.constant 0 : i32
          %dma_start3A_178 = tpu.memref_slice %arg10[%run_scoped3A_162, %dma_start3A_177] : memref<1x256xi32, #tpu.memory_space<vmem>> -> memref<1x256xi32, #tpu.memory_space<vmem>>
          %dma_start3A_179 = tpu.memref_squeeze %dma_start3A_178 : memref<1x256xi32, #tpu.memory_space<vmem>> -> memref<256xi32, #tpu.memory_space<vmem>>
          %dma_start3A_180 = arith.constant 0 : i32
          %dma_start3A_181 = tpu.memref_slice %arg4[%add3A_161, %dma_start3A_180] : memref<1280x256xi32, #tpu.memory_space<hbm>> -> memref<1x256xi32, #tpu.memory_space<hbm>>
          %dma_start3A_182 = tpu.memref_squeeze %dma_start3A_181 : memref<1x256xi32, #tpu.memory_space<hbm>> -> memref<256xi32, #tpu.memory_space<hbm>>
          tpu.enqueue_dma source(%dma_start3A_182 : memref<256xi32, #tpu.memory_space<hbm>>) target(%dma_start3A_179 : memref<256xi32, #tpu.memory_space<vmem>>) target_semaphore(%run_scoped3A_170 : memref<!tpu.dma_semaphore, #tpu.memory_space<semaphore_mem>>)
          %dma_wait3A_183 = arith.constant 0 : i32
          %dma_wait3A_184 = tpu.memref_slice %arg10[%run_scoped3A_162, %dma_wait3A_183] : memref<1x256xi32, #tpu.memory_space<vmem>> -> memref<1x256xi32, #tpu.memory_space<vmem>>
          %dma_wait3A_185 = tpu.memref_squeeze %dma_wait3A_184 : memref<1x256xi32, #tpu.memory_space<vmem>> -> memref<256xi32, #tpu.memory_space<vmem>>
          %dma_wait3A_186 = arith.constant 0 : i32
          %dma_wait3A_187 = tpu.memref_slice %arg4[%add3A_161, %dma_wait3A_186] : memref<1280x256xi32, #tpu.memory_space<hbm>> -> memref<1x256xi32, #tpu.memory_space<hbm>>
          %dma_wait3A_188 = tpu.memref_squeeze %dma_wait3A_187 : memref<1x256xi32, #tpu.memory_space<hbm>> -> memref<256xi32, #tpu.memory_space<hbm>>
          %dma_wait3A_189 = arith.constant 0 : i32
          %dma_wait3A_190 = tpu.memref_slice %arg10[%run_scoped3A_162, %dma_wait3A_189] : memref<1x256xi32, #tpu.memory_space<vmem>> -> memref<1x256xi32, #tpu.memory_space<vmem>>
          %dma_wait3A_191 = tpu.memref_squeeze %dma_wait3A_190 : memref<1x256xi32, #tpu.memory_space<vmem>> -> memref<256xi32, #tpu.memory_space<vmem>>
          %dma_wait3A_192 = arith.constant 0 : i32
          %dma_wait3A_193 = tpu.memref_slice %arg4[%add3A_161, %dma_wait3A_192] : memref<1280x256xi32, #tpu.memory_space<hbm>> -> memref<1x256xi32, #tpu.memory_space<hbm>>
          %dma_wait3A_194 = tpu.memref_squeeze %dma_wait3A_193 : memref<1x256xi32, #tpu.memory_space<hbm>> -> memref<256xi32, #tpu.memory_space<hbm>>
          tpu.wait_dma2 semaphore(%run_scoped3A_170 : memref<!tpu.dma_semaphore, #tpu.memory_space<semaphore_mem>>) src(%dma_wait3A_194 : memref<256xi32, #tpu.memory_space<hbm>>) dst(%dma_wait3A_191 : memref<256xi32, #tpu.memory_space<vmem>>)
          tpu.yield
        }) : () -> ()
        %dma_start3A_163 = arith.constant 0 : i32
        %dma_start3A_164 = arith.constant 0 : i32
        %dma_start3A_165 = tpu.memref_slice %arg8[%dma_start3A_163, %dma_start3A_164] : memref<1x256xi32, #tpu.memory_space<vmem>> -> memref<1x256xi32, #tpu.memory_space<vmem>>
        %dma_start3A_166 = tpu.memref_squeeze %dma_start3A_165 : memref<1x256xi32, #tpu.memory_space<vmem>> -> memref<256xi32, #tpu.memory_space<vmem>>
        %dma_start3A_167 = arith.constant 0 : i32
        %dma_start3A_168 = arith.constant 0 : i32
        %dma_start3A_169 = tpu.memref_slice %arg2[%dma_start3A_167, %dma_start3A_168] : memref<10000x32xf32, #tpu.memory_space<hbm>> -> memref<10000x32xf32, #tpu.memory_space<hbm>>
        tpu.enqueue_indirect_dma source(%dma_start3A_169 : memref<10000x32xf32, #tpu.memory_space<hbm>>) target(%arg12 : memref<256x32xf32, #tpu.memory_space<vmem>>) offsets(%dma_start3A_166 : memref<256xi32, #tpu.memory_space<vmem>>) semaphore(%arg15 : memref<!tpu.dma_semaphore, #tpu.memory_space<semaphore_mem>>)
      } else {
      }
    }
    %barrier3A_72 = arith.constant 0 : index
    tpu.barrier barrier_id(%barrier3A_72)
    %mul3A_73 = arith.constant 10112 : i32
    %mul3A_74 = arith.muli %arg0, %mul3A_73 : i32
    %mul3A_75 = arith.constant 632 : i32
    %mul3A_76 = arith.muli %arg1, %mul3A_75 : i32
    %add3A_77 = arith.addi %mul3A_74, %mul3A_76 : i32
    %mul3A_78 = arith.constant 632 : i32
    %mul3A_79 = arith.muli %arg1, %mul3A_78 : i32
    %add3A_80 = arith.constant 0 : i32
    %add3A_81 = arith.addi %mul3A_79, %add3A_80 : i32
    "tpu.region"() ({
      %run_scoped3A_96 = tpu.sem_alloc : memref<!tpu.dma_semaphore, #tpu.memory_space<semaphore_mem>>
      %dma_start3A_97 = arith.constant 0 : i32
      %dma_start3A_98 = arith.constant 0 : i32
      %dma_start3A_99 = tpu.memref_slice %arg11[%dma_start3A_97, %dma_start3A_98] : memref<256x32xf32, #tpu.memory_space<vmem>> -> memref<256x32xf32, #tpu.memory_space<vmem>>
      %dma_start3A_100 = arith.constant 0 : i32
      %dma_start3A_101 = tpu.memref_slice %arg13[%add3A_81, %dma_start3A_100] : memref<10112x32xf32, #tpu.memory_space<vmem_shared>> -> memref<256x32xf32, #tpu.memory_space<vmem_shared>>
      %dma_start3A_102 = arith.constant 0 : i32
      %dma_start3A_103 = arith.constant 0 : i32
      %dma_start3A_104 = tpu.memref_slice %arg11[%dma_start3A_102, %dma_start3A_103] : memref<256x32xf32, #tpu.memory_space<vmem>> -> memref<256x32xf32, #tpu.memory_space<vmem>>
      %dma_start3A_105 = arith.constant 0 : i32
      %dma_start3A_106 = tpu.memref_slice %arg13[%add3A_81, %dma_start3A_105] : memref<10112x32xf32, #tpu.memory_space<vmem_shared>> -> memref<256x32xf32, #tpu.memory_space<vmem_shared>>
      tpu.enqueue_dma source(%dma_start3A_106 : memref<256x32xf32, #tpu.memory_space<vmem_shared>>) target(%dma_start3A_104 : memref<256x32xf32, #tpu.memory_space<vmem>>) target_semaphore(%run_scoped3A_96 : memref<!tpu.dma_semaphore, #tpu.memory_space<semaphore_mem>>)
      %dma_wait3A = arith.constant 0 : i32
      %dma_wait3A_107 = arith.constant 0 : i32
      %dma_wait3A_108 = tpu.memref_slice %arg11[%dma_wait3A, %dma_wait3A_107] : memref<256x32xf32, #tpu.memory_space<vmem>> -> memref<256x32xf32, #tpu.memory_space<vmem>>
      %dma_wait3A_109 = arith.constant 0 : i32
      %dma_wait3A_110 = tpu.memref_slice %arg13[%add3A_81, %dma_wait3A_109] : memref<10112x32xf32, #tpu.memory_space<vmem_shared>> -> memref<256x32xf32, #tpu.memory_space<vmem_shared>>
      %dma_wait3A_111 = arith.constant 0 : i32
      %dma_wait3A_112 = arith.constant 0 : i32
      %dma_wait3A_113 = tpu.memref_slice %arg11[%dma_wait3A_111, %dma_wait3A_112] : memref<256x32xf32, #tpu.memory_space<vmem>> -> memref<256x32xf32, #tpu.memory_space<vmem>>
      %dma_wait3A_114 = arith.constant 0 : i32
      %dma_wait3A_115 = tpu.memref_slice %arg13[%add3A_81, %dma_wait3A_114] : memref<10112x32xf32, #tpu.memory_space<vmem_shared>> -> memref<256x32xf32, #tpu.memory_space<vmem_shared>>
      tpu.wait_dma2 semaphore(%run_scoped3A_96 : memref<!tpu.dma_semaphore, #tpu.memory_space<semaphore_mem>>) src(%dma_wait3A_115 : memref<256x32xf32, #tpu.memory_space<vmem_shared>>) dst(%dma_wait3A_113 : memref<256x32xf32, #tpu.memory_space<vmem>>)
      tpu.yield
    }) : () -> ()
    %add3A_82 = arith.constant 0 : i32
    %add3A_83 = arith.addi %add3A_77, %add3A_82 : i32
    "tpu.region"() ({
      %run_scoped3A_96 = tpu.sem_alloc : memref<!tpu.dma_semaphore, #tpu.memory_space<semaphore_mem>>
      %dma_start3A_97 = arith.constant 0 : i32
      %dma_start3A_98 = arith.constant 0 : i32
      %dma_start3A_99 = tpu.memref_slice %arg11[%dma_start3A_97, %dma_start3A_98] : memref<256x32xf32, #tpu.memory_space<vmem>> -> memref<256x32xf32, #tpu.memory_space<vmem>>
      %dma_start3A_100 = arith.constant 0 : i32
      %dma_start3A_101 = tpu.memref_slice %arg6[%add3A_83, %dma_start3A_100] : memref<20224x32xf32, #tpu.memory_space<hbm>> -> memref<256x32xf32, #tpu.memory_space<hbm>>
      %dma_start3A_102 = arith.constant 0 : i32
      %dma_start3A_103 = tpu.memref_slice %arg6[%add3A_83, %dma_start3A_102] : memref<20224x32xf32, #tpu.memory_space<hbm>> -> memref<256x32xf32, #tpu.memory_space<hbm>>
      %dma_start3A_104 = arith.constant 0 : i32
      %dma_start3A_105 = arith.constant 0 : i32
      %dma_start3A_106 = tpu.memref_slice %arg11[%dma_start3A_104, %dma_start3A_105] : memref<256x32xf32, #tpu.memory_space<vmem>> -> memref<256x32xf32, #tpu.memory_space<vmem>>
      tpu.enqueue_dma source(%dma_start3A_106 : memref<256x32xf32, #tpu.memory_space<vmem>>) target(%dma_start3A_103 : memref<256x32xf32, #tpu.memory_space<hbm>>) target_semaphore(%run_scoped3A_96 : memref<!tpu.dma_semaphore, #tpu.memory_space<semaphore_mem>>)
      %dma_wait3A = arith.constant 0 : i32
      %dma_wait3A_107 = arith.constant 0 : i32
      %dma_wait3A_108 = tpu.memref_slice %arg11[%dma_wait3A, %dma_wait3A_107] : memref<256x32xf32, #tpu.memory_space<vmem>> -> memref<256x32xf32, #tpu.memory_space<vmem>>
      %dma_wait3A_109 = arith.constant 0 : i32
      %dma_wait3A_110 = tpu.memref_slice %arg6[%add3A_83, %dma_wait3A_109] : memref<20224x32xf32, #tpu.memory_space<hbm>> -> memref<256x32xf32, #tpu.memory_space<hbm>>
      %dma_wait3A_111 = arith.constant 0 : i32
      %dma_wait3A_112 = tpu.memref_slice %arg6[%add3A_83, %dma_wait3A_111] : memref<20224x32xf32, #tpu.memory_space<hbm>> -> memref<256x32xf32, #tpu.memory_space<hbm>>
      %dma_wait3A_113 = arith.constant 0 : i32
      %dma_wait3A_114 = arith.constant 0 : i32
      %dma_wait3A_115 = tpu.memref_slice %arg11[%dma_wait3A_113, %dma_wait3A_114] : memref<256x32xf32, #tpu.memory_space<vmem>> -> memref<256x32xf32, #tpu.memory_space<vmem>>
      tpu.wait_dma2 semaphore(%run_scoped3A_96 : memref<!tpu.dma_semaphore, #tpu.memory_space<semaphore_mem>>) src(%dma_wait3A_115 : memref<256x32xf32, #tpu.memory_space<vmem>>) dst(%dma_wait3A_112 : memref<256x32xf32, #tpu.memory_space<hbm>>)
      tpu.yield
    }) : () -> ()
    %mul3A_84 = arith.constant 632 : i32
    %mul3A_85 = arith.muli %arg1, %mul3A_84 : i32
    %add3A_86 = arith.constant 256 : i32
    %add3A_87 = arith.addi %mul3A_85, %add3A_86 : i32
    "tpu.region"() ({
      %run_scoped3A_96 = tpu.sem_alloc : memref<!tpu.dma_semaphore, #tpu.memory_space<semaphore_mem>>
      %dma_start3A_97 = arith.constant 0 : i32
      %dma_start3A_98 = arith.constant 0 : i32
      %dma_start3A_99 = tpu.memref_slice %arg11[%dma_start3A_97, %dma_start3A_98] : memref<256x32xf32, #tpu.memory_space<vmem>> -> memref<256x32xf32, #tpu.memory_space<vmem>>
      %dma_start3A_100 = arith.constant 0 : i32
      %dma_start3A_101 = tpu.memref_slice %arg13[%add3A_87, %dma_start3A_100] : memref<10112x32xf32, #tpu.memory_space<vmem_shared>> -> memref<256x32xf32, #tpu.memory_space<vmem_shared>>
      %dma_start3A_102 = arith.constant 0 : i32
      %dma_start3A_103 = arith.constant 0 : i32
      %dma_start3A_104 = tpu.memref_slice %arg11[%dma_start3A_102, %dma_start3A_103] : memref<256x32xf32, #tpu.memory_space<vmem>> -> memref<256x32xf32, #tpu.memory_space<vmem>>
      %dma_start3A_105 = arith.constant 0 : i32
      %dma_start3A_106 = tpu.memref_slice %arg13[%add3A_87, %dma_start3A_105] : memref<10112x32xf32, #tpu.memory_space<vmem_shared>> -> memref<256x32xf32, #tpu.memory_space<vmem_shared>>
      tpu.enqueue_dma source(%dma_start3A_106 : memref<256x32xf32, #tpu.memory_space<vmem_shared>>) target(%dma_start3A_104 : memref<256x32xf32, #tpu.memory_space<vmem>>) target_semaphore(%run_scoped3A_96 : memref<!tpu.dma_semaphore, #tpu.memory_space<semaphore_mem>>)
      %dma_wait3A = arith.constant 0 : i32
      %dma_wait3A_107 = arith.constant 0 : i32
      %dma_wait3A_108 = tpu.memref_slice %arg11[%dma_wait3A, %dma_wait3A_107] : memref<256x32xf32, #tpu.memory_space<vmem>> -> memref<256x32xf32, #tpu.memory_space<vmem>>
      %dma_wait3A_109 = arith.constant 0 : i32
      %dma_wait3A_110 = tpu.memref_slice %arg13[%add3A_87, %dma_wait3A_109] : memref<10112x32xf32, #tpu.memory_space<vmem_shared>> -> memref<256x32xf32, #tpu.memory_space<vmem_shared>>
      %dma_wait3A_111 = arith.constant 0 : i32
      %dma_wait3A_112 = arith.constant 0 : i32
      %dma_wait3A_113 = tpu.memref_slice %arg11[%dma_wait3A_111, %dma_wait3A_112] : memref<256x32xf32, #tpu.memory_space<vmem>> -> memref<256x32xf32, #tpu.memory_space<vmem>>
      %dma_wait3A_114 = arith.constant 0 : i32
      %dma_wait3A_115 = tpu.memref_slice %arg13[%add3A_87, %dma_wait3A_114] : memref<10112x32xf32, #tpu.memory_space<vmem_shared>> -> memref<256x32xf32, #tpu.memory_space<vmem_shared>>
      tpu.wait_dma2 semaphore(%run_scoped3A_96 : memref<!tpu.dma_semaphore, #tpu.memory_space<semaphore_mem>>) src(%dma_wait3A_115 : memref<256x32xf32, #tpu.memory_space<vmem_shared>>) dst(%dma_wait3A_113 : memref<256x32xf32, #tpu.memory_space<vmem>>)
      tpu.yield
    }) : () -> ()
    %add3A_88 = arith.constant 256 : i32
    %add3A_89 = arith.addi %add3A_77, %add3A_88 : i32
    "tpu.region"() ({
      %run_scoped3A_96 = tpu.sem_alloc : memref<!tpu.dma_semaphore, #tpu.memory_space<semaphore_mem>>
      %dma_start3A_97 = arith.constant 0 : i32
      %dma_start3A_98 = arith.constant 0 : i32
      %dma_start3A_99 = tpu.memref_slice %arg11[%dma_start3A_97, %dma_start3A_98] : memref<256x32xf32, #tpu.memory_space<vmem>> -> memref<256x32xf32, #tpu.memory_space<vmem>>
      %dma_start3A_100 = arith.constant 0 : i32
      %dma_start3A_101 = tpu.memref_slice %arg6[%add3A_89, %dma_start3A_100] : memref<20224x32xf32, #tpu.memory_space<hbm>> -> memref<256x32xf32, #tpu.memory_space<hbm>>
      %dma_start3A_102 = arith.constant 0 : i32
      %dma_start3A_103 = tpu.memref_slice %arg6[%add3A_89, %dma_start3A_102] : memref<20224x32xf32, #tpu.memory_space<hbm>> -> memref<256x32xf32, #tpu.memory_space<hbm>>
      %dma_start3A_104 = arith.constant 0 : i32
      %dma_start3A_105 = arith.constant 0 : i32
      %dma_start3A_106 = tpu.memref_slice %arg11[%dma_start3A_104, %dma_start3A_105] : memref<256x32xf32, #tpu.memory_space<vmem>> -> memref<256x32xf32, #tpu.memory_space<vmem>>
      tpu.enqueue_dma source(%dma_start3A_106 : memref<256x32xf32, #tpu.memory_space<vmem>>) target(%dma_start3A_103 : memref<256x32xf32, #tpu.memory_space<hbm>>) target_semaphore(%run_scoped3A_96 : memref<!tpu.dma_semaphore, #tpu.memory_space<semaphore_mem>>)
      %dma_wait3A = arith.constant 0 : i32
      %dma_wait3A_107 = arith.constant 0 : i32
      %dma_wait3A_108 = tpu.memref_slice %arg11[%dma_wait3A, %dma_wait3A_107] : memref<256x32xf32, #tpu.memory_space<vmem>> -> memref<256x32xf32, #tpu.memory_space<vmem>>
      %dma_wait3A_109 = arith.constant 0 : i32
      %dma_wait3A_110 = tpu.memref_slice %arg6[%add3A_89, %dma_wait3A_109] : memref<20224x32xf32, #tpu.memory_space<hbm>> -> memref<256x32xf32, #tpu.memory_space<hbm>>
      %dma_wait3A_111 = arith.constant 0 : i32
      %dma_wait3A_112 = tpu.memref_slice %arg6[%add3A_89, %dma_wait3A_111] : memref<20224x32xf32, #tpu.memory_space<hbm>> -> memref<256x32xf32, #tpu.memory_space<hbm>>
      %dma_wait3A_113 = arith.constant 0 : i32
      %dma_wait3A_114 = arith.constant 0 : i32
      %dma_wait3A_115 = tpu.memref_slice %arg11[%dma_wait3A_113, %dma_wait3A_114] : memref<256x32xf32, #tpu.memory_space<vmem>> -> memref<256x32xf32, #tpu.memory_space<vmem>>
      tpu.wait_dma2 semaphore(%run_scoped3A_96 : memref<!tpu.dma_semaphore, #tpu.memory_space<semaphore_mem>>) src(%dma_wait3A_115 : memref<256x32xf32, #tpu.memory_space<vmem>>) dst(%dma_wait3A_112 : memref<256x32xf32, #tpu.memory_space<hbm>>)
      tpu.yield
    }) : () -> ()
    %mul3A_90 = arith.constant 632 : i32
    %mul3A_91 = arith.muli %arg1, %mul3A_90 : i32
    %add3A_92 = arith.constant 512 : i32
    %add3A_93 = arith.addi %mul3A_91, %add3A_92 : i32
    "tpu.region"() ({
      %run_scoped3A_96 = tpu.sem_alloc : memref<!tpu.dma_semaphore, #tpu.memory_space<semaphore_mem>>
      %dma_start3A_97 = arith.constant 0 : i32
      %dma_start3A_98 = arith.constant 0 : i32
      %dma_start3A_99 = tpu.memref_slice %arg11[%dma_start3A_97, %dma_start3A_98] : memref<256x32xf32, #tpu.memory_space<vmem>> -> memref<120x32xf32, #tpu.memory_space<vmem>>
      %dma_start3A_100 = arith.constant 0 : i32
      %dma_start3A_101 = tpu.memref_slice %arg13[%add3A_93, %dma_start3A_100] : memref<10112x32xf32, #tpu.memory_space<vmem_shared>> -> memref<120x32xf32, #tpu.memory_space<vmem_shared>>
      %dma_start3A_102 = arith.constant 0 : i32
      %dma_start3A_103 = arith.constant 0 : i32
      %dma_start3A_104 = tpu.memref_slice %arg11[%dma_start3A_102, %dma_start3A_103] : memref<256x32xf32, #tpu.memory_space<vmem>> -> memref<120x32xf32, #tpu.memory_space<vmem>>
      %dma_start3A_105 = arith.constant 0 : i32
      %dma_start3A_106 = tpu.memref_slice %arg13[%add3A_93, %dma_start3A_105] : memref<10112x32xf32, #tpu.memory_space<vmem_shared>> -> memref<120x32xf32, #tpu.memory_space<vmem_shared>>
      tpu.enqueue_dma source(%dma_start3A_106 : memref<120x32xf32, #tpu.memory_space<vmem_shared>>) target(%dma_start3A_104 : memref<120x32xf32, #tpu.memory_space<vmem>>) target_semaphore(%run_scoped3A_96 : memref<!tpu.dma_semaphore, #tpu.memory_space<semaphore_mem>>)
      %dma_wait3A = arith.constant 0 : i32
      %dma_wait3A_107 = arith.constant 0 : i32
      %dma_wait3A_108 = tpu.memref_slice %arg11[%dma_wait3A, %dma_wait3A_107] : memref<256x32xf32, #tpu.memory_space<vmem>> -> memref<120x32xf32, #tpu.memory_space<vmem>>
      %dma_wait3A_109 = arith.constant 0 : i32
      %dma_wait3A_110 = tpu.memref_slice %arg13[%add3A_93, %dma_wait3A_109] : memref<10112x32xf32, #tpu.memory_space<vmem_shared>> -> memref<120x32xf32, #tpu.memory_space<vmem_shared>>
      %dma_wait3A_111 = arith.constant 0 : i32
      %dma_wait3A_112 = arith.constant 0 : i32
      %dma_wait3A_113 = tpu.memref_slice %arg11[%dma_wait3A_111, %dma_wait3A_112] : memref<256x32xf32, #tpu.memory_space<vmem>> -> memref<120x32xf32, #tpu.memory_space<vmem>>
      %dma_wait3A_114 = arith.constant 0 : i32
      %dma_wait3A_115 = tpu.memref_slice %arg13[%add3A_93, %dma_wait3A_114] : memref<10112x32xf32, #tpu.memory_space<vmem_shared>> -> memref<120x32xf32, #tpu.memory_space<vmem_shared>>
      tpu.wait_dma2 semaphore(%run_scoped3A_96 : memref<!tpu.dma_semaphore, #tpu.memory_space<semaphore_mem>>) src(%dma_wait3A_115 : memref<120x32xf32, #tpu.memory_space<vmem_shared>>) dst(%dma_wait3A_113 : memref<120x32xf32, #tpu.memory_space<vmem>>)
      tpu.yield
    }) : () -> ()
    %add3A_94 = arith.constant 512 : i32
    %add3A_95 = arith.addi %add3A_77, %add3A_94 : i32
    "tpu.region"() ({
      %run_scoped3A_96 = tpu.sem_alloc : memref<!tpu.dma_semaphore, #tpu.memory_space<semaphore_mem>>
      %dma_start3A_97 = arith.constant 0 : i32
      %dma_start3A_98 = arith.constant 0 : i32
      %dma_start3A_99 = tpu.memref_slice %arg11[%dma_start3A_97, %dma_start3A_98] : memref<256x32xf32, #tpu.memory_space<vmem>> -> memref<120x32xf32, #tpu.memory_space<vmem>>
      %dma_start3A_100 = arith.constant 0 : i32
      %dma_start3A_101 = tpu.memref_slice %arg6[%add3A_95, %dma_start3A_100] : memref<20224x32xf32, #tpu.memory_space<hbm>> -> memref<120x32xf32, #tpu.memory_space<hbm>>
      %dma_start3A_102 = arith.constant 0 : i32
      %dma_start3A_103 = tpu.memref_slice %arg6[%add3A_95, %dma_start3A_102] : memref<20224x32xf32, #tpu.memory_space<hbm>> -> memref<120x32xf32, #tpu.memory_space<hbm>>
      %dma_start3A_104 = arith.constant 0 : i32
      %dma_start3A_105 = arith.constant 0 : i32
      %dma_start3A_106 = tpu.memref_slice %arg11[%dma_start3A_104, %dma_start3A_105] : memref<256x32xf32, #tpu.memory_space<vmem>> -> memref<120x32xf32, #tpu.memory_space<vmem>>
      tpu.enqueue_dma source(%dma_start3A_106 : memref<120x32xf32, #tpu.memory_space<vmem>>) target(%dma_start3A_103 : memref<120x32xf32, #tpu.memory_space<hbm>>) target_semaphore(%run_scoped3A_96 : memref<!tpu.dma_semaphore, #tpu.memory_space<semaphore_mem>>)
      %dma_wait3A = arith.constant 0 : i32
      %dma_wait3A_107 = arith.constant 0 : i32
      %dma_wait3A_108 = tpu.memref_slice %arg11[%dma_wait3A, %dma_wait3A_107] : memref<256x32xf32, #tpu.memory_space<vmem>> -> memref<120x32xf32, #tpu.memory_space<vmem>>
      %dma_wait3A_109 = arith.constant 0 : i32
      %dma_wait3A_110 = tpu.memref_slice %arg6[%add3A_95, %dma_wait3A_109] : memref<20224x32xf32, #tpu.memory_space<hbm>> -> memref<120x32xf32, #tpu.memory_space<hbm>>
      %dma_wait3A_111 = arith.constant 0 : i32
      %dma_wait3A_112 = tpu.memref_slice %arg6[%add3A_95, %dma_wait3A_111] : memref<20224x32xf32, #tpu.memory_space<hbm>> -> memref<120x32xf32, #tpu.memory_space<hbm>>
      %dma_wait3A_113 = arith.constant 0 : i32
      %dma_wait3A_114 = arith.constant 0 : i32
      %dma_wait3A_115 = tpu.memref_slice %arg11[%dma_wait3A_113, %dma_wait3A_114] : memref<256x32xf32, #tpu.memory_space<vmem>> -> memref<120x32xf32, #tpu.memory_space<vmem>>
      tpu.wait_dma2 semaphore(%run_scoped3A_96 : memref<!tpu.dma_semaphore, #tpu.memory_space<semaphore_mem>>) src(%dma_wait3A_115 : memref<120x32xf32, #tpu.memory_space<vmem>>) dst(%dma_wait3A_112 : memref<120x32xf32, #tpu.memory_space<hbm>>)
      tpu.yield
    }) : () -> ()
    return
  }
}

#map = affine_map<(d0, d1) -> (0, 0)>
module attributes {stable_mosaic.version = 14 : i64} {
  func.func @body(%arg0: i32, %arg1: i32, %arg2: memref<10000x128xf32, #tpu.memory_space<hbm>>, %arg3: memref<2560x128xi32, #tpu.memory_space<hbm>>, %arg4: memref<2560x128xi32, #tpu.memory_space<hbm>>, %arg5: memref<128x128xf32, #tpu.memory_space<hbm>>, %arg6: memref<128x8xf32, #tpu.memory_space<hbm>>, %arg7: memref<128x8xf32, #tpu.memory_space<hbm>>, %arg8: memref<20224x128xf32, #tpu.memory_space<hbm>>, %arg9: memref<20224x8xf32, #tpu.memory_space<hbm>>, %arg10: memref<1x128xi32, #tpu.memory_space<vmem>>, %arg11: memref<1x128xi32, #tpu.memory_space<vmem>>, %arg12: memref<1x128xi32, #tpu.memory_space<vmem>>, %arg13: memref<1x128xi32, #tpu.memory_space<vmem>>, %arg14: memref<128x128xf32, #tpu.memory_space<vmem>>, %arg15: memref<128x128xf32, #tpu.memory_space<vmem>>, %arg16: memref<128x8xf32, #tpu.memory_space<vmem>>, %arg17: memref<10112x128xf32, #tpu.memory_space<vmem_shared>>, %arg18: memref<10112x8xf32, #tpu.memory_space<vmem_shared>>, %arg19: memref<!tpu.dma_semaphore, #tpu.memory_space<semaphore_mem>>, %arg20: memref<!tpu.dma_semaphore, #tpu.memory_space<semaphore_mem>>, %arg21: memref<!tpu.dma_semaphore, #tpu.memory_space<semaphore_mem>>, %arg22: memref<!tpu.dma_semaphore, #tpu.memory_space<semaphore_mem>>) attributes {dimension_semantics = [#tpu.dimension_semantics<core_parallel>, #tpu.dimension_semantics<subcore_parallel>], iteration_bounds = array<i64: 2, 16>, scalar_prefetch = 0 : i64, scratch_operands = 13 : i64, tpu.core_type = #tpu.core_type<sc_vector_subcore>, window_params = [{transform_indices = #map}, {transform_indices = #map}, {transform_indices = #map}, {transform_indices = #map}, {transform_indices = #map}, {transform_indices = #map}, {transform_indices = #map}, {transform_indices = #map}]} {
    %eq3A = arith.constant 0 : i32
    %eq3A_0 = arith.cmpi eq, %arg0, %eq3A : i32
    %mul3A = arith.constant 112 : i32
    %mul3A_1 = arith.muli %arg1, %mul3A : i32
    %mul3A_2 = arith.constant 48 : i32
    %mul3A_3 = arith.muli %arg1, %mul3A_2 : i32
    %add3A = arith.constant 1792 : i32
    %add3A_4 = arith.addi %add3A, %mul3A_3 : i32
    %select_n3A = arith.select %eq3A_0, %mul3A_1, %add3A_4 : i32
    %eq3A_5 = arith.constant 0 : i32
    %eq3A_6 = arith.cmpi eq, %arg0, %eq3A_5 : i32
    %select_n3A_7 = arith.constant 48 : i32
    %select_n3A_8 = arith.constant 112 : i32
    %select_n3A_9 = arith.select %eq3A_6, %select_n3A_8, %select_n3A_7 : i32
    "tpu.region"() ({
      %run_scoped3A_166 = tpu.sem_alloc : memref<!tpu.dma_semaphore, #tpu.memory_space<semaphore_mem>>
      %dma_start3A_167 = arith.constant 0 : i32
      %dma_start3A_168 = arith.constant 0 : i32
      %dma_start3A_169 = tpu.memref_slice %arg5[%dma_start3A_167, %dma_start3A_168] : memref<128x128xf32, #tpu.memory_space<hbm>> -> memref<128x128xf32, #tpu.memory_space<hbm>>
      %dma_start3A_170 = arith.constant 0 : i32
      %dma_start3A_171 = arith.constant 0 : i32
      %dma_start3A_172 = tpu.memref_slice %arg5[%dma_start3A_170, %dma_start3A_171] : memref<128x128xf32, #tpu.memory_space<hbm>> -> memref<128x128xf32, #tpu.memory_space<hbm>>
      tpu.enqueue_dma source(%dma_start3A_172 : memref<128x128xf32, #tpu.memory_space<hbm>>) target(%arg14 : memref<128x128xf32, #tpu.memory_space<vmem>>) target_semaphore(%run_scoped3A_166 : memref<!tpu.dma_semaphore, #tpu.memory_space<semaphore_mem>>)
      %dma_wait3A = arith.constant 0 : i32
      %dma_wait3A_173 = arith.constant 0 : i32
      %dma_wait3A_174 = tpu.memref_slice %arg5[%dma_wait3A, %dma_wait3A_173] : memref<128x128xf32, #tpu.memory_space<hbm>> -> memref<128x128xf32, #tpu.memory_space<hbm>>
      %dma_wait3A_175 = arith.constant 0 : i32
      %dma_wait3A_176 = arith.constant 0 : i32
      %dma_wait3A_177 = tpu.memref_slice %arg5[%dma_wait3A_175, %dma_wait3A_176] : memref<128x128xf32, #tpu.memory_space<hbm>> -> memref<128x128xf32, #tpu.memory_space<hbm>>
      tpu.wait_dma2 semaphore(%run_scoped3A_166 : memref<!tpu.dma_semaphore, #tpu.memory_space<semaphore_mem>>) src(%dma_wait3A_177 : memref<128x128xf32, #tpu.memory_space<hbm>>) dst(%arg14 : memref<128x128xf32, #tpu.memory_space<vmem>>)
      tpu.yield
    }) : () -> ()
    "tpu.region"() ({
      %run_scoped3A_166 = tpu.sem_alloc : memref<!tpu.dma_semaphore, #tpu.memory_space<semaphore_mem>>
      %dma_start3A_167 = arith.constant 0 : i32
      %dma_start3A_168 = arith.constant 0 : i32
      %dma_start3A_169 = tpu.memref_slice %arg6[%dma_start3A_167, %dma_start3A_168] : memref<128x8xf32, #tpu.memory_space<hbm>> -> memref<128x8xf32, #tpu.memory_space<hbm>>
      %dma_start3A_170 = arith.constant 0 : i32
      %dma_start3A_171 = arith.constant 0 : i32
      %dma_start3A_172 = tpu.memref_slice %arg6[%dma_start3A_170, %dma_start3A_171] : memref<128x8xf32, #tpu.memory_space<hbm>> -> memref<128x8xf32, #tpu.memory_space<hbm>>
      tpu.enqueue_dma source(%dma_start3A_172 : memref<128x8xf32, #tpu.memory_space<hbm>>) target(%arg16 : memref<128x8xf32, #tpu.memory_space<vmem>>) target_semaphore(%run_scoped3A_166 : memref<!tpu.dma_semaphore, #tpu.memory_space<semaphore_mem>>)
      %dma_wait3A = arith.constant 0 : i32
      %dma_wait3A_173 = arith.constant 0 : i32
      %dma_wait3A_174 = tpu.memref_slice %arg6[%dma_wait3A, %dma_wait3A_173] : memref<128x8xf32, #tpu.memory_space<hbm>> -> memref<128x8xf32, #tpu.memory_space<hbm>>
      %dma_wait3A_175 = arith.constant 0 : i32
      %dma_wait3A_176 = arith.constant 0 : i32
      %dma_wait3A_177 = tpu.memref_slice %arg6[%dma_wait3A_175, %dma_wait3A_176] : memref<128x8xf32, #tpu.memory_space<hbm>> -> memref<128x8xf32, #tpu.memory_space<hbm>>
      tpu.wait_dma2 semaphore(%run_scoped3A_166 : memref<!tpu.dma_semaphore, #tpu.memory_space<semaphore_mem>>) src(%dma_wait3A_177 : memref<128x8xf32, #tpu.memory_space<hbm>>) dst(%arg16 : memref<128x8xf32, #tpu.memory_space<vmem>>)
      tpu.yield
    }) : () -> ()
    %mul3A_10 = arith.constant 632 : i32
    %mul3A_11 = arith.muli %arg1, %mul3A_10 : i32
    %add3A_12 = arith.constant 0 : i32
    %add3A_13 = arith.addi %mul3A_11, %add3A_12 : i32
    "tpu.region"() ({
      %run_scoped3A_166 = tpu.sem_alloc : memref<!tpu.dma_semaphore, #tpu.memory_space<semaphore_mem>>
      %dma_start3A_167 = arith.constant 0 : i32
      %dma_start3A_168 = arith.constant 0 : i32
      %dma_start3A_169 = tpu.memref_slice %arg14[%dma_start3A_167, %dma_start3A_168] : memref<128x128xf32, #tpu.memory_space<vmem>> -> memref<128x128xf32, #tpu.memory_space<vmem>>
      %dma_start3A_170 = arith.constant 0 : i32
      %dma_start3A_171 = tpu.memref_slice %arg17[%add3A_13, %dma_start3A_170] : memref<10112x128xf32, #tpu.memory_space<vmem_shared>> -> memref<128x128xf32, #tpu.memory_space<vmem_shared>>
      %dma_start3A_172 = arith.constant 0 : i32
      %dma_start3A_173 = tpu.memref_slice %arg17[%add3A_13, %dma_start3A_172] : memref<10112x128xf32, #tpu.memory_space<vmem_shared>> -> memref<128x128xf32, #tpu.memory_space<vmem_shared>>
      %dma_start3A_174 = arith.constant 0 : i32
      %dma_start3A_175 = arith.constant 0 : i32
      %dma_start3A_176 = tpu.memref_slice %arg14[%dma_start3A_174, %dma_start3A_175] : memref<128x128xf32, #tpu.memory_space<vmem>> -> memref<128x128xf32, #tpu.memory_space<vmem>>
      tpu.enqueue_dma source(%dma_start3A_176 : memref<128x128xf32, #tpu.memory_space<vmem>>) target(%dma_start3A_173 : memref<128x128xf32, #tpu.memory_space<vmem_shared>>) target_semaphore(%run_scoped3A_166 : memref<!tpu.dma_semaphore, #tpu.memory_space<semaphore_mem>>)
      %dma_wait3A = arith.constant 0 : i32
      %dma_wait3A_177 = arith.constant 0 : i32
      %dma_wait3A_178 = tpu.memref_slice %arg14[%dma_wait3A, %dma_wait3A_177] : memref<128x128xf32, #tpu.memory_space<vmem>> -> memref<128x128xf32, #tpu.memory_space<vmem>>
      %dma_wait3A_179 = arith.constant 0 : i32
      %dma_wait3A_180 = tpu.memref_slice %arg17[%add3A_13, %dma_wait3A_179] : memref<10112x128xf32, #tpu.memory_space<vmem_shared>> -> memref<128x128xf32, #tpu.memory_space<vmem_shared>>
      %dma_wait3A_181 = arith.constant 0 : i32
      %dma_wait3A_182 = tpu.memref_slice %arg17[%add3A_13, %dma_wait3A_181] : memref<10112x128xf32, #tpu.memory_space<vmem_shared>> -> memref<128x128xf32, #tpu.memory_space<vmem_shared>>
      %dma_wait3A_183 = arith.constant 0 : i32
      %dma_wait3A_184 = arith.constant 0 : i32
      %dma_wait3A_185 = tpu.memref_slice %arg14[%dma_wait3A_183, %dma_wait3A_184] : memref<128x128xf32, #tpu.memory_space<vmem>> -> memref<128x128xf32, #tpu.memory_space<vmem>>
      tpu.wait_dma2 semaphore(%run_scoped3A_166 : memref<!tpu.dma_semaphore, #tpu.memory_space<semaphore_mem>>) src(%dma_wait3A_185 : memref<128x128xf32, #tpu.memory_space<vmem>>) dst(%dma_wait3A_182 : memref<128x128xf32, #tpu.memory_space<vmem_shared>>)
      tpu.yield
    }) : () -> ()
    %mul3A_14 = arith.constant 632 : i32
    %mul3A_15 = arith.muli %arg1, %mul3A_14 : i32
    %add3A_16 = arith.constant 0 : i32
    %add3A_17 = arith.addi %mul3A_15, %add3A_16 : i32
    "tpu.region"() ({
      %run_scoped3A_166 = tpu.sem_alloc : memref<!tpu.dma_semaphore, #tpu.memory_space<semaphore_mem>>
      %dma_start3A_167 = arith.constant 0 : i32
      %dma_start3A_168 = arith.constant 0 : i32
      %dma_start3A_169 = tpu.memref_slice %arg16[%dma_start3A_167, %dma_start3A_168] : memref<128x8xf32, #tpu.memory_space<vmem>> -> memref<128x8xf32, #tpu.memory_space<vmem>>
      %dma_start3A_170 = arith.constant 0 : i32
      %dma_start3A_171 = tpu.memref_slice %arg18[%add3A_17, %dma_start3A_170] : memref<10112x8xf32, #tpu.memory_space<vmem_shared>> -> memref<128x8xf32, #tpu.memory_space<vmem_shared>>
      %dma_start3A_172 = arith.constant 0 : i32
      %dma_start3A_173 = tpu.memref_slice %arg18[%add3A_17, %dma_start3A_172] : memref<10112x8xf32, #tpu.memory_space<vmem_shared>> -> memref<128x8xf32, #tpu.memory_space<vmem_shared>>
      %dma_start3A_174 = arith.constant 0 : i32
      %dma_start3A_175 = arith.constant 0 : i32
      %dma_start3A_176 = tpu.memref_slice %arg16[%dma_start3A_174, %dma_start3A_175] : memref<128x8xf32, #tpu.memory_space<vmem>> -> memref<128x8xf32, #tpu.memory_space<vmem>>
      tpu.enqueue_dma source(%dma_start3A_176 : memref<128x8xf32, #tpu.memory_space<vmem>>) target(%dma_start3A_173 : memref<128x8xf32, #tpu.memory_space<vmem_shared>>) target_semaphore(%run_scoped3A_166 : memref<!tpu.dma_semaphore, #tpu.memory_space<semaphore_mem>>)
      %dma_wait3A = arith.constant 0 : i32
      %dma_wait3A_177 = arith.constant 0 : i32
      %dma_wait3A_178 = tpu.memref_slice %arg16[%dma_wait3A, %dma_wait3A_177] : memref<128x8xf32, #tpu.memory_space<vmem>> -> memref<128x8xf32, #tpu.memory_space<vmem>>
      %dma_wait3A_179 = arith.constant 0 : i32
      %dma_wait3A_180 = tpu.memref_slice %arg18[%add3A_17, %dma_wait3A_179] : memref<10112x8xf32, #tpu.memory_space<vmem_shared>> -> memref<128x8xf32, #tpu.memory_space<vmem_shared>>
      %dma_wait3A_181 = arith.constant 0 : i32
      %dma_wait3A_182 = tpu.memref_slice %arg18[%add3A_17, %dma_wait3A_181] : memref<10112x8xf32, #tpu.memory_space<vmem_shared>> -> memref<128x8xf32, #tpu.memory_space<vmem_shared>>
      %dma_wait3A_183 = arith.constant 0 : i32
      %dma_wait3A_184 = arith.constant 0 : i32
      %dma_wait3A_185 = tpu.memref_slice %arg16[%dma_wait3A_183, %dma_wait3A_184] : memref<128x8xf32, #tpu.memory_space<vmem>> -> memref<128x8xf32, #tpu.memory_space<vmem>>
      tpu.wait_dma2 semaphore(%run_scoped3A_166 : memref<!tpu.dma_semaphore, #tpu.memory_space<semaphore_mem>>) src(%dma_wait3A_185 : memref<128x8xf32, #tpu.memory_space<vmem>>) dst(%dma_wait3A_182 : memref<128x8xf32, #tpu.memory_space<vmem_shared>>)
      tpu.yield
    }) : () -> ()
    %mul3A_18 = arith.constant 632 : i32
    %mul3A_19 = arith.muli %arg1, %mul3A_18 : i32
    %add3A_20 = arith.constant 128 : i32
    %add3A_21 = arith.addi %mul3A_19, %add3A_20 : i32
    "tpu.region"() ({
      %run_scoped3A_166 = tpu.sem_alloc : memref<!tpu.dma_semaphore, #tpu.memory_space<semaphore_mem>>
      %dma_start3A_167 = arith.constant 0 : i32
      %dma_start3A_168 = arith.constant 0 : i32
      %dma_start3A_169 = tpu.memref_slice %arg14[%dma_start3A_167, %dma_start3A_168] : memref<128x128xf32, #tpu.memory_space<vmem>> -> memref<128x128xf32, #tpu.memory_space<vmem>>
      %dma_start3A_170 = arith.constant 0 : i32
      %dma_start3A_171 = tpu.memref_slice %arg17[%add3A_21, %dma_start3A_170] : memref<10112x128xf32, #tpu.memory_space<vmem_shared>> -> memref<128x128xf32, #tpu.memory_space<vmem_shared>>
      %dma_start3A_172 = arith.constant 0 : i32
      %dma_start3A_173 = tpu.memref_slice %arg17[%add3A_21, %dma_start3A_172] : memref<10112x128xf32, #tpu.memory_space<vmem_shared>> -> memref<128x128xf32, #tpu.memory_space<vmem_shared>>
      %dma_start3A_174 = arith.constant 0 : i32
      %dma_start3A_175 = arith.constant 0 : i32
      %dma_start3A_176 = tpu.memref_slice %arg14[%dma_start3A_174, %dma_start3A_175] : memref<128x128xf32, #tpu.memory_space<vmem>> -> memref<128x128xf32, #tpu.memory_space<vmem>>
      tpu.enqueue_dma source(%dma_start3A_176 : memref<128x128xf32, #tpu.memory_space<vmem>>) target(%dma_start3A_173 : memref<128x128xf32, #tpu.memory_space<vmem_shared>>) target_semaphore(%run_scoped3A_166 : memref<!tpu.dma_semaphore, #tpu.memory_space<semaphore_mem>>)
      %dma_wait3A = arith.constant 0 : i32
      %dma_wait3A_177 = arith.constant 0 : i32
      %dma_wait3A_178 = tpu.memref_slice %arg14[%dma_wait3A, %dma_wait3A_177] : memref<128x128xf32, #tpu.memory_space<vmem>> -> memref<128x128xf32, #tpu.memory_space<vmem>>
      %dma_wait3A_179 = arith.constant 0 : i32
      %dma_wait3A_180 = tpu.memref_slice %arg17[%add3A_21, %dma_wait3A_179] : memref<10112x128xf32, #tpu.memory_space<vmem_shared>> -> memref<128x128xf32, #tpu.memory_space<vmem_shared>>
      %dma_wait3A_181 = arith.constant 0 : i32
      %dma_wait3A_182 = tpu.memref_slice %arg17[%add3A_21, %dma_wait3A_181] : memref<10112x128xf32, #tpu.memory_space<vmem_shared>> -> memref<128x128xf32, #tpu.memory_space<vmem_shared>>
      %dma_wait3A_183 = arith.constant 0 : i32
      %dma_wait3A_184 = arith.constant 0 : i32
      %dma_wait3A_185 = tpu.memref_slice %arg14[%dma_wait3A_183, %dma_wait3A_184] : memref<128x128xf32, #tpu.memory_space<vmem>> -> memref<128x128xf32, #tpu.memory_space<vmem>>
      tpu.wait_dma2 semaphore(%run_scoped3A_166 : memref<!tpu.dma_semaphore, #tpu.memory_space<semaphore_mem>>) src(%dma_wait3A_185 : memref<128x128xf32, #tpu.memory_space<vmem>>) dst(%dma_wait3A_182 : memref<128x128xf32, #tpu.memory_space<vmem_shared>>)
      tpu.yield
    }) : () -> ()
    %mul3A_22 = arith.constant 632 : i32
    %mul3A_23 = arith.muli %arg1, %mul3A_22 : i32
    %add3A_24 = arith.constant 128 : i32
    %add3A_25 = arith.addi %mul3A_23, %add3A_24 : i32
    "tpu.region"() ({
      %run_scoped3A_166 = tpu.sem_alloc : memref<!tpu.dma_semaphore, #tpu.memory_space<semaphore_mem>>
      %dma_start3A_167 = arith.constant 0 : i32
      %dma_start3A_168 = arith.constant 0 : i32
      %dma_start3A_169 = tpu.memref_slice %arg16[%dma_start3A_167, %dma_start3A_168] : memref<128x8xf32, #tpu.memory_space<vmem>> -> memref<128x8xf32, #tpu.memory_space<vmem>>
      %dma_start3A_170 = arith.constant 0 : i32
      %dma_start3A_171 = tpu.memref_slice %arg18[%add3A_25, %dma_start3A_170] : memref<10112x8xf32, #tpu.memory_space<vmem_shared>> -> memref<128x8xf32, #tpu.memory_space<vmem_shared>>
      %dma_start3A_172 = arith.constant 0 : i32
      %dma_start3A_173 = tpu.memref_slice %arg18[%add3A_25, %dma_start3A_172] : memref<10112x8xf32, #tpu.memory_space<vmem_shared>> -> memref<128x8xf32, #tpu.memory_space<vmem_shared>>
      %dma_start3A_174 = arith.constant 0 : i32
      %dma_start3A_175 = arith.constant 0 : i32
      %dma_start3A_176 = tpu.memref_slice %arg16[%dma_start3A_174, %dma_start3A_175] : memref<128x8xf32, #tpu.memory_space<vmem>> -> memref<128x8xf32, #tpu.memory_space<vmem>>
      tpu.enqueue_dma source(%dma_start3A_176 : memref<128x8xf32, #tpu.memory_space<vmem>>) target(%dma_start3A_173 : memref<128x8xf32, #tpu.memory_space<vmem_shared>>) target_semaphore(%run_scoped3A_166 : memref<!tpu.dma_semaphore, #tpu.memory_space<semaphore_mem>>)
      %dma_wait3A = arith.constant 0 : i32
      %dma_wait3A_177 = arith.constant 0 : i32
      %dma_wait3A_178 = tpu.memref_slice %arg16[%dma_wait3A, %dma_wait3A_177] : memref<128x8xf32, #tpu.memory_space<vmem>> -> memref<128x8xf32, #tpu.memory_space<vmem>>
      %dma_wait3A_179 = arith.constant 0 : i32
      %dma_wait3A_180 = tpu.memref_slice %arg18[%add3A_25, %dma_wait3A_179] : memref<10112x8xf32, #tpu.memory_space<vmem_shared>> -> memref<128x8xf32, #tpu.memory_space<vmem_shared>>
      %dma_wait3A_181 = arith.constant 0 : i32
      %dma_wait3A_182 = tpu.memref_slice %arg18[%add3A_25, %dma_wait3A_181] : memref<10112x8xf32, #tpu.memory_space<vmem_shared>> -> memref<128x8xf32, #tpu.memory_space<vmem_shared>>
      %dma_wait3A_183 = arith.constant 0 : i32
      %dma_wait3A_184 = arith.constant 0 : i32
      %dma_wait3A_185 = tpu.memref_slice %arg16[%dma_wait3A_183, %dma_wait3A_184] : memref<128x8xf32, #tpu.memory_space<vmem>> -> memref<128x8xf32, #tpu.memory_space<vmem>>
      tpu.wait_dma2 semaphore(%run_scoped3A_166 : memref<!tpu.dma_semaphore, #tpu.memory_space<semaphore_mem>>) src(%dma_wait3A_185 : memref<128x8xf32, #tpu.memory_space<vmem>>) dst(%dma_wait3A_182 : memref<128x8xf32, #tpu.memory_space<vmem_shared>>)
      tpu.yield
    }) : () -> ()
    %mul3A_26 = arith.constant 632 : i32
    %mul3A_27 = arith.muli %arg1, %mul3A_26 : i32
    %add3A_28 = arith.constant 256 : i32
    %add3A_29 = arith.addi %mul3A_27, %add3A_28 : i32
    "tpu.region"() ({
      %run_scoped3A_166 = tpu.sem_alloc : memref<!tpu.dma_semaphore, #tpu.memory_space<semaphore_mem>>
      %dma_start3A_167 = arith.constant 0 : i32
      %dma_start3A_168 = arith.constant 0 : i32
      %dma_start3A_169 = tpu.memref_slice %arg14[%dma_start3A_167, %dma_start3A_168] : memref<128x128xf32, #tpu.memory_space<vmem>> -> memref<128x128xf32, #tpu.memory_space<vmem>>
      %dma_start3A_170 = arith.constant 0 : i32
      %dma_start3A_171 = tpu.memref_slice %arg17[%add3A_29, %dma_start3A_170] : memref<10112x128xf32, #tpu.memory_space<vmem_shared>> -> memref<128x128xf32, #tpu.memory_space<vmem_shared>>
      %dma_start3A_172 = arith.constant 0 : i32
      %dma_start3A_173 = tpu.memref_slice %arg17[%add3A_29, %dma_start3A_172] : memref<10112x128xf32, #tpu.memory_space<vmem_shared>> -> memref<128x128xf32, #tpu.memory_space<vmem_shared>>
      %dma_start3A_174 = arith.constant 0 : i32
      %dma_start3A_175 = arith.constant 0 : i32
      %dma_start3A_176 = tpu.memref_slice %arg14[%dma_start3A_174, %dma_start3A_175] : memref<128x128xf32, #tpu.memory_space<vmem>> -> memref<128x128xf32, #tpu.memory_space<vmem>>
      tpu.enqueue_dma source(%dma_start3A_176 : memref<128x128xf32, #tpu.memory_space<vmem>>) target(%dma_start3A_173 : memref<128x128xf32, #tpu.memory_space<vmem_shared>>) target_semaphore(%run_scoped3A_166 : memref<!tpu.dma_semaphore, #tpu.memory_space<semaphore_mem>>)
      %dma_wait3A = arith.constant 0 : i32
      %dma_wait3A_177 = arith.constant 0 : i32
      %dma_wait3A_178 = tpu.memref_slice %arg14[%dma_wait3A, %dma_wait3A_177] : memref<128x128xf32, #tpu.memory_space<vmem>> -> memref<128x128xf32, #tpu.memory_space<vmem>>
      %dma_wait3A_179 = arith.constant 0 : i32
      %dma_wait3A_180 = tpu.memref_slice %arg17[%add3A_29, %dma_wait3A_179] : memref<10112x128xf32, #tpu.memory_space<vmem_shared>> -> memref<128x128xf32, #tpu.memory_space<vmem_shared>>
      %dma_wait3A_181 = arith.constant 0 : i32
      %dma_wait3A_182 = tpu.memref_slice %arg17[%add3A_29, %dma_wait3A_181] : memref<10112x128xf32, #tpu.memory_space<vmem_shared>> -> memref<128x128xf32, #tpu.memory_space<vmem_shared>>
      %dma_wait3A_183 = arith.constant 0 : i32
      %dma_wait3A_184 = arith.constant 0 : i32
      %dma_wait3A_185 = tpu.memref_slice %arg14[%dma_wait3A_183, %dma_wait3A_184] : memref<128x128xf32, #tpu.memory_space<vmem>> -> memref<128x128xf32, #tpu.memory_space<vmem>>
      tpu.wait_dma2 semaphore(%run_scoped3A_166 : memref<!tpu.dma_semaphore, #tpu.memory_space<semaphore_mem>>) src(%dma_wait3A_185 : memref<128x128xf32, #tpu.memory_space<vmem>>) dst(%dma_wait3A_182 : memref<128x128xf32, #tpu.memory_space<vmem_shared>>)
      tpu.yield
    }) : () -> ()
    %mul3A_30 = arith.constant 632 : i32
    %mul3A_31 = arith.muli %arg1, %mul3A_30 : i32
    %add3A_32 = arith.constant 256 : i32
    %add3A_33 = arith.addi %mul3A_31, %add3A_32 : i32
    "tpu.region"() ({
      %run_scoped3A_166 = tpu.sem_alloc : memref<!tpu.dma_semaphore, #tpu.memory_space<semaphore_mem>>
      %dma_start3A_167 = arith.constant 0 : i32
      %dma_start3A_168 = arith.constant 0 : i32
      %dma_start3A_169 = tpu.memref_slice %arg16[%dma_start3A_167, %dma_start3A_168] : memref<128x8xf32, #tpu.memory_space<vmem>> -> memref<128x8xf32, #tpu.memory_space<vmem>>
      %dma_start3A_170 = arith.constant 0 : i32
      %dma_start3A_171 = tpu.memref_slice %arg18[%add3A_33, %dma_start3A_170] : memref<10112x8xf32, #tpu.memory_space<vmem_shared>> -> memref<128x8xf32, #tpu.memory_space<vmem_shared>>
      %dma_start3A_172 = arith.constant 0 : i32
      %dma_start3A_173 = tpu.memref_slice %arg18[%add3A_33, %dma_start3A_172] : memref<10112x8xf32, #tpu.memory_space<vmem_shared>> -> memref<128x8xf32, #tpu.memory_space<vmem_shared>>
      %dma_start3A_174 = arith.constant 0 : i32
      %dma_start3A_175 = arith.constant 0 : i32
      %dma_start3A_176 = tpu.memref_slice %arg16[%dma_start3A_174, %dma_start3A_175] : memref<128x8xf32, #tpu.memory_space<vmem>> -> memref<128x8xf32, #tpu.memory_space<vmem>>
      tpu.enqueue_dma source(%dma_start3A_176 : memref<128x8xf32, #tpu.memory_space<vmem>>) target(%dma_start3A_173 : memref<128x8xf32, #tpu.memory_space<vmem_shared>>) target_semaphore(%run_scoped3A_166 : memref<!tpu.dma_semaphore, #tpu.memory_space<semaphore_mem>>)
      %dma_wait3A = arith.constant 0 : i32
      %dma_wait3A_177 = arith.constant 0 : i32
      %dma_wait3A_178 = tpu.memref_slice %arg16[%dma_wait3A, %dma_wait3A_177] : memref<128x8xf32, #tpu.memory_space<vmem>> -> memref<128x8xf32, #tpu.memory_space<vmem>>
      %dma_wait3A_179 = arith.constant 0 : i32
      %dma_wait3A_180 = tpu.memref_slice %arg18[%add3A_33, %dma_wait3A_179] : memref<10112x8xf32, #tpu.memory_space<vmem_shared>> -> memref<128x8xf32, #tpu.memory_space<vmem_shared>>
      %dma_wait3A_181 = arith.constant 0 : i32
      %dma_wait3A_182 = tpu.memref_slice %arg18[%add3A_33, %dma_wait3A_181] : memref<10112x8xf32, #tpu.memory_space<vmem_shared>> -> memref<128x8xf32, #tpu.memory_space<vmem_shared>>
      %dma_wait3A_183 = arith.constant 0 : i32
      %dma_wait3A_184 = arith.constant 0 : i32
      %dma_wait3A_185 = tpu.memref_slice %arg16[%dma_wait3A_183, %dma_wait3A_184] : memref<128x8xf32, #tpu.memory_space<vmem>> -> memref<128x8xf32, #tpu.memory_space<vmem>>
      tpu.wait_dma2 semaphore(%run_scoped3A_166 : memref<!tpu.dma_semaphore, #tpu.memory_space<semaphore_mem>>) src(%dma_wait3A_185 : memref<128x8xf32, #tpu.memory_space<vmem>>) dst(%dma_wait3A_182 : memref<128x8xf32, #tpu.memory_space<vmem_shared>>)
      tpu.yield
    }) : () -> ()
    %mul3A_34 = arith.constant 632 : i32
    %mul3A_35 = arith.muli %arg1, %mul3A_34 : i32
    %add3A_36 = arith.constant 384 : i32
    %add3A_37 = arith.addi %mul3A_35, %add3A_36 : i32
    "tpu.region"() ({
      %run_scoped3A_166 = tpu.sem_alloc : memref<!tpu.dma_semaphore, #tpu.memory_space<semaphore_mem>>
      %dma_start3A_167 = arith.constant 0 : i32
      %dma_start3A_168 = arith.constant 0 : i32
      %dma_start3A_169 = tpu.memref_slice %arg14[%dma_start3A_167, %dma_start3A_168] : memref<128x128xf32, #tpu.memory_space<vmem>> -> memref<128x128xf32, #tpu.memory_space<vmem>>
      %dma_start3A_170 = arith.constant 0 : i32
      %dma_start3A_171 = tpu.memref_slice %arg17[%add3A_37, %dma_start3A_170] : memref<10112x128xf32, #tpu.memory_space<vmem_shared>> -> memref<128x128xf32, #tpu.memory_space<vmem_shared>>
      %dma_start3A_172 = arith.constant 0 : i32
      %dma_start3A_173 = tpu.memref_slice %arg17[%add3A_37, %dma_start3A_172] : memref<10112x128xf32, #tpu.memory_space<vmem_shared>> -> memref<128x128xf32, #tpu.memory_space<vmem_shared>>
      %dma_start3A_174 = arith.constant 0 : i32
      %dma_start3A_175 = arith.constant 0 : i32
      %dma_start3A_176 = tpu.memref_slice %arg14[%dma_start3A_174, %dma_start3A_175] : memref<128x128xf32, #tpu.memory_space<vmem>> -> memref<128x128xf32, #tpu.memory_space<vmem>>
      tpu.enqueue_dma source(%dma_start3A_176 : memref<128x128xf32, #tpu.memory_space<vmem>>) target(%dma_start3A_173 : memref<128x128xf32, #tpu.memory_space<vmem_shared>>) target_semaphore(%run_scoped3A_166 : memref<!tpu.dma_semaphore, #tpu.memory_space<semaphore_mem>>)
      %dma_wait3A = arith.constant 0 : i32
      %dma_wait3A_177 = arith.constant 0 : i32
      %dma_wait3A_178 = tpu.memref_slice %arg14[%dma_wait3A, %dma_wait3A_177] : memref<128x128xf32, #tpu.memory_space<vmem>> -> memref<128x128xf32, #tpu.memory_space<vmem>>
      %dma_wait3A_179 = arith.constant 0 : i32
      %dma_wait3A_180 = tpu.memref_slice %arg17[%add3A_37, %dma_wait3A_179] : memref<10112x128xf32, #tpu.memory_space<vmem_shared>> -> memref<128x128xf32, #tpu.memory_space<vmem_shared>>
      %dma_wait3A_181 = arith.constant 0 : i32
      %dma_wait3A_182 = tpu.memref_slice %arg17[%add3A_37, %dma_wait3A_181] : memref<10112x128xf32, #tpu.memory_space<vmem_shared>> -> memref<128x128xf32, #tpu.memory_space<vmem_shared>>
      %dma_wait3A_183 = arith.constant 0 : i32
      %dma_wait3A_184 = arith.constant 0 : i32
      %dma_wait3A_185 = tpu.memref_slice %arg14[%dma_wait3A_183, %dma_wait3A_184] : memref<128x128xf32, #tpu.memory_space<vmem>> -> memref<128x128xf32, #tpu.memory_space<vmem>>
      tpu.wait_dma2 semaphore(%run_scoped3A_166 : memref<!tpu.dma_semaphore, #tpu.memory_space<semaphore_mem>>) src(%dma_wait3A_185 : memref<128x128xf32, #tpu.memory_space<vmem>>) dst(%dma_wait3A_182 : memref<128x128xf32, #tpu.memory_space<vmem_shared>>)
      tpu.yield
    }) : () -> ()
    %mul3A_38 = arith.constant 632 : i32
    %mul3A_39 = arith.muli %arg1, %mul3A_38 : i32
    %add3A_40 = arith.constant 384 : i32
    %add3A_41 = arith.addi %mul3A_39, %add3A_40 : i32
    "tpu.region"() ({
      %run_scoped3A_166 = tpu.sem_alloc : memref<!tpu.dma_semaphore, #tpu.memory_space<semaphore_mem>>
      %dma_start3A_167 = arith.constant 0 : i32
      %dma_start3A_168 = arith.constant 0 : i32
      %dma_start3A_169 = tpu.memref_slice %arg16[%dma_start3A_167, %dma_start3A_168] : memref<128x8xf32, #tpu.memory_space<vmem>> -> memref<128x8xf32, #tpu.memory_space<vmem>>
      %dma_start3A_170 = arith.constant 0 : i32
      %dma_start3A_171 = tpu.memref_slice %arg18[%add3A_41, %dma_start3A_170] : memref<10112x8xf32, #tpu.memory_space<vmem_shared>> -> memref<128x8xf32, #tpu.memory_space<vmem_shared>>
      %dma_start3A_172 = arith.constant 0 : i32
      %dma_start3A_173 = tpu.memref_slice %arg18[%add3A_41, %dma_start3A_172] : memref<10112x8xf32, #tpu.memory_space<vmem_shared>> -> memref<128x8xf32, #tpu.memory_space<vmem_shared>>
      %dma_start3A_174 = arith.constant 0 : i32
      %dma_start3A_175 = arith.constant 0 : i32
      %dma_start3A_176 = tpu.memref_slice %arg16[%dma_start3A_174, %dma_start3A_175] : memref<128x8xf32, #tpu.memory_space<vmem>> -> memref<128x8xf32, #tpu.memory_space<vmem>>
      tpu.enqueue_dma source(%dma_start3A_176 : memref<128x8xf32, #tpu.memory_space<vmem>>) target(%dma_start3A_173 : memref<128x8xf32, #tpu.memory_space<vmem_shared>>) target_semaphore(%run_scoped3A_166 : memref<!tpu.dma_semaphore, #tpu.memory_space<semaphore_mem>>)
      %dma_wait3A = arith.constant 0 : i32
      %dma_wait3A_177 = arith.constant 0 : i32
      %dma_wait3A_178 = tpu.memref_slice %arg16[%dma_wait3A, %dma_wait3A_177] : memref<128x8xf32, #tpu.memory_space<vmem>> -> memref<128x8xf32, #tpu.memory_space<vmem>>
      %dma_wait3A_179 = arith.constant 0 : i32
      %dma_wait3A_180 = tpu.memref_slice %arg18[%add3A_41, %dma_wait3A_179] : memref<10112x8xf32, #tpu.memory_space<vmem_shared>> -> memref<128x8xf32, #tpu.memory_space<vmem_shared>>
      %dma_wait3A_181 = arith.constant 0 : i32
      %dma_wait3A_182 = tpu.memref_slice %arg18[%add3A_41, %dma_wait3A_181] : memref<10112x8xf32, #tpu.memory_space<vmem_shared>> -> memref<128x8xf32, #tpu.memory_space<vmem_shared>>
      %dma_wait3A_183 = arith.constant 0 : i32
      %dma_wait3A_184 = arith.constant 0 : i32
      %dma_wait3A_185 = tpu.memref_slice %arg16[%dma_wait3A_183, %dma_wait3A_184] : memref<128x8xf32, #tpu.memory_space<vmem>> -> memref<128x8xf32, #tpu.memory_space<vmem>>
      tpu.wait_dma2 semaphore(%run_scoped3A_166 : memref<!tpu.dma_semaphore, #tpu.memory_space<semaphore_mem>>) src(%dma_wait3A_185 : memref<128x8xf32, #tpu.memory_space<vmem>>) dst(%dma_wait3A_182 : memref<128x8xf32, #tpu.memory_space<vmem_shared>>)
      tpu.yield
    }) : () -> ()
    %mul3A_42 = arith.constant 632 : i32
    %mul3A_43 = arith.muli %arg1, %mul3A_42 : i32
    %add3A_44 = arith.constant 512 : i32
    %add3A_45 = arith.addi %mul3A_43, %add3A_44 : i32
    "tpu.region"() ({
      %run_scoped3A_166 = tpu.sem_alloc : memref<!tpu.dma_semaphore, #tpu.memory_space<semaphore_mem>>
      %dma_start3A_167 = arith.constant 0 : i32
      %dma_start3A_168 = arith.constant 0 : i32
      %dma_start3A_169 = tpu.memref_slice %arg14[%dma_start3A_167, %dma_start3A_168] : memref<128x128xf32, #tpu.memory_space<vmem>> -> memref<120x128xf32, #tpu.memory_space<vmem>>
      %dma_start3A_170 = arith.constant 0 : i32
      %dma_start3A_171 = tpu.memref_slice %arg17[%add3A_45, %dma_start3A_170] : memref<10112x128xf32, #tpu.memory_space<vmem_shared>> -> memref<120x128xf32, #tpu.memory_space<vmem_shared>>
      %dma_start3A_172 = arith.constant 0 : i32
      %dma_start3A_173 = tpu.memref_slice %arg17[%add3A_45, %dma_start3A_172] : memref<10112x128xf32, #tpu.memory_space<vmem_shared>> -> memref<120x128xf32, #tpu.memory_space<vmem_shared>>
      %dma_start3A_174 = arith.constant 0 : i32
      %dma_start3A_175 = arith.constant 0 : i32
      %dma_start3A_176 = tpu.memref_slice %arg14[%dma_start3A_174, %dma_start3A_175] : memref<128x128xf32, #tpu.memory_space<vmem>> -> memref<120x128xf32, #tpu.memory_space<vmem>>
      tpu.enqueue_dma source(%dma_start3A_176 : memref<120x128xf32, #tpu.memory_space<vmem>>) target(%dma_start3A_173 : memref<120x128xf32, #tpu.memory_space<vmem_shared>>) target_semaphore(%run_scoped3A_166 : memref<!tpu.dma_semaphore, #tpu.memory_space<semaphore_mem>>)
      %dma_wait3A = arith.constant 0 : i32
      %dma_wait3A_177 = arith.constant 0 : i32
      %dma_wait3A_178 = tpu.memref_slice %arg14[%dma_wait3A, %dma_wait3A_177] : memref<128x128xf32, #tpu.memory_space<vmem>> -> memref<120x128xf32, #tpu.memory_space<vmem>>
      %dma_wait3A_179 = arith.constant 0 : i32
      %dma_wait3A_180 = tpu.memref_slice %arg17[%add3A_45, %dma_wait3A_179] : memref<10112x128xf32, #tpu.memory_space<vmem_shared>> -> memref<120x128xf32, #tpu.memory_space<vmem_shared>>
      %dma_wait3A_181 = arith.constant 0 : i32
      %dma_wait3A_182 = tpu.memref_slice %arg17[%add3A_45, %dma_wait3A_181] : memref<10112x128xf32, #tpu.memory_space<vmem_shared>> -> memref<120x128xf32, #tpu.memory_space<vmem_shared>>
      %dma_wait3A_183 = arith.constant 0 : i32
      %dma_wait3A_184 = arith.constant 0 : i32
      %dma_wait3A_185 = tpu.memref_slice %arg14[%dma_wait3A_183, %dma_wait3A_184] : memref<128x128xf32, #tpu.memory_space<vmem>> -> memref<120x128xf32, #tpu.memory_space<vmem>>
      tpu.wait_dma2 semaphore(%run_scoped3A_166 : memref<!tpu.dma_semaphore, #tpu.memory_space<semaphore_mem>>) src(%dma_wait3A_185 : memref<120x128xf32, #tpu.memory_space<vmem>>) dst(%dma_wait3A_182 : memref<120x128xf32, #tpu.memory_space<vmem_shared>>)
      tpu.yield
    }) : () -> ()
    %mul3A_46 = arith.constant 632 : i32
    %mul3A_47 = arith.muli %arg1, %mul3A_46 : i32
    %add3A_48 = arith.constant 512 : i32
    %add3A_49 = arith.addi %mul3A_47, %add3A_48 : i32
    "tpu.region"() ({
      %run_scoped3A_166 = tpu.sem_alloc : memref<!tpu.dma_semaphore, #tpu.memory_space<semaphore_mem>>
      %dma_start3A_167 = arith.constant 0 : i32
      %dma_start3A_168 = arith.constant 0 : i32
      %dma_start3A_169 = tpu.memref_slice %arg16[%dma_start3A_167, %dma_start3A_168] : memref<128x8xf32, #tpu.memory_space<vmem>> -> memref<120x8xf32, #tpu.memory_space<vmem>>
      %dma_start3A_170 = arith.constant 0 : i32
      %dma_start3A_171 = tpu.memref_slice %arg18[%add3A_49, %dma_start3A_170] : memref<10112x8xf32, #tpu.memory_space<vmem_shared>> -> memref<120x8xf32, #tpu.memory_space<vmem_shared>>
      %dma_start3A_172 = arith.constant 0 : i32
      %dma_start3A_173 = tpu.memref_slice %arg18[%add3A_49, %dma_start3A_172] : memref<10112x8xf32, #tpu.memory_space<vmem_shared>> -> memref<120x8xf32, #tpu.memory_space<vmem_shared>>
      %dma_start3A_174 = arith.constant 0 : i32
      %dma_start3A_175 = arith.constant 0 : i32
      %dma_start3A_176 = tpu.memref_slice %arg16[%dma_start3A_174, %dma_start3A_175] : memref<128x8xf32, #tpu.memory_space<vmem>> -> memref<120x8xf32, #tpu.memory_space<vmem>>
      tpu.enqueue_dma source(%dma_start3A_176 : memref<120x8xf32, #tpu.memory_space<vmem>>) target(%dma_start3A_173 : memref<120x8xf32, #tpu.memory_space<vmem_shared>>) target_semaphore(%run_scoped3A_166 : memref<!tpu.dma_semaphore, #tpu.memory_space<semaphore_mem>>)
      %dma_wait3A = arith.constant 0 : i32
      %dma_wait3A_177 = arith.constant 0 : i32
      %dma_wait3A_178 = tpu.memref_slice %arg16[%dma_wait3A, %dma_wait3A_177] : memref<128x8xf32, #tpu.memory_space<vmem>> -> memref<120x8xf32, #tpu.memory_space<vmem>>
      %dma_wait3A_179 = arith.constant 0 : i32
      %dma_wait3A_180 = tpu.memref_slice %arg18[%add3A_49, %dma_wait3A_179] : memref<10112x8xf32, #tpu.memory_space<vmem_shared>> -> memref<120x8xf32, #tpu.memory_space<vmem_shared>>
      %dma_wait3A_181 = arith.constant 0 : i32
      %dma_wait3A_182 = tpu.memref_slice %arg18[%add3A_49, %dma_wait3A_181] : memref<10112x8xf32, #tpu.memory_space<vmem_shared>> -> memref<120x8xf32, #tpu.memory_space<vmem_shared>>
      %dma_wait3A_183 = arith.constant 0 : i32
      %dma_wait3A_184 = arith.constant 0 : i32
      %dma_wait3A_185 = tpu.memref_slice %arg16[%dma_wait3A_183, %dma_wait3A_184] : memref<128x8xf32, #tpu.memory_space<vmem>> -> memref<120x8xf32, #tpu.memory_space<vmem>>
      tpu.wait_dma2 semaphore(%run_scoped3A_166 : memref<!tpu.dma_semaphore, #tpu.memory_space<semaphore_mem>>) src(%dma_wait3A_185 : memref<120x8xf32, #tpu.memory_space<vmem>>) dst(%dma_wait3A_182 : memref<120x8xf32, #tpu.memory_space<vmem_shared>>)
      tpu.yield
    }) : () -> ()
    "tpu.region"() ({
      %run_scoped3A_166 = tpu.sem_alloc : memref<!tpu.dma_semaphore, #tpu.memory_space<semaphore_mem>>
      tpu.enqueue_dma source(%arg7 : memref<128x8xf32, #tpu.memory_space<hbm>>) target(%arg16 : memref<128x8xf32, #tpu.memory_space<vmem>>) target_semaphore(%run_scoped3A_166 : memref<!tpu.dma_semaphore, #tpu.memory_space<semaphore_mem>>)
      tpu.wait_dma2 semaphore(%run_scoped3A_166 : memref<!tpu.dma_semaphore, #tpu.memory_space<semaphore_mem>>) src(%arg7 : memref<128x8xf32, #tpu.memory_space<hbm>>) dst(%arg16 : memref<128x8xf32, #tpu.memory_space<vmem>>)
      tpu.yield
    }) : () -> ()
    %barrier3A = arith.constant 0 : index
    tpu.barrier barrier_id(%barrier3A)
    %add3A_50 = arith.constant 0 : i32
    %add3A_51 = arith.addi %select_n3A, %add3A_50 : i32
    %run_scoped3A = arith.constant 0 : i32
    "tpu.region"() ({
      %run_scoped3A_166 = tpu.sem_alloc : memref<!tpu.dma_semaphore, #tpu.memory_space<semaphore_mem>>
      %dma_start3A_167 = arith.constant 0 : i32
      %dma_start3A_168 = tpu.memref_slice %arg10[%run_scoped3A, %dma_start3A_167] : memref<1x128xi32, #tpu.memory_space<vmem>> -> memref<1x128xi32, #tpu.memory_space<vmem>>
      %dma_start3A_169 = tpu.memref_squeeze %dma_start3A_168 : memref<1x128xi32, #tpu.memory_space<vmem>> -> memref<128xi32, #tpu.memory_space<vmem>>
      %dma_start3A_170 = arith.constant 0 : i32
      %dma_start3A_171 = tpu.memref_slice %arg3[%add3A_51, %dma_start3A_170] : memref<2560x128xi32, #tpu.memory_space<hbm>> -> memref<1x128xi32, #tpu.memory_space<hbm>>
      %dma_start3A_172 = tpu.memref_squeeze %dma_start3A_171 : memref<1x128xi32, #tpu.memory_space<hbm>> -> memref<128xi32, #tpu.memory_space<hbm>>
      %dma_start3A_173 = arith.constant 0 : i32
      %dma_start3A_174 = tpu.memref_slice %arg10[%run_scoped3A, %dma_start3A_173] : memref<1x128xi32, #tpu.memory_space<vmem>> -> memref<1x128xi32, #tpu.memory_space<vmem>>
      %dma_start3A_175 = tpu.memref_squeeze %dma_start3A_174 : memref<1x128xi32, #tpu.memory_space<vmem>> -> memref<128xi32, #tpu.memory_space<vmem>>
      %dma_start3A_176 = arith.constant 0 : i32
      %dma_start3A_177 = tpu.memref_slice %arg3[%add3A_51, %dma_start3A_176] : memref<2560x128xi32, #tpu.memory_space<hbm>> -> memref<1x128xi32, #tpu.memory_space<hbm>>
      %dma_start3A_178 = tpu.memref_squeeze %dma_start3A_177 : memref<1x128xi32, #tpu.memory_space<hbm>> -> memref<128xi32, #tpu.memory_space<hbm>>
      tpu.enqueue_dma source(%dma_start3A_178 : memref<128xi32, #tpu.memory_space<hbm>>) target(%dma_start3A_175 : memref<128xi32, #tpu.memory_space<vmem>>) target_semaphore(%run_scoped3A_166 : memref<!tpu.dma_semaphore, #tpu.memory_space<semaphore_mem>>)
      %dma_wait3A = arith.constant 0 : i32
      %dma_wait3A_179 = tpu.memref_slice %arg10[%run_scoped3A, %dma_wait3A] : memref<1x128xi32, #tpu.memory_space<vmem>> -> memref<1x128xi32, #tpu.memory_space<vmem>>
      %dma_wait3A_180 = tpu.memref_squeeze %dma_wait3A_179 : memref<1x128xi32, #tpu.memory_space<vmem>> -> memref<128xi32, #tpu.memory_space<vmem>>
      %dma_wait3A_181 = arith.constant 0 : i32
      %dma_wait3A_182 = tpu.memref_slice %arg3[%add3A_51, %dma_wait3A_181] : memref<2560x128xi32, #tpu.memory_space<hbm>> -> memref<1x128xi32, #tpu.memory_space<hbm>>
      %dma_wait3A_183 = tpu.memref_squeeze %dma_wait3A_182 : memref<1x128xi32, #tpu.memory_space<hbm>> -> memref<128xi32, #tpu.memory_space<hbm>>
      %dma_wait3A_184 = arith.constant 0 : i32
      %dma_wait3A_185 = tpu.memref_slice %arg10[%run_scoped3A, %dma_wait3A_184] : memref<1x128xi32, #tpu.memory_space<vmem>> -> memref<1x128xi32, #tpu.memory_space<vmem>>
      %dma_wait3A_186 = tpu.memref_squeeze %dma_wait3A_185 : memref<1x128xi32, #tpu.memory_space<vmem>> -> memref<128xi32, #tpu.memory_space<vmem>>
      %dma_wait3A_187 = arith.constant 0 : i32
      %dma_wait3A_188 = tpu.memref_slice %arg3[%add3A_51, %dma_wait3A_187] : memref<2560x128xi32, #tpu.memory_space<hbm>> -> memref<1x128xi32, #tpu.memory_space<hbm>>
      %dma_wait3A_189 = tpu.memref_squeeze %dma_wait3A_188 : memref<1x128xi32, #tpu.memory_space<hbm>> -> memref<128xi32, #tpu.memory_space<hbm>>
      tpu.wait_dma2 semaphore(%run_scoped3A_166 : memref<!tpu.dma_semaphore, #tpu.memory_space<semaphore_mem>>) src(%dma_wait3A_189 : memref<128xi32, #tpu.memory_space<hbm>>) dst(%dma_wait3A_186 : memref<128xi32, #tpu.memory_space<vmem>>)
      tpu.yield
    }) : () -> ()
    %add3A_52 = arith.constant 0 : i32
    %add3A_53 = arith.addi %select_n3A, %add3A_52 : i32
    %run_scoped3A_54 = arith.constant 0 : i32
    "tpu.region"() ({
      %run_scoped3A_166 = tpu.sem_alloc : memref<!tpu.dma_semaphore, #tpu.memory_space<semaphore_mem>>
      %dma_start3A_167 = arith.constant 0 : i32
      %dma_start3A_168 = tpu.memref_slice %arg12[%run_scoped3A_54, %dma_start3A_167] : memref<1x128xi32, #tpu.memory_space<vmem>> -> memref<1x128xi32, #tpu.memory_space<vmem>>
      %dma_start3A_169 = tpu.memref_squeeze %dma_start3A_168 : memref<1x128xi32, #tpu.memory_space<vmem>> -> memref<128xi32, #tpu.memory_space<vmem>>
      %dma_start3A_170 = arith.constant 0 : i32
      %dma_start3A_171 = tpu.memref_slice %arg4[%add3A_53, %dma_start3A_170] : memref<2560x128xi32, #tpu.memory_space<hbm>> -> memref<1x128xi32, #tpu.memory_space<hbm>>
      %dma_start3A_172 = tpu.memref_squeeze %dma_start3A_171 : memref<1x128xi32, #tpu.memory_space<hbm>> -> memref<128xi32, #tpu.memory_space<hbm>>
      %dma_start3A_173 = arith.constant 0 : i32
      %dma_start3A_174 = tpu.memref_slice %arg12[%run_scoped3A_54, %dma_start3A_173] : memref<1x128xi32, #tpu.memory_space<vmem>> -> memref<1x128xi32, #tpu.memory_space<vmem>>
      %dma_start3A_175 = tpu.memref_squeeze %dma_start3A_174 : memref<1x128xi32, #tpu.memory_space<vmem>> -> memref<128xi32, #tpu.memory_space<vmem>>
      %dma_start3A_176 = arith.constant 0 : i32
      %dma_start3A_177 = tpu.memref_slice %arg4[%add3A_53, %dma_start3A_176] : memref<2560x128xi32, #tpu.memory_space<hbm>> -> memref<1x128xi32, #tpu.memory_space<hbm>>
      %dma_start3A_178 = tpu.memref_squeeze %dma_start3A_177 : memref<1x128xi32, #tpu.memory_space<hbm>> -> memref<128xi32, #tpu.memory_space<hbm>>
      tpu.enqueue_dma source(%dma_start3A_178 : memref<128xi32, #tpu.memory_space<hbm>>) target(%dma_start3A_175 : memref<128xi32, #tpu.memory_space<vmem>>) target_semaphore(%run_scoped3A_166 : memref<!tpu.dma_semaphore, #tpu.memory_space<semaphore_mem>>)
      %dma_wait3A = arith.constant 0 : i32
      %dma_wait3A_179 = tpu.memref_slice %arg12[%run_scoped3A_54, %dma_wait3A] : memref<1x128xi32, #tpu.memory_space<vmem>> -> memref<1x128xi32, #tpu.memory_space<vmem>>
      %dma_wait3A_180 = tpu.memref_squeeze %dma_wait3A_179 : memref<1x128xi32, #tpu.memory_space<vmem>> -> memref<128xi32, #tpu.memory_space<vmem>>
      %dma_wait3A_181 = arith.constant 0 : i32
      %dma_wait3A_182 = tpu.memref_slice %arg4[%add3A_53, %dma_wait3A_181] : memref<2560x128xi32, #tpu.memory_space<hbm>> -> memref<1x128xi32, #tpu.memory_space<hbm>>
      %dma_wait3A_183 = tpu.memref_squeeze %dma_wait3A_182 : memref<1x128xi32, #tpu.memory_space<hbm>> -> memref<128xi32, #tpu.memory_space<hbm>>
      %dma_wait3A_184 = arith.constant 0 : i32
      %dma_wait3A_185 = tpu.memref_slice %arg12[%run_scoped3A_54, %dma_wait3A_184] : memref<1x128xi32, #tpu.memory_space<vmem>> -> memref<1x128xi32, #tpu.memory_space<vmem>>
      %dma_wait3A_186 = tpu.memref_squeeze %dma_wait3A_185 : memref<1x128xi32, #tpu.memory_space<vmem>> -> memref<128xi32, #tpu.memory_space<vmem>>
      %dma_wait3A_187 = arith.constant 0 : i32
      %dma_wait3A_188 = tpu.memref_slice %arg4[%add3A_53, %dma_wait3A_187] : memref<2560x128xi32, #tpu.memory_space<hbm>> -> memref<1x128xi32, #tpu.memory_space<hbm>>
      %dma_wait3A_189 = tpu.memref_squeeze %dma_wait3A_188 : memref<1x128xi32, #tpu.memory_space<hbm>> -> memref<128xi32, #tpu.memory_space<hbm>>
      tpu.wait_dma2 semaphore(%run_scoped3A_166 : memref<!tpu.dma_semaphore, #tpu.memory_space<semaphore_mem>>) src(%dma_wait3A_189 : memref<128xi32, #tpu.memory_space<hbm>>) dst(%dma_wait3A_186 : memref<128xi32, #tpu.memory_space<vmem>>)
      tpu.yield
    }) : () -> ()
    %dma_start3A = arith.constant 0 : i32
    %dma_start3A_55 = arith.constant 0 : i32
    %dma_start3A_56 = tpu.memref_slice %arg10[%dma_start3A, %dma_start3A_55] : memref<1x128xi32, #tpu.memory_space<vmem>> -> memref<1x128xi32, #tpu.memory_space<vmem>>
    %dma_start3A_57 = tpu.memref_squeeze %dma_start3A_56 : memref<1x128xi32, #tpu.memory_space<vmem>> -> memref<128xi32, #tpu.memory_space<vmem>>
    %dma_start3A_58 = arith.constant 0 : i32
    %dma_start3A_59 = arith.constant 0 : i32
    %dma_start3A_60 = tpu.memref_slice %arg2[%dma_start3A_58, %dma_start3A_59] : memref<10000x128xf32, #tpu.memory_space<hbm>> -> memref<10000x128xf32, #tpu.memory_space<hbm>>
    tpu.enqueue_indirect_dma source(%dma_start3A_60 : memref<10000x128xf32, #tpu.memory_space<hbm>>) target(%arg14 : memref<128x128xf32, #tpu.memory_space<vmem>>) offsets(%dma_start3A_57 : memref<128xi32, #tpu.memory_space<vmem>>) semaphore(%arg19 : memref<!tpu.dma_semaphore, #tpu.memory_space<semaphore_mem>>)
    %add3A_61 = arith.constant 1 : i32
    %add3A_62 = arith.addi %select_n3A, %add3A_61 : i32
    %run_scoped3A_63 = arith.constant 0 : i32
    "tpu.region"() ({
      %run_scoped3A_166 = tpu.sem_alloc : memref<!tpu.dma_semaphore, #tpu.memory_space<semaphore_mem>>
      %dma_start3A_167 = arith.constant 0 : i32
      %dma_start3A_168 = tpu.memref_slice %arg11[%run_scoped3A_63, %dma_start3A_167] : memref<1x128xi32, #tpu.memory_space<vmem>> -> memref<1x128xi32, #tpu.memory_space<vmem>>
      %dma_start3A_169 = tpu.memref_squeeze %dma_start3A_168 : memref<1x128xi32, #tpu.memory_space<vmem>> -> memref<128xi32, #tpu.memory_space<vmem>>
      %dma_start3A_170 = arith.constant 0 : i32
      %dma_start3A_171 = tpu.memref_slice %arg3[%add3A_62, %dma_start3A_170] : memref<2560x128xi32, #tpu.memory_space<hbm>> -> memref<1x128xi32, #tpu.memory_space<hbm>>
      %dma_start3A_172 = tpu.memref_squeeze %dma_start3A_171 : memref<1x128xi32, #tpu.memory_space<hbm>> -> memref<128xi32, #tpu.memory_space<hbm>>
      %dma_start3A_173 = arith.constant 0 : i32
      %dma_start3A_174 = tpu.memref_slice %arg11[%run_scoped3A_63, %dma_start3A_173] : memref<1x128xi32, #tpu.memory_space<vmem>> -> memref<1x128xi32, #tpu.memory_space<vmem>>
      %dma_start3A_175 = tpu.memref_squeeze %dma_start3A_174 : memref<1x128xi32, #tpu.memory_space<vmem>> -> memref<128xi32, #tpu.memory_space<vmem>>
      %dma_start3A_176 = arith.constant 0 : i32
      %dma_start3A_177 = tpu.memref_slice %arg3[%add3A_62, %dma_start3A_176] : memref<2560x128xi32, #tpu.memory_space<hbm>> -> memref<1x128xi32, #tpu.memory_space<hbm>>
      %dma_start3A_178 = tpu.memref_squeeze %dma_start3A_177 : memref<1x128xi32, #tpu.memory_space<hbm>> -> memref<128xi32, #tpu.memory_space<hbm>>
      tpu.enqueue_dma source(%dma_start3A_178 : memref<128xi32, #tpu.memory_space<hbm>>) target(%dma_start3A_175 : memref<128xi32, #tpu.memory_space<vmem>>) target_semaphore(%run_scoped3A_166 : memref<!tpu.dma_semaphore, #tpu.memory_space<semaphore_mem>>)
      %dma_wait3A = arith.constant 0 : i32
      %dma_wait3A_179 = tpu.memref_slice %arg11[%run_scoped3A_63, %dma_wait3A] : memref<1x128xi32, #tpu.memory_space<vmem>> -> memref<1x128xi32, #tpu.memory_space<vmem>>
      %dma_wait3A_180 = tpu.memref_squeeze %dma_wait3A_179 : memref<1x128xi32, #tpu.memory_space<vmem>> -> memref<128xi32, #tpu.memory_space<vmem>>
      %dma_wait3A_181 = arith.constant 0 : i32
      %dma_wait3A_182 = tpu.memref_slice %arg3[%add3A_62, %dma_wait3A_181] : memref<2560x128xi32, #tpu.memory_space<hbm>> -> memref<1x128xi32, #tpu.memory_space<hbm>>
      %dma_wait3A_183 = tpu.memref_squeeze %dma_wait3A_182 : memref<1x128xi32, #tpu.memory_space<hbm>> -> memref<128xi32, #tpu.memory_space<hbm>>
      %dma_wait3A_184 = arith.constant 0 : i32
      %dma_wait3A_185 = tpu.memref_slice %arg11[%run_scoped3A_63, %dma_wait3A_184] : memref<1x128xi32, #tpu.memory_space<vmem>> -> memref<1x128xi32, #tpu.memory_space<vmem>>
      %dma_wait3A_186 = tpu.memref_squeeze %dma_wait3A_185 : memref<1x128xi32, #tpu.memory_space<vmem>> -> memref<128xi32, #tpu.memory_space<vmem>>
      %dma_wait3A_187 = arith.constant 0 : i32
      %dma_wait3A_188 = tpu.memref_slice %arg3[%add3A_62, %dma_wait3A_187] : memref<2560x128xi32, #tpu.memory_space<hbm>> -> memref<1x128xi32, #tpu.memory_space<hbm>>
      %dma_wait3A_189 = tpu.memref_squeeze %dma_wait3A_188 : memref<1x128xi32, #tpu.memory_space<hbm>> -> memref<128xi32, #tpu.memory_space<hbm>>
      tpu.wait_dma2 semaphore(%run_scoped3A_166 : memref<!tpu.dma_semaphore, #tpu.memory_space<semaphore_mem>>) src(%dma_wait3A_189 : memref<128xi32, #tpu.memory_space<hbm>>) dst(%dma_wait3A_186 : memref<128xi32, #tpu.memory_space<vmem>>)
      tpu.yield
    }) : () -> ()
    %add3A_64 = arith.constant 1 : i32
    %add3A_65 = arith.addi %select_n3A, %add3A_64 : i32
    %run_scoped3A_66 = arith.constant 0 : i32
    "tpu.region"() ({
      %run_scoped3A_166 = tpu.sem_alloc : memref<!tpu.dma_semaphore, #tpu.memory_space<semaphore_mem>>
      %dma_start3A_167 = arith.constant 0 : i32
      %dma_start3A_168 = tpu.memref_slice %arg13[%run_scoped3A_66, %dma_start3A_167] : memref<1x128xi32, #tpu.memory_space<vmem>> -> memref<1x128xi32, #tpu.memory_space<vmem>>
      %dma_start3A_169 = tpu.memref_squeeze %dma_start3A_168 : memref<1x128xi32, #tpu.memory_space<vmem>> -> memref<128xi32, #tpu.memory_space<vmem>>
      %dma_start3A_170 = arith.constant 0 : i32
      %dma_start3A_171 = tpu.memref_slice %arg4[%add3A_65, %dma_start3A_170] : memref<2560x128xi32, #tpu.memory_space<hbm>> -> memref<1x128xi32, #tpu.memory_space<hbm>>
      %dma_start3A_172 = tpu.memref_squeeze %dma_start3A_171 : memref<1x128xi32, #tpu.memory_space<hbm>> -> memref<128xi32, #tpu.memory_space<hbm>>
      %dma_start3A_173 = arith.constant 0 : i32
      %dma_start3A_174 = tpu.memref_slice %arg13[%run_scoped3A_66, %dma_start3A_173] : memref<1x128xi32, #tpu.memory_space<vmem>> -> memref<1x128xi32, #tpu.memory_space<vmem>>
      %dma_start3A_175 = tpu.memref_squeeze %dma_start3A_174 : memref<1x128xi32, #tpu.memory_space<vmem>> -> memref<128xi32, #tpu.memory_space<vmem>>
      %dma_start3A_176 = arith.constant 0 : i32
      %dma_start3A_177 = tpu.memref_slice %arg4[%add3A_65, %dma_start3A_176] : memref<2560x128xi32, #tpu.memory_space<hbm>> -> memref<1x128xi32, #tpu.memory_space<hbm>>
      %dma_start3A_178 = tpu.memref_squeeze %dma_start3A_177 : memref<1x128xi32, #tpu.memory_space<hbm>> -> memref<128xi32, #tpu.memory_space<hbm>>
      tpu.enqueue_dma source(%dma_start3A_178 : memref<128xi32, #tpu.memory_space<hbm>>) target(%dma_start3A_175 : memref<128xi32, #tpu.memory_space<vmem>>) target_semaphore(%run_scoped3A_166 : memref<!tpu.dma_semaphore, #tpu.memory_space<semaphore_mem>>)
      %dma_wait3A = arith.constant 0 : i32
      %dma_wait3A_179 = tpu.memref_slice %arg13[%run_scoped3A_66, %dma_wait3A] : memref<1x128xi32, #tpu.memory_space<vmem>> -> memref<1x128xi32, #tpu.memory_space<vmem>>
      %dma_wait3A_180 = tpu.memref_squeeze %dma_wait3A_179 : memref<1x128xi32, #tpu.memory_space<vmem>> -> memref<128xi32, #tpu.memory_space<vmem>>
      %dma_wait3A_181 = arith.constant 0 : i32
      %dma_wait3A_182 = tpu.memref_slice %arg4[%add3A_65, %dma_wait3A_181] : memref<2560x128xi32, #tpu.memory_space<hbm>> -> memref<1x128xi32, #tpu.memory_space<hbm>>
      %dma_wait3A_183 = tpu.memref_squeeze %dma_wait3A_182 : memref<1x128xi32, #tpu.memory_space<hbm>> -> memref<128xi32, #tpu.memory_space<hbm>>
      %dma_wait3A_184 = arith.constant 0 : i32
      %dma_wait3A_185 = tpu.memref_slice %arg13[%run_scoped3A_66, %dma_wait3A_184] : memref<1x128xi32, #tpu.memory_space<vmem>> -> memref<1x128xi32, #tpu.memory_space<vmem>>
      %dma_wait3A_186 = tpu.memref_squeeze %dma_wait3A_185 : memref<1x128xi32, #tpu.memory_space<vmem>> -> memref<128xi32, #tpu.memory_space<vmem>>
      %dma_wait3A_187 = arith.constant 0 : i32
      %dma_wait3A_188 = tpu.memref_slice %arg4[%add3A_65, %dma_wait3A_187] : memref<2560x128xi32, #tpu.memory_space<hbm>> -> memref<1x128xi32, #tpu.memory_space<hbm>>
      %dma_wait3A_189 = tpu.memref_squeeze %dma_wait3A_188 : memref<1x128xi32, #tpu.memory_space<hbm>> -> memref<128xi32, #tpu.memory_space<hbm>>
      tpu.wait_dma2 semaphore(%run_scoped3A_166 : memref<!tpu.dma_semaphore, #tpu.memory_space<semaphore_mem>>) src(%dma_wait3A_189 : memref<128xi32, #tpu.memory_space<hbm>>) dst(%dma_wait3A_186 : memref<128xi32, #tpu.memory_space<vmem>>)
      tpu.yield
    }) : () -> ()
    %dma_start3A_67 = arith.constant 0 : i32
    %dma_start3A_68 = arith.constant 0 : i32
    %dma_start3A_69 = tpu.memref_slice %arg11[%dma_start3A_67, %dma_start3A_68] : memref<1x128xi32, #tpu.memory_space<vmem>> -> memref<1x128xi32, #tpu.memory_space<vmem>>
    %dma_start3A_70 = tpu.memref_squeeze %dma_start3A_69 : memref<1x128xi32, #tpu.memory_space<vmem>> -> memref<128xi32, #tpu.memory_space<vmem>>
    %dma_start3A_71 = arith.constant 0 : i32
    %dma_start3A_72 = arith.constant 0 : i32
    %dma_start3A_73 = tpu.memref_slice %arg2[%dma_start3A_71, %dma_start3A_72] : memref<10000x128xf32, #tpu.memory_space<hbm>> -> memref<10000x128xf32, #tpu.memory_space<hbm>>
    tpu.enqueue_indirect_dma source(%dma_start3A_73 : memref<10000x128xf32, #tpu.memory_space<hbm>>) target(%arg15 : memref<128x128xf32, #tpu.memory_space<vmem>>) offsets(%dma_start3A_70 : memref<128xi32, #tpu.memory_space<vmem>>) semaphore(%arg20 : memref<!tpu.dma_semaphore, #tpu.memory_space<semaphore_mem>>)
    %jit3A = arith.constant 2 : i32
    %div3A = arith.divsi %select_n3A_9, %jit3A : i32
    %sign3A = arith.constant 0 : i32
    %sign3A_74 = arith.cmpi sgt, %select_n3A_9, %sign3A : i32
    %sign3A_75 = arith.extui %sign3A_74 : i1 to i32
    %sign3A_76 = arith.constant 0 : i32
    %sign3A_77 = arith.cmpi slt, %select_n3A_9, %sign3A_76 : i32
    %sign3A_78 = arith.extui %sign3A_77 : i1 to i32
    %sign3A_79 = arith.subi %sign3A_75, %sign3A_78 : i32
    %sign3A_80 = arith.constant 0 : i32
    %sign3A_81 = arith.cmpi sgt, %jit3A, %sign3A_80 : i32
    %sign3A_82 = arith.extui %sign3A_81 : i1 to i32
    %sign3A_83 = arith.constant 0 : i32
    %sign3A_84 = arith.cmpi slt, %jit3A, %sign3A_83 : i32
    %sign3A_85 = arith.extui %sign3A_84 : i1 to i32
    %sign3A_86 = arith.subi %sign3A_82, %sign3A_85 : i32
    %ne3A = arith.cmpi ne, %sign3A_79, %sign3A_86 : i32
    %rem3A = arith.remsi %select_n3A_9, %jit3A : i32
    %ne3A_87 = arith.constant 0 : i32
    %ne3A_88 = arith.cmpi ne, %rem3A, %ne3A_87 : i32
    %and3A = arith.andi %ne3A, %ne3A_88 : i1
    %sub3A = arith.constant 1 : i32
    %sub3A_89 = arith.subi %div3A, %sub3A : i32
    %select_n3A_90 = arith.select %and3A, %sub3A_89, %div3A : i32
    %while3A = arith.constant 0 : i32
    %while3A_91 = arith.constant 0 : i32
    %while3A_92 = arith.subi %select_n3A_90, %while3A_91 : i32
    %while3A_93 = arith.addi %while3A_91, %while3A_92 : i32
    %while3A_94 = arith.constant 1 : i32
    %while3A_95 = arith.divsi %while3A_92, %while3A_94 : i32
    %while3A_96 = arith.muli %while3A_95, %while3A_94 : i32
    %while3A_97 = arith.addi %while3A_91, %while3A_96 : i32
    %while3A_98 = arith.constant 1 : i32
    scf.for %while3A_166 = %while3A_91 to %while3A_97 step %while3A_98  : i32 {
      %mul3A_167 = arith.constant 2 : i32
      %mul3A_168 = arith.muli %mul3A_167, %while3A_166 : i32
      %dma_wait3A = arith.constant 0 : i32
      %dma_wait3A_169 = arith.constant 0 : i32
      %dma_wait3A_170 = tpu.memref_slice %arg10[%dma_wait3A, %dma_wait3A_169] : memref<1x128xi32, #tpu.memory_space<vmem>> -> memref<1x128xi32, #tpu.memory_space<vmem>>
      %dma_wait3A_171 = tpu.memref_squeeze %dma_wait3A_170 : memref<1x128xi32, #tpu.memory_space<vmem>> -> memref<128xi32, #tpu.memory_space<vmem>>
      %dma_wait3A_172 = arith.constant 0 : i32
      %dma_wait3A_173 = arith.constant 0 : i32
      %dma_wait3A_174 = tpu.memref_slice %arg2[%dma_wait3A_172, %dma_wait3A_173] : memref<10000x128xf32, #tpu.memory_space<hbm>> -> memref<10000x128xf32, #tpu.memory_space<hbm>>
      tpu.wait_indirect_dma semaphore(%arg19 : memref<!tpu.dma_semaphore, #tpu.memory_space<semaphore_mem>>) src(%dma_wait3A_174 : memref<10000x128xf32, #tpu.memory_space<hbm>>) dst(%arg14 : memref<128x128xf32, #tpu.memory_space<vmem>>)
      %dma_start3A_175 = arith.constant 0 : i32
      %dma_start3A_176 = arith.constant 0 : i32
      %dma_start3A_177 = tpu.memref_slice %arg12[%dma_start3A_175, %dma_start3A_176] : memref<1x128xi32, #tpu.memory_space<vmem>> -> memref<1x128xi32, #tpu.memory_space<vmem>>
      %dma_start3A_178 = tpu.memref_squeeze %dma_start3A_177 : memref<1x128xi32, #tpu.memory_space<vmem>> -> memref<128xi32, #tpu.memory_space<vmem>>
      %dma_start3A_179 = arith.constant 0 : i32
      %dma_start3A_180 = arith.constant 0 : i32
      %dma_start3A_181 = tpu.memref_slice %arg17[%dma_start3A_179, %dma_start3A_180] : memref<10112x128xf32, #tpu.memory_space<vmem_shared>> -> memref<10112x128xf32, #tpu.memory_space<vmem_shared>>
      tpu.enqueue_indirect_dma source(%arg14 : memref<128x128xf32, #tpu.memory_space<vmem>>) target(%dma_start3A_181 : memref<10112x128xf32, #tpu.memory_space<vmem_shared>>) offsets(%dma_start3A_178 : memref<128xi32, #tpu.memory_space<vmem>>) semaphore(%arg21 : memref<!tpu.dma_semaphore, #tpu.memory_space<semaphore_mem>>) {add = true}
      %dma_start3A_182 = arith.constant 0 : i32
      %dma_start3A_183 = arith.constant 0 : i32
      %dma_start3A_184 = tpu.memref_slice %arg12[%dma_start3A_182, %dma_start3A_183] : memref<1x128xi32, #tpu.memory_space<vmem>> -> memref<1x128xi32, #tpu.memory_space<vmem>>
      %dma_start3A_185 = tpu.memref_squeeze %dma_start3A_184 : memref<1x128xi32, #tpu.memory_space<vmem>> -> memref<128xi32, #tpu.memory_space<vmem>>
      %dma_start3A_186 = arith.constant 0 : i32
      %dma_start3A_187 = arith.constant 0 : i32
      %dma_start3A_188 = tpu.memref_slice %arg18[%dma_start3A_186, %dma_start3A_187] : memref<10112x8xf32, #tpu.memory_space<vmem_shared>> -> memref<10112x8xf32, #tpu.memory_space<vmem_shared>>
      tpu.enqueue_indirect_dma source(%arg16 : memref<128x8xf32, #tpu.memory_space<vmem>>) target(%dma_start3A_188 : memref<10112x8xf32, #tpu.memory_space<vmem_shared>>) offsets(%dma_start3A_185 : memref<128xi32, #tpu.memory_space<vmem>>) semaphore(%arg21 : memref<!tpu.dma_semaphore, #tpu.memory_space<semaphore_mem>>) {add = true}
      %add3A_189 = arith.constant 2 : i32
      %add3A_190 = arith.addi %mul3A_168, %add3A_189 : i32
      %lt3A = arith.cmpi slt, %add3A_190, %select_n3A_9 : i32
      %convert_element_type3A = arith.extui %lt3A : i1 to i32
      %cond3A = arith.constant 0 : i32
      %cond3A_191 = arith.cmpi ne, %convert_element_type3A, %cond3A : i32
      scf.if %cond3A_191 {
        %add3A_259 = arith.addi %select_n3A, %add3A_190 : i32
        %run_scoped3A_260 = arith.constant 0 : i32
        "tpu.region"() ({
          %run_scoped3A_261 = tpu.sem_alloc : memref<!tpu.dma_semaphore, #tpu.memory_space<semaphore_mem>>
          %dma_start3A_262 = arith.constant 0 : i32
          %dma_start3A_263 = tpu.memref_slice %arg10[%run_scoped3A_260, %dma_start3A_262] : memref<1x128xi32, #tpu.memory_space<vmem>> -> memref<1x128xi32, #tpu.memory_space<vmem>>
          %dma_start3A_264 = tpu.memref_squeeze %dma_start3A_263 : memref<1x128xi32, #tpu.memory_space<vmem>> -> memref<128xi32, #tpu.memory_space<vmem>>
          %dma_start3A_265 = arith.constant 0 : i32
          %dma_start3A_266 = tpu.memref_slice %arg3[%add3A_259, %dma_start3A_265] : memref<2560x128xi32, #tpu.memory_space<hbm>> -> memref<1x128xi32, #tpu.memory_space<hbm>>
          %dma_start3A_267 = tpu.memref_squeeze %dma_start3A_266 : memref<1x128xi32, #tpu.memory_space<hbm>> -> memref<128xi32, #tpu.memory_space<hbm>>
          %dma_start3A_268 = arith.constant 0 : i32
          %dma_start3A_269 = tpu.memref_slice %arg10[%run_scoped3A_260, %dma_start3A_268] : memref<1x128xi32, #tpu.memory_space<vmem>> -> memref<1x128xi32, #tpu.memory_space<vmem>>
          %dma_start3A_270 = tpu.memref_squeeze %dma_start3A_269 : memref<1x128xi32, #tpu.memory_space<vmem>> -> memref<128xi32, #tpu.memory_space<vmem>>
          %dma_start3A_271 = arith.constant 0 : i32
          %dma_start3A_272 = tpu.memref_slice %arg3[%add3A_259, %dma_start3A_271] : memref<2560x128xi32, #tpu.memory_space<hbm>> -> memref<1x128xi32, #tpu.memory_space<hbm>>
          %dma_start3A_273 = tpu.memref_squeeze %dma_start3A_272 : memref<1x128xi32, #tpu.memory_space<hbm>> -> memref<128xi32, #tpu.memory_space<hbm>>
          tpu.enqueue_dma source(%dma_start3A_273 : memref<128xi32, #tpu.memory_space<hbm>>) target(%dma_start3A_270 : memref<128xi32, #tpu.memory_space<vmem>>) target_semaphore(%run_scoped3A_261 : memref<!tpu.dma_semaphore, #tpu.memory_space<semaphore_mem>>)
          %dma_wait3A_274 = arith.constant 0 : i32
          %dma_wait3A_275 = tpu.memref_slice %arg10[%run_scoped3A_260, %dma_wait3A_274] : memref<1x128xi32, #tpu.memory_space<vmem>> -> memref<1x128xi32, #tpu.memory_space<vmem>>
          %dma_wait3A_276 = tpu.memref_squeeze %dma_wait3A_275 : memref<1x128xi32, #tpu.memory_space<vmem>> -> memref<128xi32, #tpu.memory_space<vmem>>
          %dma_wait3A_277 = arith.constant 0 : i32
          %dma_wait3A_278 = tpu.memref_slice %arg3[%add3A_259, %dma_wait3A_277] : memref<2560x128xi32, #tpu.memory_space<hbm>> -> memref<1x128xi32, #tpu.memory_space<hbm>>
          %dma_wait3A_279 = tpu.memref_squeeze %dma_wait3A_278 : memref<1x128xi32, #tpu.memory_space<hbm>> -> memref<128xi32, #tpu.memory_space<hbm>>
          %dma_wait3A_280 = arith.constant 0 : i32
          %dma_wait3A_281 = tpu.memref_slice %arg10[%run_scoped3A_260, %dma_wait3A_280] : memref<1x128xi32, #tpu.memory_space<vmem>> -> memref<1x128xi32, #tpu.memory_space<vmem>>
          %dma_wait3A_282 = tpu.memref_squeeze %dma_wait3A_281 : memref<1x128xi32, #tpu.memory_space<vmem>> -> memref<128xi32, #tpu.memory_space<vmem>>
          %dma_wait3A_283 = arith.constant 0 : i32
          %dma_wait3A_284 = tpu.memref_slice %arg3[%add3A_259, %dma_wait3A_283] : memref<2560x128xi32, #tpu.memory_space<hbm>> -> memref<1x128xi32, #tpu.memory_space<hbm>>
          %dma_wait3A_285 = tpu.memref_squeeze %dma_wait3A_284 : memref<1x128xi32, #tpu.memory_space<hbm>> -> memref<128xi32, #tpu.memory_space<hbm>>
          tpu.wait_dma2 semaphore(%run_scoped3A_261 : memref<!tpu.dma_semaphore, #tpu.memory_space<semaphore_mem>>) src(%dma_wait3A_285 : memref<128xi32, #tpu.memory_space<hbm>>) dst(%dma_wait3A_282 : memref<128xi32, #tpu.memory_space<vmem>>)
          tpu.yield
        }) : () -> ()
      } else {
      }
      %dma_wait3A_192 = arith.constant 0 : i32
      %dma_wait3A_193 = arith.constant 0 : i32
      %dma_wait3A_194 = tpu.memref_slice %arg12[%dma_wait3A_192, %dma_wait3A_193] : memref<1x128xi32, #tpu.memory_space<vmem>> -> memref<1x128xi32, #tpu.memory_space<vmem>>
      %dma_wait3A_195 = tpu.memref_squeeze %dma_wait3A_194 : memref<1x128xi32, #tpu.memory_space<vmem>> -> memref<128xi32, #tpu.memory_space<vmem>>
      %dma_wait3A_196 = arith.constant 0 : i32
      %dma_wait3A_197 = arith.constant 0 : i32
      %dma_wait3A_198 = tpu.memref_slice %arg17[%dma_wait3A_196, %dma_wait3A_197] : memref<10112x128xf32, #tpu.memory_space<vmem_shared>> -> memref<10112x128xf32, #tpu.memory_space<vmem_shared>>
      tpu.wait_indirect_dma semaphore(%arg21 : memref<!tpu.dma_semaphore, #tpu.memory_space<semaphore_mem>>) src(%arg14 : memref<128x128xf32, #tpu.memory_space<vmem>>) dst(%dma_wait3A_198 : memref<10112x128xf32, #tpu.memory_space<vmem_shared>>)
      %dma_wait3A_199 = arith.constant 0 : i32
      %dma_wait3A_200 = arith.constant 0 : i32
      %dma_wait3A_201 = tpu.memref_slice %arg12[%dma_wait3A_199, %dma_wait3A_200] : memref<1x128xi32, #tpu.memory_space<vmem>> -> memref<1x128xi32, #tpu.memory_space<vmem>>
      %dma_wait3A_202 = tpu.memref_squeeze %dma_wait3A_201 : memref<1x128xi32, #tpu.memory_space<vmem>> -> memref<128xi32, #tpu.memory_space<vmem>>
      %dma_wait3A_203 = arith.constant 0 : i32
      %dma_wait3A_204 = arith.constant 0 : i32
      %dma_wait3A_205 = tpu.memref_slice %arg18[%dma_wait3A_203, %dma_wait3A_204] : memref<10112x8xf32, #tpu.memory_space<vmem_shared>> -> memref<10112x8xf32, #tpu.memory_space<vmem_shared>>
      tpu.wait_indirect_dma semaphore(%arg21 : memref<!tpu.dma_semaphore, #tpu.memory_space<semaphore_mem>>) src(%arg16 : memref<128x8xf32, #tpu.memory_space<vmem>>) dst(%dma_wait3A_205 : memref<10112x8xf32, #tpu.memory_space<vmem_shared>>)
      %lt3A_206 = arith.cmpi slt, %add3A_190, %select_n3A_9 : i32
      %convert_element_type3A_207 = arith.extui %lt3A_206 : i1 to i32
      %cond3A_208 = arith.constant 0 : i32
      %cond3A_209 = arith.cmpi ne, %convert_element_type3A_207, %cond3A_208 : i32
      scf.if %cond3A_209 {
        %add3A_259 = arith.addi %select_n3A, %add3A_190 : i32
        %run_scoped3A_260 = arith.constant 0 : i32
        "tpu.region"() ({
          %run_scoped3A_268 = tpu.sem_alloc : memref<!tpu.dma_semaphore, #tpu.memory_space<semaphore_mem>>
          %dma_start3A_269 = arith.constant 0 : i32
          %dma_start3A_270 = tpu.memref_slice %arg12[%run_scoped3A_260, %dma_start3A_269] : memref<1x128xi32, #tpu.memory_space<vmem>> -> memref<1x128xi32, #tpu.memory_space<vmem>>
          %dma_start3A_271 = tpu.memref_squeeze %dma_start3A_270 : memref<1x128xi32, #tpu.memory_space<vmem>> -> memref<128xi32, #tpu.memory_space<vmem>>
          %dma_start3A_272 = arith.constant 0 : i32
          %dma_start3A_273 = tpu.memref_slice %arg4[%add3A_259, %dma_start3A_272] : memref<2560x128xi32, #tpu.memory_space<hbm>> -> memref<1x128xi32, #tpu.memory_space<hbm>>
          %dma_start3A_274 = tpu.memref_squeeze %dma_start3A_273 : memref<1x128xi32, #tpu.memory_space<hbm>> -> memref<128xi32, #tpu.memory_space<hbm>>
          %dma_start3A_275 = arith.constant 0 : i32
          %dma_start3A_276 = tpu.memref_slice %arg12[%run_scoped3A_260, %dma_start3A_275] : memref<1x128xi32, #tpu.memory_space<vmem>> -> memref<1x128xi32, #tpu.memory_space<vmem>>
          %dma_start3A_277 = tpu.memref_squeeze %dma_start3A_276 : memref<1x128xi32, #tpu.memory_space<vmem>> -> memref<128xi32, #tpu.memory_space<vmem>>
          %dma_start3A_278 = arith.constant 0 : i32
          %dma_start3A_279 = tpu.memref_slice %arg4[%add3A_259, %dma_start3A_278] : memref<2560x128xi32, #tpu.memory_space<hbm>> -> memref<1x128xi32, #tpu.memory_space<hbm>>
          %dma_start3A_280 = tpu.memref_squeeze %dma_start3A_279 : memref<1x128xi32, #tpu.memory_space<hbm>> -> memref<128xi32, #tpu.memory_space<hbm>>
          tpu.enqueue_dma source(%dma_start3A_280 : memref<128xi32, #tpu.memory_space<hbm>>) target(%dma_start3A_277 : memref<128xi32, #tpu.memory_space<vmem>>) target_semaphore(%run_scoped3A_268 : memref<!tpu.dma_semaphore, #tpu.memory_space<semaphore_mem>>)
          %dma_wait3A_281 = arith.constant 0 : i32
          %dma_wait3A_282 = tpu.memref_slice %arg12[%run_scoped3A_260, %dma_wait3A_281] : memref<1x128xi32, #tpu.memory_space<vmem>> -> memref<1x128xi32, #tpu.memory_space<vmem>>
          %dma_wait3A_283 = tpu.memref_squeeze %dma_wait3A_282 : memref<1x128xi32, #tpu.memory_space<vmem>> -> memref<128xi32, #tpu.memory_space<vmem>>
          %dma_wait3A_284 = arith.constant 0 : i32
          %dma_wait3A_285 = tpu.memref_slice %arg4[%add3A_259, %dma_wait3A_284] : memref<2560x128xi32, #tpu.memory_space<hbm>> -> memref<1x128xi32, #tpu.memory_space<hbm>>
          %dma_wait3A_286 = tpu.memref_squeeze %dma_wait3A_285 : memref<1x128xi32, #tpu.memory_space<hbm>> -> memref<128xi32, #tpu.memory_space<hbm>>
          %dma_wait3A_287 = arith.constant 0 : i32
          %dma_wait3A_288 = tpu.memref_slice %arg12[%run_scoped3A_260, %dma_wait3A_287] : memref<1x128xi32, #tpu.memory_space<vmem>> -> memref<1x128xi32, #tpu.memory_space<vmem>>
          %dma_wait3A_289 = tpu.memref_squeeze %dma_wait3A_288 : memref<1x128xi32, #tpu.memory_space<vmem>> -> memref<128xi32, #tpu.memory_space<vmem>>
          %dma_wait3A_290 = arith.constant 0 : i32
          %dma_wait3A_291 = tpu.memref_slice %arg4[%add3A_259, %dma_wait3A_290] : memref<2560x128xi32, #tpu.memory_space<hbm>> -> memref<1x128xi32, #tpu.memory_space<hbm>>
          %dma_wait3A_292 = tpu.memref_squeeze %dma_wait3A_291 : memref<1x128xi32, #tpu.memory_space<hbm>> -> memref<128xi32, #tpu.memory_space<hbm>>
          tpu.wait_dma2 semaphore(%run_scoped3A_268 : memref<!tpu.dma_semaphore, #tpu.memory_space<semaphore_mem>>) src(%dma_wait3A_292 : memref<128xi32, #tpu.memory_space<hbm>>) dst(%dma_wait3A_289 : memref<128xi32, #tpu.memory_space<vmem>>)
          tpu.yield
        }) : () -> ()
        %dma_start3A_261 = arith.constant 0 : i32
        %dma_start3A_262 = arith.constant 0 : i32
        %dma_start3A_263 = tpu.memref_slice %arg10[%dma_start3A_261, %dma_start3A_262] : memref<1x128xi32, #tpu.memory_space<vmem>> -> memref<1x128xi32, #tpu.memory_space<vmem>>
        %dma_start3A_264 = tpu.memref_squeeze %dma_start3A_263 : memref<1x128xi32, #tpu.memory_space<vmem>> -> memref<128xi32, #tpu.memory_space<vmem>>
        %dma_start3A_265 = arith.constant 0 : i32
        %dma_start3A_266 = arith.constant 0 : i32
        %dma_start3A_267 = tpu.memref_slice %arg2[%dma_start3A_265, %dma_start3A_266] : memref<10000x128xf32, #tpu.memory_space<hbm>> -> memref<10000x128xf32, #tpu.memory_space<hbm>>
        tpu.enqueue_indirect_dma source(%dma_start3A_267 : memref<10000x128xf32, #tpu.memory_space<hbm>>) target(%arg14 : memref<128x128xf32, #tpu.memory_space<vmem>>) offsets(%dma_start3A_264 : memref<128xi32, #tpu.memory_space<vmem>>) semaphore(%arg19 : memref<!tpu.dma_semaphore, #tpu.memory_space<semaphore_mem>>)
      } else {
      }
      %mul3A_210 = arith.constant 2 : i32
      %mul3A_211 = arith.muli %mul3A_210, %while3A_166 : i32
      %add3A_212 = arith.constant 1 : i32
      %add3A_213 = arith.addi %mul3A_211, %add3A_212 : i32
      %dma_wait3A_214 = arith.constant 0 : i32
      %dma_wait3A_215 = arith.constant 0 : i32
      %dma_wait3A_216 = tpu.memref_slice %arg11[%dma_wait3A_214, %dma_wait3A_215] : memref<1x128xi32, #tpu.memory_space<vmem>> -> memref<1x128xi32, #tpu.memory_space<vmem>>
      %dma_wait3A_217 = tpu.memref_squeeze %dma_wait3A_216 : memref<1x128xi32, #tpu.memory_space<vmem>> -> memref<128xi32, #tpu.memory_space<vmem>>
      %dma_wait3A_218 = arith.constant 0 : i32
      %dma_wait3A_219 = arith.constant 0 : i32
      %dma_wait3A_220 = tpu.memref_slice %arg2[%dma_wait3A_218, %dma_wait3A_219] : memref<10000x128xf32, #tpu.memory_space<hbm>> -> memref<10000x128xf32, #tpu.memory_space<hbm>>
      tpu.wait_indirect_dma semaphore(%arg20 : memref<!tpu.dma_semaphore, #tpu.memory_space<semaphore_mem>>) src(%dma_wait3A_220 : memref<10000x128xf32, #tpu.memory_space<hbm>>) dst(%arg15 : memref<128x128xf32, #tpu.memory_space<vmem>>)
      %dma_start3A_221 = arith.constant 0 : i32
      %dma_start3A_222 = arith.constant 0 : i32
      %dma_start3A_223 = tpu.memref_slice %arg13[%dma_start3A_221, %dma_start3A_222] : memref<1x128xi32, #tpu.memory_space<vmem>> -> memref<1x128xi32, #tpu.memory_space<vmem>>
      %dma_start3A_224 = tpu.memref_squeeze %dma_start3A_223 : memref<1x128xi32, #tpu.memory_space<vmem>> -> memref<128xi32, #tpu.memory_space<vmem>>
      %dma_start3A_225 = arith.constant 0 : i32
      %dma_start3A_226 = arith.constant 0 : i32
      %dma_start3A_227 = tpu.memref_slice %arg17[%dma_start3A_225, %dma_start3A_226] : memref<10112x128xf32, #tpu.memory_space<vmem_shared>> -> memref<10112x128xf32, #tpu.memory_space<vmem_shared>>
      tpu.enqueue_indirect_dma source(%arg15 : memref<128x128xf32, #tpu.memory_space<vmem>>) target(%dma_start3A_227 : memref<10112x128xf32, #tpu.memory_space<vmem_shared>>) offsets(%dma_start3A_224 : memref<128xi32, #tpu.memory_space<vmem>>) semaphore(%arg22 : memref<!tpu.dma_semaphore, #tpu.memory_space<semaphore_mem>>) {add = true}
      %dma_start3A_228 = arith.constant 0 : i32
      %dma_start3A_229 = arith.constant 0 : i32
      %dma_start3A_230 = tpu.memref_slice %arg13[%dma_start3A_228, %dma_start3A_229] : memref<1x128xi32, #tpu.memory_space<vmem>> -> memref<1x128xi32, #tpu.memory_space<vmem>>
      %dma_start3A_231 = tpu.memref_squeeze %dma_start3A_230 : memref<1x128xi32, #tpu.memory_space<vmem>> -> memref<128xi32, #tpu.memory_space<vmem>>
      %dma_start3A_232 = arith.constant 0 : i32
      %dma_start3A_233 = arith.constant 0 : i32
      %dma_start3A_234 = tpu.memref_slice %arg18[%dma_start3A_232, %dma_start3A_233] : memref<10112x8xf32, #tpu.memory_space<vmem_shared>> -> memref<10112x8xf32, #tpu.memory_space<vmem_shared>>
      tpu.enqueue_indirect_dma source(%arg16 : memref<128x8xf32, #tpu.memory_space<vmem>>) target(%dma_start3A_234 : memref<10112x8xf32, #tpu.memory_space<vmem_shared>>) offsets(%dma_start3A_231 : memref<128xi32, #tpu.memory_space<vmem>>) semaphore(%arg22 : memref<!tpu.dma_semaphore, #tpu.memory_space<semaphore_mem>>) {add = true}
      %add3A_235 = arith.constant 2 : i32
      %add3A_236 = arith.addi %add3A_213, %add3A_235 : i32
      %lt3A_237 = arith.cmpi slt, %add3A_236, %select_n3A_9 : i32
      %convert_element_type3A_238 = arith.extui %lt3A_237 : i1 to i32
      %cond3A_239 = arith.constant 0 : i32
      %cond3A_240 = arith.cmpi ne, %convert_element_type3A_238, %cond3A_239 : i32
      scf.if %cond3A_240 {
        %add3A_259 = arith.addi %select_n3A, %add3A_236 : i32
        %run_scoped3A_260 = arith.constant 0 : i32
        "tpu.region"() ({
          %run_scoped3A_261 = tpu.sem_alloc : memref<!tpu.dma_semaphore, #tpu.memory_space<semaphore_mem>>
          %dma_start3A_262 = arith.constant 0 : i32
          %dma_start3A_263 = tpu.memref_slice %arg11[%run_scoped3A_260, %dma_start3A_262] : memref<1x128xi32, #tpu.memory_space<vmem>> -> memref<1x128xi32, #tpu.memory_space<vmem>>
          %dma_start3A_264 = tpu.memref_squeeze %dma_start3A_263 : memref<1x128xi32, #tpu.memory_space<vmem>> -> memref<128xi32, #tpu.memory_space<vmem>>
          %dma_start3A_265 = arith.constant 0 : i32
          %dma_start3A_266 = tpu.memref_slice %arg3[%add3A_259, %dma_start3A_265] : memref<2560x128xi32, #tpu.memory_space<hbm>> -> memref<1x128xi32, #tpu.memory_space<hbm>>
          %dma_start3A_267 = tpu.memref_squeeze %dma_start3A_266 : memref<1x128xi32, #tpu.memory_space<hbm>> -> memref<128xi32, #tpu.memory_space<hbm>>
          %dma_start3A_268 = arith.constant 0 : i32
          %dma_start3A_269 = tpu.memref_slice %arg11[%run_scoped3A_260, %dma_start3A_268] : memref<1x128xi32, #tpu.memory_space<vmem>> -> memref<1x128xi32, #tpu.memory_space<vmem>>
          %dma_start3A_270 = tpu.memref_squeeze %dma_start3A_269 : memref<1x128xi32, #tpu.memory_space<vmem>> -> memref<128xi32, #tpu.memory_space<vmem>>
          %dma_start3A_271 = arith.constant 0 : i32
          %dma_start3A_272 = tpu.memref_slice %arg3[%add3A_259, %dma_start3A_271] : memref<2560x128xi32, #tpu.memory_space<hbm>> -> memref<1x128xi32, #tpu.memory_space<hbm>>
          %dma_start3A_273 = tpu.memref_squeeze %dma_start3A_272 : memref<1x128xi32, #tpu.memory_space<hbm>> -> memref<128xi32, #tpu.memory_space<hbm>>
          tpu.enqueue_dma source(%dma_start3A_273 : memref<128xi32, #tpu.memory_space<hbm>>) target(%dma_start3A_270 : memref<128xi32, #tpu.memory_space<vmem>>) target_semaphore(%run_scoped3A_261 : memref<!tpu.dma_semaphore, #tpu.memory_space<semaphore_mem>>)
          %dma_wait3A_274 = arith.constant 0 : i32
          %dma_wait3A_275 = tpu.memref_slice %arg11[%run_scoped3A_260, %dma_wait3A_274] : memref<1x128xi32, #tpu.memory_space<vmem>> -> memref<1x128xi32, #tpu.memory_space<vmem>>
          %dma_wait3A_276 = tpu.memref_squeeze %dma_wait3A_275 : memref<1x128xi32, #tpu.memory_space<vmem>> -> memref<128xi32, #tpu.memory_space<vmem>>
          %dma_wait3A_277 = arith.constant 0 : i32
          %dma_wait3A_278 = tpu.memref_slice %arg3[%add3A_259, %dma_wait3A_277] : memref<2560x128xi32, #tpu.memory_space<hbm>> -> memref<1x128xi32, #tpu.memory_space<hbm>>
          %dma_wait3A_279 = tpu.memref_squeeze %dma_wait3A_278 : memref<1x128xi32, #tpu.memory_space<hbm>> -> memref<128xi32, #tpu.memory_space<hbm>>
          %dma_wait3A_280 = arith.constant 0 : i32
          %dma_wait3A_281 = tpu.memref_slice %arg11[%run_scoped3A_260, %dma_wait3A_280] : memref<1x128xi32, #tpu.memory_space<vmem>> -> memref<1x128xi32, #tpu.memory_space<vmem>>
          %dma_wait3A_282 = tpu.memref_squeeze %dma_wait3A_281 : memref<1x128xi32, #tpu.memory_space<vmem>> -> memref<128xi32, #tpu.memory_space<vmem>>
          %dma_wait3A_283 = arith.constant 0 : i32
          %dma_wait3A_284 = tpu.memref_slice %arg3[%add3A_259, %dma_wait3A_283] : memref<2560x128xi32, #tpu.memory_space<hbm>> -> memref<1x128xi32, #tpu.memory_space<hbm>>
          %dma_wait3A_285 = tpu.memref_squeeze %dma_wait3A_284 : memref<1x128xi32, #tpu.memory_space<hbm>> -> memref<128xi32, #tpu.memory_space<hbm>>
          tpu.wait_dma2 semaphore(%run_scoped3A_261 : memref<!tpu.dma_semaphore, #tpu.memory_space<semaphore_mem>>) src(%dma_wait3A_285 : memref<128xi32, #tpu.memory_space<hbm>>) dst(%dma_wait3A_282 : memref<128xi32, #tpu.memory_space<vmem>>)
          tpu.yield
        }) : () -> ()
      } else {
      }
      %dma_wait3A_241 = arith.constant 0 : i32
      %dma_wait3A_242 = arith.constant 0 : i32
      %dma_wait3A_243 = tpu.memref_slice %arg13[%dma_wait3A_241, %dma_wait3A_242] : memref<1x128xi32, #tpu.memory_space<vmem>> -> memref<1x128xi32, #tpu.memory_space<vmem>>
      %dma_wait3A_244 = tpu.memref_squeeze %dma_wait3A_243 : memref<1x128xi32, #tpu.memory_space<vmem>> -> memref<128xi32, #tpu.memory_space<vmem>>
      %dma_wait3A_245 = arith.constant 0 : i32
      %dma_wait3A_246 = arith.constant 0 : i32
      %dma_wait3A_247 = tpu.memref_slice %arg17[%dma_wait3A_245, %dma_wait3A_246] : memref<10112x128xf32, #tpu.memory_space<vmem_shared>> -> memref<10112x128xf32, #tpu.memory_space<vmem_shared>>
      tpu.wait_indirect_dma semaphore(%arg22 : memref<!tpu.dma_semaphore, #tpu.memory_space<semaphore_mem>>) src(%arg15 : memref<128x128xf32, #tpu.memory_space<vmem>>) dst(%dma_wait3A_247 : memref<10112x128xf32, #tpu.memory_space<vmem_shared>>)
      %dma_wait3A_248 = arith.constant 0 : i32
      %dma_wait3A_249 = arith.constant 0 : i32
      %dma_wait3A_250 = tpu.memref_slice %arg13[%dma_wait3A_248, %dma_wait3A_249] : memref<1x128xi32, #tpu.memory_space<vmem>> -> memref<1x128xi32, #tpu.memory_space<vmem>>
      %dma_wait3A_251 = tpu.memref_squeeze %dma_wait3A_250 : memref<1x128xi32, #tpu.memory_space<vmem>> -> memref<128xi32, #tpu.memory_space<vmem>>
      %dma_wait3A_252 = arith.constant 0 : i32
      %dma_wait3A_253 = arith.constant 0 : i32
      %dma_wait3A_254 = tpu.memref_slice %arg18[%dma_wait3A_252, %dma_wait3A_253] : memref<10112x8xf32, #tpu.memory_space<vmem_shared>> -> memref<10112x8xf32, #tpu.memory_space<vmem_shared>>
      tpu.wait_indirect_dma semaphore(%arg22 : memref<!tpu.dma_semaphore, #tpu.memory_space<semaphore_mem>>) src(%arg16 : memref<128x8xf32, #tpu.memory_space<vmem>>) dst(%dma_wait3A_254 : memref<10112x8xf32, #tpu.memory_space<vmem_shared>>)
      %lt3A_255 = arith.cmpi slt, %add3A_236, %select_n3A_9 : i32
      %convert_element_type3A_256 = arith.extui %lt3A_255 : i1 to i32
      %cond3A_257 = arith.constant 0 : i32
      %cond3A_258 = arith.cmpi ne, %convert_element_type3A_256, %cond3A_257 : i32
      scf.if %cond3A_258 {
        %add3A_259 = arith.addi %select_n3A, %add3A_236 : i32
        %run_scoped3A_260 = arith.constant 0 : i32
        "tpu.region"() ({
          %run_scoped3A_268 = tpu.sem_alloc : memref<!tpu.dma_semaphore, #tpu.memory_space<semaphore_mem>>
          %dma_start3A_269 = arith.constant 0 : i32
          %dma_start3A_270 = tpu.memref_slice %arg13[%run_scoped3A_260, %dma_start3A_269] : memref<1x128xi32, #tpu.memory_space<vmem>> -> memref<1x128xi32, #tpu.memory_space<vmem>>
          %dma_start3A_271 = tpu.memref_squeeze %dma_start3A_270 : memref<1x128xi32, #tpu.memory_space<vmem>> -> memref<128xi32, #tpu.memory_space<vmem>>
          %dma_start3A_272 = arith.constant 0 : i32
          %dma_start3A_273 = tpu.memref_slice %arg4[%add3A_259, %dma_start3A_272] : memref<2560x128xi32, #tpu.memory_space<hbm>> -> memref<1x128xi32, #tpu.memory_space<hbm>>
          %dma_start3A_274 = tpu.memref_squeeze %dma_start3A_273 : memref<1x128xi32, #tpu.memory_space<hbm>> -> memref<128xi32, #tpu.memory_space<hbm>>
          %dma_start3A_275 = arith.constant 0 : i32
          %dma_start3A_276 = tpu.memref_slice %arg13[%run_scoped3A_260, %dma_start3A_275] : memref<1x128xi32, #tpu.memory_space<vmem>> -> memref<1x128xi32, #tpu.memory_space<vmem>>
          %dma_start3A_277 = tpu.memref_squeeze %dma_start3A_276 : memref<1x128xi32, #tpu.memory_space<vmem>> -> memref<128xi32, #tpu.memory_space<vmem>>
          %dma_start3A_278 = arith.constant 0 : i32
          %dma_start3A_279 = tpu.memref_slice %arg4[%add3A_259, %dma_start3A_278] : memref<2560x128xi32, #tpu.memory_space<hbm>> -> memref<1x128xi32, #tpu.memory_space<hbm>>
          %dma_start3A_280 = tpu.memref_squeeze %dma_start3A_279 : memref<1x128xi32, #tpu.memory_space<hbm>> -> memref<128xi32, #tpu.memory_space<hbm>>
          tpu.enqueue_dma source(%dma_start3A_280 : memref<128xi32, #tpu.memory_space<hbm>>) target(%dma_start3A_277 : memref<128xi32, #tpu.memory_space<vmem>>) target_semaphore(%run_scoped3A_268 : memref<!tpu.dma_semaphore, #tpu.memory_space<semaphore_mem>>)
          %dma_wait3A_281 = arith.constant 0 : i32
          %dma_wait3A_282 = tpu.memref_slice %arg13[%run_scoped3A_260, %dma_wait3A_281] : memref<1x128xi32, #tpu.memory_space<vmem>> -> memref<1x128xi32, #tpu.memory_space<vmem>>
          %dma_wait3A_283 = tpu.memref_squeeze %dma_wait3A_282 : memref<1x128xi32, #tpu.memory_space<vmem>> -> memref<128xi32, #tpu.memory_space<vmem>>
          %dma_wait3A_284 = arith.constant 0 : i32
          %dma_wait3A_285 = tpu.memref_slice %arg4[%add3A_259, %dma_wait3A_284] : memref<2560x128xi32, #tpu.memory_space<hbm>> -> memref<1x128xi32, #tpu.memory_space<hbm>>
          %dma_wait3A_286 = tpu.memref_squeeze %dma_wait3A_285 : memref<1x128xi32, #tpu.memory_space<hbm>> -> memref<128xi32, #tpu.memory_space<hbm>>
          %dma_wait3A_287 = arith.constant 0 : i32
          %dma_wait3A_288 = tpu.memref_slice %arg13[%run_scoped3A_260, %dma_wait3A_287] : memref<1x128xi32, #tpu.memory_space<vmem>> -> memref<1x128xi32, #tpu.memory_space<vmem>>
          %dma_wait3A_289 = tpu.memref_squeeze %dma_wait3A_288 : memref<1x128xi32, #tpu.memory_space<vmem>> -> memref<128xi32, #tpu.memory_space<vmem>>
          %dma_wait3A_290 = arith.constant 0 : i32
          %dma_wait3A_291 = tpu.memref_slice %arg4[%add3A_259, %dma_wait3A_290] : memref<2560x128xi32, #tpu.memory_space<hbm>> -> memref<1x128xi32, #tpu.memory_space<hbm>>
          %dma_wait3A_292 = tpu.memref_squeeze %dma_wait3A_291 : memref<1x128xi32, #tpu.memory_space<hbm>> -> memref<128xi32, #tpu.memory_space<hbm>>
          tpu.wait_dma2 semaphore(%run_scoped3A_268 : memref<!tpu.dma_semaphore, #tpu.memory_space<semaphore_mem>>) src(%dma_wait3A_292 : memref<128xi32, #tpu.memory_space<hbm>>) dst(%dma_wait3A_289 : memref<128xi32, #tpu.memory_space<vmem>>)
          tpu.yield
        }) : () -> ()
        %dma_start3A_261 = arith.constant 0 : i32
        %dma_start3A_262 = arith.constant 0 : i32
        %dma_start3A_263 = tpu.memref_slice %arg11[%dma_start3A_261, %dma_start3A_262] : memref<1x128xi32, #tpu.memory_space<vmem>> -> memref<1x128xi32, #tpu.memory_space<vmem>>
        %dma_start3A_264 = tpu.memref_squeeze %dma_start3A_263 : memref<1x128xi32, #tpu.memory_space<vmem>> -> memref<128xi32, #tpu.memory_space<vmem>>
        %dma_start3A_265 = arith.constant 0 : i32
        %dma_start3A_266 = arith.constant 0 : i32
        %dma_start3A_267 = tpu.memref_slice %arg2[%dma_start3A_265, %dma_start3A_266] : memref<10000x128xf32, #tpu.memory_space<hbm>> -> memref<10000x128xf32, #tpu.memory_space<hbm>>
        tpu.enqueue_indirect_dma source(%dma_start3A_267 : memref<10000x128xf32, #tpu.memory_space<hbm>>) target(%arg15 : memref<128x128xf32, #tpu.memory_space<vmem>>) offsets(%dma_start3A_264 : memref<128xi32, #tpu.memory_space<vmem>>) semaphore(%arg20 : memref<!tpu.dma_semaphore, #tpu.memory_space<semaphore_mem>>)
      } else {
      }
    }
    %while3A_99 = arith.constant 1 : i32
    scf.for %while3A_166 = %while3A_97 to %while3A_93 step %while3A_99  : i32 {
      %mul3A_167 = arith.constant 2 : i32
      %mul3A_168 = arith.muli %mul3A_167, %while3A_166 : i32
      %dma_wait3A = arith.constant 0 : i32
      %dma_wait3A_169 = arith.constant 0 : i32
      %dma_wait3A_170 = tpu.memref_slice %arg10[%dma_wait3A, %dma_wait3A_169] : memref<1x128xi32, #tpu.memory_space<vmem>> -> memref<1x128xi32, #tpu.memory_space<vmem>>
      %dma_wait3A_171 = tpu.memref_squeeze %dma_wait3A_170 : memref<1x128xi32, #tpu.memory_space<vmem>> -> memref<128xi32, #tpu.memory_space<vmem>>
      %dma_wait3A_172 = arith.constant 0 : i32
      %dma_wait3A_173 = arith.constant 0 : i32
      %dma_wait3A_174 = tpu.memref_slice %arg2[%dma_wait3A_172, %dma_wait3A_173] : memref<10000x128xf32, #tpu.memory_space<hbm>> -> memref<10000x128xf32, #tpu.memory_space<hbm>>
      tpu.wait_indirect_dma semaphore(%arg19 : memref<!tpu.dma_semaphore, #tpu.memory_space<semaphore_mem>>) src(%dma_wait3A_174 : memref<10000x128xf32, #tpu.memory_space<hbm>>) dst(%arg14 : memref<128x128xf32, #tpu.memory_space<vmem>>)
      %dma_start3A_175 = arith.constant 0 : i32
      %dma_start3A_176 = arith.constant 0 : i32
      %dma_start3A_177 = tpu.memref_slice %arg12[%dma_start3A_175, %dma_start3A_176] : memref<1x128xi32, #tpu.memory_space<vmem>> -> memref<1x128xi32, #tpu.memory_space<vmem>>
      %dma_start3A_178 = tpu.memref_squeeze %dma_start3A_177 : memref<1x128xi32, #tpu.memory_space<vmem>> -> memref<128xi32, #tpu.memory_space<vmem>>
      %dma_start3A_179 = arith.constant 0 : i32
      %dma_start3A_180 = arith.constant 0 : i32
      %dma_start3A_181 = tpu.memref_slice %arg17[%dma_start3A_179, %dma_start3A_180] : memref<10112x128xf32, #tpu.memory_space<vmem_shared>> -> memref<10112x128xf32, #tpu.memory_space<vmem_shared>>
      tpu.enqueue_indirect_dma source(%arg14 : memref<128x128xf32, #tpu.memory_space<vmem>>) target(%dma_start3A_181 : memref<10112x128xf32, #tpu.memory_space<vmem_shared>>) offsets(%dma_start3A_178 : memref<128xi32, #tpu.memory_space<vmem>>) semaphore(%arg21 : memref<!tpu.dma_semaphore, #tpu.memory_space<semaphore_mem>>) {add = true}
      %dma_start3A_182 = arith.constant 0 : i32
      %dma_start3A_183 = arith.constant 0 : i32
      %dma_start3A_184 = tpu.memref_slice %arg12[%dma_start3A_182, %dma_start3A_183] : memref<1x128xi32, #tpu.memory_space<vmem>> -> memref<1x128xi32, #tpu.memory_space<vmem>>
      %dma_start3A_185 = tpu.memref_squeeze %dma_start3A_184 : memref<1x128xi32, #tpu.memory_space<vmem>> -> memref<128xi32, #tpu.memory_space<vmem>>
      %dma_start3A_186 = arith.constant 0 : i32
      %dma_start3A_187 = arith.constant 0 : i32
      %dma_start3A_188 = tpu.memref_slice %arg18[%dma_start3A_186, %dma_start3A_187] : memref<10112x8xf32, #tpu.memory_space<vmem_shared>> -> memref<10112x8xf32, #tpu.memory_space<vmem_shared>>
      tpu.enqueue_indirect_dma source(%arg16 : memref<128x8xf32, #tpu.memory_space<vmem>>) target(%dma_start3A_188 : memref<10112x8xf32, #tpu.memory_space<vmem_shared>>) offsets(%dma_start3A_185 : memref<128xi32, #tpu.memory_space<vmem>>) semaphore(%arg21 : memref<!tpu.dma_semaphore, #tpu.memory_space<semaphore_mem>>) {add = true}
      %add3A_189 = arith.constant 2 : i32
      %add3A_190 = arith.addi %mul3A_168, %add3A_189 : i32
      %lt3A = arith.cmpi slt, %add3A_190, %select_n3A_9 : i32
      %convert_element_type3A = arith.extui %lt3A : i1 to i32
      %cond3A = arith.constant 0 : i32
      %cond3A_191 = arith.cmpi ne, %convert_element_type3A, %cond3A : i32
      scf.if %cond3A_191 {
        %add3A_259 = arith.addi %select_n3A, %add3A_190 : i32
        %run_scoped3A_260 = arith.constant 0 : i32
        "tpu.region"() ({
          %run_scoped3A_261 = tpu.sem_alloc : memref<!tpu.dma_semaphore, #tpu.memory_space<semaphore_mem>>
          %dma_start3A_262 = arith.constant 0 : i32
          %dma_start3A_263 = tpu.memref_slice %arg10[%run_scoped3A_260, %dma_start3A_262] : memref<1x128xi32, #tpu.memory_space<vmem>> -> memref<1x128xi32, #tpu.memory_space<vmem>>
          %dma_start3A_264 = tpu.memref_squeeze %dma_start3A_263 : memref<1x128xi32, #tpu.memory_space<vmem>> -> memref<128xi32, #tpu.memory_space<vmem>>
          %dma_start3A_265 = arith.constant 0 : i32
          %dma_start3A_266 = tpu.memref_slice %arg3[%add3A_259, %dma_start3A_265] : memref<2560x128xi32, #tpu.memory_space<hbm>> -> memref<1x128xi32, #tpu.memory_space<hbm>>
          %dma_start3A_267 = tpu.memref_squeeze %dma_start3A_266 : memref<1x128xi32, #tpu.memory_space<hbm>> -> memref<128xi32, #tpu.memory_space<hbm>>
          %dma_start3A_268 = arith.constant 0 : i32
          %dma_start3A_269 = tpu.memref_slice %arg10[%run_scoped3A_260, %dma_start3A_268] : memref<1x128xi32, #tpu.memory_space<vmem>> -> memref<1x128xi32, #tpu.memory_space<vmem>>
          %dma_start3A_270 = tpu.memref_squeeze %dma_start3A_269 : memref<1x128xi32, #tpu.memory_space<vmem>> -> memref<128xi32, #tpu.memory_space<vmem>>
          %dma_start3A_271 = arith.constant 0 : i32
          %dma_start3A_272 = tpu.memref_slice %arg3[%add3A_259, %dma_start3A_271] : memref<2560x128xi32, #tpu.memory_space<hbm>> -> memref<1x128xi32, #tpu.memory_space<hbm>>
          %dma_start3A_273 = tpu.memref_squeeze %dma_start3A_272 : memref<1x128xi32, #tpu.memory_space<hbm>> -> memref<128xi32, #tpu.memory_space<hbm>>
          tpu.enqueue_dma source(%dma_start3A_273 : memref<128xi32, #tpu.memory_space<hbm>>) target(%dma_start3A_270 : memref<128xi32, #tpu.memory_space<vmem>>) target_semaphore(%run_scoped3A_261 : memref<!tpu.dma_semaphore, #tpu.memory_space<semaphore_mem>>)
          %dma_wait3A_274 = arith.constant 0 : i32
          %dma_wait3A_275 = tpu.memref_slice %arg10[%run_scoped3A_260, %dma_wait3A_274] : memref<1x128xi32, #tpu.memory_space<vmem>> -> memref<1x128xi32, #tpu.memory_space<vmem>>
          %dma_wait3A_276 = tpu.memref_squeeze %dma_wait3A_275 : memref<1x128xi32, #tpu.memory_space<vmem>> -> memref<128xi32, #tpu.memory_space<vmem>>
          %dma_wait3A_277 = arith.constant 0 : i32
          %dma_wait3A_278 = tpu.memref_slice %arg3[%add3A_259, %dma_wait3A_277] : memref<2560x128xi32, #tpu.memory_space<hbm>> -> memref<1x128xi32, #tpu.memory_space<hbm>>
          %dma_wait3A_279 = tpu.memref_squeeze %dma_wait3A_278 : memref<1x128xi32, #tpu.memory_space<hbm>> -> memref<128xi32, #tpu.memory_space<hbm>>
          %dma_wait3A_280 = arith.constant 0 : i32
          %dma_wait3A_281 = tpu.memref_slice %arg10[%run_scoped3A_260, %dma_wait3A_280] : memref<1x128xi32, #tpu.memory_space<vmem>> -> memref<1x128xi32, #tpu.memory_space<vmem>>
          %dma_wait3A_282 = tpu.memref_squeeze %dma_wait3A_281 : memref<1x128xi32, #tpu.memory_space<vmem>> -> memref<128xi32, #tpu.memory_space<vmem>>
          %dma_wait3A_283 = arith.constant 0 : i32
          %dma_wait3A_284 = tpu.memref_slice %arg3[%add3A_259, %dma_wait3A_283] : memref<2560x128xi32, #tpu.memory_space<hbm>> -> memref<1x128xi32, #tpu.memory_space<hbm>>
          %dma_wait3A_285 = tpu.memref_squeeze %dma_wait3A_284 : memref<1x128xi32, #tpu.memory_space<hbm>> -> memref<128xi32, #tpu.memory_space<hbm>>
          tpu.wait_dma2 semaphore(%run_scoped3A_261 : memref<!tpu.dma_semaphore, #tpu.memory_space<semaphore_mem>>) src(%dma_wait3A_285 : memref<128xi32, #tpu.memory_space<hbm>>) dst(%dma_wait3A_282 : memref<128xi32, #tpu.memory_space<vmem>>)
          tpu.yield
        }) : () -> ()
      } else {
      }
      %dma_wait3A_192 = arith.constant 0 : i32
      %dma_wait3A_193 = arith.constant 0 : i32
      %dma_wait3A_194 = tpu.memref_slice %arg12[%dma_wait3A_192, %dma_wait3A_193] : memref<1x128xi32, #tpu.memory_space<vmem>> -> memref<1x128xi32, #tpu.memory_space<vmem>>
      %dma_wait3A_195 = tpu.memref_squeeze %dma_wait3A_194 : memref<1x128xi32, #tpu.memory_space<vmem>> -> memref<128xi32, #tpu.memory_space<vmem>>
      %dma_wait3A_196 = arith.constant 0 : i32
      %dma_wait3A_197 = arith.constant 0 : i32
      %dma_wait3A_198 = tpu.memref_slice %arg17[%dma_wait3A_196, %dma_wait3A_197] : memref<10112x128xf32, #tpu.memory_space<vmem_shared>> -> memref<10112x128xf32, #tpu.memory_space<vmem_shared>>
      tpu.wait_indirect_dma semaphore(%arg21 : memref<!tpu.dma_semaphore, #tpu.memory_space<semaphore_mem>>) src(%arg14 : memref<128x128xf32, #tpu.memory_space<vmem>>) dst(%dma_wait3A_198 : memref<10112x128xf32, #tpu.memory_space<vmem_shared>>)
      %dma_wait3A_199 = arith.constant 0 : i32
      %dma_wait3A_200 = arith.constant 0 : i32
      %dma_wait3A_201 = tpu.memref_slice %arg12[%dma_wait3A_199, %dma_wait3A_200] : memref<1x128xi32, #tpu.memory_space<vmem>> -> memref<1x128xi32, #tpu.memory_space<vmem>>
      %dma_wait3A_202 = tpu.memref_squeeze %dma_wait3A_201 : memref<1x128xi32, #tpu.memory_space<vmem>> -> memref<128xi32, #tpu.memory_space<vmem>>
      %dma_wait3A_203 = arith.constant 0 : i32
      %dma_wait3A_204 = arith.constant 0 : i32
      %dma_wait3A_205 = tpu.memref_slice %arg18[%dma_wait3A_203, %dma_wait3A_204] : memref<10112x8xf32, #tpu.memory_space<vmem_shared>> -> memref<10112x8xf32, #tpu.memory_space<vmem_shared>>
      tpu.wait_indirect_dma semaphore(%arg21 : memref<!tpu.dma_semaphore, #tpu.memory_space<semaphore_mem>>) src(%arg16 : memref<128x8xf32, #tpu.memory_space<vmem>>) dst(%dma_wait3A_205 : memref<10112x8xf32, #tpu.memory_space<vmem_shared>>)
      %lt3A_206 = arith.cmpi slt, %add3A_190, %select_n3A_9 : i32
      %convert_element_type3A_207 = arith.extui %lt3A_206 : i1 to i32
      %cond3A_208 = arith.constant 0 : i32
      %cond3A_209 = arith.cmpi ne, %convert_element_type3A_207, %cond3A_208 : i32
      scf.if %cond3A_209 {
        %add3A_259 = arith.addi %select_n3A, %add3A_190 : i32
        %run_scoped3A_260 = arith.constant 0 : i32
        "tpu.region"() ({
          %run_scoped3A_268 = tpu.sem_alloc : memref<!tpu.dma_semaphore, #tpu.memory_space<semaphore_mem>>
          %dma_start3A_269 = arith.constant 0 : i32
          %dma_start3A_270 = tpu.memref_slice %arg12[%run_scoped3A_260, %dma_start3A_269] : memref<1x128xi32, #tpu.memory_space<vmem>> -> memref<1x128xi32, #tpu.memory_space<vmem>>
          %dma_start3A_271 = tpu.memref_squeeze %dma_start3A_270 : memref<1x128xi32, #tpu.memory_space<vmem>> -> memref<128xi32, #tpu.memory_space<vmem>>
          %dma_start3A_272 = arith.constant 0 : i32
          %dma_start3A_273 = tpu.memref_slice %arg4[%add3A_259, %dma_start3A_272] : memref<2560x128xi32, #tpu.memory_space<hbm>> -> memref<1x128xi32, #tpu.memory_space<hbm>>
          %dma_start3A_274 = tpu.memref_squeeze %dma_start3A_273 : memref<1x128xi32, #tpu.memory_space<hbm>> -> memref<128xi32, #tpu.memory_space<hbm>>
          %dma_start3A_275 = arith.constant 0 : i32
          %dma_start3A_276 = tpu.memref_slice %arg12[%run_scoped3A_260, %dma_start3A_275] : memref<1x128xi32, #tpu.memory_space<vmem>> -> memref<1x128xi32, #tpu.memory_space<vmem>>
          %dma_start3A_277 = tpu.memref_squeeze %dma_start3A_276 : memref<1x128xi32, #tpu.memory_space<vmem>> -> memref<128xi32, #tpu.memory_space<vmem>>
          %dma_start3A_278 = arith.constant 0 : i32
          %dma_start3A_279 = tpu.memref_slice %arg4[%add3A_259, %dma_start3A_278] : memref<2560x128xi32, #tpu.memory_space<hbm>> -> memref<1x128xi32, #tpu.memory_space<hbm>>
          %dma_start3A_280 = tpu.memref_squeeze %dma_start3A_279 : memref<1x128xi32, #tpu.memory_space<hbm>> -> memref<128xi32, #tpu.memory_space<hbm>>
          tpu.enqueue_dma source(%dma_start3A_280 : memref<128xi32, #tpu.memory_space<hbm>>) target(%dma_start3A_277 : memref<128xi32, #tpu.memory_space<vmem>>) target_semaphore(%run_scoped3A_268 : memref<!tpu.dma_semaphore, #tpu.memory_space<semaphore_mem>>)
          %dma_wait3A_281 = arith.constant 0 : i32
          %dma_wait3A_282 = tpu.memref_slice %arg12[%run_scoped3A_260, %dma_wait3A_281] : memref<1x128xi32, #tpu.memory_space<vmem>> -> memref<1x128xi32, #tpu.memory_space<vmem>>
          %dma_wait3A_283 = tpu.memref_squeeze %dma_wait3A_282 : memref<1x128xi32, #tpu.memory_space<vmem>> -> memref<128xi32, #tpu.memory_space<vmem>>
          %dma_wait3A_284 = arith.constant 0 : i32
          %dma_wait3A_285 = tpu.memref_slice %arg4[%add3A_259, %dma_wait3A_284] : memref<2560x128xi32, #tpu.memory_space<hbm>> -> memref<1x128xi32, #tpu.memory_space<hbm>>
          %dma_wait3A_286 = tpu.memref_squeeze %dma_wait3A_285 : memref<1x128xi32, #tpu.memory_space<hbm>> -> memref<128xi32, #tpu.memory_space<hbm>>
          %dma_wait3A_287 = arith.constant 0 : i32
          %dma_wait3A_288 = tpu.memref_slice %arg12[%run_scoped3A_260, %dma_wait3A_287] : memref<1x128xi32, #tpu.memory_space<vmem>> -> memref<1x128xi32, #tpu.memory_space<vmem>>
          %dma_wait3A_289 = tpu.memref_squeeze %dma_wait3A_288 : memref<1x128xi32, #tpu.memory_space<vmem>> -> memref<128xi32, #tpu.memory_space<vmem>>
          %dma_wait3A_290 = arith.constant 0 : i32
          %dma_wait3A_291 = tpu.memref_slice %arg4[%add3A_259, %dma_wait3A_290] : memref<2560x128xi32, #tpu.memory_space<hbm>> -> memref<1x128xi32, #tpu.memory_space<hbm>>
          %dma_wait3A_292 = tpu.memref_squeeze %dma_wait3A_291 : memref<1x128xi32, #tpu.memory_space<hbm>> -> memref<128xi32, #tpu.memory_space<hbm>>
          tpu.wait_dma2 semaphore(%run_scoped3A_268 : memref<!tpu.dma_semaphore, #tpu.memory_space<semaphore_mem>>) src(%dma_wait3A_292 : memref<128xi32, #tpu.memory_space<hbm>>) dst(%dma_wait3A_289 : memref<128xi32, #tpu.memory_space<vmem>>)
          tpu.yield
        }) : () -> ()
        %dma_start3A_261 = arith.constant 0 : i32
        %dma_start3A_262 = arith.constant 0 : i32
        %dma_start3A_263 = tpu.memref_slice %arg10[%dma_start3A_261, %dma_start3A_262] : memref<1x128xi32, #tpu.memory_space<vmem>> -> memref<1x128xi32, #tpu.memory_space<vmem>>
        %dma_start3A_264 = tpu.memref_squeeze %dma_start3A_263 : memref<1x128xi32, #tpu.memory_space<vmem>> -> memref<128xi32, #tpu.memory_space<vmem>>
        %dma_start3A_265 = arith.constant 0 : i32
        %dma_start3A_266 = arith.constant 0 : i32
        %dma_start3A_267 = tpu.memref_slice %arg2[%dma_start3A_265, %dma_start3A_266] : memref<10000x128xf32, #tpu.memory_space<hbm>> -> memref<10000x128xf32, #tpu.memory_space<hbm>>
        tpu.enqueue_indirect_dma source(%dma_start3A_267 : memref<10000x128xf32, #tpu.memory_space<hbm>>) target(%arg14 : memref<128x128xf32, #tpu.memory_space<vmem>>) offsets(%dma_start3A_264 : memref<128xi32, #tpu.memory_space<vmem>>) semaphore(%arg19 : memref<!tpu.dma_semaphore, #tpu.memory_space<semaphore_mem>>)
      } else {
      }
      %mul3A_210 = arith.constant 2 : i32
      %mul3A_211 = arith.muli %mul3A_210, %while3A_166 : i32
      %add3A_212 = arith.constant 1 : i32
      %add3A_213 = arith.addi %mul3A_211, %add3A_212 : i32
      %dma_wait3A_214 = arith.constant 0 : i32
      %dma_wait3A_215 = arith.constant 0 : i32
      %dma_wait3A_216 = tpu.memref_slice %arg11[%dma_wait3A_214, %dma_wait3A_215] : memref<1x128xi32, #tpu.memory_space<vmem>> -> memref<1x128xi32, #tpu.memory_space<vmem>>
      %dma_wait3A_217 = tpu.memref_squeeze %dma_wait3A_216 : memref<1x128xi32, #tpu.memory_space<vmem>> -> memref<128xi32, #tpu.memory_space<vmem>>
      %dma_wait3A_218 = arith.constant 0 : i32
      %dma_wait3A_219 = arith.constant 0 : i32
      %dma_wait3A_220 = tpu.memref_slice %arg2[%dma_wait3A_218, %dma_wait3A_219] : memref<10000x128xf32, #tpu.memory_space<hbm>> -> memref<10000x128xf32, #tpu.memory_space<hbm>>
      tpu.wait_indirect_dma semaphore(%arg20 : memref<!tpu.dma_semaphore, #tpu.memory_space<semaphore_mem>>) src(%dma_wait3A_220 : memref<10000x128xf32, #tpu.memory_space<hbm>>) dst(%arg15 : memref<128x128xf32, #tpu.memory_space<vmem>>)
      %dma_start3A_221 = arith.constant 0 : i32
      %dma_start3A_222 = arith.constant 0 : i32
      %dma_start3A_223 = tpu.memref_slice %arg13[%dma_start3A_221, %dma_start3A_222] : memref<1x128xi32, #tpu.memory_space<vmem>> -> memref<1x128xi32, #tpu.memory_space<vmem>>
      %dma_start3A_224 = tpu.memref_squeeze %dma_start3A_223 : memref<1x128xi32, #tpu.memory_space<vmem>> -> memref<128xi32, #tpu.memory_space<vmem>>
      %dma_start3A_225 = arith.constant 0 : i32
      %dma_start3A_226 = arith.constant 0 : i32
      %dma_start3A_227 = tpu.memref_slice %arg17[%dma_start3A_225, %dma_start3A_226] : memref<10112x128xf32, #tpu.memory_space<vmem_shared>> -> memref<10112x128xf32, #tpu.memory_space<vmem_shared>>
      tpu.enqueue_indirect_dma source(%arg15 : memref<128x128xf32, #tpu.memory_space<vmem>>) target(%dma_start3A_227 : memref<10112x128xf32, #tpu.memory_space<vmem_shared>>) offsets(%dma_start3A_224 : memref<128xi32, #tpu.memory_space<vmem>>) semaphore(%arg22 : memref<!tpu.dma_semaphore, #tpu.memory_space<semaphore_mem>>) {add = true}
      %dma_start3A_228 = arith.constant 0 : i32
      %dma_start3A_229 = arith.constant 0 : i32
      %dma_start3A_230 = tpu.memref_slice %arg13[%dma_start3A_228, %dma_start3A_229] : memref<1x128xi32, #tpu.memory_space<vmem>> -> memref<1x128xi32, #tpu.memory_space<vmem>>
      %dma_start3A_231 = tpu.memref_squeeze %dma_start3A_230 : memref<1x128xi32, #tpu.memory_space<vmem>> -> memref<128xi32, #tpu.memory_space<vmem>>
      %dma_start3A_232 = arith.constant 0 : i32
      %dma_start3A_233 = arith.constant 0 : i32
      %dma_start3A_234 = tpu.memref_slice %arg18[%dma_start3A_232, %dma_start3A_233] : memref<10112x8xf32, #tpu.memory_space<vmem_shared>> -> memref<10112x8xf32, #tpu.memory_space<vmem_shared>>
      tpu.enqueue_indirect_dma source(%arg16 : memref<128x8xf32, #tpu.memory_space<vmem>>) target(%dma_start3A_234 : memref<10112x8xf32, #tpu.memory_space<vmem_shared>>) offsets(%dma_start3A_231 : memref<128xi32, #tpu.memory_space<vmem>>) semaphore(%arg22 : memref<!tpu.dma_semaphore, #tpu.memory_space<semaphore_mem>>) {add = true}
      %add3A_235 = arith.constant 2 : i32
      %add3A_236 = arith.addi %add3A_213, %add3A_235 : i32
      %lt3A_237 = arith.cmpi slt, %add3A_236, %select_n3A_9 : i32
      %convert_element_type3A_238 = arith.extui %lt3A_237 : i1 to i32
      %cond3A_239 = arith.constant 0 : i32
      %cond3A_240 = arith.cmpi ne, %convert_element_type3A_238, %cond3A_239 : i32
      scf.if %cond3A_240 {
        %add3A_259 = arith.addi %select_n3A, %add3A_236 : i32
        %run_scoped3A_260 = arith.constant 0 : i32
        "tpu.region"() ({
          %run_scoped3A_261 = tpu.sem_alloc : memref<!tpu.dma_semaphore, #tpu.memory_space<semaphore_mem>>
          %dma_start3A_262 = arith.constant 0 : i32
          %dma_start3A_263 = tpu.memref_slice %arg11[%run_scoped3A_260, %dma_start3A_262] : memref<1x128xi32, #tpu.memory_space<vmem>> -> memref<1x128xi32, #tpu.memory_space<vmem>>
          %dma_start3A_264 = tpu.memref_squeeze %dma_start3A_263 : memref<1x128xi32, #tpu.memory_space<vmem>> -> memref<128xi32, #tpu.memory_space<vmem>>
          %dma_start3A_265 = arith.constant 0 : i32
          %dma_start3A_266 = tpu.memref_slice %arg3[%add3A_259, %dma_start3A_265] : memref<2560x128xi32, #tpu.memory_space<hbm>> -> memref<1x128xi32, #tpu.memory_space<hbm>>
          %dma_start3A_267 = tpu.memref_squeeze %dma_start3A_266 : memref<1x128xi32, #tpu.memory_space<hbm>> -> memref<128xi32, #tpu.memory_space<hbm>>
          %dma_start3A_268 = arith.constant 0 : i32
          %dma_start3A_269 = tpu.memref_slice %arg11[%run_scoped3A_260, %dma_start3A_268] : memref<1x128xi32, #tpu.memory_space<vmem>> -> memref<1x128xi32, #tpu.memory_space<vmem>>
          %dma_start3A_270 = tpu.memref_squeeze %dma_start3A_269 : memref<1x128xi32, #tpu.memory_space<vmem>> -> memref<128xi32, #tpu.memory_space<vmem>>
          %dma_start3A_271 = arith.constant 0 : i32
          %dma_start3A_272 = tpu.memref_slice %arg3[%add3A_259, %dma_start3A_271] : memref<2560x128xi32, #tpu.memory_space<hbm>> -> memref<1x128xi32, #tpu.memory_space<hbm>>
          %dma_start3A_273 = tpu.memref_squeeze %dma_start3A_272 : memref<1x128xi32, #tpu.memory_space<hbm>> -> memref<128xi32, #tpu.memory_space<hbm>>
          tpu.enqueue_dma source(%dma_start3A_273 : memref<128xi32, #tpu.memory_space<hbm>>) target(%dma_start3A_270 : memref<128xi32, #tpu.memory_space<vmem>>) target_semaphore(%run_scoped3A_261 : memref<!tpu.dma_semaphore, #tpu.memory_space<semaphore_mem>>)
          %dma_wait3A_274 = arith.constant 0 : i32
          %dma_wait3A_275 = tpu.memref_slice %arg11[%run_scoped3A_260, %dma_wait3A_274] : memref<1x128xi32, #tpu.memory_space<vmem>> -> memref<1x128xi32, #tpu.memory_space<vmem>>
          %dma_wait3A_276 = tpu.memref_squeeze %dma_wait3A_275 : memref<1x128xi32, #tpu.memory_space<vmem>> -> memref<128xi32, #tpu.memory_space<vmem>>
          %dma_wait3A_277 = arith.constant 0 : i32
          %dma_wait3A_278 = tpu.memref_slice %arg3[%add3A_259, %dma_wait3A_277] : memref<2560x128xi32, #tpu.memory_space<hbm>> -> memref<1x128xi32, #tpu.memory_space<hbm>>
          %dma_wait3A_279 = tpu.memref_squeeze %dma_wait3A_278 : memref<1x128xi32, #tpu.memory_space<hbm>> -> memref<128xi32, #tpu.memory_space<hbm>>
          %dma_wait3A_280 = arith.constant 0 : i32
          %dma_wait3A_281 = tpu.memref_slice %arg11[%run_scoped3A_260, %dma_wait3A_280] : memref<1x128xi32, #tpu.memory_space<vmem>> -> memref<1x128xi32, #tpu.memory_space<vmem>>
          %dma_wait3A_282 = tpu.memref_squeeze %dma_wait3A_281 : memref<1x128xi32, #tpu.memory_space<vmem>> -> memref<128xi32, #tpu.memory_space<vmem>>
          %dma_wait3A_283 = arith.constant 0 : i32
          %dma_wait3A_284 = tpu.memref_slice %arg3[%add3A_259, %dma_wait3A_283] : memref<2560x128xi32, #tpu.memory_space<hbm>> -> memref<1x128xi32, #tpu.memory_space<hbm>>
          %dma_wait3A_285 = tpu.memref_squeeze %dma_wait3A_284 : memref<1x128xi32, #tpu.memory_space<hbm>> -> memref<128xi32, #tpu.memory_space<hbm>>
          tpu.wait_dma2 semaphore(%run_scoped3A_261 : memref<!tpu.dma_semaphore, #tpu.memory_space<semaphore_mem>>) src(%dma_wait3A_285 : memref<128xi32, #tpu.memory_space<hbm>>) dst(%dma_wait3A_282 : memref<128xi32, #tpu.memory_space<vmem>>)
          tpu.yield
        }) : () -> ()
      } else {
      }
      %dma_wait3A_241 = arith.constant 0 : i32
      %dma_wait3A_242 = arith.constant 0 : i32
      %dma_wait3A_243 = tpu.memref_slice %arg13[%dma_wait3A_241, %dma_wait3A_242] : memref<1x128xi32, #tpu.memory_space<vmem>> -> memref<1x128xi32, #tpu.memory_space<vmem>>
      %dma_wait3A_244 = tpu.memref_squeeze %dma_wait3A_243 : memref<1x128xi32, #tpu.memory_space<vmem>> -> memref<128xi32, #tpu.memory_space<vmem>>
      %dma_wait3A_245 = arith.constant 0 : i32
      %dma_wait3A_246 = arith.constant 0 : i32
      %dma_wait3A_247 = tpu.memref_slice %arg17[%dma_wait3A_245, %dma_wait3A_246] : memref<10112x128xf32, #tpu.memory_space<vmem_shared>> -> memref<10112x128xf32, #tpu.memory_space<vmem_shared>>
      tpu.wait_indirect_dma semaphore(%arg22 : memref<!tpu.dma_semaphore, #tpu.memory_space<semaphore_mem>>) src(%arg15 : memref<128x128xf32, #tpu.memory_space<vmem>>) dst(%dma_wait3A_247 : memref<10112x128xf32, #tpu.memory_space<vmem_shared>>)
      %dma_wait3A_248 = arith.constant 0 : i32
      %dma_wait3A_249 = arith.constant 0 : i32
      %dma_wait3A_250 = tpu.memref_slice %arg13[%dma_wait3A_248, %dma_wait3A_249] : memref<1x128xi32, #tpu.memory_space<vmem>> -> memref<1x128xi32, #tpu.memory_space<vmem>>
      %dma_wait3A_251 = tpu.memref_squeeze %dma_wait3A_250 : memref<1x128xi32, #tpu.memory_space<vmem>> -> memref<128xi32, #tpu.memory_space<vmem>>
      %dma_wait3A_252 = arith.constant 0 : i32
      %dma_wait3A_253 = arith.constant 0 : i32
      %dma_wait3A_254 = tpu.memref_slice %arg18[%dma_wait3A_252, %dma_wait3A_253] : memref<10112x8xf32, #tpu.memory_space<vmem_shared>> -> memref<10112x8xf32, #tpu.memory_space<vmem_shared>>
      tpu.wait_indirect_dma semaphore(%arg22 : memref<!tpu.dma_semaphore, #tpu.memory_space<semaphore_mem>>) src(%arg16 : memref<128x8xf32, #tpu.memory_space<vmem>>) dst(%dma_wait3A_254 : memref<10112x8xf32, #tpu.memory_space<vmem_shared>>)
      %lt3A_255 = arith.cmpi slt, %add3A_236, %select_n3A_9 : i32
      %convert_element_type3A_256 = arith.extui %lt3A_255 : i1 to i32
      %cond3A_257 = arith.constant 0 : i32
      %cond3A_258 = arith.cmpi ne, %convert_element_type3A_256, %cond3A_257 : i32
      scf.if %cond3A_258 {
        %add3A_259 = arith.addi %select_n3A, %add3A_236 : i32
        %run_scoped3A_260 = arith.constant 0 : i32
        "tpu.region"() ({
          %run_scoped3A_268 = tpu.sem_alloc : memref<!tpu.dma_semaphore, #tpu.memory_space<semaphore_mem>>
          %dma_start3A_269 = arith.constant 0 : i32
          %dma_start3A_270 = tpu.memref_slice %arg13[%run_scoped3A_260, %dma_start3A_269] : memref<1x128xi32, #tpu.memory_space<vmem>> -> memref<1x128xi32, #tpu.memory_space<vmem>>
          %dma_start3A_271 = tpu.memref_squeeze %dma_start3A_270 : memref<1x128xi32, #tpu.memory_space<vmem>> -> memref<128xi32, #tpu.memory_space<vmem>>
          %dma_start3A_272 = arith.constant 0 : i32
          %dma_start3A_273 = tpu.memref_slice %arg4[%add3A_259, %dma_start3A_272] : memref<2560x128xi32, #tpu.memory_space<hbm>> -> memref<1x128xi32, #tpu.memory_space<hbm>>
          %dma_start3A_274 = tpu.memref_squeeze %dma_start3A_273 : memref<1x128xi32, #tpu.memory_space<hbm>> -> memref<128xi32, #tpu.memory_space<hbm>>
          %dma_start3A_275 = arith.constant 0 : i32
          %dma_start3A_276 = tpu.memref_slice %arg13[%run_scoped3A_260, %dma_start3A_275] : memref<1x128xi32, #tpu.memory_space<vmem>> -> memref<1x128xi32, #tpu.memory_space<vmem>>
          %dma_start3A_277 = tpu.memref_squeeze %dma_start3A_276 : memref<1x128xi32, #tpu.memory_space<vmem>> -> memref<128xi32, #tpu.memory_space<vmem>>
          %dma_start3A_278 = arith.constant 0 : i32
          %dma_start3A_279 = tpu.memref_slice %arg4[%add3A_259, %dma_start3A_278] : memref<2560x128xi32, #tpu.memory_space<hbm>> -> memref<1x128xi32, #tpu.memory_space<hbm>>
          %dma_start3A_280 = tpu.memref_squeeze %dma_start3A_279 : memref<1x128xi32, #tpu.memory_space<hbm>> -> memref<128xi32, #tpu.memory_space<hbm>>
          tpu.enqueue_dma source(%dma_start3A_280 : memref<128xi32, #tpu.memory_space<hbm>>) target(%dma_start3A_277 : memref<128xi32, #tpu.memory_space<vmem>>) target_semaphore(%run_scoped3A_268 : memref<!tpu.dma_semaphore, #tpu.memory_space<semaphore_mem>>)
          %dma_wait3A_281 = arith.constant 0 : i32
          %dma_wait3A_282 = tpu.memref_slice %arg13[%run_scoped3A_260, %dma_wait3A_281] : memref<1x128xi32, #tpu.memory_space<vmem>> -> memref<1x128xi32, #tpu.memory_space<vmem>>
          %dma_wait3A_283 = tpu.memref_squeeze %dma_wait3A_282 : memref<1x128xi32, #tpu.memory_space<vmem>> -> memref<128xi32, #tpu.memory_space<vmem>>
          %dma_wait3A_284 = arith.constant 0 : i32
          %dma_wait3A_285 = tpu.memref_slice %arg4[%add3A_259, %dma_wait3A_284] : memref<2560x128xi32, #tpu.memory_space<hbm>> -> memref<1x128xi32, #tpu.memory_space<hbm>>
          %dma_wait3A_286 = tpu.memref_squeeze %dma_wait3A_285 : memref<1x128xi32, #tpu.memory_space<hbm>> -> memref<128xi32, #tpu.memory_space<hbm>>
          %dma_wait3A_287 = arith.constant 0 : i32
          %dma_wait3A_288 = tpu.memref_slice %arg13[%run_scoped3A_260, %dma_wait3A_287] : memref<1x128xi32, #tpu.memory_space<vmem>> -> memref<1x128xi32, #tpu.memory_space<vmem>>
          %dma_wait3A_289 = tpu.memref_squeeze %dma_wait3A_288 : memref<1x128xi32, #tpu.memory_space<vmem>> -> memref<128xi32, #tpu.memory_space<vmem>>
          %dma_wait3A_290 = arith.constant 0 : i32
          %dma_wait3A_291 = tpu.memref_slice %arg4[%add3A_259, %dma_wait3A_290] : memref<2560x128xi32, #tpu.memory_space<hbm>> -> memref<1x128xi32, #tpu.memory_space<hbm>>
          %dma_wait3A_292 = tpu.memref_squeeze %dma_wait3A_291 : memref<1x128xi32, #tpu.memory_space<hbm>> -> memref<128xi32, #tpu.memory_space<hbm>>
          tpu.wait_dma2 semaphore(%run_scoped3A_268 : memref<!tpu.dma_semaphore, #tpu.memory_space<semaphore_mem>>) src(%dma_wait3A_292 : memref<128xi32, #tpu.memory_space<hbm>>) dst(%dma_wait3A_289 : memref<128xi32, #tpu.memory_space<vmem>>)
          tpu.yield
        }) : () -> ()
        %dma_start3A_261 = arith.constant 0 : i32
        %dma_start3A_262 = arith.constant 0 : i32
        %dma_start3A_263 = tpu.memref_slice %arg11[%dma_start3A_261, %dma_start3A_262] : memref<1x128xi32, #tpu.memory_space<vmem>> -> memref<1x128xi32, #tpu.memory_space<vmem>>
        %dma_start3A_264 = tpu.memref_squeeze %dma_start3A_263 : memref<1x128xi32, #tpu.memory_space<vmem>> -> memref<128xi32, #tpu.memory_space<vmem>>
        %dma_start3A_265 = arith.constant 0 : i32
        %dma_start3A_266 = arith.constant 0 : i32
        %dma_start3A_267 = tpu.memref_slice %arg2[%dma_start3A_265, %dma_start3A_266] : memref<10000x128xf32, #tpu.memory_space<hbm>> -> memref<10000x128xf32, #tpu.memory_space<hbm>>
        tpu.enqueue_indirect_dma source(%dma_start3A_267 : memref<10000x128xf32, #tpu.memory_space<hbm>>) target(%arg15 : memref<128x128xf32, #tpu.memory_space<vmem>>) offsets(%dma_start3A_264 : memref<128xi32, #tpu.memory_space<vmem>>) semaphore(%arg20 : memref<!tpu.dma_semaphore, #tpu.memory_space<semaphore_mem>>)
      } else {
      }
    }
    %barrier3A_100 = arith.constant 0 : index
    tpu.barrier barrier_id(%barrier3A_100)
    %mul3A_101 = arith.constant 10112 : i32
    %mul3A_102 = arith.muli %arg0, %mul3A_101 : i32
    %mul3A_103 = arith.constant 632 : i32
    %mul3A_104 = arith.muli %arg1, %mul3A_103 : i32
    %add3A_105 = arith.addi %mul3A_102, %mul3A_104 : i32
    %mul3A_106 = arith.constant 632 : i32
    %mul3A_107 = arith.muli %arg1, %mul3A_106 : i32
    %add3A_108 = arith.constant 0 : i32
    %add3A_109 = arith.addi %mul3A_107, %add3A_108 : i32
    "tpu.region"() ({
      %run_scoped3A_166 = tpu.sem_alloc : memref<!tpu.dma_semaphore, #tpu.memory_space<semaphore_mem>>
      %dma_start3A_167 = arith.constant 0 : i32
      %dma_start3A_168 = arith.constant 0 : i32
      %dma_start3A_169 = tpu.memref_slice %arg14[%dma_start3A_167, %dma_start3A_168] : memref<128x128xf32, #tpu.memory_space<vmem>> -> memref<128x128xf32, #tpu.memory_space<vmem>>
      %dma_start3A_170 = arith.constant 0 : i32
      %dma_start3A_171 = tpu.memref_slice %arg17[%add3A_109, %dma_start3A_170] : memref<10112x128xf32, #tpu.memory_space<vmem_shared>> -> memref<128x128xf32, #tpu.memory_space<vmem_shared>>
      %dma_start3A_172 = arith.constant 0 : i32
      %dma_start3A_173 = arith.constant 0 : i32
      %dma_start3A_174 = tpu.memref_slice %arg14[%dma_start3A_172, %dma_start3A_173] : memref<128x128xf32, #tpu.memory_space<vmem>> -> memref<128x128xf32, #tpu.memory_space<vmem>>
      %dma_start3A_175 = arith.constant 0 : i32
      %dma_start3A_176 = tpu.memref_slice %arg17[%add3A_109, %dma_start3A_175] : memref<10112x128xf32, #tpu.memory_space<vmem_shared>> -> memref<128x128xf32, #tpu.memory_space<vmem_shared>>
      tpu.enqueue_dma source(%dma_start3A_176 : memref<128x128xf32, #tpu.memory_space<vmem_shared>>) target(%dma_start3A_174 : memref<128x128xf32, #tpu.memory_space<vmem>>) target_semaphore(%run_scoped3A_166 : memref<!tpu.dma_semaphore, #tpu.memory_space<semaphore_mem>>)
      %dma_wait3A = arith.constant 0 : i32
      %dma_wait3A_177 = arith.constant 0 : i32
      %dma_wait3A_178 = tpu.memref_slice %arg14[%dma_wait3A, %dma_wait3A_177] : memref<128x128xf32, #tpu.memory_space<vmem>> -> memref<128x128xf32, #tpu.memory_space<vmem>>
      %dma_wait3A_179 = arith.constant 0 : i32
      %dma_wait3A_180 = tpu.memref_slice %arg17[%add3A_109, %dma_wait3A_179] : memref<10112x128xf32, #tpu.memory_space<vmem_shared>> -> memref<128x128xf32, #tpu.memory_space<vmem_shared>>
      %dma_wait3A_181 = arith.constant 0 : i32
      %dma_wait3A_182 = arith.constant 0 : i32
      %dma_wait3A_183 = tpu.memref_slice %arg14[%dma_wait3A_181, %dma_wait3A_182] : memref<128x128xf32, #tpu.memory_space<vmem>> -> memref<128x128xf32, #tpu.memory_space<vmem>>
      %dma_wait3A_184 = arith.constant 0 : i32
      %dma_wait3A_185 = tpu.memref_slice %arg17[%add3A_109, %dma_wait3A_184] : memref<10112x128xf32, #tpu.memory_space<vmem_shared>> -> memref<128x128xf32, #tpu.memory_space<vmem_shared>>
      tpu.wait_dma2 semaphore(%run_scoped3A_166 : memref<!tpu.dma_semaphore, #tpu.memory_space<semaphore_mem>>) src(%dma_wait3A_185 : memref<128x128xf32, #tpu.memory_space<vmem_shared>>) dst(%dma_wait3A_183 : memref<128x128xf32, #tpu.memory_space<vmem>>)
      tpu.yield
    }) : () -> ()
    %add3A_110 = arith.constant 0 : i32
    %add3A_111 = arith.addi %add3A_105, %add3A_110 : i32
    "tpu.region"() ({
      %run_scoped3A_166 = tpu.sem_alloc : memref<!tpu.dma_semaphore, #tpu.memory_space<semaphore_mem>>
      %dma_start3A_167 = arith.constant 0 : i32
      %dma_start3A_168 = arith.constant 0 : i32
      %dma_start3A_169 = tpu.memref_slice %arg14[%dma_start3A_167, %dma_start3A_168] : memref<128x128xf32, #tpu.memory_space<vmem>> -> memref<128x128xf32, #tpu.memory_space<vmem>>
      %dma_start3A_170 = arith.constant 0 : i32
      %dma_start3A_171 = tpu.memref_slice %arg8[%add3A_111, %dma_start3A_170] : memref<20224x128xf32, #tpu.memory_space<hbm>> -> memref<128x128xf32, #tpu.memory_space<hbm>>
      %dma_start3A_172 = arith.constant 0 : i32
      %dma_start3A_173 = tpu.memref_slice %arg8[%add3A_111, %dma_start3A_172] : memref<20224x128xf32, #tpu.memory_space<hbm>> -> memref<128x128xf32, #tpu.memory_space<hbm>>
      %dma_start3A_174 = arith.constant 0 : i32
      %dma_start3A_175 = arith.constant 0 : i32
      %dma_start3A_176 = tpu.memref_slice %arg14[%dma_start3A_174, %dma_start3A_175] : memref<128x128xf32, #tpu.memory_space<vmem>> -> memref<128x128xf32, #tpu.memory_space<vmem>>
      tpu.enqueue_dma source(%dma_start3A_176 : memref<128x128xf32, #tpu.memory_space<vmem>>) target(%dma_start3A_173 : memref<128x128xf32, #tpu.memory_space<hbm>>) target_semaphore(%run_scoped3A_166 : memref<!tpu.dma_semaphore, #tpu.memory_space<semaphore_mem>>)
      %dma_wait3A = arith.constant 0 : i32
      %dma_wait3A_177 = arith.constant 0 : i32
      %dma_wait3A_178 = tpu.memref_slice %arg14[%dma_wait3A, %dma_wait3A_177] : memref<128x128xf32, #tpu.memory_space<vmem>> -> memref<128x128xf32, #tpu.memory_space<vmem>>
      %dma_wait3A_179 = arith.constant 0 : i32
      %dma_wait3A_180 = tpu.memref_slice %arg8[%add3A_111, %dma_wait3A_179] : memref<20224x128xf32, #tpu.memory_space<hbm>> -> memref<128x128xf32, #tpu.memory_space<hbm>>
      %dma_wait3A_181 = arith.constant 0 : i32
      %dma_wait3A_182 = tpu.memref_slice %arg8[%add3A_111, %dma_wait3A_181] : memref<20224x128xf32, #tpu.memory_space<hbm>> -> memref<128x128xf32, #tpu.memory_space<hbm>>
      %dma_wait3A_183 = arith.constant 0 : i32
      %dma_wait3A_184 = arith.constant 0 : i32
      %dma_wait3A_185 = tpu.memref_slice %arg14[%dma_wait3A_183, %dma_wait3A_184] : memref<128x128xf32, #tpu.memory_space<vmem>> -> memref<128x128xf32, #tpu.memory_space<vmem>>
      tpu.wait_dma2 semaphore(%run_scoped3A_166 : memref<!tpu.dma_semaphore, #tpu.memory_space<semaphore_mem>>) src(%dma_wait3A_185 : memref<128x128xf32, #tpu.memory_space<vmem>>) dst(%dma_wait3A_182 : memref<128x128xf32, #tpu.memory_space<hbm>>)
      tpu.yield
    }) : () -> ()
    %mul3A_112 = arith.constant 632 : i32
    %mul3A_113 = arith.muli %arg1, %mul3A_112 : i32
    %add3A_114 = arith.constant 0 : i32
    %add3A_115 = arith.addi %mul3A_113, %add3A_114 : i32
    "tpu.region"() ({
      %run_scoped3A_166 = tpu.sem_alloc : memref<!tpu.dma_semaphore, #tpu.memory_space<semaphore_mem>>
      %dma_start3A_167 = arith.constant 0 : i32
      %dma_start3A_168 = arith.constant 0 : i32
      %dma_start3A_169 = tpu.memref_slice %arg16[%dma_start3A_167, %dma_start3A_168] : memref<128x8xf32, #tpu.memory_space<vmem>> -> memref<128x8xf32, #tpu.memory_space<vmem>>
      %dma_start3A_170 = arith.constant 0 : i32
      %dma_start3A_171 = tpu.memref_slice %arg18[%add3A_115, %dma_start3A_170] : memref<10112x8xf32, #tpu.memory_space<vmem_shared>> -> memref<128x8xf32, #tpu.memory_space<vmem_shared>>
      %dma_start3A_172 = arith.constant 0 : i32
      %dma_start3A_173 = arith.constant 0 : i32
      %dma_start3A_174 = tpu.memref_slice %arg16[%dma_start3A_172, %dma_start3A_173] : memref<128x8xf32, #tpu.memory_space<vmem>> -> memref<128x8xf32, #tpu.memory_space<vmem>>
      %dma_start3A_175 = arith.constant 0 : i32
      %dma_start3A_176 = tpu.memref_slice %arg18[%add3A_115, %dma_start3A_175] : memref<10112x8xf32, #tpu.memory_space<vmem_shared>> -> memref<128x8xf32, #tpu.memory_space<vmem_shared>>
      tpu.enqueue_dma source(%dma_start3A_176 : memref<128x8xf32, #tpu.memory_space<vmem_shared>>) target(%dma_start3A_174 : memref<128x8xf32, #tpu.memory_space<vmem>>) target_semaphore(%run_scoped3A_166 : memref<!tpu.dma_semaphore, #tpu.memory_space<semaphore_mem>>)
      %dma_wait3A = arith.constant 0 : i32
      %dma_wait3A_177 = arith.constant 0 : i32
      %dma_wait3A_178 = tpu.memref_slice %arg16[%dma_wait3A, %dma_wait3A_177] : memref<128x8xf32, #tpu.memory_space<vmem>> -> memref<128x8xf32, #tpu.memory_space<vmem>>
      %dma_wait3A_179 = arith.constant 0 : i32
      %dma_wait3A_180 = tpu.memref_slice %arg18[%add3A_115, %dma_wait3A_179] : memref<10112x8xf32, #tpu.memory_space<vmem_shared>> -> memref<128x8xf32, #tpu.memory_space<vmem_shared>>
      %dma_wait3A_181 = arith.constant 0 : i32
      %dma_wait3A_182 = arith.constant 0 : i32
      %dma_wait3A_183 = tpu.memref_slice %arg16[%dma_wait3A_181, %dma_wait3A_182] : memref<128x8xf32, #tpu.memory_space<vmem>> -> memref<128x8xf32, #tpu.memory_space<vmem>>
      %dma_wait3A_184 = arith.constant 0 : i32
      %dma_wait3A_185 = tpu.memref_slice %arg18[%add3A_115, %dma_wait3A_184] : memref<10112x8xf32, #tpu.memory_space<vmem_shared>> -> memref<128x8xf32, #tpu.memory_space<vmem_shared>>
      tpu.wait_dma2 semaphore(%run_scoped3A_166 : memref<!tpu.dma_semaphore, #tpu.memory_space<semaphore_mem>>) src(%dma_wait3A_185 : memref<128x8xf32, #tpu.memory_space<vmem_shared>>) dst(%dma_wait3A_183 : memref<128x8xf32, #tpu.memory_space<vmem>>)
      tpu.yield
    }) : () -> ()
    %add3A_116 = arith.constant 0 : i32
    %add3A_117 = arith.addi %add3A_105, %add3A_116 : i32
    "tpu.region"() ({
      %run_scoped3A_166 = tpu.sem_alloc : memref<!tpu.dma_semaphore, #tpu.memory_space<semaphore_mem>>
      %dma_start3A_167 = arith.constant 0 : i32
      %dma_start3A_168 = arith.constant 0 : i32
      %dma_start3A_169 = tpu.memref_slice %arg16[%dma_start3A_167, %dma_start3A_168] : memref<128x8xf32, #tpu.memory_space<vmem>> -> memref<128x8xf32, #tpu.memory_space<vmem>>
      %dma_start3A_170 = arith.constant 0 : i32
      %dma_start3A_171 = tpu.memref_slice %arg9[%add3A_117, %dma_start3A_170] : memref<20224x8xf32, #tpu.memory_space<hbm>> -> memref<128x8xf32, #tpu.memory_space<hbm>>
      %dma_start3A_172 = arith.constant 0 : i32
      %dma_start3A_173 = tpu.memref_slice %arg9[%add3A_117, %dma_start3A_172] : memref<20224x8xf32, #tpu.memory_space<hbm>> -> memref<128x8xf32, #tpu.memory_space<hbm>>
      %dma_start3A_174 = arith.constant 0 : i32
      %dma_start3A_175 = arith.constant 0 : i32
      %dma_start3A_176 = tpu.memref_slice %arg16[%dma_start3A_174, %dma_start3A_175] : memref<128x8xf32, #tpu.memory_space<vmem>> -> memref<128x8xf32, #tpu.memory_space<vmem>>
      tpu.enqueue_dma source(%dma_start3A_176 : memref<128x8xf32, #tpu.memory_space<vmem>>) target(%dma_start3A_173 : memref<128x8xf32, #tpu.memory_space<hbm>>) target_semaphore(%run_scoped3A_166 : memref<!tpu.dma_semaphore, #tpu.memory_space<semaphore_mem>>)
      %dma_wait3A = arith.constant 0 : i32
      %dma_wait3A_177 = arith.constant 0 : i32
      %dma_wait3A_178 = tpu.memref_slice %arg16[%dma_wait3A, %dma_wait3A_177] : memref<128x8xf32, #tpu.memory_space<vmem>> -> memref<128x8xf32, #tpu.memory_space<vmem>>
      %dma_wait3A_179 = arith.constant 0 : i32
      %dma_wait3A_180 = tpu.memref_slice %arg9[%add3A_117, %dma_wait3A_179] : memref<20224x8xf32, #tpu.memory_space<hbm>> -> memref<128x8xf32, #tpu.memory_space<hbm>>
      %dma_wait3A_181 = arith.constant 0 : i32
      %dma_wait3A_182 = tpu.memref_slice %arg9[%add3A_117, %dma_wait3A_181] : memref<20224x8xf32, #tpu.memory_space<hbm>> -> memref<128x8xf32, #tpu.memory_space<hbm>>
      %dma_wait3A_183 = arith.constant 0 : i32
      %dma_wait3A_184 = arith.constant 0 : i32
      %dma_wait3A_185 = tpu.memref_slice %arg16[%dma_wait3A_183, %dma_wait3A_184] : memref<128x8xf32, #tpu.memory_space<vmem>> -> memref<128x8xf32, #tpu.memory_space<vmem>>
      tpu.wait_dma2 semaphore(%run_scoped3A_166 : memref<!tpu.dma_semaphore, #tpu.memory_space<semaphore_mem>>) src(%dma_wait3A_185 : memref<128x8xf32, #tpu.memory_space<vmem>>) dst(%dma_wait3A_182 : memref<128x8xf32, #tpu.memory_space<hbm>>)
      tpu.yield
    }) : () -> ()
    %mul3A_118 = arith.constant 632 : i32
    %mul3A_119 = arith.muli %arg1, %mul3A_118 : i32
    %add3A_120 = arith.constant 128 : i32
    %add3A_121 = arith.addi %mul3A_119, %add3A_120 : i32
    "tpu.region"() ({
      %run_scoped3A_166 = tpu.sem_alloc : memref<!tpu.dma_semaphore, #tpu.memory_space<semaphore_mem>>
      %dma_start3A_167 = arith.constant 0 : i32
      %dma_start3A_168 = arith.constant 0 : i32
      %dma_start3A_169 = tpu.memref_slice %arg14[%dma_start3A_167, %dma_start3A_168] : memref<128x128xf32, #tpu.memory_space<vmem>> -> memref<128x128xf32, #tpu.memory_space<vmem>>
      %dma_start3A_170 = arith.constant 0 : i32
      %dma_start3A_171 = tpu.memref_slice %arg17[%add3A_121, %dma_start3A_170] : memref<10112x128xf32, #tpu.memory_space<vmem_shared>> -> memref<128x128xf32, #tpu.memory_space<vmem_shared>>
      %dma_start3A_172 = arith.constant 0 : i32
      %dma_start3A_173 = arith.constant 0 : i32
      %dma_start3A_174 = tpu.memref_slice %arg14[%dma_start3A_172, %dma_start3A_173] : memref<128x128xf32, #tpu.memory_space<vmem>> -> memref<128x128xf32, #tpu.memory_space<vmem>>
      %dma_start3A_175 = arith.constant 0 : i32
      %dma_start3A_176 = tpu.memref_slice %arg17[%add3A_121, %dma_start3A_175] : memref<10112x128xf32, #tpu.memory_space<vmem_shared>> -> memref<128x128xf32, #tpu.memory_space<vmem_shared>>
      tpu.enqueue_dma source(%dma_start3A_176 : memref<128x128xf32, #tpu.memory_space<vmem_shared>>) target(%dma_start3A_174 : memref<128x128xf32, #tpu.memory_space<vmem>>) target_semaphore(%run_scoped3A_166 : memref<!tpu.dma_semaphore, #tpu.memory_space<semaphore_mem>>)
      %dma_wait3A = arith.constant 0 : i32
      %dma_wait3A_177 = arith.constant 0 : i32
      %dma_wait3A_178 = tpu.memref_slice %arg14[%dma_wait3A, %dma_wait3A_177] : memref<128x128xf32, #tpu.memory_space<vmem>> -> memref<128x128xf32, #tpu.memory_space<vmem>>
      %dma_wait3A_179 = arith.constant 0 : i32
      %dma_wait3A_180 = tpu.memref_slice %arg17[%add3A_121, %dma_wait3A_179] : memref<10112x128xf32, #tpu.memory_space<vmem_shared>> -> memref<128x128xf32, #tpu.memory_space<vmem_shared>>
      %dma_wait3A_181 = arith.constant 0 : i32
      %dma_wait3A_182 = arith.constant 0 : i32
      %dma_wait3A_183 = tpu.memref_slice %arg14[%dma_wait3A_181, %dma_wait3A_182] : memref<128x128xf32, #tpu.memory_space<vmem>> -> memref<128x128xf32, #tpu.memory_space<vmem>>
      %dma_wait3A_184 = arith.constant 0 : i32
      %dma_wait3A_185 = tpu.memref_slice %arg17[%add3A_121, %dma_wait3A_184] : memref<10112x128xf32, #tpu.memory_space<vmem_shared>> -> memref<128x128xf32, #tpu.memory_space<vmem_shared>>
      tpu.wait_dma2 semaphore(%run_scoped3A_166 : memref<!tpu.dma_semaphore, #tpu.memory_space<semaphore_mem>>) src(%dma_wait3A_185 : memref<128x128xf32, #tpu.memory_space<vmem_shared>>) dst(%dma_wait3A_183 : memref<128x128xf32, #tpu.memory_space<vmem>>)
      tpu.yield
    }) : () -> ()
    %add3A_122 = arith.constant 128 : i32
    %add3A_123 = arith.addi %add3A_105, %add3A_122 : i32
    "tpu.region"() ({
      %run_scoped3A_166 = tpu.sem_alloc : memref<!tpu.dma_semaphore, #tpu.memory_space<semaphore_mem>>
      %dma_start3A_167 = arith.constant 0 : i32
      %dma_start3A_168 = arith.constant 0 : i32
      %dma_start3A_169 = tpu.memref_slice %arg14[%dma_start3A_167, %dma_start3A_168] : memref<128x128xf32, #tpu.memory_space<vmem>> -> memref<128x128xf32, #tpu.memory_space<vmem>>
      %dma_start3A_170 = arith.constant 0 : i32
      %dma_start3A_171 = tpu.memref_slice %arg8[%add3A_123, %dma_start3A_170] : memref<20224x128xf32, #tpu.memory_space<hbm>> -> memref<128x128xf32, #tpu.memory_space<hbm>>
      %dma_start3A_172 = arith.constant 0 : i32
      %dma_start3A_173 = tpu.memref_slice %arg8[%add3A_123, %dma_start3A_172] : memref<20224x128xf32, #tpu.memory_space<hbm>> -> memref<128x128xf32, #tpu.memory_space<hbm>>
      %dma_start3A_174 = arith.constant 0 : i32
      %dma_start3A_175 = arith.constant 0 : i32
      %dma_start3A_176 = tpu.memref_slice %arg14[%dma_start3A_174, %dma_start3A_175] : memref<128x128xf32, #tpu.memory_space<vmem>> -> memref<128x128xf32, #tpu.memory_space<vmem>>
      tpu.enqueue_dma source(%dma_start3A_176 : memref<128x128xf32, #tpu.memory_space<vmem>>) target(%dma_start3A_173 : memref<128x128xf32, #tpu.memory_space<hbm>>) target_semaphore(%run_scoped3A_166 : memref<!tpu.dma_semaphore, #tpu.memory_space<semaphore_mem>>)
      %dma_wait3A = arith.constant 0 : i32
      %dma_wait3A_177 = arith.constant 0 : i32
      %dma_wait3A_178 = tpu.memref_slice %arg14[%dma_wait3A, %dma_wait3A_177] : memref<128x128xf32, #tpu.memory_space<vmem>> -> memref<128x128xf32, #tpu.memory_space<vmem>>
      %dma_wait3A_179 = arith.constant 0 : i32
      %dma_wait3A_180 = tpu.memref_slice %arg8[%add3A_123, %dma_wait3A_179] : memref<20224x128xf32, #tpu.memory_space<hbm>> -> memref<128x128xf32, #tpu.memory_space<hbm>>
      %dma_wait3A_181 = arith.constant 0 : i32
      %dma_wait3A_182 = tpu.memref_slice %arg8[%add3A_123, %dma_wait3A_181] : memref<20224x128xf32, #tpu.memory_space<hbm>> -> memref<128x128xf32, #tpu.memory_space<hbm>>
      %dma_wait3A_183 = arith.constant 0 : i32
      %dma_wait3A_184 = arith.constant 0 : i32
      %dma_wait3A_185 = tpu.memref_slice %arg14[%dma_wait3A_183, %dma_wait3A_184] : memref<128x128xf32, #tpu.memory_space<vmem>> -> memref<128x128xf32, #tpu.memory_space<vmem>>
      tpu.wait_dma2 semaphore(%run_scoped3A_166 : memref<!tpu.dma_semaphore, #tpu.memory_space<semaphore_mem>>) src(%dma_wait3A_185 : memref<128x128xf32, #tpu.memory_space<vmem>>) dst(%dma_wait3A_182 : memref<128x128xf32, #tpu.memory_space<hbm>>)
      tpu.yield
    }) : () -> ()
    %mul3A_124 = arith.constant 632 : i32
    %mul3A_125 = arith.muli %arg1, %mul3A_124 : i32
    %add3A_126 = arith.constant 128 : i32
    %add3A_127 = arith.addi %mul3A_125, %add3A_126 : i32
    "tpu.region"() ({
      %run_scoped3A_166 = tpu.sem_alloc : memref<!tpu.dma_semaphore, #tpu.memory_space<semaphore_mem>>
      %dma_start3A_167 = arith.constant 0 : i32
      %dma_start3A_168 = arith.constant 0 : i32
      %dma_start3A_169 = tpu.memref_slice %arg16[%dma_start3A_167, %dma_start3A_168] : memref<128x8xf32, #tpu.memory_space<vmem>> -> memref<128x8xf32, #tpu.memory_space<vmem>>
      %dma_start3A_170 = arith.constant 0 : i32
      %dma_start3A_171 = tpu.memref_slice %arg18[%add3A_127, %dma_start3A_170] : memref<10112x8xf32, #tpu.memory_space<vmem_shared>> -> memref<128x8xf32, #tpu.memory_space<vmem_shared>>
      %dma_start3A_172 = arith.constant 0 : i32
      %dma_start3A_173 = arith.constant 0 : i32
      %dma_start3A_174 = tpu.memref_slice %arg16[%dma_start3A_172, %dma_start3A_173] : memref<128x8xf32, #tpu.memory_space<vmem>> -> memref<128x8xf32, #tpu.memory_space<vmem>>
      %dma_start3A_175 = arith.constant 0 : i32
      %dma_start3A_176 = tpu.memref_slice %arg18[%add3A_127, %dma_start3A_175] : memref<10112x8xf32, #tpu.memory_space<vmem_shared>> -> memref<128x8xf32, #tpu.memory_space<vmem_shared>>
      tpu.enqueue_dma source(%dma_start3A_176 : memref<128x8xf32, #tpu.memory_space<vmem_shared>>) target(%dma_start3A_174 : memref<128x8xf32, #tpu.memory_space<vmem>>) target_semaphore(%run_scoped3A_166 : memref<!tpu.dma_semaphore, #tpu.memory_space<semaphore_mem>>)
      %dma_wait3A = arith.constant 0 : i32
      %dma_wait3A_177 = arith.constant 0 : i32
      %dma_wait3A_178 = tpu.memref_slice %arg16[%dma_wait3A, %dma_wait3A_177] : memref<128x8xf32, #tpu.memory_space<vmem>> -> memref<128x8xf32, #tpu.memory_space<vmem>>
      %dma_wait3A_179 = arith.constant 0 : i32
      %dma_wait3A_180 = tpu.memref_slice %arg18[%add3A_127, %dma_wait3A_179] : memref<10112x8xf32, #tpu.memory_space<vmem_shared>> -> memref<128x8xf32, #tpu.memory_space<vmem_shared>>
      %dma_wait3A_181 = arith.constant 0 : i32
      %dma_wait3A_182 = arith.constant 0 : i32
      %dma_wait3A_183 = tpu.memref_slice %arg16[%dma_wait3A_181, %dma_wait3A_182] : memref<128x8xf32, #tpu.memory_space<vmem>> -> memref<128x8xf32, #tpu.memory_space<vmem>>
      %dma_wait3A_184 = arith.constant 0 : i32
      %dma_wait3A_185 = tpu.memref_slice %arg18[%add3A_127, %dma_wait3A_184] : memref<10112x8xf32, #tpu.memory_space<vmem_shared>> -> memref<128x8xf32, #tpu.memory_space<vmem_shared>>
      tpu.wait_dma2 semaphore(%run_scoped3A_166 : memref<!tpu.dma_semaphore, #tpu.memory_space<semaphore_mem>>) src(%dma_wait3A_185 : memref<128x8xf32, #tpu.memory_space<vmem_shared>>) dst(%dma_wait3A_183 : memref<128x8xf32, #tpu.memory_space<vmem>>)
      tpu.yield
    }) : () -> ()
    %add3A_128 = arith.constant 128 : i32
    %add3A_129 = arith.addi %add3A_105, %add3A_128 : i32
    "tpu.region"() ({
      %run_scoped3A_166 = tpu.sem_alloc : memref<!tpu.dma_semaphore, #tpu.memory_space<semaphore_mem>>
      %dma_start3A_167 = arith.constant 0 : i32
      %dma_start3A_168 = arith.constant 0 : i32
      %dma_start3A_169 = tpu.memref_slice %arg16[%dma_start3A_167, %dma_start3A_168] : memref<128x8xf32, #tpu.memory_space<vmem>> -> memref<128x8xf32, #tpu.memory_space<vmem>>
      %dma_start3A_170 = arith.constant 0 : i32
      %dma_start3A_171 = tpu.memref_slice %arg9[%add3A_129, %dma_start3A_170] : memref<20224x8xf32, #tpu.memory_space<hbm>> -> memref<128x8xf32, #tpu.memory_space<hbm>>
      %dma_start3A_172 = arith.constant 0 : i32
      %dma_start3A_173 = tpu.memref_slice %arg9[%add3A_129, %dma_start3A_172] : memref<20224x8xf32, #tpu.memory_space<hbm>> -> memref<128x8xf32, #tpu.memory_space<hbm>>
      %dma_start3A_174 = arith.constant 0 : i32
      %dma_start3A_175 = arith.constant 0 : i32
      %dma_start3A_176 = tpu.memref_slice %arg16[%dma_start3A_174, %dma_start3A_175] : memref<128x8xf32, #tpu.memory_space<vmem>> -> memref<128x8xf32, #tpu.memory_space<vmem>>
      tpu.enqueue_dma source(%dma_start3A_176 : memref<128x8xf32, #tpu.memory_space<vmem>>) target(%dma_start3A_173 : memref<128x8xf32, #tpu.memory_space<hbm>>) target_semaphore(%run_scoped3A_166 : memref<!tpu.dma_semaphore, #tpu.memory_space<semaphore_mem>>)
      %dma_wait3A = arith.constant 0 : i32
      %dma_wait3A_177 = arith.constant 0 : i32
      %dma_wait3A_178 = tpu.memref_slice %arg16[%dma_wait3A, %dma_wait3A_177] : memref<128x8xf32, #tpu.memory_space<vmem>> -> memref<128x8xf32, #tpu.memory_space<vmem>>
      %dma_wait3A_179 = arith.constant 0 : i32
      %dma_wait3A_180 = tpu.memref_slice %arg9[%add3A_129, %dma_wait3A_179] : memref<20224x8xf32, #tpu.memory_space<hbm>> -> memref<128x8xf32, #tpu.memory_space<hbm>>
      %dma_wait3A_181 = arith.constant 0 : i32
      %dma_wait3A_182 = tpu.memref_slice %arg9[%add3A_129, %dma_wait3A_181] : memref<20224x8xf32, #tpu.memory_space<hbm>> -> memref<128x8xf32, #tpu.memory_space<hbm>>
      %dma_wait3A_183 = arith.constant 0 : i32
      %dma_wait3A_184 = arith.constant 0 : i32
      %dma_wait3A_185 = tpu.memref_slice %arg16[%dma_wait3A_183, %dma_wait3A_184] : memref<128x8xf32, #tpu.memory_space<vmem>> -> memref<128x8xf32, #tpu.memory_space<vmem>>
      tpu.wait_dma2 semaphore(%run_scoped3A_166 : memref<!tpu.dma_semaphore, #tpu.memory_space<semaphore_mem>>) src(%dma_wait3A_185 : memref<128x8xf32, #tpu.memory_space<vmem>>) dst(%dma_wait3A_182 : memref<128x8xf32, #tpu.memory_space<hbm>>)
      tpu.yield
    }) : () -> ()
    %mul3A_130 = arith.constant 632 : i32
    %mul3A_131 = arith.muli %arg1, %mul3A_130 : i32
    %add3A_132 = arith.constant 256 : i32
    %add3A_133 = arith.addi %mul3A_131, %add3A_132 : i32
    "tpu.region"() ({
      %run_scoped3A_166 = tpu.sem_alloc : memref<!tpu.dma_semaphore, #tpu.memory_space<semaphore_mem>>
      %dma_start3A_167 = arith.constant 0 : i32
      %dma_start3A_168 = arith.constant 0 : i32
      %dma_start3A_169 = tpu.memref_slice %arg14[%dma_start3A_167, %dma_start3A_168] : memref<128x128xf32, #tpu.memory_space<vmem>> -> memref<128x128xf32, #tpu.memory_space<vmem>>
      %dma_start3A_170 = arith.constant 0 : i32
      %dma_start3A_171 = tpu.memref_slice %arg17[%add3A_133, %dma_start3A_170] : memref<10112x128xf32, #tpu.memory_space<vmem_shared>> -> memref<128x128xf32, #tpu.memory_space<vmem_shared>>
      %dma_start3A_172 = arith.constant 0 : i32
      %dma_start3A_173 = arith.constant 0 : i32
      %dma_start3A_174 = tpu.memref_slice %arg14[%dma_start3A_172, %dma_start3A_173] : memref<128x128xf32, #tpu.memory_space<vmem>> -> memref<128x128xf32, #tpu.memory_space<vmem>>
      %dma_start3A_175 = arith.constant 0 : i32
      %dma_start3A_176 = tpu.memref_slice %arg17[%add3A_133, %dma_start3A_175] : memref<10112x128xf32, #tpu.memory_space<vmem_shared>> -> memref<128x128xf32, #tpu.memory_space<vmem_shared>>
      tpu.enqueue_dma source(%dma_start3A_176 : memref<128x128xf32, #tpu.memory_space<vmem_shared>>) target(%dma_start3A_174 : memref<128x128xf32, #tpu.memory_space<vmem>>) target_semaphore(%run_scoped3A_166 : memref<!tpu.dma_semaphore, #tpu.memory_space<semaphore_mem>>)
      %dma_wait3A = arith.constant 0 : i32
      %dma_wait3A_177 = arith.constant 0 : i32
      %dma_wait3A_178 = tpu.memref_slice %arg14[%dma_wait3A, %dma_wait3A_177] : memref<128x128xf32, #tpu.memory_space<vmem>> -> memref<128x128xf32, #tpu.memory_space<vmem>>
      %dma_wait3A_179 = arith.constant 0 : i32
      %dma_wait3A_180 = tpu.memref_slice %arg17[%add3A_133, %dma_wait3A_179] : memref<10112x128xf32, #tpu.memory_space<vmem_shared>> -> memref<128x128xf32, #tpu.memory_space<vmem_shared>>
      %dma_wait3A_181 = arith.constant 0 : i32
      %dma_wait3A_182 = arith.constant 0 : i32
      %dma_wait3A_183 = tpu.memref_slice %arg14[%dma_wait3A_181, %dma_wait3A_182] : memref<128x128xf32, #tpu.memory_space<vmem>> -> memref<128x128xf32, #tpu.memory_space<vmem>>
      %dma_wait3A_184 = arith.constant 0 : i32
      %dma_wait3A_185 = tpu.memref_slice %arg17[%add3A_133, %dma_wait3A_184] : memref<10112x128xf32, #tpu.memory_space<vmem_shared>> -> memref<128x128xf32, #tpu.memory_space<vmem_shared>>
      tpu.wait_dma2 semaphore(%run_scoped3A_166 : memref<!tpu.dma_semaphore, #tpu.memory_space<semaphore_mem>>) src(%dma_wait3A_185 : memref<128x128xf32, #tpu.memory_space<vmem_shared>>) dst(%dma_wait3A_183 : memref<128x128xf32, #tpu.memory_space<vmem>>)
      tpu.yield
    }) : () -> ()
    %add3A_134 = arith.constant 256 : i32
    %add3A_135 = arith.addi %add3A_105, %add3A_134 : i32
    "tpu.region"() ({
      %run_scoped3A_166 = tpu.sem_alloc : memref<!tpu.dma_semaphore, #tpu.memory_space<semaphore_mem>>
      %dma_start3A_167 = arith.constant 0 : i32
      %dma_start3A_168 = arith.constant 0 : i32
      %dma_start3A_169 = tpu.memref_slice %arg14[%dma_start3A_167, %dma_start3A_168] : memref<128x128xf32, #tpu.memory_space<vmem>> -> memref<128x128xf32, #tpu.memory_space<vmem>>
      %dma_start3A_170 = arith.constant 0 : i32
      %dma_start3A_171 = tpu.memref_slice %arg8[%add3A_135, %dma_start3A_170] : memref<20224x128xf32, #tpu.memory_space<hbm>> -> memref<128x128xf32, #tpu.memory_space<hbm>>
      %dma_start3A_172 = arith.constant 0 : i32
      %dma_start3A_173 = tpu.memref_slice %arg8[%add3A_135, %dma_start3A_172] : memref<20224x128xf32, #tpu.memory_space<hbm>> -> memref<128x128xf32, #tpu.memory_space<hbm>>
      %dma_start3A_174 = arith.constant 0 : i32
      %dma_start3A_175 = arith.constant 0 : i32
      %dma_start3A_176 = tpu.memref_slice %arg14[%dma_start3A_174, %dma_start3A_175] : memref<128x128xf32, #tpu.memory_space<vmem>> -> memref<128x128xf32, #tpu.memory_space<vmem>>
      tpu.enqueue_dma source(%dma_start3A_176 : memref<128x128xf32, #tpu.memory_space<vmem>>) target(%dma_start3A_173 : memref<128x128xf32, #tpu.memory_space<hbm>>) target_semaphore(%run_scoped3A_166 : memref<!tpu.dma_semaphore, #tpu.memory_space<semaphore_mem>>)
      %dma_wait3A = arith.constant 0 : i32
      %dma_wait3A_177 = arith.constant 0 : i32
      %dma_wait3A_178 = tpu.memref_slice %arg14[%dma_wait3A, %dma_wait3A_177] : memref<128x128xf32, #tpu.memory_space<vmem>> -> memref<128x128xf32, #tpu.memory_space<vmem>>
      %dma_wait3A_179 = arith.constant 0 : i32
      %dma_wait3A_180 = tpu.memref_slice %arg8[%add3A_135, %dma_wait3A_179] : memref<20224x128xf32, #tpu.memory_space<hbm>> -> memref<128x128xf32, #tpu.memory_space<hbm>>
      %dma_wait3A_181 = arith.constant 0 : i32
      %dma_wait3A_182 = tpu.memref_slice %arg8[%add3A_135, %dma_wait3A_181] : memref<20224x128xf32, #tpu.memory_space<hbm>> -> memref<128x128xf32, #tpu.memory_space<hbm>>
      %dma_wait3A_183 = arith.constant 0 : i32
      %dma_wait3A_184 = arith.constant 0 : i32
      %dma_wait3A_185 = tpu.memref_slice %arg14[%dma_wait3A_183, %dma_wait3A_184] : memref<128x128xf32, #tpu.memory_space<vmem>> -> memref<128x128xf32, #tpu.memory_space<vmem>>
      tpu.wait_dma2 semaphore(%run_scoped3A_166 : memref<!tpu.dma_semaphore, #tpu.memory_space<semaphore_mem>>) src(%dma_wait3A_185 : memref<128x128xf32, #tpu.memory_space<vmem>>) dst(%dma_wait3A_182 : memref<128x128xf32, #tpu.memory_space<hbm>>)
      tpu.yield
    }) : () -> ()
    %mul3A_136 = arith.constant 632 : i32
    %mul3A_137 = arith.muli %arg1, %mul3A_136 : i32
    %add3A_138 = arith.constant 256 : i32
    %add3A_139 = arith.addi %mul3A_137, %add3A_138 : i32
    "tpu.region"() ({
      %run_scoped3A_166 = tpu.sem_alloc : memref<!tpu.dma_semaphore, #tpu.memory_space<semaphore_mem>>
      %dma_start3A_167 = arith.constant 0 : i32
      %dma_start3A_168 = arith.constant 0 : i32
      %dma_start3A_169 = tpu.memref_slice %arg16[%dma_start3A_167, %dma_start3A_168] : memref<128x8xf32, #tpu.memory_space<vmem>> -> memref<128x8xf32, #tpu.memory_space<vmem>>
      %dma_start3A_170 = arith.constant 0 : i32
      %dma_start3A_171 = tpu.memref_slice %arg18[%add3A_139, %dma_start3A_170] : memref<10112x8xf32, #tpu.memory_space<vmem_shared>> -> memref<128x8xf32, #tpu.memory_space<vmem_shared>>
      %dma_start3A_172 = arith.constant 0 : i32
      %dma_start3A_173 = arith.constant 0 : i32
      %dma_start3A_174 = tpu.memref_slice %arg16[%dma_start3A_172, %dma_start3A_173] : memref<128x8xf32, #tpu.memory_space<vmem>> -> memref<128x8xf32, #tpu.memory_space<vmem>>
      %dma_start3A_175 = arith.constant 0 : i32
      %dma_start3A_176 = tpu.memref_slice %arg18[%add3A_139, %dma_start3A_175] : memref<10112x8xf32, #tpu.memory_space<vmem_shared>> -> memref<128x8xf32, #tpu.memory_space<vmem_shared>>
      tpu.enqueue_dma source(%dma_start3A_176 : memref<128x8xf32, #tpu.memory_space<vmem_shared>>) target(%dma_start3A_174 : memref<128x8xf32, #tpu.memory_space<vmem>>) target_semaphore(%run_scoped3A_166 : memref<!tpu.dma_semaphore, #tpu.memory_space<semaphore_mem>>)
      %dma_wait3A = arith.constant 0 : i32
      %dma_wait3A_177 = arith.constant 0 : i32
      %dma_wait3A_178 = tpu.memref_slice %arg16[%dma_wait3A, %dma_wait3A_177] : memref<128x8xf32, #tpu.memory_space<vmem>> -> memref<128x8xf32, #tpu.memory_space<vmem>>
      %dma_wait3A_179 = arith.constant 0 : i32
      %dma_wait3A_180 = tpu.memref_slice %arg18[%add3A_139, %dma_wait3A_179] : memref<10112x8xf32, #tpu.memory_space<vmem_shared>> -> memref<128x8xf32, #tpu.memory_space<vmem_shared>>
      %dma_wait3A_181 = arith.constant 0 : i32
      %dma_wait3A_182 = arith.constant 0 : i32
      %dma_wait3A_183 = tpu.memref_slice %arg16[%dma_wait3A_181, %dma_wait3A_182] : memref<128x8xf32, #tpu.memory_space<vmem>> -> memref<128x8xf32, #tpu.memory_space<vmem>>
      %dma_wait3A_184 = arith.constant 0 : i32
      %dma_wait3A_185 = tpu.memref_slice %arg18[%add3A_139, %dma_wait3A_184] : memref<10112x8xf32, #tpu.memory_space<vmem_shared>> -> memref<128x8xf32, #tpu.memory_space<vmem_shared>>
      tpu.wait_dma2 semaphore(%run_scoped3A_166 : memref<!tpu.dma_semaphore, #tpu.memory_space<semaphore_mem>>) src(%dma_wait3A_185 : memref<128x8xf32, #tpu.memory_space<vmem_shared>>) dst(%dma_wait3A_183 : memref<128x8xf32, #tpu.memory_space<vmem>>)
      tpu.yield
    }) : () -> ()
    %add3A_140 = arith.constant 256 : i32
    %add3A_141 = arith.addi %add3A_105, %add3A_140 : i32
    "tpu.region"() ({
      %run_scoped3A_166 = tpu.sem_alloc : memref<!tpu.dma_semaphore, #tpu.memory_space<semaphore_mem>>
      %dma_start3A_167 = arith.constant 0 : i32
      %dma_start3A_168 = arith.constant 0 : i32
      %dma_start3A_169 = tpu.memref_slice %arg16[%dma_start3A_167, %dma_start3A_168] : memref<128x8xf32, #tpu.memory_space<vmem>> -> memref<128x8xf32, #tpu.memory_space<vmem>>
      %dma_start3A_170 = arith.constant 0 : i32
      %dma_start3A_171 = tpu.memref_slice %arg9[%add3A_141, %dma_start3A_170] : memref<20224x8xf32, #tpu.memory_space<hbm>> -> memref<128x8xf32, #tpu.memory_space<hbm>>
      %dma_start3A_172 = arith.constant 0 : i32
      %dma_start3A_173 = tpu.memref_slice %arg9[%add3A_141, %dma_start3A_172] : memref<20224x8xf32, #tpu.memory_space<hbm>> -> memref<128x8xf32, #tpu.memory_space<hbm>>
      %dma_start3A_174 = arith.constant 0 : i32
      %dma_start3A_175 = arith.constant 0 : i32
      %dma_start3A_176 = tpu.memref_slice %arg16[%dma_start3A_174, %dma_start3A_175] : memref<128x8xf32, #tpu.memory_space<vmem>> -> memref<128x8xf32, #tpu.memory_space<vmem>>
      tpu.enqueue_dma source(%dma_start3A_176 : memref<128x8xf32, #tpu.memory_space<vmem>>) target(%dma_start3A_173 : memref<128x8xf32, #tpu.memory_space<hbm>>) target_semaphore(%run_scoped3A_166 : memref<!tpu.dma_semaphore, #tpu.memory_space<semaphore_mem>>)
      %dma_wait3A = arith.constant 0 : i32
      %dma_wait3A_177 = arith.constant 0 : i32
      %dma_wait3A_178 = tpu.memref_slice %arg16[%dma_wait3A, %dma_wait3A_177] : memref<128x8xf32, #tpu.memory_space<vmem>> -> memref<128x8xf32, #tpu.memory_space<vmem>>
      %dma_wait3A_179 = arith.constant 0 : i32
      %dma_wait3A_180 = tpu.memref_slice %arg9[%add3A_141, %dma_wait3A_179] : memref<20224x8xf32, #tpu.memory_space<hbm>> -> memref<128x8xf32, #tpu.memory_space<hbm>>
      %dma_wait3A_181 = arith.constant 0 : i32
      %dma_wait3A_182 = tpu.memref_slice %arg9[%add3A_141, %dma_wait3A_181] : memref<20224x8xf32, #tpu.memory_space<hbm>> -> memref<128x8xf32, #tpu.memory_space<hbm>>
      %dma_wait3A_183 = arith.constant 0 : i32
      %dma_wait3A_184 = arith.constant 0 : i32
      %dma_wait3A_185 = tpu.memref_slice %arg16[%dma_wait3A_183, %dma_wait3A_184] : memref<128x8xf32, #tpu.memory_space<vmem>> -> memref<128x8xf32, #tpu.memory_space<vmem>>
      tpu.wait_dma2 semaphore(%run_scoped3A_166 : memref<!tpu.dma_semaphore, #tpu.memory_space<semaphore_mem>>) src(%dma_wait3A_185 : memref<128x8xf32, #tpu.memory_space<vmem>>) dst(%dma_wait3A_182 : memref<128x8xf32, #tpu.memory_space<hbm>>)
      tpu.yield
    }) : () -> ()
    %mul3A_142 = arith.constant 632 : i32
    %mul3A_143 = arith.muli %arg1, %mul3A_142 : i32
    %add3A_144 = arith.constant 384 : i32
    %add3A_145 = arith.addi %mul3A_143, %add3A_144 : i32
    "tpu.region"() ({
      %run_scoped3A_166 = tpu.sem_alloc : memref<!tpu.dma_semaphore, #tpu.memory_space<semaphore_mem>>
      %dma_start3A_167 = arith.constant 0 : i32
      %dma_start3A_168 = arith.constant 0 : i32
      %dma_start3A_169 = tpu.memref_slice %arg14[%dma_start3A_167, %dma_start3A_168] : memref<128x128xf32, #tpu.memory_space<vmem>> -> memref<128x128xf32, #tpu.memory_space<vmem>>
      %dma_start3A_170 = arith.constant 0 : i32
      %dma_start3A_171 = tpu.memref_slice %arg17[%add3A_145, %dma_start3A_170] : memref<10112x128xf32, #tpu.memory_space<vmem_shared>> -> memref<128x128xf32, #tpu.memory_space<vmem_shared>>
      %dma_start3A_172 = arith.constant 0 : i32
      %dma_start3A_173 = arith.constant 0 : i32
      %dma_start3A_174 = tpu.memref_slice %arg14[%dma_start3A_172, %dma_start3A_173] : memref<128x128xf32, #tpu.memory_space<vmem>> -> memref<128x128xf32, #tpu.memory_space<vmem>>
      %dma_start3A_175 = arith.constant 0 : i32
      %dma_start3A_176 = tpu.memref_slice %arg17[%add3A_145, %dma_start3A_175] : memref<10112x128xf32, #tpu.memory_space<vmem_shared>> -> memref<128x128xf32, #tpu.memory_space<vmem_shared>>
      tpu.enqueue_dma source(%dma_start3A_176 : memref<128x128xf32, #tpu.memory_space<vmem_shared>>) target(%dma_start3A_174 : memref<128x128xf32, #tpu.memory_space<vmem>>) target_semaphore(%run_scoped3A_166 : memref<!tpu.dma_semaphore, #tpu.memory_space<semaphore_mem>>)
      %dma_wait3A = arith.constant 0 : i32
      %dma_wait3A_177 = arith.constant 0 : i32
      %dma_wait3A_178 = tpu.memref_slice %arg14[%dma_wait3A, %dma_wait3A_177] : memref<128x128xf32, #tpu.memory_space<vmem>> -> memref<128x128xf32, #tpu.memory_space<vmem>>
      %dma_wait3A_179 = arith.constant 0 : i32
      %dma_wait3A_180 = tpu.memref_slice %arg17[%add3A_145, %dma_wait3A_179] : memref<10112x128xf32, #tpu.memory_space<vmem_shared>> -> memref<128x128xf32, #tpu.memory_space<vmem_shared>>
      %dma_wait3A_181 = arith.constant 0 : i32
      %dma_wait3A_182 = arith.constant 0 : i32
      %dma_wait3A_183 = tpu.memref_slice %arg14[%dma_wait3A_181, %dma_wait3A_182] : memref<128x128xf32, #tpu.memory_space<vmem>> -> memref<128x128xf32, #tpu.memory_space<vmem>>
      %dma_wait3A_184 = arith.constant 0 : i32
      %dma_wait3A_185 = tpu.memref_slice %arg17[%add3A_145, %dma_wait3A_184] : memref<10112x128xf32, #tpu.memory_space<vmem_shared>> -> memref<128x128xf32, #tpu.memory_space<vmem_shared>>
      tpu.wait_dma2 semaphore(%run_scoped3A_166 : memref<!tpu.dma_semaphore, #tpu.memory_space<semaphore_mem>>) src(%dma_wait3A_185 : memref<128x128xf32, #tpu.memory_space<vmem_shared>>) dst(%dma_wait3A_183 : memref<128x128xf32, #tpu.memory_space<vmem>>)
      tpu.yield
    }) : () -> ()
    %add3A_146 = arith.constant 384 : i32
    %add3A_147 = arith.addi %add3A_105, %add3A_146 : i32
    "tpu.region"() ({
      %run_scoped3A_166 = tpu.sem_alloc : memref<!tpu.dma_semaphore, #tpu.memory_space<semaphore_mem>>
      %dma_start3A_167 = arith.constant 0 : i32
      %dma_start3A_168 = arith.constant 0 : i32
      %dma_start3A_169 = tpu.memref_slice %arg14[%dma_start3A_167, %dma_start3A_168] : memref<128x128xf32, #tpu.memory_space<vmem>> -> memref<128x128xf32, #tpu.memory_space<vmem>>
      %dma_start3A_170 = arith.constant 0 : i32
      %dma_start3A_171 = tpu.memref_slice %arg8[%add3A_147, %dma_start3A_170] : memref<20224x128xf32, #tpu.memory_space<hbm>> -> memref<128x128xf32, #tpu.memory_space<hbm>>
      %dma_start3A_172 = arith.constant 0 : i32
      %dma_start3A_173 = tpu.memref_slice %arg8[%add3A_147, %dma_start3A_172] : memref<20224x128xf32, #tpu.memory_space<hbm>> -> memref<128x128xf32, #tpu.memory_space<hbm>>
      %dma_start3A_174 = arith.constant 0 : i32
      %dma_start3A_175 = arith.constant 0 : i32
      %dma_start3A_176 = tpu.memref_slice %arg14[%dma_start3A_174, %dma_start3A_175] : memref<128x128xf32, #tpu.memory_space<vmem>> -> memref<128x128xf32, #tpu.memory_space<vmem>>
      tpu.enqueue_dma source(%dma_start3A_176 : memref<128x128xf32, #tpu.memory_space<vmem>>) target(%dma_start3A_173 : memref<128x128xf32, #tpu.memory_space<hbm>>) target_semaphore(%run_scoped3A_166 : memref<!tpu.dma_semaphore, #tpu.memory_space<semaphore_mem>>)
      %dma_wait3A = arith.constant 0 : i32
      %dma_wait3A_177 = arith.constant 0 : i32
      %dma_wait3A_178 = tpu.memref_slice %arg14[%dma_wait3A, %dma_wait3A_177] : memref<128x128xf32, #tpu.memory_space<vmem>> -> memref<128x128xf32, #tpu.memory_space<vmem>>
      %dma_wait3A_179 = arith.constant 0 : i32
      %dma_wait3A_180 = tpu.memref_slice %arg8[%add3A_147, %dma_wait3A_179] : memref<20224x128xf32, #tpu.memory_space<hbm>> -> memref<128x128xf32, #tpu.memory_space<hbm>>
      %dma_wait3A_181 = arith.constant 0 : i32
      %dma_wait3A_182 = tpu.memref_slice %arg8[%add3A_147, %dma_wait3A_181] : memref<20224x128xf32, #tpu.memory_space<hbm>> -> memref<128x128xf32, #tpu.memory_space<hbm>>
      %dma_wait3A_183 = arith.constant 0 : i32
      %dma_wait3A_184 = arith.constant 0 : i32
      %dma_wait3A_185 = tpu.memref_slice %arg14[%dma_wait3A_183, %dma_wait3A_184] : memref<128x128xf32, #tpu.memory_space<vmem>> -> memref<128x128xf32, #tpu.memory_space<vmem>>
      tpu.wait_dma2 semaphore(%run_scoped3A_166 : memref<!tpu.dma_semaphore, #tpu.memory_space<semaphore_mem>>) src(%dma_wait3A_185 : memref<128x128xf32, #tpu.memory_space<vmem>>) dst(%dma_wait3A_182 : memref<128x128xf32, #tpu.memory_space<hbm>>)
      tpu.yield
    }) : () -> ()
    %mul3A_148 = arith.constant 632 : i32
    %mul3A_149 = arith.muli %arg1, %mul3A_148 : i32
    %add3A_150 = arith.constant 384 : i32
    %add3A_151 = arith.addi %mul3A_149, %add3A_150 : i32
    "tpu.region"() ({
      %run_scoped3A_166 = tpu.sem_alloc : memref<!tpu.dma_semaphore, #tpu.memory_space<semaphore_mem>>
      %dma_start3A_167 = arith.constant 0 : i32
      %dma_start3A_168 = arith.constant 0 : i32
      %dma_start3A_169 = tpu.memref_slice %arg16[%dma_start3A_167, %dma_start3A_168] : memref<128x8xf32, #tpu.memory_space<vmem>> -> memref<128x8xf32, #tpu.memory_space<vmem>>
      %dma_start3A_170 = arith.constant 0 : i32
      %dma_start3A_171 = tpu.memref_slice %arg18[%add3A_151, %dma_start3A_170] : memref<10112x8xf32, #tpu.memory_space<vmem_shared>> -> memref<128x8xf32, #tpu.memory_space<vmem_shared>>
      %dma_start3A_172 = arith.constant 0 : i32
      %dma_start3A_173 = arith.constant 0 : i32
      %dma_start3A_174 = tpu.memref_slice %arg16[%dma_start3A_172, %dma_start3A_173] : memref<128x8xf32, #tpu.memory_space<vmem>> -> memref<128x8xf32, #tpu.memory_space<vmem>>
      %dma_start3A_175 = arith.constant 0 : i32
      %dma_start3A_176 = tpu.memref_slice %arg18[%add3A_151, %dma_start3A_175] : memref<10112x8xf32, #tpu.memory_space<vmem_shared>> -> memref<128x8xf32, #tpu.memory_space<vmem_shared>>
      tpu.enqueue_dma source(%dma_start3A_176 : memref<128x8xf32, #tpu.memory_space<vmem_shared>>) target(%dma_start3A_174 : memref<128x8xf32, #tpu.memory_space<vmem>>) target_semaphore(%run_scoped3A_166 : memref<!tpu.dma_semaphore, #tpu.memory_space<semaphore_mem>>)
      %dma_wait3A = arith.constant 0 : i32
      %dma_wait3A_177 = arith.constant 0 : i32
      %dma_wait3A_178 = tpu.memref_slice %arg16[%dma_wait3A, %dma_wait3A_177] : memref<128x8xf32, #tpu.memory_space<vmem>> -> memref<128x8xf32, #tpu.memory_space<vmem>>
      %dma_wait3A_179 = arith.constant 0 : i32
      %dma_wait3A_180 = tpu.memref_slice %arg18[%add3A_151, %dma_wait3A_179] : memref<10112x8xf32, #tpu.memory_space<vmem_shared>> -> memref<128x8xf32, #tpu.memory_space<vmem_shared>>
      %dma_wait3A_181 = arith.constant 0 : i32
      %dma_wait3A_182 = arith.constant 0 : i32
      %dma_wait3A_183 = tpu.memref_slice %arg16[%dma_wait3A_181, %dma_wait3A_182] : memref<128x8xf32, #tpu.memory_space<vmem>> -> memref<128x8xf32, #tpu.memory_space<vmem>>
      %dma_wait3A_184 = arith.constant 0 : i32
      %dma_wait3A_185 = tpu.memref_slice %arg18[%add3A_151, %dma_wait3A_184] : memref<10112x8xf32, #tpu.memory_space<vmem_shared>> -> memref<128x8xf32, #tpu.memory_space<vmem_shared>>
      tpu.wait_dma2 semaphore(%run_scoped3A_166 : memref<!tpu.dma_semaphore, #tpu.memory_space<semaphore_mem>>) src(%dma_wait3A_185 : memref<128x8xf32, #tpu.memory_space<vmem_shared>>) dst(%dma_wait3A_183 : memref<128x8xf32, #tpu.memory_space<vmem>>)
      tpu.yield
    }) : () -> ()
    %add3A_152 = arith.constant 384 : i32
    %add3A_153 = arith.addi %add3A_105, %add3A_152 : i32
    "tpu.region"() ({
      %run_scoped3A_166 = tpu.sem_alloc : memref<!tpu.dma_semaphore, #tpu.memory_space<semaphore_mem>>
      %dma_start3A_167 = arith.constant 0 : i32
      %dma_start3A_168 = arith.constant 0 : i32
      %dma_start3A_169 = tpu.memref_slice %arg16[%dma_start3A_167, %dma_start3A_168] : memref<128x8xf32, #tpu.memory_space<vmem>> -> memref<128x8xf32, #tpu.memory_space<vmem>>
      %dma_start3A_170 = arith.constant 0 : i32
      %dma_start3A_171 = tpu.memref_slice %arg9[%add3A_153, %dma_start3A_170] : memref<20224x8xf32, #tpu.memory_space<hbm>> -> memref<128x8xf32, #tpu.memory_space<hbm>>
      %dma_start3A_172 = arith.constant 0 : i32
      %dma_start3A_173 = tpu.memref_slice %arg9[%add3A_153, %dma_start3A_172] : memref<20224x8xf32, #tpu.memory_space<hbm>> -> memref<128x8xf32, #tpu.memory_space<hbm>>
      %dma_start3A_174 = arith.constant 0 : i32
      %dma_start3A_175 = arith.constant 0 : i32
      %dma_start3A_176 = tpu.memref_slice %arg16[%dma_start3A_174, %dma_start3A_175] : memref<128x8xf32, #tpu.memory_space<vmem>> -> memref<128x8xf32, #tpu.memory_space<vmem>>
      tpu.enqueue_dma source(%dma_start3A_176 : memref<128x8xf32, #tpu.memory_space<vmem>>) target(%dma_start3A_173 : memref<128x8xf32, #tpu.memory_space<hbm>>) target_semaphore(%run_scoped3A_166 : memref<!tpu.dma_semaphore, #tpu.memory_space<semaphore_mem>>)
      %dma_wait3A = arith.constant 0 : i32
      %dma_wait3A_177 = arith.constant 0 : i32
      %dma_wait3A_178 = tpu.memref_slice %arg16[%dma_wait3A, %dma_wait3A_177] : memref<128x8xf32, #tpu.memory_space<vmem>> -> memref<128x8xf32, #tpu.memory_space<vmem>>
      %dma_wait3A_179 = arith.constant 0 : i32
      %dma_wait3A_180 = tpu.memref_slice %arg9[%add3A_153, %dma_wait3A_179] : memref<20224x8xf32, #tpu.memory_space<hbm>> -> memref<128x8xf32, #tpu.memory_space<hbm>>
      %dma_wait3A_181 = arith.constant 0 : i32
      %dma_wait3A_182 = tpu.memref_slice %arg9[%add3A_153, %dma_wait3A_181] : memref<20224x8xf32, #tpu.memory_space<hbm>> -> memref<128x8xf32, #tpu.memory_space<hbm>>
      %dma_wait3A_183 = arith.constant 0 : i32
      %dma_wait3A_184 = arith.constant 0 : i32
      %dma_wait3A_185 = tpu.memref_slice %arg16[%dma_wait3A_183, %dma_wait3A_184] : memref<128x8xf32, #tpu.memory_space<vmem>> -> memref<128x8xf32, #tpu.memory_space<vmem>>
      tpu.wait_dma2 semaphore(%run_scoped3A_166 : memref<!tpu.dma_semaphore, #tpu.memory_space<semaphore_mem>>) src(%dma_wait3A_185 : memref<128x8xf32, #tpu.memory_space<vmem>>) dst(%dma_wait3A_182 : memref<128x8xf32, #tpu.memory_space<hbm>>)
      tpu.yield
    }) : () -> ()
    %mul3A_154 = arith.constant 632 : i32
    %mul3A_155 = arith.muli %arg1, %mul3A_154 : i32
    %add3A_156 = arith.constant 512 : i32
    %add3A_157 = arith.addi %mul3A_155, %add3A_156 : i32
    "tpu.region"() ({
      %run_scoped3A_166 = tpu.sem_alloc : memref<!tpu.dma_semaphore, #tpu.memory_space<semaphore_mem>>
      %dma_start3A_167 = arith.constant 0 : i32
      %dma_start3A_168 = arith.constant 0 : i32
      %dma_start3A_169 = tpu.memref_slice %arg14[%dma_start3A_167, %dma_start3A_168] : memref<128x128xf32, #tpu.memory_space<vmem>> -> memref<120x128xf32, #tpu.memory_space<vmem>>
      %dma_start3A_170 = arith.constant 0 : i32
      %dma_start3A_171 = tpu.memref_slice %arg17[%add3A_157, %dma_start3A_170] : memref<10112x128xf32, #tpu.memory_space<vmem_shared>> -> memref<120x128xf32, #tpu.memory_space<vmem_shared>>
      %dma_start3A_172 = arith.constant 0 : i32
      %dma_start3A_173 = arith.constant 0 : i32
      %dma_start3A_174 = tpu.memref_slice %arg14[%dma_start3A_172, %dma_start3A_173] : memref<128x128xf32, #tpu.memory_space<vmem>> -> memref<120x128xf32, #tpu.memory_space<vmem>>
      %dma_start3A_175 = arith.constant 0 : i32
      %dma_start3A_176 = tpu.memref_slice %arg17[%add3A_157, %dma_start3A_175] : memref<10112x128xf32, #tpu.memory_space<vmem_shared>> -> memref<120x128xf32, #tpu.memory_space<vmem_shared>>
      tpu.enqueue_dma source(%dma_start3A_176 : memref<120x128xf32, #tpu.memory_space<vmem_shared>>) target(%dma_start3A_174 : memref<120x128xf32, #tpu.memory_space<vmem>>) target_semaphore(%run_scoped3A_166 : memref<!tpu.dma_semaphore, #tpu.memory_space<semaphore_mem>>)
      %dma_wait3A = arith.constant 0 : i32
      %dma_wait3A_177 = arith.constant 0 : i32
      %dma_wait3A_178 = tpu.memref_slice %arg14[%dma_wait3A, %dma_wait3A_177] : memref<128x128xf32, #tpu.memory_space<vmem>> -> memref<120x128xf32, #tpu.memory_space<vmem>>
      %dma_wait3A_179 = arith.constant 0 : i32
      %dma_wait3A_180 = tpu.memref_slice %arg17[%add3A_157, %dma_wait3A_179] : memref<10112x128xf32, #tpu.memory_space<vmem_shared>> -> memref<120x128xf32, #tpu.memory_space<vmem_shared>>
      %dma_wait3A_181 = arith.constant 0 : i32
      %dma_wait3A_182 = arith.constant 0 : i32
      %dma_wait3A_183 = tpu.memref_slice %arg14[%dma_wait3A_181, %dma_wait3A_182] : memref<128x128xf32, #tpu.memory_space<vmem>> -> memref<120x128xf32, #tpu.memory_space<vmem>>
      %dma_wait3A_184 = arith.constant 0 : i32
      %dma_wait3A_185 = tpu.memref_slice %arg17[%add3A_157, %dma_wait3A_184] : memref<10112x128xf32, #tpu.memory_space<vmem_shared>> -> memref<120x128xf32, #tpu.memory_space<vmem_shared>>
      tpu.wait_dma2 semaphore(%run_scoped3A_166 : memref<!tpu.dma_semaphore, #tpu.memory_space<semaphore_mem>>) src(%dma_wait3A_185 : memref<120x128xf32, #tpu.memory_space<vmem_shared>>) dst(%dma_wait3A_183 : memref<120x128xf32, #tpu.memory_space<vmem>>)
      tpu.yield
    }) : () -> ()
    %add3A_158 = arith.constant 512 : i32
    %add3A_159 = arith.addi %add3A_105, %add3A_158 : i32
    "tpu.region"() ({
      %run_scoped3A_166 = tpu.sem_alloc : memref<!tpu.dma_semaphore, #tpu.memory_space<semaphore_mem>>
      %dma_start3A_167 = arith.constant 0 : i32
      %dma_start3A_168 = arith.constant 0 : i32
      %dma_start3A_169 = tpu.memref_slice %arg14[%dma_start3A_167, %dma_start3A_168] : memref<128x128xf32, #tpu.memory_space<vmem>> -> memref<120x128xf32, #tpu.memory_space<vmem>>
      %dma_start3A_170 = arith.constant 0 : i32
      %dma_start3A_171 = tpu.memref_slice %arg8[%add3A_159, %dma_start3A_170] : memref<20224x128xf32, #tpu.memory_space<hbm>> -> memref<120x128xf32, #tpu.memory_space<hbm>>
      %dma_start3A_172 = arith.constant 0 : i32
      %dma_start3A_173 = tpu.memref_slice %arg8[%add3A_159, %dma_start3A_172] : memref<20224x128xf32, #tpu.memory_space<hbm>> -> memref<120x128xf32, #tpu.memory_space<hbm>>
      %dma_start3A_174 = arith.constant 0 : i32
      %dma_start3A_175 = arith.constant 0 : i32
      %dma_start3A_176 = tpu.memref_slice %arg14[%dma_start3A_174, %dma_start3A_175] : memref<128x128xf32, #tpu.memory_space<vmem>> -> memref<120x128xf32, #tpu.memory_space<vmem>>
      tpu.enqueue_dma source(%dma_start3A_176 : memref<120x128xf32, #tpu.memory_space<vmem>>) target(%dma_start3A_173 : memref<120x128xf32, #tpu.memory_space<hbm>>) target_semaphore(%run_scoped3A_166 : memref<!tpu.dma_semaphore, #tpu.memory_space<semaphore_mem>>)
      %dma_wait3A = arith.constant 0 : i32
      %dma_wait3A_177 = arith.constant 0 : i32
      %dma_wait3A_178 = tpu.memref_slice %arg14[%dma_wait3A, %dma_wait3A_177] : memref<128x128xf32, #tpu.memory_space<vmem>> -> memref<120x128xf32, #tpu.memory_space<vmem>>
      %dma_wait3A_179 = arith.constant 0 : i32
      %dma_wait3A_180 = tpu.memref_slice %arg8[%add3A_159, %dma_wait3A_179] : memref<20224x128xf32, #tpu.memory_space<hbm>> -> memref<120x128xf32, #tpu.memory_space<hbm>>
      %dma_wait3A_181 = arith.constant 0 : i32
      %dma_wait3A_182 = tpu.memref_slice %arg8[%add3A_159, %dma_wait3A_181] : memref<20224x128xf32, #tpu.memory_space<hbm>> -> memref<120x128xf32, #tpu.memory_space<hbm>>
      %dma_wait3A_183 = arith.constant 0 : i32
      %dma_wait3A_184 = arith.constant 0 : i32
      %dma_wait3A_185 = tpu.memref_slice %arg14[%dma_wait3A_183, %dma_wait3A_184] : memref<128x128xf32, #tpu.memory_space<vmem>> -> memref<120x128xf32, #tpu.memory_space<vmem>>
      tpu.wait_dma2 semaphore(%run_scoped3A_166 : memref<!tpu.dma_semaphore, #tpu.memory_space<semaphore_mem>>) src(%dma_wait3A_185 : memref<120x128xf32, #tpu.memory_space<vmem>>) dst(%dma_wait3A_182 : memref<120x128xf32, #tpu.memory_space<hbm>>)
      tpu.yield
    }) : () -> ()
    %mul3A_160 = arith.constant 632 : i32
    %mul3A_161 = arith.muli %arg1, %mul3A_160 : i32
    %add3A_162 = arith.constant 512 : i32
    %add3A_163 = arith.addi %mul3A_161, %add3A_162 : i32
    "tpu.region"() ({
      %run_scoped3A_166 = tpu.sem_alloc : memref<!tpu.dma_semaphore, #tpu.memory_space<semaphore_mem>>
      %dma_start3A_167 = arith.constant 0 : i32
      %dma_start3A_168 = arith.constant 0 : i32
      %dma_start3A_169 = tpu.memref_slice %arg16[%dma_start3A_167, %dma_start3A_168] : memref<128x8xf32, #tpu.memory_space<vmem>> -> memref<120x8xf32, #tpu.memory_space<vmem>>
      %dma_start3A_170 = arith.constant 0 : i32
      %dma_start3A_171 = tpu.memref_slice %arg18[%add3A_163, %dma_start3A_170] : memref<10112x8xf32, #tpu.memory_space<vmem_shared>> -> memref<120x8xf32, #tpu.memory_space<vmem_shared>>
      %dma_start3A_172 = arith.constant 0 : i32
      %dma_start3A_173 = arith.constant 0 : i32
      %dma_start3A_174 = tpu.memref_slice %arg16[%dma_start3A_172, %dma_start3A_173] : memref<128x8xf32, #tpu.memory_space<vmem>> -> memref<120x8xf32, #tpu.memory_space<vmem>>
      %dma_start3A_175 = arith.constant 0 : i32
      %dma_start3A_176 = tpu.memref_slice %arg18[%add3A_163, %dma_start3A_175] : memref<10112x8xf32, #tpu.memory_space<vmem_shared>> -> memref<120x8xf32, #tpu.memory_space<vmem_shared>>
      tpu.enqueue_dma source(%dma_start3A_176 : memref<120x8xf32, #tpu.memory_space<vmem_shared>>) target(%dma_start3A_174 : memref<120x8xf32, #tpu.memory_space<vmem>>) target_semaphore(%run_scoped3A_166 : memref<!tpu.dma_semaphore, #tpu.memory_space<semaphore_mem>>)
      %dma_wait3A = arith.constant 0 : i32
      %dma_wait3A_177 = arith.constant 0 : i32
      %dma_wait3A_178 = tpu.memref_slice %arg16[%dma_wait3A, %dma_wait3A_177] : memref<128x8xf32, #tpu.memory_space<vmem>> -> memref<120x8xf32, #tpu.memory_space<vmem>>
      %dma_wait3A_179 = arith.constant 0 : i32
      %dma_wait3A_180 = tpu.memref_slice %arg18[%add3A_163, %dma_wait3A_179] : memref<10112x8xf32, #tpu.memory_space<vmem_shared>> -> memref<120x8xf32, #tpu.memory_space<vmem_shared>>
      %dma_wait3A_181 = arith.constant 0 : i32
      %dma_wait3A_182 = arith.constant 0 : i32
      %dma_wait3A_183 = tpu.memref_slice %arg16[%dma_wait3A_181, %dma_wait3A_182] : memref<128x8xf32, #tpu.memory_space<vmem>> -> memref<120x8xf32, #tpu.memory_space<vmem>>
      %dma_wait3A_184 = arith.constant 0 : i32
      %dma_wait3A_185 = tpu.memref_slice %arg18[%add3A_163, %dma_wait3A_184] : memref<10112x8xf32, #tpu.memory_space<vmem_shared>> -> memref<120x8xf32, #tpu.memory_space<vmem_shared>>
      tpu.wait_dma2 semaphore(%run_scoped3A_166 : memref<!tpu.dma_semaphore, #tpu.memory_space<semaphore_mem>>) src(%dma_wait3A_185 : memref<120x8xf32, #tpu.memory_space<vmem_shared>>) dst(%dma_wait3A_183 : memref<120x8xf32, #tpu.memory_space<vmem>>)
      tpu.yield
    }) : () -> ()
    %add3A_164 = arith.constant 512 : i32
    %add3A_165 = arith.addi %add3A_105, %add3A_164 : i32
    "tpu.region"() ({
      %run_scoped3A_166 = tpu.sem_alloc : memref<!tpu.dma_semaphore, #tpu.memory_space<semaphore_mem>>
      %dma_start3A_167 = arith.constant 0 : i32
      %dma_start3A_168 = arith.constant 0 : i32
      %dma_start3A_169 = tpu.memref_slice %arg16[%dma_start3A_167, %dma_start3A_168] : memref<128x8xf32, #tpu.memory_space<vmem>> -> memref<120x8xf32, #tpu.memory_space<vmem>>
      %dma_start3A_170 = arith.constant 0 : i32
      %dma_start3A_171 = tpu.memref_slice %arg9[%add3A_165, %dma_start3A_170] : memref<20224x8xf32, #tpu.memory_space<hbm>> -> memref<120x8xf32, #tpu.memory_space<hbm>>
      %dma_start3A_172 = arith.constant 0 : i32
      %dma_start3A_173 = tpu.memref_slice %arg9[%add3A_165, %dma_start3A_172] : memref<20224x8xf32, #tpu.memory_space<hbm>> -> memref<120x8xf32, #tpu.memory_space<hbm>>
      %dma_start3A_174 = arith.constant 0 : i32
      %dma_start3A_175 = arith.constant 0 : i32
      %dma_start3A_176 = tpu.memref_slice %arg16[%dma_start3A_174, %dma_start3A_175] : memref<128x8xf32, #tpu.memory_space<vmem>> -> memref<120x8xf32, #tpu.memory_space<vmem>>
      tpu.enqueue_dma source(%dma_start3A_176 : memref<120x8xf32, #tpu.memory_space<vmem>>) target(%dma_start3A_173 : memref<120x8xf32, #tpu.memory_space<hbm>>) target_semaphore(%run_scoped3A_166 : memref<!tpu.dma_semaphore, #tpu.memory_space<semaphore_mem>>)
      %dma_wait3A = arith.constant 0 : i32
      %dma_wait3A_177 = arith.constant 0 : i32
      %dma_wait3A_178 = tpu.memref_slice %arg16[%dma_wait3A, %dma_wait3A_177] : memref<128x8xf32, #tpu.memory_space<vmem>> -> memref<120x8xf32, #tpu.memory_space<vmem>>
      %dma_wait3A_179 = arith.constant 0 : i32
      %dma_wait3A_180 = tpu.memref_slice %arg9[%add3A_165, %dma_wait3A_179] : memref<20224x8xf32, #tpu.memory_space<hbm>> -> memref<120x8xf32, #tpu.memory_space<hbm>>
      %dma_wait3A_181 = arith.constant 0 : i32
      %dma_wait3A_182 = tpu.memref_slice %arg9[%add3A_165, %dma_wait3A_181] : memref<20224x8xf32, #tpu.memory_space<hbm>> -> memref<120x8xf32, #tpu.memory_space<hbm>>
      %dma_wait3A_183 = arith.constant 0 : i32
      %dma_wait3A_184 = arith.constant 0 : i32
      %dma_wait3A_185 = tpu.memref_slice %arg16[%dma_wait3A_183, %dma_wait3A_184] : memref<128x8xf32, #tpu.memory_space<vmem>> -> memref<120x8xf32, #tpu.memory_space<vmem>>
      tpu.wait_dma2 semaphore(%run_scoped3A_166 : memref<!tpu.dma_semaphore, #tpu.memory_space<semaphore_mem>>) src(%dma_wait3A_185 : memref<120x8xf32, #tpu.memory_space<vmem>>) dst(%dma_wait3A_182 : memref<120x8xf32, #tpu.memory_space<hbm>>)
      tpu.yield
    }) : () -> ()
    return
  }
}

module attributes {stable_mosaic.version = 14 : i64} {
  func.func @_tc1_body(%arg0: i32, %arg1: memref<1000x128xf32, #tpu.memory_space<vmem>>, %arg2: memref<1000x128xf32, #tpu.memory_space<vmem>>, %arg3: memref<1000x128xf32, #tpu.memory_space<vmem>>, %arg4: memref<1000x8xf32, #tpu.memory_space<vmem>>, %arg5: memref<1000x8xf32, #tpu.memory_space<vmem>>, %arg6: memref<128x128xf32, #tpu.memory_space<vmem>>, %arg7: memref<128x128xf32, #tpu.memory_space<vmem>>, %arg8: memref<128x128xf32, #tpu.memory_space<vmem>>, %arg9: memref<128x128xf32, #tpu.memory_space<vmem>>, %arg10: memref<1x128xf32, #tpu.memory_space<vmem>>, %arg11: memref<128x32xf32, #tpu.memory_space<vmem>>, %arg12: memref<1000x128xf32, #tpu.memory_space<vmem>>, %arg13: memref<1000x32xf32, #tpu.memory_space<vmem>>, %arg14: memref<1000x32xf32, #tpu.memory_space<vmem>>) attributes {dimension_semantics = [#tpu.dimension_semantics<arbitrary>], iteration_bounds = array<i64: 10>, scalar_prefetch = 0 : i64, scratch_operands = 0 : i64, tpu.core_type = #tpu.core_type<tc>, window_params = [{transform_indices = @transform_0, window_bounds = array<i64: 1000, 128>}, {transform_indices = @transform_1, window_bounds = array<i64: 1000, 128>}, {transform_indices = @transform_2, window_bounds = array<i64: 1000, 128>}, {transform_indices = @transform_3, window_bounds = array<i64: 1000, 8>}, {transform_indices = @transform_4, window_bounds = array<i64: 1000, 8>}, {pipeline_mode = #tpu.pipeline_mode<synchronous>, transform_indices = @transform_5, window_bounds = array<i64: 128, 128>}, {pipeline_mode = #tpu.pipeline_mode<synchronous>, transform_indices = @transform_6, window_bounds = array<i64: 128, 128>}, {pipeline_mode = #tpu.pipeline_mode<synchronous>, transform_indices = @transform_7, window_bounds = array<i64: 128, 128>}, {pipeline_mode = #tpu.pipeline_mode<synchronous>, transform_indices = @transform_8, window_bounds = array<i64: 128, 128>}, {pipeline_mode = #tpu.pipeline_mode<synchronous>, transform_indices = @transform_9, window_bounds = array<i64: 1, 128>}, {pipeline_mode = #tpu.pipeline_mode<synchronous>, transform_indices = @transform_10, window_bounds = array<i64: 128, 32>}, {transform_indices = @transform_11, window_bounds = array<i64: 1000, 128>}, {transform_indices = @transform_12, window_bounds = array<i64: 1000, 32>}, {transform_indices = @transform_13, window_bounds = array<i64: 1000, 32>}]} {
    %get3A = arith.constant 0 : index
    %get3A_0 = arith.constant 0 : index
    %get3A_1 = vector.load %arg4[%get3A, %get3A_0] : memref<1000x8xf32, #tpu.memory_space<vmem>>, vector<1000x1xf32>
    %get3A_2 = arith.constant 0 : index
    %get3A_3 = arith.constant 0 : index
    %get3A_4 = vector.load %arg5[%get3A_2, %get3A_3] : memref<1000x8xf32, #tpu.memory_space<vmem>>, vector<1000x1xf32>
    %add3A = arith.addf %get3A_1, %get3A_4 : vector<1000x1xf32>
    %get3A_5 = arith.constant 0 : index
    %get3A_6 = arith.constant 0 : index
    %get3A_7 = vector.load %arg2[%get3A_5, %get3A_6] : memref<1000x128xf32, #tpu.memory_space<vmem>>, vector<1000x128xf32>
    %get3A_8 = arith.constant 0 : index
    %get3A_9 = arith.constant 0 : index
    %get3A_10 = vector.load %arg3[%get3A_8, %get3A_9] : memref<1000x128xf32, #tpu.memory_space<vmem>>, vector<1000x128xf32>
    %add3A_11 = arith.addf %get3A_7, %get3A_10 : vector<1000x128xf32>
    %max3A = arith.constant 1.000000e+00 : f32
    %max3A_12 = vector.broadcast %max3A : f32 to vector<1000x1xf32>
    %max3A_13 = arith.maximumf %add3A, %max3A_12 : vector<1000x1xf32>
    %div3A = vector.broadcast %max3A_13 : vector<1000x1xf32> to vector<1000x128xf32>
    %div3A_14 = arith.divf %add3A_11, %div3A : vector<1000x128xf32>
    %add3A_15 = arith.constant 1.000000e+00 : f32
    %add3A_16 = vector.broadcast %add3A_15 : f32 to vector<1000x1xf32>
    %add3A_17 = arith.addf %add3A, %add3A_16 : vector<1000x1xf32>
    %rsqrt3A = math.rsqrt %add3A_17 : vector<1000x1xf32>
    %get3A_18 = arith.constant 0 : index
    %get3A_19 = arith.constant 0 : index
    %get3A_20 = vector.load %arg1[%get3A_18, %get3A_19] : memref<1000x128xf32, #tpu.memory_space<vmem>>, vector<1000x128xf32>
    %get3A_21 = arith.constant 0 : index
    %get3A_22 = arith.constant 0 : index
    %get3A_23 = vector.load %arg6[%get3A_21, %get3A_22] : memref<128x128xf32, #tpu.memory_space<vmem>>, vector<128x128xf32>
    %dot_general3A = arith.constant dense<0.000000e+00> : vector<1000x128xf32>
    %dot_general3A_24 = tpu.matmul %get3A_20, %get3A_23, %dot_general3A {dimension_numbers = #tpu.dot_dimension_numbers<[1], [0], [0], [1], [0, 0, 1, 1], [], []>, transpose_lhs_hint = false} : vector<1000x128xf32>, vector<128x128xf32>, vector<1000x128xf32> -> vector<1000x128xf32>
    %get3A_25 = arith.constant 0 : index
    %get3A_26 = arith.constant 0 : index
    %get3A_27 = vector.load %arg7[%get3A_25, %get3A_26] : memref<128x128xf32, #tpu.memory_space<vmem>>, vector<128x128xf32>
    %dot_general3A_28 = arith.constant dense<0.000000e+00> : vector<1000x128xf32>
    %dot_general3A_29 = tpu.matmul %div3A_14, %get3A_27, %dot_general3A_28 {dimension_numbers = #tpu.dot_dimension_numbers<[1], [0], [0], [1], [0, 0, 1, 1], [], []>, transpose_lhs_hint = false} : vector<1000x128xf32>, vector<128x128xf32>, vector<1000x128xf32> -> vector<1000x128xf32>
    %add3A_30 = arith.addf %dot_general3A_24, %dot_general3A_29 : vector<1000x128xf32>
    %ge3A = arith.constant 0.000000e+00 : f32
    %ge3A_31 = vector.broadcast %ge3A : f32 to vector<1000x128xf32>
    %ge3A_32 = arith.cmpf oge, %add3A_30, %ge3A_31 : vector<1000x128xf32>
    %mul3A = arith.constant 2.000000e-01 : f32
    %mul3A_33 = vector.broadcast %mul3A : f32 to vector<1000x128xf32>
    %mul3A_34 = arith.mulf %mul3A_33, %add3A_30 : vector<1000x128xf32>
    %select_n3A = arith.select %ge3A_32, %add3A_30, %mul3A_34 : vector<1000x128xi1>, vector<1000x128xf32>
    %add3A_35 = arith.constant 1.000000e+00 : f32
    %add3A_36 = vector.broadcast %add3A_35 : f32 to vector<1000x128xf32>
    %add3A_37 = arith.addf %select_n3A, %add3A_36 : vector<1000x128xf32>
    %get3A_38 = arith.constant 0 : index
    %get3A_39 = arith.constant 0 : index
    %get3A_40 = vector.load %arg8[%get3A_38, %get3A_39] : memref<128x128xf32, #tpu.memory_space<vmem>>, vector<128x128xf32>
    %dot_general3A_41 = arith.constant dense<0.000000e+00> : vector<1000x128xf32>
    %dot_general3A_42 = tpu.matmul %get3A_20, %get3A_40, %dot_general3A_41 {dimension_numbers = #tpu.dot_dimension_numbers<[1], [0], [0], [1], [0, 0, 1, 1], [], []>, transpose_lhs_hint = false} : vector<1000x128xf32>, vector<128x128xf32>, vector<1000x128xf32> -> vector<1000x128xf32>
    %get3A_43 = arith.constant 0 : index
    %get3A_44 = arith.constant 0 : index
    %get3A_45 = vector.load %arg9[%get3A_43, %get3A_44] : memref<128x128xf32, #tpu.memory_space<vmem>>, vector<128x128xf32>
    %dot_general3A_46 = arith.constant dense<0.000000e+00> : vector<1000x128xf32>
    %dot_general3A_47 = tpu.matmul %div3A_14, %get3A_45, %dot_general3A_46 {dimension_numbers = #tpu.dot_dimension_numbers<[1], [0], [0], [1], [0, 0, 1, 1], [], []>, transpose_lhs_hint = false} : vector<1000x128xf32>, vector<128x128xf32>, vector<1000x128xf32> -> vector<1000x128xf32>
    %add3A_48 = arith.addf %dot_general3A_42, %dot_general3A_47 : vector<1000x128xf32>
    %ge3A_49 = arith.constant 0.000000e+00 : f32
    %ge3A_50 = vector.broadcast %ge3A_49 : f32 to vector<1000x128xf32>
    %ge3A_51 = arith.cmpf oge, %add3A_48, %ge3A_50 : vector<1000x128xf32>
    %mul3A_52 = arith.constant 2.000000e-01 : f32
    %mul3A_53 = vector.broadcast %mul3A_52 : f32 to vector<1000x128xf32>
    %mul3A_54 = arith.mulf %mul3A_53, %add3A_48 : vector<1000x128xf32>
    %select_n3A_55 = arith.select %ge3A_51, %add3A_48, %mul3A_54 : vector<1000x128xi1>, vector<1000x128xf32>
    %get3A_56 = arith.constant 0 : index
    %get3A_57 = arith.constant 0 : index
    %get3A_58 = vector.load %arg10[%get3A_56, %get3A_57] : memref<1x128xf32, #tpu.memory_space<vmem>>, vector<1x128xf32>
    %mul3A_59 = vector.broadcast %get3A_58 : vector<1x128xf32> to vector<1000x128xf32>
    %mul3A_60 = arith.mulf %add3A_37, %mul3A_59 : vector<1000x128xf32>
    %add3A_61 = arith.addf %get3A_20, %mul3A_60 : vector<1000x128xf32>
    %add3A_62 = arith.addf %add3A_61, %select_n3A_55 : vector<1000x128xf32>
    %sub3A = arith.subf %add3A_62, %div3A_14 : vector<1000x128xf32>
    %swap3A = arith.constant 0 : index
    %swap3A_63 = arith.constant 0 : index
    %swap3A_64 = vector.load %arg12[%swap3A, %swap3A_63] : memref<1000x128xf32, #tpu.memory_space<vmem>>, vector<1000x128xf32>
    tpu.vector_store %arg12[%swap3A, %swap3A_63], %sub3A {strides = array<i32>} : memref<1000x128xf32, #tpu.memory_space<vmem>>, vector<1000x128xf32>,
    %get3A_65 = arith.constant 0 : index
    %get3A_66 = arith.constant 0 : index
    %get3A_67 = vector.load %arg11[%get3A_65, %get3A_66] : memref<128x32xf32, #tpu.memory_space<vmem>>, vector<128x32xf32>
    %dot_general3A_68 = arith.constant dense<0.000000e+00> : vector<1000x32xf32>
    %dot_general3A_69 = tpu.matmul %get3A_20, %get3A_67, %dot_general3A_68 {dimension_numbers = #tpu.dot_dimension_numbers<[1], [0], [0], [1], [0, 0, 1, 1], [], []>, transpose_lhs_hint = false} : vector<1000x128xf32>, vector<128x32xf32>, vector<1000x32xf32> -> vector<1000x32xf32>
    %swap3A_70 = arith.constant 0 : index
    %swap3A_71 = arith.constant 0 : index
    %swap3A_72 = vector.load %arg13[%swap3A_70, %swap3A_71] : memref<1000x32xf32, #tpu.memory_space<vmem>>, vector<1000x32xf32>
    tpu.vector_store %arg13[%swap3A_70, %swap3A_71], %dot_general3A_69 {strides = array<i32>} : memref<1000x32xf32, #tpu.memory_space<vmem>>, vector<1000x32xf32>,
    %mul3A_73 = vector.broadcast %rsqrt3A : vector<1000x1xf32> to vector<1000x32xf32>
    %mul3A_74 = arith.mulf %mul3A_73, %dot_general3A_69 : vector<1000x32xf32>
    %swap3A_75 = arith.constant 0 : index
    %swap3A_76 = arith.constant 0 : index
    %swap3A_77 = vector.load %arg14[%swap3A_75, %swap3A_76] : memref<1000x32xf32, #tpu.memory_space<vmem>>, vector<1000x32xf32>
    tpu.vector_store %arg14[%swap3A_75, %swap3A_76], %mul3A_74 {strides = array<i32>} : memref<1000x32xf32, #tpu.memory_space<vmem>>, vector<1000x32xf32>,
    return
  }
  func.func @transform_0(%arg0: i32) -> (i32, i32) {
    %c0_i32 = arith.constant 0 : i32
    %c0_i32_0 = arith.constant 0 : i32
    return %arg0, %c0_i32 : i32, i32
  }
  func.func @transform_1(%arg0: i32) -> (i32, i32) {
    %c0_i32 = arith.constant 0 : i32
    %c0_i32_0 = arith.constant 0 : i32
    return %arg0, %c0_i32 : i32, i32
  }
  func.func @transform_2(%arg0: i32) -> (i32, i32) {
    %c0_i32 = arith.constant 0 : i32
    %c0_i32_0 = arith.constant 0 : i32
    return %arg0, %c0_i32 : i32, i32
  }
  func.func @transform_3(%arg0: i32) -> (i32, i32) {
    %c0_i32 = arith.constant 0 : i32
    %c0_i32_0 = arith.constant 0 : i32
    return %arg0, %c0_i32 : i32, i32
  }
  func.func @transform_4(%arg0: i32) -> (i32, i32) {
    %c0_i32 = arith.constant 0 : i32
    %c0_i32_0 = arith.constant 0 : i32
    return %arg0, %c0_i32 : i32, i32
  }
  func.func @transform_5(%arg0: i32) -> (i32, i32) {
    %c0_i32 = arith.constant 0 : i32
    %c0_i32_0 = arith.constant 0 : i32
    %c0_i32_1 = arith.constant 0 : i32
    return %c0_i32, %c0_i32_0 : i32, i32
  }
  func.func @transform_6(%arg0: i32) -> (i32, i32) {
    %c0_i32 = arith.constant 0 : i32
    %c0_i32_0 = arith.constant 0 : i32
    %c0_i32_1 = arith.constant 0 : i32
    return %c0_i32, %c0_i32_0 : i32, i32
  }
  func.func @transform_7(%arg0: i32) -> (i32, i32) {
    %c0_i32 = arith.constant 0 : i32
    %c0_i32_0 = arith.constant 0 : i32
    %c0_i32_1 = arith.constant 0 : i32
    return %c0_i32, %c0_i32_0 : i32, i32
  }
  func.func @transform_8(%arg0: i32) -> (i32, i32) {
    %c0_i32 = arith.constant 0 : i32
    %c0_i32_0 = arith.constant 0 : i32
    %c0_i32_1 = arith.constant 0 : i32
    return %c0_i32, %c0_i32_0 : i32, i32
  }
  func.func @transform_9(%arg0: i32) -> (i32, i32) {
    %c0_i32 = arith.constant 0 : i32
    %c0_i32_0 = arith.constant 0 : i32
    %c0_i32_1 = arith.constant 0 : i32
    return %c0_i32, %c0_i32_0 : i32, i32
  }
  func.func @transform_10(%arg0: i32) -> (i32, i32) {
    %c0_i32 = arith.constant 0 : i32
    %c0_i32_0 = arith.constant 0 : i32
    %c0_i32_1 = arith.constant 0 : i32
    return %c0_i32, %c0_i32_0 : i32, i32
  }
  func.func @transform_11(%arg0: i32) -> (i32, i32) {
    %c0_i32 = arith.constant 0 : i32
    %c0_i32_0 = arith.constant 0 : i32
    return %arg0, %c0_i32 : i32, i32
  }
  func.func @transform_12(%arg0: i32) -> (i32, i32) {
    %c0_i32 = arith.constant 0 : i32
    %c0_i32_0 = arith.constant 0 : i32
    return %arg0, %c0_i32 : i32, i32
  }
  func.func @transform_13(%arg0: i32) -> (i32, i32) {
    %c0_i32 = arith.constant 0 : i32
    %c0_i32_0 = arith.constant 0 : i32
    return %arg0, %c0_i32 : i32, i32
  }
}

module attributes {stable_mosaic.version = 14 : i64} {
  func.func @_tc2_body(%arg0: i32, %arg1: memref<1000x32xf32, #tpu.memory_space<vmem>>, %arg2: memref<1000x32xf32, #tpu.memory_space<vmem>>, %arg3: memref<1000x32xf32, #tpu.memory_space<vmem>>, %arg4: memref<1000x8xf32, #tpu.memory_space<vmem>>, %arg5: memref<1000x8xf32, #tpu.memory_space<vmem>>, %arg6: memref<1x32xf32, #tpu.memory_space<vmem>>, %arg7: memref<32x16xf32, #tpu.memory_space<vmem>>, %arg8: memref<1000x32xf32, #tpu.memory_space<vmem>>, %arg9: memref<1000x16xf32, #tpu.memory_space<vmem>>, %arg10: memref<1000x16xf32, #tpu.memory_space<vmem>>) attributes {dimension_semantics = [#tpu.dimension_semantics<arbitrary>], iteration_bounds = array<i64: 10>, scalar_prefetch = 0 : i64, scratch_operands = 0 : i64, tpu.core_type = #tpu.core_type<tc>, window_params = [{transform_indices = @transform_0, window_bounds = array<i64: 1000, 32>}, {transform_indices = @transform_1, window_bounds = array<i64: 1000, 32>}, {transform_indices = @transform_2, window_bounds = array<i64: 1000, 32>}, {transform_indices = @transform_3, window_bounds = array<i64: 1000, 8>}, {transform_indices = @transform_4, window_bounds = array<i64: 1000, 8>}, {pipeline_mode = #tpu.pipeline_mode<synchronous>, transform_indices = @transform_5, window_bounds = array<i64: 1, 32>}, {pipeline_mode = #tpu.pipeline_mode<synchronous>, transform_indices = @transform_6, window_bounds = array<i64: 32, 16>}, {transform_indices = @transform_7, window_bounds = array<i64: 1000, 32>}, {transform_indices = @transform_8, window_bounds = array<i64: 1000, 16>}, {transform_indices = @transform_9, window_bounds = array<i64: 1000, 16>}]} {
    %get3A = arith.constant 0 : index
    %get3A_0 = arith.constant 0 : index
    %get3A_1 = vector.load %arg4[%get3A, %get3A_0] : memref<1000x8xf32, #tpu.memory_space<vmem>>, vector<1000x1xf32>
    %get3A_2 = arith.constant 0 : index
    %get3A_3 = arith.constant 0 : index
    %get3A_4 = vector.load %arg5[%get3A_2, %get3A_3] : memref<1000x8xf32, #tpu.memory_space<vmem>>, vector<1000x1xf32>
    %add3A = arith.addf %get3A_1, %get3A_4 : vector<1000x1xf32>
    %add3A_5 = arith.constant 1.000000e+00 : f32
    %add3A_6 = vector.broadcast %add3A_5 : f32 to vector<1000x1xf32>
    %add3A_7 = arith.addf %add3A, %add3A_6 : vector<1000x1xf32>
    %rsqrt3A = math.rsqrt %add3A_7 : vector<1000x1xf32>
    %get3A_8 = arith.constant 0 : index
    %get3A_9 = arith.constant 0 : index
    %get3A_10 = vector.load %arg1[%get3A_8, %get3A_9] : memref<1000x32xf32, #tpu.memory_space<vmem>>, vector<1000x32xf32>
    %get3A_11 = arith.constant 0 : index
    %get3A_12 = arith.constant 0 : index
    %get3A_13 = vector.load %arg2[%get3A_11, %get3A_12] : memref<1000x32xf32, #tpu.memory_space<vmem>>, vector<1000x32xf32>
    %add3A_14 = arith.addf %get3A_10, %get3A_13 : vector<1000x32xf32>
    %mul3A = vector.broadcast %rsqrt3A : vector<1000x1xf32> to vector<1000x32xf32>
    %mul3A_15 = arith.mulf %mul3A, %add3A_14 : vector<1000x32xf32>
    %mul3A_16 = arith.mulf %rsqrt3A, %rsqrt3A : vector<1000x1xf32>
    %get3A_17 = arith.constant 0 : index
    %get3A_18 = arith.constant 0 : index
    %get3A_19 = vector.load %arg3[%get3A_17, %get3A_18] : memref<1000x32xf32, #tpu.memory_space<vmem>>, vector<1000x32xf32>
    %mul3A_20 = vector.broadcast %mul3A_16 : vector<1000x1xf32> to vector<1000x32xf32>
    %mul3A_21 = arith.mulf %mul3A_20, %get3A_19 : vector<1000x32xf32>
    %add3A_22 = arith.addf %mul3A_15, %mul3A_21 : vector<1000x32xf32>
    %get3A_23 = arith.constant 0 : index
    %get3A_24 = arith.constant 0 : index
    %get3A_25 = vector.load %arg6[%get3A_23, %get3A_24] : memref<1x32xf32, #tpu.memory_space<vmem>>, vector<1x32xf32>
    %add3A_26 = vector.broadcast %get3A_25 : vector<1x32xf32> to vector<1000x32xf32>
    %add3A_27 = arith.addf %add3A_22, %add3A_26 : vector<1000x32xf32>
    %gt3A = arith.constant 0.000000e+00 : f32
    %gt3A_28 = vector.broadcast %gt3A : f32 to vector<1000x32xf32>
    %gt3A_29 = arith.cmpf ogt, %add3A_27, %gt3A_28 : vector<1000x32xf32>
    %exp3A = math.exp %add3A_27 : vector<1000x32xf32>
    %sub3A = arith.constant 1.000000e+00 : f32
    %sub3A_30 = vector.broadcast %sub3A : f32 to vector<1000x32xf32>
    %sub3A_31 = arith.subf %exp3A, %sub3A_30 : vector<1000x32xf32>
    %select_n3A = arith.select %gt3A_29, %add3A_27, %sub3A_31 : vector<1000x32xi1>, vector<1000x32xf32>
    %swap3A = arith.constant 0 : index
    %swap3A_32 = arith.constant 0 : index
    %swap3A_33 = vector.load %arg8[%swap3A, %swap3A_32] : memref<1000x32xf32, #tpu.memory_space<vmem>>, vector<1000x32xf32>
    tpu.vector_store %arg8[%swap3A, %swap3A_32], %select_n3A {strides = array<i32>} : memref<1000x32xf32, #tpu.memory_space<vmem>>, vector<1000x32xf32>,
    %get3A_34 = arith.constant 0 : index
    %get3A_35 = arith.constant 0 : index
    %get3A_36 = vector.load %arg7[%get3A_34, %get3A_35] : memref<32x16xf32, #tpu.memory_space<vmem>>, vector<32x16xf32>
    %dot_general3A = arith.constant dense<0.000000e+00> : vector<1000x16xf32>
    %dot_general3A_37 = tpu.matmul %select_n3A, %get3A_36, %dot_general3A {dimension_numbers = #tpu.dot_dimension_numbers<[1], [0], [0], [1], [0, 0, 1, 1], [], []>, transpose_lhs_hint = false} : vector<1000x32xf32>, vector<32x16xf32>, vector<1000x16xf32> -> vector<1000x16xf32>
    %swap3A_38 = arith.constant 0 : index
    %swap3A_39 = arith.constant 0 : index
    %swap3A_40 = vector.load %arg9[%swap3A_38, %swap3A_39] : memref<1000x16xf32, #tpu.memory_space<vmem>>, vector<1000x16xf32>
    tpu.vector_store %arg9[%swap3A_38, %swap3A_39], %dot_general3A_37 {strides = array<i32>} : memref<1000x16xf32, #tpu.memory_space<vmem>>, vector<1000x16xf32>,
    %mul3A_41 = vector.broadcast %rsqrt3A : vector<1000x1xf32> to vector<1000x16xf32>
    %mul3A_42 = arith.mulf %mul3A_41, %dot_general3A_37 : vector<1000x16xf32>
    %swap3A_43 = arith.constant 0 : index
    %swap3A_44 = arith.constant 0 : index
    %swap3A_45 = vector.load %arg10[%swap3A_43, %swap3A_44] : memref<1000x16xf32, #tpu.memory_space<vmem>>, vector<1000x16xf32>
    tpu.vector_store %arg10[%swap3A_43, %swap3A_44], %mul3A_42 {strides = array<i32>} : memref<1000x16xf32, #tpu.memory_space<vmem>>, vector<1000x16xf32>,
    return
  }
  func.func @transform_0(%arg0: i32) -> (i32, i32) {
    %c0_i32 = arith.constant 0 : i32
    %c0_i32_0 = arith.constant 0 : i32
    return %arg0, %c0_i32 : i32, i32
  }
  func.func @transform_1(%arg0: i32) -> (i32, i32) {
    %c0_i32 = arith.constant 0 : i32
    %c0_i32_0 = arith.constant 0 : i32
    return %arg0, %c0_i32 : i32, i32
  }
  func.func @transform_2(%arg0: i32) -> (i32, i32) {
    %c0_i32 = arith.constant 0 : i32
    %c0_i32_0 = arith.constant 0 : i32
    return %arg0, %c0_i32 : i32, i32
  }
  func.func @transform_3(%arg0: i32) -> (i32, i32) {
    %c0_i32 = arith.constant 0 : i32
    %c0_i32_0 = arith.constant 0 : i32
    return %arg0, %c0_i32 : i32, i32
  }
  func.func @transform_4(%arg0: i32) -> (i32, i32) {
    %c0_i32 = arith.constant 0 : i32
    %c0_i32_0 = arith.constant 0 : i32
    return %arg0, %c0_i32 : i32, i32
  }
  func.func @transform_5(%arg0: i32) -> (i32, i32) {
    %c0_i32 = arith.constant 0 : i32
    %c0_i32_0 = arith.constant 0 : i32
    %c0_i32_1 = arith.constant 0 : i32
    return %c0_i32, %c0_i32_0 : i32, i32
  }
  func.func @transform_6(%arg0: i32) -> (i32, i32) {
    %c0_i32 = arith.constant 0 : i32
    %c0_i32_0 = arith.constant 0 : i32
    %c0_i32_1 = arith.constant 0 : i32
    return %c0_i32, %c0_i32_0 : i32, i32
  }
  func.func @transform_7(%arg0: i32) -> (i32, i32) {
    %c0_i32 = arith.constant 0 : i32
    %c0_i32_0 = arith.constant 0 : i32
    return %arg0, %c0_i32 : i32, i32
  }
  func.func @transform_8(%arg0: i32) -> (i32, i32) {
    %c0_i32 = arith.constant 0 : i32
    %c0_i32_0 = arith.constant 0 : i32
    return %arg0, %c0_i32 : i32, i32
  }
  func.func @transform_9(%arg0: i32) -> (i32, i32) {
    %c0_i32 = arith.constant 0 : i32
    %c0_i32_0 = arith.constant 0 : i32
    return %arg0, %c0_i32 : i32, i32
  }
}

module attributes {stable_mosaic.version = 14 : i64} {
  func.func @_tc3_body(%arg0: i32, %arg1: memref<1000x32xf32, #tpu.memory_space<vmem>>, %arg2: memref<1000x32xf32, #tpu.memory_space<vmem>>, %arg3: memref<1000x16xf32, #tpu.memory_space<vmem>>, %arg4: memref<1000x16xf32, #tpu.memory_space<vmem>>, %arg5: memref<1000x32xf32, #tpu.memory_space<vmem>>, %arg6: memref<1000x16xf32, #tpu.memory_space<vmem>>, %arg7: memref<1000x8xf32, #tpu.memory_space<vmem>>, %arg8: memref<1000x8xf32, #tpu.memory_space<vmem>>, %arg9: memref<32x32xf32, #tpu.memory_space<vmem>>, %arg10: memref<32x32xf32, #tpu.memory_space<vmem>>, %arg11: memref<32x32xf32, #tpu.memory_space<vmem>>, %arg12: memref<32x32xf32, #tpu.memory_space<vmem>>, %arg13: memref<1x32xf32, #tpu.memory_space<vmem>>, %arg14: memref<1x16xf32, #tpu.memory_space<vmem>>, %arg15: memref<1000x32xf32, #tpu.memory_space<vmem>>, %arg16: memref<1000x16xf32, #tpu.memory_space<vmem>>, %arg17: memref<1000x16xf32, #tpu.memory_space<vmem>>) attributes {dimension_semantics = [#tpu.dimension_semantics<arbitrary>], iteration_bounds = array<i64: 10>, scalar_prefetch = 0 : i64, scratch_operands = 0 : i64, tpu.core_type = #tpu.core_type<tc>, window_params = [{transform_indices = @transform_0, window_bounds = array<i64: 1000, 32>}, {transform_indices = @transform_1, window_bounds = array<i64: 1000, 32>}, {transform_indices = @transform_2, window_bounds = array<i64: 1000, 16>}, {transform_indices = @transform_3, window_bounds = array<i64: 1000, 16>}, {transform_indices = @transform_4, window_bounds = array<i64: 1000, 32>}, {transform_indices = @transform_5, window_bounds = array<i64: 1000, 16>}, {transform_indices = @transform_6, window_bounds = array<i64: 1000, 8>}, {transform_indices = @transform_7, window_bounds = array<i64: 1000, 8>}, {pipeline_mode = #tpu.pipeline_mode<synchronous>, transform_indices = @transform_8, window_bounds = array<i64: 32, 32>}, {pipeline_mode = #tpu.pipeline_mode<synchronous>, transform_indices = @transform_9, window_bounds = array<i64: 32, 32>}, {pipeline_mode = #tpu.pipeline_mode<synchronous>, transform_indices = @transform_10, window_bounds = array<i64: 32, 32>}, {pipeline_mode = #tpu.pipeline_mode<synchronous>, transform_indices = @transform_11, window_bounds = array<i64: 32, 32>}, {pipeline_mode = #tpu.pipeline_mode<synchronous>, transform_indices = @transform_12, window_bounds = array<i64: 1, 32>}, {pipeline_mode = #tpu.pipeline_mode<synchronous>, transform_indices = @transform_13, window_bounds = array<i64: 1, 16>}, {transform_indices = @transform_14, window_bounds = array<i64: 1000, 32>}, {transform_indices = @transform_15, window_bounds = array<i64: 1000, 16>}, {transform_indices = @transform_16, window_bounds = array<i64: 1000, 16>}]} {
    %get3A = arith.constant 0 : index
    %get3A_0 = arith.constant 0 : index
    %get3A_1 = vector.load %arg7[%get3A, %get3A_0] : memref<1000x8xf32, #tpu.memory_space<vmem>>, vector<1000x1xf32>
    %get3A_2 = arith.constant 0 : index
    %get3A_3 = arith.constant 0 : index
    %get3A_4 = vector.load %arg8[%get3A_2, %get3A_3] : memref<1000x8xf32, #tpu.memory_space<vmem>>, vector<1000x1xf32>
    %add3A = arith.addf %get3A_1, %get3A_4 : vector<1000x1xf32>
    %add3A_5 = arith.constant 1.000000e+00 : f32
    %add3A_6 = vector.broadcast %add3A_5 : f32 to vector<1000x1xf32>
    %add3A_7 = arith.addf %add3A, %add3A_6 : vector<1000x1xf32>
    %rsqrt3A = math.rsqrt %add3A_7 : vector<1000x1xf32>
    %get3A_8 = arith.constant 0 : index
    %get3A_9 = arith.constant 0 : index
    %get3A_10 = vector.load %arg1[%get3A_8, %get3A_9] : memref<1000x32xf32, #tpu.memory_space<vmem>>, vector<1000x32xf32>
    %get3A_11 = arith.constant 0 : index
    %get3A_12 = arith.constant 0 : index
    %get3A_13 = vector.load %arg2[%get3A_11, %get3A_12] : memref<1000x32xf32, #tpu.memory_space<vmem>>, vector<1000x32xf32>
    %add3A_14 = arith.addf %get3A_10, %get3A_13 : vector<1000x32xf32>
    %max3A = arith.constant 1.000000e+00 : f32
    %max3A_15 = vector.broadcast %max3A : f32 to vector<1000x1xf32>
    %max3A_16 = arith.maximumf %add3A, %max3A_15 : vector<1000x1xf32>
    %div3A = vector.broadcast %max3A_16 : vector<1000x1xf32> to vector<1000x32xf32>
    %div3A_17 = arith.divf %add3A_14, %div3A : vector<1000x32xf32>
    %get3A_18 = arith.constant 0 : index
    %get3A_19 = arith.constant 0 : index
    %get3A_20 = vector.load %arg5[%get3A_18, %get3A_19] : memref<1000x32xf32, #tpu.memory_space<vmem>>, vector<1000x32xf32>
    %get3A_21 = arith.constant 0 : index
    %get3A_22 = arith.constant 0 : index
    %get3A_23 = vector.load %arg9[%get3A_21, %get3A_22] : memref<32x32xf32, #tpu.memory_space<vmem>>, vector<32x32xf32>
    %dot_general3A = arith.constant dense<0.000000e+00> : vector<1000x32xf32>
    %dot_general3A_24 = tpu.matmul %get3A_20, %get3A_23, %dot_general3A {dimension_numbers = #tpu.dot_dimension_numbers<[1], [0], [0], [1], [0, 0, 1, 1], [], []>, transpose_lhs_hint = false} : vector<1000x32xf32>, vector<32x32xf32>, vector<1000x32xf32> -> vector<1000x32xf32>
    %get3A_25 = arith.constant 0 : index
    %get3A_26 = arith.constant 0 : index
    %get3A_27 = vector.load %arg10[%get3A_25, %get3A_26] : memref<32x32xf32, #tpu.memory_space<vmem>>, vector<32x32xf32>
    %dot_general3A_28 = arith.constant dense<0.000000e+00> : vector<1000x32xf32>
    %dot_general3A_29 = tpu.matmul %div3A_17, %get3A_27, %dot_general3A_28 {dimension_numbers = #tpu.dot_dimension_numbers<[1], [0], [0], [1], [0, 0, 1, 1], [], []>, transpose_lhs_hint = false} : vector<1000x32xf32>, vector<32x32xf32>, vector<1000x32xf32> -> vector<1000x32xf32>
    %add3A_30 = arith.addf %dot_general3A_24, %dot_general3A_29 : vector<1000x32xf32>
    %ge3A = arith.constant 0.000000e+00 : f32
    %ge3A_31 = vector.broadcast %ge3A : f32 to vector<1000x32xf32>
    %ge3A_32 = arith.cmpf oge, %add3A_30, %ge3A_31 : vector<1000x32xf32>
    %mul3A = arith.constant 2.000000e-01 : f32
    %mul3A_33 = vector.broadcast %mul3A : f32 to vector<1000x32xf32>
    %mul3A_34 = arith.mulf %mul3A_33, %add3A_30 : vector<1000x32xf32>
    %select_n3A = arith.select %ge3A_32, %add3A_30, %mul3A_34 : vector<1000x32xi1>, vector<1000x32xf32>
    %add3A_35 = arith.constant 1.000000e+00 : f32
    %add3A_36 = vector.broadcast %add3A_35 : f32 to vector<1000x32xf32>
    %add3A_37 = arith.addf %select_n3A, %add3A_36 : vector<1000x32xf32>
    %get3A_38 = arith.constant 0 : index
    %get3A_39 = arith.constant 0 : index
    %get3A_40 = vector.load %arg11[%get3A_38, %get3A_39] : memref<32x32xf32, #tpu.memory_space<vmem>>, vector<32x32xf32>
    %dot_general3A_41 = arith.constant dense<0.000000e+00> : vector<1000x32xf32>
    %dot_general3A_42 = tpu.matmul %get3A_20, %get3A_40, %dot_general3A_41 {dimension_numbers = #tpu.dot_dimension_numbers<[1], [0], [0], [1], [0, 0, 1, 1], [], []>, transpose_lhs_hint = false} : vector<1000x32xf32>, vector<32x32xf32>, vector<1000x32xf32> -> vector<1000x32xf32>
    %get3A_43 = arith.constant 0 : index
    %get3A_44 = arith.constant 0 : index
    %get3A_45 = vector.load %arg12[%get3A_43, %get3A_44] : memref<32x32xf32, #tpu.memory_space<vmem>>, vector<32x32xf32>
    %dot_general3A_46 = arith.constant dense<0.000000e+00> : vector<1000x32xf32>
    %dot_general3A_47 = tpu.matmul %div3A_17, %get3A_45, %dot_general3A_46 {dimension_numbers = #tpu.dot_dimension_numbers<[1], [0], [0], [1], [0, 0, 1, 1], [], []>, transpose_lhs_hint = false} : vector<1000x32xf32>, vector<32x32xf32>, vector<1000x32xf32> -> vector<1000x32xf32>
    %add3A_48 = arith.addf %dot_general3A_42, %dot_general3A_47 : vector<1000x32xf32>
    %ge3A_49 = arith.constant 0.000000e+00 : f32
    %ge3A_50 = vector.broadcast %ge3A_49 : f32 to vector<1000x32xf32>
    %ge3A_51 = arith.cmpf oge, %add3A_48, %ge3A_50 : vector<1000x32xf32>
    %mul3A_52 = arith.constant 2.000000e-01 : f32
    %mul3A_53 = vector.broadcast %mul3A_52 : f32 to vector<1000x32xf32>
    %mul3A_54 = arith.mulf %mul3A_53, %add3A_48 : vector<1000x32xf32>
    %select_n3A_55 = arith.select %ge3A_51, %add3A_48, %mul3A_54 : vector<1000x32xi1>, vector<1000x32xf32>
    %get3A_56 = arith.constant 0 : index
    %get3A_57 = arith.constant 0 : index
    %get3A_58 = vector.load %arg13[%get3A_56, %get3A_57] : memref<1x32xf32, #tpu.memory_space<vmem>>, vector<1x32xf32>
    %mul3A_59 = vector.broadcast %get3A_58 : vector<1x32xf32> to vector<1000x32xf32>
    %mul3A_60 = arith.mulf %add3A_37, %mul3A_59 : vector<1000x32xf32>
    %add3A_61 = arith.addf %get3A_20, %mul3A_60 : vector<1000x32xf32>
    %add3A_62 = arith.addf %add3A_61, %select_n3A_55 : vector<1000x32xf32>
    %sub3A = arith.subf %add3A_62, %div3A_17 : vector<1000x32xf32>
    %swap3A = arith.constant 0 : index
    %swap3A_63 = arith.constant 0 : index
    %swap3A_64 = vector.load %arg15[%swap3A, %swap3A_63] : memref<1000x32xf32, #tpu.memory_space<vmem>>, vector<1000x32xf32>
    tpu.vector_store %arg15[%swap3A, %swap3A_63], %sub3A {strides = array<i32>} : memref<1000x32xf32, #tpu.memory_space<vmem>>, vector<1000x32xf32>,
    %get3A_65 = arith.constant 0 : index
    %get3A_66 = arith.constant 0 : index
    %get3A_67 = vector.load %arg3[%get3A_65, %get3A_66] : memref<1000x16xf32, #tpu.memory_space<vmem>>, vector<1000x16xf32>
    %get3A_68 = arith.constant 0 : index
    %get3A_69 = arith.constant 0 : index
    %get3A_70 = vector.load %arg4[%get3A_68, %get3A_69] : memref<1000x16xf32, #tpu.memory_space<vmem>>, vector<1000x16xf32>
    %add3A_71 = arith.addf %get3A_67, %get3A_70 : vector<1000x16xf32>
    %mul3A_72 = vector.broadcast %rsqrt3A : vector<1000x1xf32> to vector<1000x16xf32>
    %mul3A_73 = arith.mulf %mul3A_72, %add3A_71 : vector<1000x16xf32>
    %mul3A_74 = arith.mulf %rsqrt3A, %rsqrt3A : vector<1000x1xf32>
    %get3A_75 = arith.constant 0 : index
    %get3A_76 = arith.constant 0 : index
    %get3A_77 = vector.load %arg6[%get3A_75, %get3A_76] : memref<1000x16xf32, #tpu.memory_space<vmem>>, vector<1000x16xf32>
    %mul3A_78 = vector.broadcast %mul3A_74 : vector<1000x1xf32> to vector<1000x16xf32>
    %mul3A_79 = arith.mulf %mul3A_78, %get3A_77 : vector<1000x16xf32>
    %add3A_80 = arith.addf %mul3A_73, %mul3A_79 : vector<1000x16xf32>
    %get3A_81 = arith.constant 0 : index
    %get3A_82 = arith.constant 0 : index
    %get3A_83 = vector.load %arg14[%get3A_81, %get3A_82] : memref<1x16xf32, #tpu.memory_space<vmem>>, vector<1x16xf32>
    %add3A_84 = vector.broadcast %get3A_83 : vector<1x16xf32> to vector<1000x16xf32>
    %add3A_85 = arith.addf %add3A_80, %add3A_84 : vector<1000x16xf32>
    %swap3A_86 = arith.constant 0 : index
    %swap3A_87 = arith.constant 0 : index
    %swap3A_88 = vector.load %arg16[%swap3A_86, %swap3A_87] : memref<1000x16xf32, #tpu.memory_space<vmem>>, vector<1000x16xf32>
    tpu.vector_store %arg16[%swap3A_86, %swap3A_87], %add3A_85 {strides = array<i32>} : memref<1000x16xf32, #tpu.memory_space<vmem>>, vector<1000x16xf32>,
    %reduce_max3A = arith.constant dense<0xFF800000> : vector<1000xf32>
    %reduce_max3A_89 = vector.multi_reduction <maximumf>, %add3A_85, %reduce_max3A [1] : vector<1000x16xf32> to vector<1000xf32>
    %broadcast_in_dim3A = vector.shape_cast %reduce_max3A_89 : vector<1000xf32> to vector<1000x1xf32>
    %sub3A_90 = vector.broadcast %broadcast_in_dim3A : vector<1000x1xf32> to vector<1000x16xf32>
    %sub3A_91 = arith.subf %add3A_85, %sub3A_90 : vector<1000x16xf32>
    %exp3A = math.exp %sub3A_91 : vector<1000x16xf32>
    %reduce_sum3A = arith.constant dense<0.000000e+00> : vector<1000xf32>
    %reduce_sum3A_92 = vector.multi_reduction <add>, %exp3A, %reduce_sum3A [1] : vector<1000x16xf32> to vector<1000xf32>
    %broadcast_in_dim3A_93 = vector.shape_cast %reduce_sum3A_92 : vector<1000xf32> to vector<1000x1xf32>
    %log3A = math.log %broadcast_in_dim3A_93 : vector<1000x1xf32>
    %sub3A_94 = vector.broadcast %log3A : vector<1000x1xf32> to vector<1000x16xf32>
    %sub3A_95 = arith.subf %sub3A_91, %sub3A_94 : vector<1000x16xf32>
    %swap3A_96 = arith.constant 0 : index
    %swap3A_97 = arith.constant 0 : index
    %swap3A_98 = vector.load %arg17[%swap3A_96, %swap3A_97] : memref<1000x16xf32, #tpu.memory_space<vmem>>, vector<1000x16xf32>
    tpu.vector_store %arg17[%swap3A_96, %swap3A_97], %sub3A_95 {strides = array<i32>} : memref<1000x16xf32, #tpu.memory_space<vmem>>, vector<1000x16xf32>,
    return
  }
  func.func @transform_0(%arg0: i32) -> (i32, i32) {
    %c0_i32 = arith.constant 0 : i32
    %c0_i32_0 = arith.constant 0 : i32
    return %arg0, %c0_i32 : i32, i32
  }
  func.func @transform_1(%arg0: i32) -> (i32, i32) {
    %c0_i32 = arith.constant 0 : i32
    %c0_i32_0 = arith.constant 0 : i32
    return %arg0, %c0_i32 : i32, i32
  }
  func.func @transform_2(%arg0: i32) -> (i32, i32) {
    %c0_i32 = arith.constant 0 : i32
    %c0_i32_0 = arith.constant 0 : i32
    return %arg0, %c0_i32 : i32, i32
  }
  func.func @transform_3(%arg0: i32) -> (i32, i32) {
    %c0_i32 = arith.constant 0 : i32
    %c0_i32_0 = arith.constant 0 : i32
    return %arg0, %c0_i32 : i32, i32
  }
  func.func @transform_4(%arg0: i32) -> (i32, i32) {
    %c0_i32 = arith.constant 0 : i32
    %c0_i32_0 = arith.constant 0 : i32
    return %arg0, %c0_i32 : i32, i32
  }
  func.func @transform_5(%arg0: i32) -> (i32, i32) {
    %c0_i32 = arith.constant 0 : i32
    %c0_i32_0 = arith.constant 0 : i32
    return %arg0, %c0_i32 : i32, i32
  }
  func.func @transform_6(%arg0: i32) -> (i32, i32) {
    %c0_i32 = arith.constant 0 : i32
    %c0_i32_0 = arith.constant 0 : i32
    return %arg0, %c0_i32 : i32, i32
  }
  func.func @transform_7(%arg0: i32) -> (i32, i32) {
    %c0_i32 = arith.constant 0 : i32
    %c0_i32_0 = arith.constant 0 : i32
    return %arg0, %c0_i32 : i32, i32
  }
  func.func @transform_8(%arg0: i32) -> (i32, i32) {
    %c0_i32 = arith.constant 0 : i32
    %c0_i32_0 = arith.constant 0 : i32
    %c0_i32_1 = arith.constant 0 : i32
    return %c0_i32, %c0_i32_0 : i32, i32
  }
  func.func @transform_9(%arg0: i32) -> (i32, i32) {
    %c0_i32 = arith.constant 0 : i32
    %c0_i32_0 = arith.constant 0 : i32
    %c0_i32_1 = arith.constant 0 : i32
    return %c0_i32, %c0_i32_0 : i32, i32
  }
  func.func @transform_10(%arg0: i32) -> (i32, i32) {
    %c0_i32 = arith.constant 0 : i32
    %c0_i32_0 = arith.constant 0 : i32
    %c0_i32_1 = arith.constant 0 : i32
    return %c0_i32, %c0_i32_0 : i32, i32
  }
  func.func @transform_11(%arg0: i32) -> (i32, i32) {
    %c0_i32 = arith.constant 0 : i32
    %c0_i32_0 = arith.constant 0 : i32
    %c0_i32_1 = arith.constant 0 : i32
    return %c0_i32, %c0_i32_0 : i32, i32
  }
  func.func @transform_12(%arg0: i32) -> (i32, i32) {
    %c0_i32 = arith.constant 0 : i32
    %c0_i32_0 = arith.constant 0 : i32
    %c0_i32_1 = arith.constant 0 : i32
    return %c0_i32, %c0_i32_0 : i32, i32
  }
  func.func @transform_13(%arg0: i32) -> (i32, i32) {
    %c0_i32 = arith.constant 0 : i32
    %c0_i32_0 = arith.constant 0 : i32
    %c0_i32_1 = arith.constant 0 : i32
    return %c0_i32, %c0_i32_0 : i32, i32
  }
  func.func @transform_14(%arg0: i32) -> (i32, i32) {
    %c0_i32 = arith.constant 0 : i32
    %c0_i32_0 = arith.constant 0 : i32
    return %arg0, %c0_i32 : i32, i32
  }
  func.func @transform_15(%arg0: i32) -> (i32, i32) {
    %c0_i32 = arith.constant 0 : i32
    %c0_i32_0 = arith.constant 0 : i32
    return %arg0, %c0_i32 : i32, i32
  }
  func.func @transform_16(%arg0: i32) -> (i32, i32) {
    %c0_i32 = arith.constant 0 : i32
    %c0_i32_0 = arith.constant 0 : i32
    return %arg0, %c0_i32 : i32, i32
  }
}

</mosaic_0001>

<sc_bundles>
// kernel: kernel.11.cloned.1.call-start
scs
__scs_entry_jumppad:
0x0: {  	(pc) =	sbr.rel $0x88, $3  }
0x1: {  	(tag) =	ssettag $0x0;
	lr =	simm.s32 $0x1  }
0x2: {  	[smem:$0x3F91] =	sst lr;
	_ =	strace $0xD0000000  }
0x3: {  	_ = 	snop  }
0x4: {  	_ = 	snop  }
0x5: {  	_ = 	snop  }
0x6: {  	_ = 	snop  }
0x7: {  	_ = 	snop  }
__scs_overlays_trampoline_lowered:
0x8: {  	[smem:$0x3FA0] =	sst s0  }
0x9: {  	[smem:$0x3FA1] =	sst s1  }
0xa: {  	[smem:$0x3FA2] =	sst s2  }
0xb: {  	[smem:$0x3FA3] =	sst s3  }
0xc: {  	[smem:$0x3FA4] =	sst s4  }
0xd: {  	[smem:$0x3FA5] =	sst s5  }
0xe: {  	[smem:$0x3FA6] =	sst s6  }
0xf: {  	[smem:$0x3FA7] =	sst s7  }
0x10: {  	[smem:$0x3FA8] =	sst s8  }
0x11: {  	[smem:$0x3FA9] =	sst s9;
	s0 =	simm.s32 @!p0 $0x0  }
0x12: {  	s1 =	sld [smem:$0x3F8F];
	s0 =	simm.s32 @p0 $0x1  }
0x13: {  	[smem:$0x3FAA] =	sst s0;
	s0 =	simm.s32 @!p1 $0x0  }
0x14: {  	s2 =	sld [smem:$0x3F8E];
	s0 =	simm.s32 @p1 $0x1  }
0x15: {  	[smem:$0x3FAB] =	sst s0;
	s0 =	simm.s32 @!p2 $0x0  }
0x16: {  	s3 =	sld [smem:$0x3FDB];
	s0 =	simm.s32 @p2 $0x1  }
0x17: {  	s4 =	simm.s32 $0x1BF5;
	[smem:$0x3FAD] =	sst s0  }
0x18: {  	s0 =	sld [smem:$0x3F90];
	_ =	swait.ge [sflag:s4], $0x0  }
0x19: {  	s7 =	sld [smem:$0x3F91]  }
0x1a: {  	s8 =	sadd.s32 $0xFFFFE003, lr  }
0x1b: {  	s9 =	sadd.s32 $0xFFFFFEF7, lr;
	s5 =	simm.s32 $0xFFFFFFFF;
	p2 =	slt.u32 s8, $0xFFFFF086  }
0x1c: {  	p1 =	slt.u32 s9, $0xF7A;
	s5 =	simm.s32 @!p2 $0x0  }
0x1d: {  	s5 =	simm.s32 @p1 $0x1;
	p0 =	seq.s32 s7, s2  }
0x1e: {  	s7 =	smul.u32 @!p0 $0xF7A, s2;
	p2 =	seq.s32 @!p0 s5, $0x0  }
0x1f: {  	s9 =	smul.u32 $0xF7A, s1;
	s8 =	simm.s32 @!p0 $0x1BF5;
	p2 =	por !p2, p0  }
0x20: {  	[sflag:s8] =	ssyncset.s32 @!p0 $0xFFFFF086;
	s6 =	sadd.s32 @!p0 s3, s7;
	s7 =	simm.s32 @!p0 $0x108  }
0x21: {  	s3 =	sadd.s32 s3, s9;
	s6 =	sadd.s32 @!p0 $0x88, s6;
	s7 =	simm.s32 @p2 $0x1082  }
0x22: {  	[simem:s7], [sflag:s8] =	dma.local @!p0 [hbm:s6], $0xF7A  }
0x23: {  	s9 =	sor.u32 $0xD0000000, s2;
	s6 =	simm.s32 $0x108;
	_ =	swait.ge @!p0 [sflag:s8], $0x0  }
0x24: {  	s3 =	sadd.s32 $0x88, s3;
	s6 =	simm.s32 @!p1 $0x1082;
	[sflag:s4] =	ssyncset.s32 $0xFFFFF086  }
0x25: {  	[simem:s6], [sflag:s4] =	dma.local [hbm:s3], $0xF7A  }
0x26: {  	[smem:$0x3F91] =	sst s1;
	(tag) =	ssettag s2;
	_ =	strace s9  }
0x27: {  	s1 =	sld [smem:$0x3FA1]  }
0x28: {  	s2 =	sld [smem:$0x3FA2]  }
0x29: {  	s4 =	sld [smem:$0x3FA4]  }
0x2a: {  	p0 =	seq.s32 s5, $0x0;
	s5 =	sld [smem:$0x3FA5]  }
0x2b: {  	s6 =	sld [smem:$0x3FA6]  }
0x2c: {  	s7 =	sld [smem:$0x3FA7]  }
0x2d: {  	s3 =	simm.s32 $0x108;
	s8 =	sld [smem:$0x3FA8]  }
0x2e: {  	s3 =	simm.s32 @!p0 $0x1082;
	s9 =	sld [smem:$0x3FA9]  }
0x2f: {  	lr =	sadd.s32 s0, s3;
	s0 =	sld [smem:$0x3FA0]  }
0x30: {  	s3 =	sld [smem:$0x3FA3]  }
0x31: {  	[smem:$0x3FAC] =	sst s10  }
0x32: {  	s10 =	sld [smem:$0x3FAA];
	_ =	sdelay $0x3  }
0x33: {  	p0 =	seq.s32 s10, $0x1;
	s10 =	sld [smem:$0x3FAC];
	_ =	sdelay $0x3  }
0x34: {  	[smem:$0x3FAC] =	sst s10  }
0x35: {  	s10 =	sld [smem:$0x3FAB];
	_ =	sdelay $0x3  }
0x36: {  	p1 =	seq.s32 s10, $0x1;
	s10 =	sld [smem:$0x3FAC];
	_ =	sdelay $0x3  }
0x37: {  	[smem:$0x3FAC] =	sst s10  }
0x38: {  	s10 =	sld [smem:$0x3FAD]  }
0x39: {  	_ = 	snop;
	(pc) =	sbr.ind lr, $3  }
0x3a: {  	_ = 	snop  }
0x3b: {  	_ = 	snop  }
0x3c: {  	p2 =	seq.s32 s10, $0x1;
	s10 =	sld [smem:$0x3FAC]  }
0x3d: {  	_ =	shalt  }
0x3e: {  	_ =	shalt  }
0x3f: {  	_ =	shalt  }
0x40: {  	_ =	shalt  }
0x41: {  	_ =	shalt  }
0x42: {  	_ =	shalt  }
0x43: {  	_ =	shalt  }
0x44: {  	_ =	shalt  }
0x45: {  	_ =	shalt  }
0x46: {  	_ =	shalt  }
0x47: {  	_ =	shalt  }
0x48: {  	_ =	shalt  }
0x49: {  	_ =	shalt  }
0x4a: {  	_ =	shalt  }
0x4b: {  	_ =	shalt  }
0x4c: {  	_ =	shalt  }
0x4d: {  	_ =	shalt  }
0x4e: {  	_ =	shalt  }
0x4f: {  	_ =	shalt  }
0x50: {  	_ =	shalt  }
0x51: {  	_ =	shalt  }
0x52: {  	_ =	shalt  }
0x53: {  	_ =	shalt  }
0x54: {  	_ =	shalt  }
0x55: {  	_ =	shalt  }
0x56: {  	_ =	shalt  }
0x57: {  	_ =	shalt  }
0x58: {  	_ =	shalt  }
0x59: {  	_ =	shalt  }
0x5a: {  	_ =	shalt  }
0x5b: {  	_ =	shalt  }
0x5c: {  	_ =	shalt  }
0x5d: {  	_ =	shalt  }
0x5e: {  	_ =	shalt  }
0x5f: {  	_ =	shalt  }
0x60: {  	_ =	shalt  }
0x61: {  	_ =	shalt  }
0x62: {  	_ =	shalt  }
0x63: {  	_ =	shalt  }
0x64: {  	_ =	shalt  }
0x65: {  	_ =	shalt  }
0x66: {  	_ =	shalt  }
0x67: {  	_ =	shalt  }
0x68: {  	_ =	shalt  }
0x69: {  	_ =	shalt  }
0x6a: {  	_ =	shalt  }
0x6b: {  	_ =	shalt  }
0x6c: {  	_ =	shalt  }
0x6d: {  	_ =	shalt  }
0x6e: {  	_ =	shalt  }
0x6f: {  	_ =	shalt  }
0x70: {  	_ =	shalt  }
0x71: {  	_ =	shalt  }
0x72: {  	_ =	shalt  }
0x73: {  	_ =	shalt  }
0x74: {  	_ =	shalt  }
0x75: {  	_ =	shalt  }
0x76: {  	_ =	shalt  }
0x77: {  	_ =	shalt  }
0x78: {  	_ =	shalt  }
0x79: {  	_ =	shalt  }
0x7a: {  	_ =	shalt  }
0x7b: {  	_ =	shalt  }
0x7c: {  	_ =	shalt  }
0x7d: {  	_ =	shalt  }
0x7e: {  	_ =	shalt  }
0x7f: {  	_ =	shalt  }
0x80: {  	_ =	shalt  }
0x81: {  	_ =	shalt  }
0x82: {  	_ =	shalt  }
0x83: {  	_ =	shalt  }
0x84: {  	_ =	shalt  }
0x85: {  	_ =	shalt  }
0x86: {  	_ =	shalt  }
0x87: {  	_ =	shalt  }
.Lfunc_end0:
.L_simem_size_0:
called_computation.1_lowered:
.L_overlay_start_0:
0x88: {  	s2 =	sld [smem:$0x3FD9]  }
0x89: {  	s3 =	sld [smem:$0x3FFE];
	_ =	sdelay $0x1  }
0x8a: {  	s1 =	srdreg.scid  }
0x8b: {  	s0 =	sand.u32 $0x1, s1  }
0x8c: {  	s14 =	sshll.u32 s0, $0xA;
	s2 =	sadd.s32 s3, s2  }
0x8d: {  	s2 =	sadd.s32 s2, s14  }
0x8e: {  	[smem:$0x3FB8] =	sst s2  }
0x8f: {  	_ = 	snop  }
0x90: {  	s2 =	sld [smem:$0x3FD0];
	_ =	sdelay $0x2  }
0x91: {  	s15 =	simm.s32 $0xA;
	s4 =	simm.s32 $0x10  }
0x92: {  	[smem:s4], [sflag:s15] =	dma.local [hbm:s2], $0x1  }
0x93: {  	_ =	swait.eq [sflag:s15], $0x1  }
0x94: {  	[sflag:s15] =	ssyncset.done $0x0  }
0x95: {  	s16 =	sld [smem:$0x11];
	[sflag:s15] =	ssyncadd.s32 $0xFFFFFFFF  }
0x96: {  	s17 =	sld [smem:$0x13];
	(tm) =	ssettm $0x1  }
0x97: {  	s18 =	sld [smem:$0x3FFB];
	_ =	sdelay $0x3  }
0x98: {  	_ =	strace s18  }
0x99: {  	s4 =	sld [smem:$0x3FFC];
	_ =	sdelay $0x3  }
0x9a: {  	_ =	strace s4  }
0x9b: {  	s4 =	sld [smem:$0x3FFD];
	_ =	sdelay $0x3  }
0x9c: {  	_ =	strace s4  }
0x9d: {  	_ =	strace $0x8FFFFFFF  }
0x9e: {  	s19 =	sld [smem:$0x3FDB];
	_ =	sdelay $0x1  }
0x9f: {  	s5 =	simm.s32 $_scs_section_size  }
0xa0: {  	s6 =	simm.s32 $_size__tile_overlayer_lowered;
	s7 =	simm.s32 $_tile_overlayer_lowered  }
0xa1: {  	s22 =	simm.s32 $0x1BFF;
	s21 =	sshll.u32 s7, $0x1;
	s4 =	sadd.s32 s5, s19  }
0xa2: {  	s8 =	simm.s32 $0x0;
	s20 =	sshll.u32 s6, $0x1;
	s6 =	sadd.s32 s21, s4  }
0xa3: {  	[timem:s8], [sflag:s22] =	dma.local [hbm:s6], s20  }
0xa4: {  	_ =	swait.ge [sflag:s22], s20  }
0xa5: {  	s5 =	ssub.s32 $0x0, s20;
	[sflag:s22] =	ssyncset.done $0x0  }
0xa6: {  	[sflag:s22] =	ssyncadd.s32 s5;
	_ =	sdelay $0x1  }
0xa7: {  	s23 =	simm.s32 $0x1B8B  }
0xa8: {  	_ =	swait.ge [sflag:s23], $0x1  }
0xa9: {  	[sflag:s23] =	ssyncset.done $0x0  }
0xaa: {  	s25 =	simm.s32 $0x1B8E;
	s24 =	sld [smem:$0x3FFE];
	[sflag:s23] =	ssyncadd.s32 $0xFFFFFFFF  }
0xab: {  	s26 =	simm.s32 $execute0_lowered;
	[smem:$0x3FD2] =	sst s25  }
0xac: {  	s6 =	sshll.u32 s26, $0x1;
	_ =	strace $0x80000049;
	[dreg:$0x1] =	wrdreg $0xFFFFFFFF  }
0xad: {  	s28 =	simm.s32 $_size_execute0_lowered;
	s4 =	sadd.s32 s4, s6;
	[dreg:$0x0] =	wrdreg $0x0  }
0xae: {  	s6 =	sshll.u32 s28, $0x1;
	[dreg:$0x2] =	wrdreg s4  }
0xaf: {  	[dreg:$0x3] =	wrdreg s6  }
0xb0: {  	[dreg:$0x4] =	wrdreg $0xC0  }
0xb1: {  	_ =	task [dreg:s8], $0x5FFFF  }
0xb2: {  	[dreg:$0x1] =	wrdreg $0xFFFFFFFF  }
0xb3: {  	[dreg:$0x0] =	wrdreg $0x60  }
0xb4: {  	[dreg:$0x2] =	wrdreg s17  }
0xb5: {  	[dreg:$0x3] =	wrdreg s24  }
0xb6: {  	[dreg:$0x4] =	wrdreg s16  }
0xb7: {  	[dreg:$0x5] =	wrdreg $0x44000  }
0xb8: {  	[dreg:$0x6] =	wrdreg $0x9  }
0xb9: {  	_ =	task.clear_ibuf [dreg:s8], $0x7FFFF;
	_ =	strace $0x90000049  }
0xba: {  	s29 =	simm.s32 $0x9;
	_ =	strace $0x8000004B  }
0xbb: {  	_ =	swait.ge [sflag:s29], $0x1  }
0xbc: {  	[sflag:s29] =	ssyncadd.s32 $0xFFFFFFFF  }
0xbd: {  	_ =	strace $0x9000004B  }
0xbe: {  	_ =	sfence  }
0xbf: {  	s30 =	sld [smem:$0x0];
	_ =	sdelay $0x2  }
0xc0: {  	s31 =	sshll.u32 s1, $0xD;
	s1 =	sshrl.u32 s1, $0x2  }
0xc1: {  	s3 =	sand.u32 $0x4000, s31;
	s1 =	sadd.s32 s1, s30  }
0xc2: {  	s0 =	sor.u32 s3, s0;
	s1 =	sshll.u32 s1, $0x11  }
0xc3: {  	s0 =	sor.u32 s1, s0  }
0xc4: {  	s0 =	sadd.s32 $0x8F2B, s0  }
0xc5: {  	[sflag:s0] =	ssyncadd.remote.s32 $0x1  }
0xc6: {  	_ =	sfence.sel $0xFFFF  }
0xc7: {  	[dreg:$0x0] =	wrdreg $0xFFFFFFFF;
	(pc) =	sbr.abs _section_cstart, $3  }
0xc8: {  	[dreg:$0x1] =	wrdreg $0xFFFFFFFF  }
0xc9: {  	_ =	task.clear_ibuf [dreg:s8], $0x2FFFF;
	_ =	strace $0x9FFFFFFF  }
0xca: {  	(tm) =	ssettm $0x7FFFFFFF  }
0xcb: {  	_ =	shalt  }
tec
execute0_lowered:
.L_overlay_start_1:
0x0: {  	(tag) =	ssettag $0x1  }
0x1: {  	s1 =	rddreg [dreg:$0x0]  }
0x2: {  	s6 =	rddreg [dreg:$0x1]  }
0x3: {  	s4 =	rddreg [dreg:$0x3]  }
0x4: {  	s7 =	srdreg.scid;
	s0 =	stileid.u32  }
0x5: {  	s5 =	simm.s32 $0x0;
	s19 =	simm.s32 $0x5;
	s20 =	simm.s32 $0x200  }
0x6: {  	s21 =	simm.s32 $0x100;
	s22 =	simm.s32 $0x300;
	s23 =	simm.s32 $0x2400  }
0x7: {  	s24 =	simm.s32 $0x1;
	s25 =	simm.s32 $0x2;
	s8 =	smul.u32 $0x278, s0  }
0x8: {  	s26 =	simm.s32 $0x0;
	s7 =	sand.u32 $0x1, s7;
	s10 =	smul.u32 $0x18, s0  }
0x9: {  	[smem:$0x7FF] =	sst s5;
	s12 =	sadd.s32 $0xE400, s6;
	s31 =	smul.u32 $0x13C00, s0  }
0xa: {  	s13 =	sadd.s32 $0x4400, s6;
	s9 =	smul.u32 $0x2780, s7;
	_ =	strace $0x8000004A  }
0xb: {  	s29 =	ssub.s32 $0x2, s7;
	p0 =	seq.s32 s7, $0x0;
	s7 =	smul.u32 $0x38, s0  }
0xc: {  	s30 =	sshrl.u32 s29, $0x1;
	s10 =	sadd.s32 $0x380, s10;
	s8 =	sadd.s32 s8, s9  }
0xd: {  	s17 =	ssub.s32 s29, s30;
	s10 =	smov.u32 @p0 s7;
	s8 =	sshll.u32 s8, $0x2  }
0xe: {  	s14 =	sshll.u32 s10, $0x5;
	s17 =	smax.u32 s17, $0x1;
	s16 =	sadd.s32 s8, s6  }
0xf: {  	s6 =	simm.s32 $0x38;
	s8 =	sshrl.u32 s31, $0x2;
	s10 =	sadd.s32 s12, s14  }
0x10: {  	s11 =	sadd.s32 s13, s14;
	s14 =	sor.u32 $0x20, s14;
	s6 =	simm.s32 @!p0 $0x18  }
0x11: {  	s7 =	sadd.s32 s8, s4;
	s12 =	sadd.s32 s12, s14;
	s13 =	sadd.s32 s13, s14  }
0x12: {  	s14 =	sadd.s32 $0x8DA00, s16;
	s15 =	sadd.s32 $0x8DE00, s16;
	s18 =	sshll.u32 s6, $0x5  }
0x13: {  	s16 =	sadd.s32 $0x8E200, s16;
	s8 =	sadd.s32 $0x2000, s7;
	s18 =	sadd.s32 $0xFFFFFFC0, s18  }
0x14: {  	s9 =	sadd.s32 $0x4000, s7;
	[dreg:$0x5] =	wrdreg s18;
	s18 =	simm.s32 $0x400  }
.LBB2_1:
0x15: {  	s0 =	rddreg [dreg:$0x2]  }
0x16: {  	[tilespmem:s18], [sflag:$0x5] =	stream.linear.gather [hbm4b:s0+s5], $0x2000, $0x38;
	[tilespmem:$0x9300] =	vst v63  }
0x17: {  	_ =	swait.ge [sflag:s19], $0x2000  }
0x18: {  	[sflag:s19] =	ssyncset.done $0x0  }
0x19: {  	[sflag:s19] =	ssyncadd.s32 $0xFFFFE000  }
0x1a: {  	[spmem:s7] =	stream.linear.scatter [tilespmem:s18], [sflag:$0x5], $0x2000, $0x38;
	[tilespmem:$0x9300] =	vst v63  }
0x1b: {  	_ =	swait.ge [sflag:s19], $0x2000  }
0x1c: {  	[sflag:s19] =	ssyncset.done $0x0  }
0x1d: {  	[sflag:s19] =	ssyncadd.s32 $0xFFFFE000  }
0x1e: {  	[spmem:s8] =	stream.linear.scatter [tilespmem:s18], [sflag:$0x5], $0x2000, $0x38;
	[tilespmem:$0x9300] =	vst v63  }
0x1f: {  	_ =	swait.ge [sflag:s19], $0x2000  }
0x20: {  	[sflag:s19] =	ssyncset.done $0x0  }
0x21: {  	[sflag:s19] =	ssyncadd.s32 $0xFFFFE000  }
0x22: {  	[spmem:s9] =	stream.linear.scatter [tilespmem:s18], [sflag:$0x5], $0xF00, $0x38;
	[tilespmem:$0x9300] =	vst v63  }
0x23: {  	_ =	swait.ge [sflag:s19], $0xF00  }
0x24: {  	[sflag:s19] =	ssyncset.done $0x0  }
0x25: {  	[sflag:s19] =	ssyncadd.s32 $0xFFFFF100  }
0x26: {  	[bflag:$0x0] =	sbarrier.arrive $0xFFFF  }
0x27: {  	[tilespmem:s5], [sflag:$0x5] =	stream.linear.gather [hbm4b:s10+s5], $0x100, $0x38;
	[tilespmem:$0x9300] =	vst v63  }
0x28: {  	_ =	swait.ge [sflag:s19], $0x100  }
0x29: {  	[sflag:s19] =	ssyncset.done $0x0  }
0x2a: {  	[sflag:s19] =	ssyncadd.s32 $0xFFFFFF00  }
0x2b: {  	[tilespmem:s20], [sflag:$0x5] =	stream.linear.gather [hbm4b:s11+s5], $0x100, $0x38;
	[tilespmem:$0x9300] =	vst v63  }
0x2c: {  	_ =	swait.ge [sflag:s19], $0x100  }
0x2d: {  	[sflag:s19] =	ssyncset.done $0x0  }
0x2e: {  	[sflag:s19] =	ssyncadd.s32 $0xFFFFFF00  }
0x2f: {  	[tilespmem:s18], [sflag:$0x1] =	stream.indirect.gather [hbm4b:s1+s21], $0x20, s5, s21, $0xb8;
	[tilespmem:$0x9300] =	vst v63  }
0x30: {  	_ = 	snop  }
0x31: {  	[tilespmem:s21], [sflag:$0x5] =	stream.linear.gather [hbm4b:s12+s5], $0x100, $0x38;
	[tilespmem:$0x9300] =	vst v63  }
0x32: {  	_ =	swait.ge [sflag:s19], $0x100  }
0x33: {  	[sflag:s19] =	ssyncset.done $0x0  }
0x34: {  	[sflag:s19] =	ssyncadd.s32 $0xFFFFFF00  }
0x35: {  	[tilespmem:s22], [sflag:$0x5] =	stream.linear.gather [hbm4b:s13+s5], $0x100, $0x38;
	[tilespmem:$0x9300] =	vst v63  }
0x36: {  	_ =	swait.ge [sflag:s19], $0x100  }
0x37: {  	[sflag:s19] =	ssyncset.done $0x0  }
0x38: {  	s29 =	simm.s32 $0x3;
	s28 =	simm.s32 $0x0;
	[sflag:s19] =	ssyncadd.s32 $0xFFFFFF00  }
0x39: {  	[tilespmem:s23], [sflag:$0x2] =	stream.indirect.gather [hbm4b:s1+s21], $0x20, s21, s21, $0xb8;
	[tilespmem:$0x9300] =	vst v63  }
.LBB2_2:
0x3a: {  	_ =	swait.ge [sflag:s24], $0x2000;
	s30 =	sadd.s32 $0xFFFFFFFF, s29  }
0x3b: {  	[sflag:s24] =	ssyncset.done $0x0;
	p0 =	sge.u32 s30, s6  }
0x3c: {  	[sflag:s24] =	ssyncadd.s32 $0xFFFFE000;
	s30 =	simm.s32 @p0 $0x3  }
0x3d: {  	[spmem:s4] =	stream.indirect.scatter.add.f32 [tilespmem:s18], [sflag:$0x3], $0x20, s20, s21, $0xb8;
	[tilespmem:$0x9300] =	vst v63  }
0x3e: {  	_ =	swait.ge @p0 [sflag:s30], $0x2000  }
0x3f: {  	s31 =	sadd.s32 @!p0 s28, s10;
	[sflag:s30] =	ssyncset.done @p0 $0x0  }
0x40: {  	[sflag:s30] =	ssyncadd.s32 @p0 $0xFFFFE000;
	s30 =	sadd.s32 @!p0 $0x40, s31;
	s31 =	simm.s32 @!p0 $0x0  }
0x41: {  	[tilespmem:s31], [sflag:$0x5] =	stream.linear.gather @!p0 [hbm4b:s30+s31], $0x100, $0x38;
	[tilespmem:$0x9300] =	vst v63  }
0x42: {  	s30 =	simm.s32 @!p0 $0x5  }
0x43: {  	_ =	swait.ge @!p0 [sflag:s30], $0x100  }
0x44: {  	[sflag:s30] =	ssyncset.done @!p0 $0x0  }
0x45: {  	s0 =	simm.s32 @!p0 $0x3;
	[sflag:s30] =	ssyncadd.s32 @!p0 $0xFFFFFF00  }
0x46: {  	_ =	swait.ge @!p0 [sflag:s0], $0x2000  }
0x47: {  	s2 =	sadd.s32 @!p0 s28, s11;
	[sflag:s0] =	ssyncset.done @!p0 $0x0  }
0x48: {  	[sflag:s0] =	ssyncadd.s32 @!p0 $0xFFFFE000;
	s0 =	sadd.s32 @!p0 $0x40, s2;
	s2 =	simm.s32 @!p0 $0x200  }
0x49: {  	[tilespmem:s2], [sflag:$0x5] =	stream.linear.gather @!p0 [hbm4b:s0+s31], $0x100, $0x38;
	[tilespmem:$0x9300] =	vst v63  }
0x4a: {  	_ =	swait.ge @!p0 [sflag:s30], $0x100  }
0x4b: {  	[sflag:s30] =	ssyncset.done @!p0 $0x0  }
0x4c: {  	s0 =	simm.s32 @!p0 $0x100;
	s2 =	simm.s32 @!p0 $0x400;
	[sflag:s30] =	ssyncadd.s32 @!p0 $0xFFFFFF00  }
0x4d: {  	[tilespmem:s2], [sflag:$0x1] =	stream.indirect.gather @!p0 [hbm4b:s1+s0], $0x20, s31, s0, $0xb8;
	[tilespmem:$0x9300] =	vst v63  }
0x4e: {  	_ =	swait.ge [sflag:s25], $0x2000  }
0x4f: {  	p0 =	sge.u32 s29, s6;
	[sflag:s25] =	ssyncset.done $0x0  }
0x50: {  	s0 =	simm.s32 @p0 $0x4;
	[sflag:s25] =	ssyncadd.s32 $0xFFFFE000  }
0x51: {  	[spmem:s4] =	stream.indirect.scatter.add.f32 [tilespmem:s23], [sflag:$0x4], $0x20, s22, s21, $0xb8;
	[tilespmem:$0x9300] =	vst v63  }
0x52: {  	_ =	swait.ge @p0 [sflag:s0], $0x2000  }
0x53: {  	[sflag:s0] =	ssyncset.done @p0 $0x0  }
0x54: {  	[sflag:s0] =	ssyncadd.s32 @p0 $0xFFFFE000;
	s0 =	sadd.s32 @!p0 s28, s10  }
0x55: {  	s2 =	simm.s32 @!p0 $0x0;
	s30 =	simm.s32 @!p0 $0x100;
	s0 =	sadd.s32 @!p0 $0x60, s0  }
0x56: {  	[tilespmem:s30], [sflag:$0x5] =	stream.linear.gather @!p0 [hbm4b:s0+s2], $0x100, $0x38;
	[tilespmem:$0x9300] =	vst v63  }
0x57: {  	s0 =	simm.s32 @!p0 $0x5  }
0x58: {  	_ =	swait.ge @!p0 [sflag:s0], $0x100  }
0x59: {  	[sflag:s0] =	ssyncset.done @!p0 $0x0  }
0x5a: {  	s31 =	simm.s32 @!p0 $0x4;
	[sflag:s0] =	ssyncadd.s32 @!p0 $0xFFFFFF00  }
0x5b: {  	_ =	swait.ge @!p0 [sflag:s31], $0x2000  }
0x5c: {  	s3 =	sadd.s32 @!p0 s28, s11;
	[sflag:s31] =	ssyncset.done @!p0 $0x0  }
0x5d: {  	s3 =	sadd.s32 @!p0 $0x60, s3;
	[sflag:s31] =	ssyncadd.s32 @!p0 $0xFFFFE000;
	s31 =	simm.s32 @!p0 $0x300  }
0x5e: {  	[tilespmem:s31], [sflag:$0x5] =	stream.linear.gather @!p0 [hbm4b:s3+s2], $0x100, $0x38;
	[tilespmem:$0x9300] =	vst v63  }
0x5f: {  	_ =	swait.ge @!p0 [sflag:s0], $0x100  }
0x60: {  	s28 =	sadd.s32 $0x40, s28;
	[sflag:s0] =	ssyncset.done @!p0 $0x0  }
0x61: {  	s31 =	rddreg [dreg:$0x5];
	[sflag:s0] =	ssyncadd.s32 @!p0 $0xFFFFFF00;
	s0 =	simm.s32 @!p0 $0x2400  }
0x62: {  	[tilespmem:s0], [sflag:$0x2] =	stream.indirect.gather @!p0 [hbm4b:s1+s30], $0x20, s30, s30, $0xb8;
	[tilespmem:$0x9300] =	vst v63  }
0x63: {  	p0 =	sne.s32 s31, s28  }
.Ltmp0:
0x64: {  	_ = 	snop;
	(pc) =	sbr.rel @p0 .LBB2_2-.Ltmp0, $2  }
0x65: {  	_ =	sdelay $0x2  }
0x66: {  	s29 =	sadd.s32 $0x2, s29  }
0x67: {  	_ =	swait.ge [sflag:s24], $0x2000;
	s0 =	sadd.s32 $0xFFFFFFFF, s29  }
0x68: {  	[sflag:s24] =	ssyncset.done $0x0;
	p0 =	slt.u32 s0, s6  }
0x69: {  	[sflag:s24] =	ssyncadd.s32 $0xFFFFE000;
	s0 =	sadd.s32 @p0 s28, s10  }
0x6a: {  	[spmem:s4] =	stream.indirect.scatter.add.f32 [tilespmem:s18], [sflag:$0x3], $0x20, s20, s21, $0xb8;
	[tilespmem:$0x9300] =	vst v63  }
0x6b: {  	s2 =	simm.s32 @p0 $0x0;
	s0 =	sadd.s32 @p0 $0x40, s0  }
0x6c: {  	[tilespmem:s2], [sflag:$0x5] =	stream.linear.gather @p0 [hbm4b:s0+s2], $0x100, $0x38;
	[tilespmem:$0x9300] =	vst v63  }
0x6d: {  	s0 =	simm.s32 @p0 $0x5  }
0x6e: {  	_ =	swait.ge @p0 [sflag:s0], $0x100  }
0x6f: {  	[sflag:s0] =	ssyncset.done @p0 $0x0  }
0x70: {  	s3 =	simm.s32 @p0 $0x3;
	[sflag:s0] =	ssyncadd.s32 @p0 $0xFFFFFF00  }
0x71: {  	_ =	swait.ge @p0 [sflag:s3], $0x2000  }
0x72: {  	s30 =	sadd.s32 @p0 s28, s11;
	[sflag:s3] =	ssyncset.done @p0 $0x0  }
0x73: {  	[sflag:s3] =	ssyncadd.s32 @p0 $0xFFFFE000;
	s3 =	sadd.s32 @p0 $0x40, s30;
	s30 =	simm.s32 @p0 $0x200  }
0x74: {  	[tilespmem:s30], [sflag:$0x5] =	stream.linear.gather @p0 [hbm4b:s3+s2], $0x100, $0x38;
	[tilespmem:$0x9300] =	vst v63  }
0x75: {  	_ =	swait.ge @p0 [sflag:s0], $0x100  }
0x76: {  	[sflag:s0] =	ssyncset.done @p0 $0x0  }
0x77: {  	s3 =	simm.s32 @p0 $0x400;
	[sflag:s0] =	ssyncadd.s32 @p0 $0xFFFFFF00;
	s0 =	simm.s32 @p0 $0x100  }
0x78: {  	[tilespmem:s3], [sflag:$0x1] =	stream.indirect.gather @p0 [hbm4b:s1+s0], $0x20, s2, s0, $0xb8;
	[tilespmem:$0x9300] =	vst v63  }
0x79: {  	s0 =	simm.s32 @!p0 $0x3  }
0x7a: {  	_ =	swait.ge @!p0 [sflag:s0], $0x2000  }
0x7b: {  	[sflag:s0] =	ssyncset.done @!p0 $0x0  }
0x7c: {  	[sflag:s0] =	ssyncadd.s32 @!p0 $0xFFFFE000  }
0x7d: {  	_ =	swait.ge [sflag:s25], $0x2000  }
0x7e: {  	p0 =	slt.u32 s29, s6;
	[sflag:s25] =	ssyncset.done $0x0  }
0x7f: {  	s0 =	sadd.s32 @p0 s28, s10;
	[sflag:s25] =	ssyncadd.s32 $0xFFFFE000  }
0x80: {  	[spmem:s4] =	stream.indirect.scatter.add.f32 [tilespmem:s23], [sflag:$0x4], $0x20, s22, s21, $0xb8;
	[tilespmem:$0x9300] =	vst v63  }
0x81: {  	s2 =	simm.s32 @p0 $0x0;
	s3 =	simm.s32 @p0 $0x100;
	s0 =	sadd.s32 @p0 $0x60, s0  }
0x82: {  	[tilespmem:s3], [sflag:$0x5] =	stream.linear.gather @p0 [hbm4b:s0+s2], $0x100, $0x38;
	[tilespmem:$0x9300] =	vst v63  }
0x83: {  	s0 =	simm.s32 @p0 $0x5  }
0x84: {  	_ =	swait.ge @p0 [sflag:s0], $0x100  }
0x85: {  	[sflag:s0] =	ssyncset.done @p0 $0x0  }
0x86: {  	s29 =	simm.s32 @p0 $0x4;
	[sflag:s0] =	ssyncadd.s32 @p0 $0xFFFFFF00  }
0x87: {  	_ =	swait.ge @p0 [sflag:s29], $0x2000  }
0x88: {  	s28 =	sadd.s32 @p0 s28, s11;
	[sflag:s29] =	ssyncset.done @p0 $0x0  }
0x89: {  	s28 =	sadd.s32 @p0 $0x60, s28;
	[sflag:s29] =	ssyncadd.s32 @p0 $0xFFFFE000;
	s29 =	simm.s32 @p0 $0x300  }
0x8a: {  	[tilespmem:s29], [sflag:$0x5] =	stream.linear.gather @p0 [hbm4b:s28+s2], $0x100, $0x38;
	[tilespmem:$0x9300] =	vst v63  }
0x8b: {  	_ =	swait.ge @p0 [sflag:s0], $0x100  }
0x8c: {  	[sflag:s0] =	ssyncset.done @p0 $0x0  }
0x8d: {  	[sflag:s0] =	ssyncadd.s32 @p0 $0xFFFFFF00;
	s0 =	simm.s32 @p0 $0x2400  }
0x8e: {  	[tilespmem:s0], [sflag:$0x2] =	stream.indirect.gather @p0 [hbm4b:s1+s3], $0x20, s3, s3, $0xb8;
	[tilespmem:$0x9300] =	vst v63  }
0x8f: {  	s0 =	simm.s32 @!p0 $0x4  }
0x90: {  	_ =	swait.ge @!p0 [sflag:s0], $0x2000  }
0x91: {  	[sflag:s0] =	ssyncset.done @!p0 $0x0  }
0x92: {  	[sflag:s0] =	ssyncadd.s32 @!p0 $0xFFFFE000  }
0x93: {  	[bflag:$0x0] =	sbarrier.arrive $0xFFFF  }
0x94: {  	[tilespmem:s18], [sflag:$0x5] =	stream.linear.gather [spmem:s7], $0x2000, $0x38;
	[tilespmem:$0x9300] =	vst v63  }
0x95: {  	_ =	swait.ge [sflag:s19], $0x2000  }
0x96: {  	[sflag:s19] =	ssyncset.done $0x0  }
0x97: {  	[sflag:s19] =	ssyncadd.s32 $0xFFFFE000  }
0x98: {  	[hbm4b:s14+s5] =	stream.linear.scatter [tilespmem:s18], [sflag:$0x5], $0x2000, $0x38;
	[tilespmem:$0x9300] =	vst v63  }
0x99: {  	_ =	swait.ge [sflag:s19], $0x2000  }
0x9a: {  	[sflag:s19] =	ssyncset.done $0x0  }
0x9b: {  	[sflag:s19] =	ssyncadd.s32 $0xFFFFE000  }
0x9c: {  	[tilespmem:s18], [sflag:$0x5] =	stream.linear.gather [spmem:s8], $0x2000, $0x38;
	[tilespmem:$0x9300] =	vst v63  }
0x9d: {  	_ =	swait.ge [sflag:s19], $0x2000  }
0x9e: {  	[sflag:s19] =	ssyncset.done $0x0  }
0x9f: {  	[sflag:s19] =	ssyncadd.s32 $0xFFFFE000  }
0xa0: {  	[hbm4b:s15+s5] =	stream.linear.scatter [tilespmem:s18], [sflag:$0x5], $0x2000, $0x38;
	[tilespmem:$0x9300] =	vst v63  }
0xa1: {  	_ =	swait.ge [sflag:s19], $0x2000  }
0xa2: {  	[sflag:s19] =	ssyncset.done $0x0  }
0xa3: {  	[sflag:s19] =	ssyncadd.s32 $0xFFFFE000  }
0xa4: {  	[tilespmem:s18], [sflag:$0x5] =	stream.linear.gather [spmem:s9], $0xF00, $0x38;
	[tilespmem:$0x9300] =	vst v63  }
0xa5: {  	s26 =	sadd.s32 $0x1, s26;
	_ =	swait.ge [sflag:s19], $0xF00  }
0xa6: {  	p0 =	sne.s32 s26, s17;
	[sflag:s19] =	ssyncset.done $0x0  }
.Ltmp1:
0xa7: {  	[sflag:s19] =	ssyncadd.s32 $0xFFFFF100;
	(pc) =	sbr.rel @p0 .LBB2_1-.Ltmp1, $4  }
0xa8: {  	[hbm4b:s16+s5] =	stream.linear.scatter [tilespmem:s18], [sflag:$0x5], $0xF00, $0x38;
	[tilespmem:$0x9300] =	vst v63  }
0xa9: {  	_ =	swait.ge [sflag:s19], $0xF00  }
0xaa: {  	[sflag:s19] =	ssyncset.done $0x0  }
0xab: {  	[sflag:s19] =	ssyncadd.s32 $0xFFFFF100  }
0xac: {  	_ =	sfence.sel $0x180000  }
0xad: {  	[bflag:$0x0] =	sbarrier.arrive $0xFFFF  }
0xae: {  	_ =	strace $0x9000004A  }
0xaf: {  	s0 =	stileid.u32;
	[bflag:$0x2] =	sbarrier.arrive $0xFFFF  }
0xb0: {  	p0 =	sne.s32 s0, $0x0;
	s0 =	rddreg [dreg:$0x4]  }
0xb1: {  	s0 =	sadd.s32 @!p0 $0x100000, s0  }
0xb2: {  	[sflag:s0] =	ssyncadd.tile.s32 @!p0 $0x1;
	_ =	shalt  }
.Lfunc_end2:
_tile_overlayer_lowered:
.L_overlay_start_2:
0xb3: {  	(tag) =	ssettag $0x2  }
0xb4: {  	s0 =	rddreg [dreg:$0x0];
	s2 =	stileid.u32  }
0xb5: {  	s1 =	rddreg [dreg:$0x1];
	p0 =	sne.s32 s2, $0x0  }
0xb6: {  	s3 =	rddreg [dreg:$0x2];
	[bflag:$0x3] =	sbarrier.arrive $0xFFFF;
	s2 =	simm.s32 @!p0 $0x1C05  }
0xb7: {  	[timem:s3], [sflag:s2] =	dma.local @!p0 [hbm:s0], s1  }
0xb8: {  	s0 =	simm.s32 @!p0 $0x5  }
0xb9: {  	_ =	swait.ge @!p0 [sflag:s0], s1  }
0xba: {  	s1 =	ssub.s32 @!p0 $0x0, s1;
	[sflag:s0] =	ssyncset.done @!p0 $0x0  }
0xbb: {  	[sflag:s0] =	ssyncadd.s32 @!p0 s1  }
0xbc: {  	[bflag:$0x3] =	sbarrier.arrive $0xFFFF  }
0xbd: {  	_ =	shalt  }

// kernel: kernel.14.cloned.1.call-start
scs
__scs_entry_jumppad:
0x0: {  	(pc) =	sbr.rel $0x88, $3  }
0x1: {  	(tag) =	ssettag $0x0;
	lr =	simm.s32 $0x1  }
0x2: {  	[smem:$0x3F91] =	sst lr;
	_ =	strace $0xD0000000  }
0x3: {  	_ = 	snop  }
0x4: {  	_ = 	snop  }
0x5: {  	_ = 	snop  }
0x6: {  	_ = 	snop  }
0x7: {  	_ = 	snop  }
__scs_overlays_trampoline_lowered:
0x8: {  	[smem:$0x3FA0] =	sst s0  }
0x9: {  	[smem:$0x3FA1] =	sst s1  }
0xa: {  	[smem:$0x3FA2] =	sst s2  }
0xb: {  	[smem:$0x3FA3] =	sst s3  }
0xc: {  	[smem:$0x3FA4] =	sst s4  }
0xd: {  	[smem:$0x3FA5] =	sst s5  }
0xe: {  	[smem:$0x3FA6] =	sst s6  }
0xf: {  	[smem:$0x3FA7] =	sst s7  }
0x10: {  	[smem:$0x3FA8] =	sst s8  }
0x11: {  	[smem:$0x3FA9] =	sst s9;
	s0 =	simm.s32 @!p0 $0x0  }
0x12: {  	s1 =	sld [smem:$0x3F8F];
	s0 =	simm.s32 @p0 $0x1  }
0x13: {  	[smem:$0x3FAA] =	sst s0;
	s0 =	simm.s32 @!p1 $0x0  }
0x14: {  	s2 =	sld [smem:$0x3F8E];
	s0 =	simm.s32 @p1 $0x1  }
0x15: {  	[smem:$0x3FAB] =	sst s0;
	s0 =	simm.s32 @!p2 $0x0  }
0x16: {  	s3 =	sld [smem:$0x3FDB];
	s0 =	simm.s32 @p2 $0x1  }
0x17: {  	s4 =	simm.s32 $0x1BF5;
	[smem:$0x3FAD] =	sst s0  }
0x18: {  	s0 =	sld [smem:$0x3F90];
	_ =	swait.ge [sflag:s4], $0x0  }
0x19: {  	s7 =	sld [smem:$0x3F91]  }
0x1a: {  	s8 =	sadd.s32 $0xFFFFE003, lr  }
0x1b: {  	s9 =	sadd.s32 $0xFFFFFEF7, lr;
	s5 =	simm.s32 $0xFFFFFFFF;
	p2 =	slt.u32 s8, $0xFFFFF086  }
0x1c: {  	p1 =	slt.u32 s9, $0xF7A;
	s5 =	simm.s32 @!p2 $0x0  }
0x1d: {  	s5 =	simm.s32 @p1 $0x1;
	p0 =	seq.s32 s7, s2  }
0x1e: {  	s7 =	smul.u32 @!p0 $0xF7A, s2;
	p2 =	seq.s32 @!p0 s5, $0x0  }
0x1f: {  	s9 =	smul.u32 $0xF7A, s1;
	s8 =	simm.s32 @!p0 $0x1BF5;
	p2 =	por !p2, p0  }
0x20: {  	[sflag:s8] =	ssyncset.s32 @!p0 $0xFFFFF086;
	s6 =	sadd.s32 @!p0 s3, s7;
	s7 =	simm.s32 @!p0 $0x108  }
0x21: {  	s3 =	sadd.s32 s3, s9;
	s6 =	sadd.s32 @!p0 $0x88, s6;
	s7 =	simm.s32 @p2 $0x1082  }
0x22: {  	[simem:s7], [sflag:s8] =	dma.local @!p0 [hbm:s6], $0xF7A  }
0x23: {  	s9 =	sor.u32 $0xD0000000, s2;
	s6 =	simm.s32 $0x108;
	_ =	swait.ge @!p0 [sflag:s8], $0x0  }
0x24: {  	s3 =	sadd.s32 $0x88, s3;
	s6 =	simm.s32 @!p1 $0x1082;
	[sflag:s4] =	ssyncset.s32 $0xFFFFF086  }
0x25: {  	[simem:s6], [sflag:s4] =	dma.local [hbm:s3], $0xF7A  }
0x26: {  	[smem:$0x3F91] =	sst s1;
	(tag) =	ssettag s2;
	_ =	strace s9  }
0x27: {  	s1 =	sld [smem:$0x3FA1]  }
0x28: {  	s2 =	sld [smem:$0x3FA2]  }
0x29: {  	s4 =	sld [smem:$0x3FA4]  }
0x2a: {  	p0 =	seq.s32 s5, $0x0;
	s5 =	sld [smem:$0x3FA5]  }
0x2b: {  	s6 =	sld [smem:$0x3FA6]  }
0x2c: {  	s7 =	sld [smem:$0x3FA7]  }
0x2d: {  	s3 =	simm.s32 $0x108;
	s8 =	sld [smem:$0x3FA8]  }
0x2e: {  	s3 =	simm.s32 @!p0 $0x1082;
	s9 =	sld [smem:$0x3FA9]  }
0x2f: {  	lr =	sadd.s32 s0, s3;
	s0 =	sld [smem:$0x3FA0]  }
0x30: {  	s3 =	sld [smem:$0x3FA3]  }
0x31: {  	[smem:$0x3FAC] =	sst s10  }
0x32: {  	s10 =	sld [smem:$0x3FAA];
	_ =	sdelay $0x3  }
0x33: {  	p0 =	seq.s32 s10, $0x1;
	s10 =	sld [smem:$0x3FAC];
	_ =	sdelay $0x3  }
0x34: {  	[smem:$0x3FAC] =	sst s10  }
0x35: {  	s10 =	sld [smem:$0x3FAB];
	_ =	sdelay $0x3  }
0x36: {  	p1 =	seq.s32 s10, $0x1;
	s10 =	sld [smem:$0x3FAC];
	_ =	sdelay $0x3  }
0x37: {  	[smem:$0x3FAC] =	sst s10  }
0x38: {  	s10 =	sld [smem:$0x3FAD]  }
0x39: {  	_ = 	snop;
	(pc) =	sbr.ind lr, $3  }
0x3a: {  	_ = 	snop  }
0x3b: {  	_ = 	snop  }
0x3c: {  	p2 =	seq.s32 s10, $0x1;
	s10 =	sld [smem:$0x3FAC]  }
0x3d: {  	_ =	shalt  }
0x3e: {  	_ =	shalt  }
0x3f: {  	_ =	shalt  }
0x40: {  	_ =	shalt  }
0x41: {  	_ =	shalt  }
0x42: {  	_ =	shalt  }
0x43: {  	_ =	shalt  }
0x44: {  	_ =	shalt  }
0x45: {  	_ =	shalt  }
0x46: {  	_ =	shalt  }
0x47: {  	_ =	shalt  }
0x48: {  	_ =	shalt  }
0x49: {  	_ =	shalt  }
0x4a: {  	_ =	shalt  }
0x4b: {  	_ =	shalt  }
0x4c: {  	_ =	shalt  }
0x4d: {  	_ =	shalt  }
0x4e: {  	_ =	shalt  }
0x4f: {  	_ =	shalt  }
0x50: {  	_ =	shalt  }
0x51: {  	_ =	shalt  }
0x52: {  	_ =	shalt  }
0x53: {  	_ =	shalt  }
0x54: {  	_ =	shalt  }
0x55: {  	_ =	shalt  }
0x56: {  	_ =	shalt  }
0x57: {  	_ =	shalt  }
0x58: {  	_ =	shalt  }
0x59: {  	_ =	shalt  }
0x5a: {  	_ =	shalt  }
0x5b: {  	_ =	shalt  }
0x5c: {  	_ =	shalt  }
0x5d: {  	_ =	shalt  }
0x5e: {  	_ =	shalt  }
0x5f: {  	_ =	shalt  }
0x60: {  	_ =	shalt  }
0x61: {  	_ =	shalt  }
0x62: {  	_ =	shalt  }
0x63: {  	_ =	shalt  }
0x64: {  	_ =	shalt  }
0x65: {  	_ =	shalt  }
0x66: {  	_ =	shalt  }
0x67: {  	_ =	shalt  }
0x68: {  	_ =	shalt  }
0x69: {  	_ =	shalt  }
0x6a: {  	_ =	shalt  }
0x6b: {  	_ =	shalt  }
0x6c: {  	_ =	shalt  }
0x6d: {  	_ =	shalt  }
0x6e: {  	_ =	shalt  }
0x6f: {  	_ =	shalt  }
0x70: {  	_ =	shalt  }
0x71: {  	_ =	shalt  }
0x72: {  	_ =	shalt  }
0x73: {  	_ =	shalt  }
0x74: {  	_ =	shalt  }
0x75: {  	_ =	shalt  }
0x76: {  	_ =	shalt  }
0x77: {  	_ =	shalt  }
0x78: {  	_ =	shalt  }
0x79: {  	_ =	shalt  }
0x7a: {  	_ =	shalt  }
0x7b: {  	_ =	shalt  }
0x7c: {  	_ =	shalt  }
0x7d: {  	_ =	shalt  }
0x7e: {  	_ =	shalt  }
0x7f: {  	_ =	shalt  }
0x80: {  	_ =	shalt  }
0x81: {  	_ =	shalt  }
0x82: {  	_ =	shalt  }
0x83: {  	_ =	shalt  }
0x84: {  	_ =	shalt  }
0x85: {  	_ =	shalt  }
0x86: {  	_ =	shalt  }
0x87: {  	_ =	shalt  }
.Lfunc_end0:
.L_simem_size_0:
called_computation.2_lowered:
.L_overlay_start_0:
0x88: {  	s2 =	sld [smem:$0x3FD9]  }
0x89: {  	s3 =	sld [smem:$0x3FFE];
	_ =	sdelay $0x1  }
0x8a: {  	s1 =	srdreg.scid  }
0x8b: {  	s0 =	sand.u32 $0x1, s1  }
0x8c: {  	s14 =	sshll.u32 s0, $0xA;
	s2 =	sadd.s32 s3, s2  }
0x8d: {  	s2 =	sadd.s32 s2, s14  }
0x8e: {  	[smem:$0x3FB8] =	sst s2  }
0x8f: {  	_ = 	snop  }
0x90: {  	s2 =	sld [smem:$0x3FD0];
	_ =	sdelay $0x2  }
0x91: {  	s15 =	simm.s32 $0xA;
	s4 =	simm.s32 $0x10  }
0x92: {  	[smem:s4], [sflag:s15] =	dma.local [hbm:s2], $0x1  }
0x93: {  	_ =	swait.eq [sflag:s15], $0x1  }
0x94: {  	[sflag:s15] =	ssyncset.done $0x0  }
0x95: {  	[sflag:s15] =	ssyncadd.s32 $0xFFFFFFFF  }
0x96: {  	s16 =	sld [smem:$0x11];
	(tm) =	ssettm $0x1  }
0x97: {  	s17 =	sld [smem:$0x3FFB];
	_ =	sdelay $0x3  }
0x98: {  	_ =	strace s17  }
0x99: {  	s3 =	sld [smem:$0x3FFC];
	_ =	sdelay $0x3  }
0x9a: {  	_ =	strace s3  }
0x9b: {  	s3 =	sld [smem:$0x3FFD];
	_ =	sdelay $0x3  }
0x9c: {  	_ =	strace s3  }
0x9d: {  	_ =	strace $0x8FFFFFFF  }
0x9e: {  	s18 =	sld [smem:$0x3FDB];
	_ =	sdelay $0x1  }
0x9f: {  	s19 =	simm.s32 $_scs_section_size  }
0xa0: {  	s5 =	simm.s32 $_size__tile_overlayer_lowered;
	s6 =	simm.s32 $_tile_overlayer_lowered  }
0xa1: {  	s22 =	simm.s32 $0x1BFF;
	s21 =	sshll.u32 s6, $0x1;
	s3 =	sadd.s32 s19, s18  }
0xa2: {  	s7 =	simm.s32 $0x0;
	s20 =	sshll.u32 s5, $0x1;
	s5 =	sadd.s32 s21, s3  }
0xa3: {  	[timem:s7], [sflag:s22] =	dma.local [hbm:s5], s20  }
0xa4: {  	_ =	swait.ge [sflag:s22], s20  }
0xa5: {  	s4 =	ssub.s32 $0x0, s20;
	[sflag:s22] =	ssyncset.done $0x0  }
0xa6: {  	[sflag:s22] =	ssyncadd.s32 s4;
	_ =	sdelay $0x1  }
0xa7: {  	s23 =	simm.s32 $0x1B8B  }
0xa8: {  	_ =	swait.ge [sflag:s23], $0x1  }
0xa9: {  	[sflag:s23] =	ssyncset.done $0x0  }
0xaa: {  	s25 =	simm.s32 $0x1B8E;
	s24 =	sld [smem:$0x3FFE];
	[sflag:s23] =	ssyncadd.s32 $0xFFFFFFFF  }
0xab: {  	s26 =	simm.s32 $execute0_lowered;
	[smem:$0x3FD2] =	sst s25  }
0xac: {  	s5 =	sshll.u32 s26, $0x1;
	_ =	strace $0x8000004C;
	[dreg:$0x1] =	wrdreg $0xFFFFFFFF  }
0xad: {  	s28 =	simm.s32 $_size_execute0_lowered;
	s3 =	sadd.s32 s3, s5;
	[dreg:$0x0] =	wrdreg $0x0  }
0xae: {  	s5 =	sshll.u32 s28, $0x1;
	[dreg:$0x2] =	wrdreg s3  }
0xaf: {  	[dreg:$0x3] =	wrdreg s5  }
0xb0: {  	[dreg:$0x4] =	wrdreg $0xC0  }
0xb1: {  	_ =	task [dreg:s7], $0x5FFFF  }
0xb2: {  	[dreg:$0x1] =	wrdreg $0xFFFFFFFF  }
0xb3: {  	[dreg:$0x0] =	wrdreg $0x60  }
0xb4: {  	[dreg:$0x2] =	wrdreg s24  }
0xb5: {  	[dreg:$0x3] =	wrdreg s16  }
0xb6: {  	[dreg:$0x4] =	wrdreg $0x64000  }
0xb7: {  	[dreg:$0x5] =	wrdreg $0x9  }
0xb8: {  	_ =	task.clear_ibuf [dreg:s7], $0x6FFFF;
	_ =	strace $0x9000004C  }
0xb9: {  	s29 =	simm.s32 $0x9;
	_ =	strace $0x8000004E  }
0xba: {  	_ =	swait.ge [sflag:s29], $0x1  }
0xbb: {  	[sflag:s29] =	ssyncadd.s32 $0xFFFFFFFF  }
0xbc: {  	_ =	strace $0x9000004E  }
0xbd: {  	_ =	sfence  }
0xbe: {  	s30 =	sld [smem:$0x0];
	_ =	sdelay $0x2  }
0xbf: {  	s31 =	sshll.u32 s1, $0xD;
	s1 =	sshrl.u32 s1, $0x2  }
0xc0: {  	s3 =	sand.u32 $0x4000, s31;
	s1 =	sadd.s32 s1, s30  }
0xc1: {  	s0 =	sor.u32 s3, s0;
	s1 =	sshll.u32 s1, $0x11  }
0xc2: {  	s0 =	sor.u32 s1, s0  }
0xc3: {  	s0 =	sadd.s32 $0x8F2B, s0  }
0xc4: {  	[sflag:s0] =	ssyncadd.remote.s32 $0x1  }
0xc5: {  	_ =	sfence.sel $0xFFFF  }
0xc6: {  	[dreg:$0x0] =	wrdreg $0xFFFFFFFF;
	(pc) =	sbr.abs _section_cstart, $3  }
0xc7: {  	[dreg:$0x1] =	wrdreg $0xFFFFFFFF  }
0xc8: {  	_ =	task.clear_ibuf [dreg:s7], $0x2FFFF;
	_ =	strace $0x9FFFFFFF  }
0xc9: {  	(tm) =	ssettm $0x7FFFFFFF  }
tec
execute0_lowered:
.L_overlay_start_1:
0x0: {  	(tag) =	ssettag $0x1  }
0x1: {  	s6 =	rddreg [dreg:$0x0]  }
0x2: {  	s2 =	rddreg [dreg:$0x2]  }
0x3: {  	s3 =	simm.s32 $0x0;
	s7 =	srdreg.scid;
	s0 =	stileid.u32  }
0x4: {  	s19 =	simm.s32 $0x5;
	s20 =	simm.s32 $0x200;
	s21 =	simm.s32 $0x100  }
0x5: {  	s22 =	simm.s32 $0x300;
	s23 =	simm.s32 $0x3400;
	s24 =	simm.s32 $0x1  }
0x6: {  	s25 =	simm.s32 $0x2;
	s26 =	simm.s32 $0x0;
	s8 =	smul.u32 $0x38, s0  }
0x7: {  	[smem:$0x7FF] =	sst s3;
	s5 =	sadd.s32 $0xB4C00, s6;
	s10 =	smul.u32 $0x18, s0  }
0x8: {  	s12 =	sadd.s32 $0xE400, s6;
	s7 =	sand.u32 $0x1, s7;
	s11 =	smul.u32 $0x1DA00, s0  }
0x9: {  	s13 =	sadd.s32 $0x4400, s6;
	s14 =	sadd.s32 $0xC3800, s6;
	s29 =	smul.u32 $0x278, s0  }
0xa: {  	s6 =	simm.s32 $0x38;
	_ =	strace $0x8000004D;
	s9 =	ssub.s32 $0x2, s7  }
0xb: {  	p0 =	seq.s32 s7, $0x0;
	s15 =	smul.u32 $0x2780, s7;
	s28 =	sshrl.u32 s9, $0x1  }
0xc: {  	s10 =	sadd.s32 $0x380, s10;
	s11 =	sshrl.u32 s11, $0x2;
	s6 =	simm.s32 @!p0 $0x18  }
0xd: {  	s17 =	ssub.s32 s9, s28;
	s10 =	smov.u32 @p0 s8;
	s7 =	sadd.s32 s11, s2  }
0xe: {  	s15 =	sadd.s32 s29, s15;
	s31 =	sshll.u32 s6, $0x5;
	s8 =	sadd.s32 $0x3000, s7  }
0xf: {  	s9 =	sadd.s32 $0x6000, s7;
	s16 =	sshll.u32 s10, $0x5;
	s18 =	smul.u32 $0x30, s15  }
0x10: {  	s15 =	smul.u32 $0x6, s15;
	s17 =	smax.u32 s17, $0x1;
	s10 =	sadd.s32 s12, s16  }
0x11: {  	s11 =	sadd.s32 s13, s16;
	s16 =	sor.u32 $0x20, s16;
	s18 =	sshrl.u32 s18, $0x3  }
0x12: {  	s12 =	sadd.s32 s12, s16;
	s13 =	sadd.s32 s13, s16;
	s30 =	sadd.s32 s14, s18  }
0x13: {  	s14 =	sadd.s32 s14, s15;
	s18 =	sadd.s32 $0xFFFFFFC0, s31;
	s15 =	sadd.s32 $0x600, s30  }
0x14: {  	s16 =	sadd.s32 $0xC00, s30;
	[dreg:$0x4] =	wrdreg s18;
	s18 =	simm.s32 $0x400  }
.LBB2_1:
0x15: {  	s0 =	rddreg [dreg:$0x1]  }
0x16: {  	[tilespmem:s18], [sflag:$0x5] =	stream.linear.gather [hbm4b:s0+s3], $0x3000, $0x38;
	[tilespmem:$0xDA80] =	vst v63  }
0x17: {  	_ =	swait.ge [sflag:s19], $0x3000  }
0x18: {  	[sflag:s19] =	ssyncset.done $0x0  }
0x19: {  	[sflag:s19] =	ssyncadd.s32 $0xFFFFD000  }
0x1a: {  	[spmem:s7] =	stream.linear.scatter [tilespmem:s18], [sflag:$0x5], $0x3000, $0x38;
	[tilespmem:$0xDA80] =	vst v63  }
0x1b: {  	_ =	swait.ge [sflag:s19], $0x3000  }
0x1c: {  	[sflag:s19] =	ssyncset.done $0x0  }
0x1d: {  	[sflag:s19] =	ssyncadd.s32 $0xFFFFD000  }
0x1e: {  	[spmem:s8] =	stream.linear.scatter [tilespmem:s18], [sflag:$0x5], $0x3000, $0x38;
	[tilespmem:$0xDA80] =	vst v63  }
0x1f: {  	_ =	swait.ge [sflag:s19], $0x3000  }
0x20: {  	[sflag:s19] =	ssyncset.done $0x0  }
0x21: {  	[sflag:s19] =	ssyncadd.s32 $0xFFFFD000  }
0x22: {  	[spmem:s9] =	stream.linear.scatter [tilespmem:s18], [sflag:$0x5], $0x1680, $0x38;
	[tilespmem:$0xDA80] =	vst v63  }
0x23: {  	_ =	swait.ge [sflag:s19], $0x1680  }
0x24: {  	[sflag:s19] =	ssyncset.done $0x0  }
0x25: {  	[sflag:s19] =	ssyncadd.s32 $0xFFFFE980  }
0x26: {  	[bflag:$0x0] =	sbarrier.arrive $0xFFFF  }
0x27: {  	[tilespmem:s3], [sflag:$0x5] =	stream.linear.gather [hbm4b:s10+s3], $0x100, $0x38;
	[tilespmem:$0xDA80] =	vst v63  }
0x28: {  	_ =	swait.ge [sflag:s19], $0x100  }
0x29: {  	[sflag:s19] =	ssyncset.done $0x0  }
0x2a: {  	[sflag:s19] =	ssyncadd.s32 $0xFFFFFF00  }
0x2b: {  	[tilespmem:s20], [sflag:$0x5] =	stream.linear.gather [hbm4b:s11+s3], $0x100, $0x38;
	[tilespmem:$0xDA80] =	vst v63  }
0x2c: {  	_ =	swait.ge [sflag:s19], $0x100  }
0x2d: {  	[sflag:s19] =	ssyncset.done $0x0  }
0x2e: {  	[sflag:s19] =	ssyncadd.s32 $0xFFFFFF00  }
0x2f: {  	[tilespmem:s18], [sflag:$0x1] =	stream.indirect.gather [hbm4b:s5+s21], $0x30, s3, s21, $0xb8;
	[tilespmem:$0xDA80] =	vst v63  }
0x30: {  	_ = 	snop  }
0x31: {  	[tilespmem:s21], [sflag:$0x5] =	stream.linear.gather [hbm4b:s12+s3], $0x100, $0x38;
	[tilespmem:$0xDA80] =	vst v63  }
0x32: {  	_ =	swait.ge [sflag:s19], $0x100  }
0x33: {  	[sflag:s19] =	ssyncset.done $0x0  }
0x34: {  	[sflag:s19] =	ssyncadd.s32 $0xFFFFFF00  }
0x35: {  	[tilespmem:s22], [sflag:$0x5] =	stream.linear.gather [hbm4b:s13+s3], $0x100, $0x38;
	[tilespmem:$0xDA80] =	vst v63  }
0x36: {  	_ =	swait.ge [sflag:s19], $0x100  }
0x37: {  	[sflag:s19] =	ssyncset.done $0x0  }
0x38: {  	s29 =	simm.s32 $0x3;
	s28 =	simm.s32 $0x0;
	[sflag:s19] =	ssyncadd.s32 $0xFFFFFF00  }
0x39: {  	[tilespmem:s23], [sflag:$0x2] =	stream.indirect.gather [hbm4b:s5+s21], $0x30, s21, s21, $0xb8;
	[tilespmem:$0xDA80] =	vst v63  }
.LBB2_2:
0x3a: {  	_ =	swait.ge [sflag:s24], $0x3000;
	s30 =	sadd.s32 $0xFFFFFFFF, s29  }
0x3b: {  	[sflag:s24] =	ssyncset.done $0x0;
	p0 =	sge.u32 s30, s6  }
0x3c: {  	[sflag:s24] =	ssyncadd.s32 $0xFFFFD000;
	s30 =	simm.s32 @p0 $0x3  }
0x3d: {  	[spmem:s2] =	stream.indirect.scatter.add.f32 [tilespmem:s18], [sflag:$0x3], $0x30, s20, s21, $0xb8;
	[tilespmem:$0xDA80] =	vst v63  }
0x3e: {  	_ =	swait.ge @p0 [sflag:s30], $0x3000  }
0x3f: {  	s31 =	sadd.s32 @!p0 s28, s10;
	[sflag:s30] =	ssyncset.done @p0 $0x0  }
0x40: {  	[sflag:s30] =	ssyncadd.s32 @p0 $0xFFFFD000;
	s30 =	sadd.s32 @!p0 $0x40, s31;
	s31 =	simm.s32 @!p0 $0x0  }
0x41: {  	[tilespmem:s31], [sflag:$0x5] =	stream.linear.gather @!p0 [hbm4b:s30+s31], $0x100, $0x38;
	[tilespmem:$0xDA80] =	vst v63  }
0x42: {  	s30 =	simm.s32 @!p0 $0x5  }
0x43: {  	_ =	swait.ge @!p0 [sflag:s30], $0x100  }
0x44: {  	[sflag:s30] =	ssyncset.done @!p0 $0x0  }
0x45: {  	s0 =	simm.s32 @!p0 $0x3;
	[sflag:s30] =	ssyncadd.s32 @!p0 $0xFFFFFF00  }
0x46: {  	_ =	swait.ge @!p0 [sflag:s0], $0x3000  }
0x47: {  	s4 =	sadd.s32 @!p0 s28, s11;
	[sflag:s0] =	ssyncset.done @!p0 $0x0  }
0x48: {  	[sflag:s0] =	ssyncadd.s32 @!p0 $0xFFFFD000;
	s0 =	sadd.s32 @!p0 $0x40, s4;
	s4 =	simm.s32 @!p0 $0x200  }
0x49: {  	[tilespmem:s4], [sflag:$0x5] =	stream.linear.gather @!p0 [hbm4b:s0+s31], $0x100, $0x38;
	[tilespmem:$0xDA80] =	vst v63  }
0x4a: {  	_ =	swait.ge @!p0 [sflag:s30], $0x100  }
0x4b: {  	[sflag:s30] =	ssyncset.done @!p0 $0x0  }
0x4c: {  	s0 =	simm.s32 @!p0 $0x100;
	s4 =	simm.s32 @!p0 $0x400;
	[sflag:s30] =	ssyncadd.s32 @!p0 $0xFFFFFF00  }
0x4d: {  	[tilespmem:s4], [sflag:$0x1] =	stream.indirect.gather @!p0 [hbm4b:s5+s0], $0x30, s31, s0, $0xb8;
	[tilespmem:$0xDA80] =	vst v63  }
0x4e: {  	_ =	swait.ge [sflag:s25], $0x3000  }
0x4f: {  	p0 =	sge.u32 s29, s6;
	[sflag:s25] =	ssyncset.done $0x0  }
0x50: {  	s0 =	simm.s32 @p0 $0x4;
	[sflag:s25] =	ssyncadd.s32 $0xFFFFD000  }
0x51: {  	[spmem:s2] =	stream.indirect.scatter.add.f32 [tilespmem:s23], [sflag:$0x4], $0x30, s22, s21, $0xb8;
	[tilespmem:$0xDA80] =	vst v63  }
0x52: {  	_ =	swait.ge @p0 [sflag:s0], $0x3000  }
0x53: {  	[sflag:s0] =	ssyncset.done @p0 $0x0  }
0x54: {  	[sflag:s0] =	ssyncadd.s32 @p0 $0xFFFFD000;
	s0 =	sadd.s32 @!p0 s28, s10  }
0x55: {  	s4 =	simm.s32 @!p0 $0x0;
	s30 =	simm.s32 @!p0 $0x100;
	s0 =	sadd.s32 @!p0 $0x60, s0  }
0x56: {  	[tilespmem:s30], [sflag:$0x5] =	stream.linear.gather @!p0 [hbm4b:s0+s4], $0x100, $0x38;
	[tilespmem:$0xDA80] =	vst v63  }
0x57: {  	s0 =	simm.s32 @!p0 $0x5  }
0x58: {  	_ =	swait.ge @!p0 [sflag:s0], $0x100  }
0x59: {  	[sflag:s0] =	ssyncset.done @!p0 $0x0  }
0x5a: {  	s31 =	simm.s32 @!p0 $0x4;
	[sflag:s0] =	ssyncadd.s32 @!p0 $0xFFFFFF00  }
0x5b: {  	_ =	swait.ge @!p0 [sflag:s31], $0x3000  }
0x5c: {  	s1 =	sadd.s32 @!p0 s28, s11;
	[sflag:s31] =	ssyncset.done @!p0 $0x0  }
0x5d: {  	s1 =	sadd.s32 @!p0 $0x60, s1;
	[sflag:s31] =	ssyncadd.s32 @!p0 $0xFFFFD000;
	s31 =	simm.s32 @!p0 $0x300  }
0x5e: {  	[tilespmem:s31], [sflag:$0x5] =	stream.linear.gather @!p0 [hbm4b:s1+s4], $0x100, $0x38;
	[tilespmem:$0xDA80] =	vst v63  }
0x5f: {  	_ =	swait.ge @!p0 [sflag:s0], $0x100  }
0x60: {  	s28 =	sadd.s32 $0x40, s28;
	[sflag:s0] =	ssyncset.done @!p0 $0x0  }
0x61: {  	s31 =	rddreg [dreg:$0x4];
	[sflag:s0] =	ssyncadd.s32 @!p0 $0xFFFFFF00;
	s0 =	simm.s32 @!p0 $0x3400  }
0x62: {  	[tilespmem:s0], [sflag:$0x2] =	stream.indirect.gather @!p0 [hbm4b:s5+s30], $0x30, s30, s30, $0xb8;
	[tilespmem:$0xDA80] =	vst v63  }
0x63: {  	p0 =	sne.s32 s31, s28  }
.Ltmp0:
0x64: {  	_ = 	snop;
	(pc) =	sbr.rel @p0 .LBB2_2-.Ltmp0, $2  }
0x65: {  	_ =	sdelay $0x2  }
0x66: {  	s29 =	sadd.s32 $0x2, s29  }
0x67: {  	_ =	swait.ge [sflag:s24], $0x3000;
	s0 =	sadd.s32 $0xFFFFFFFF, s29  }
0x68: {  	[sflag:s24] =	ssyncset.done $0x0;
	p0 =	slt.u32 s0, s6  }
0x69: {  	[sflag:s24] =	ssyncadd.s32 $0xFFFFD000;
	s0 =	sadd.s32 @p0 s28, s10  }
0x6a: {  	[spmem:s2] =	stream.indirect.scatter.add.f32 [tilespmem:s18], [sflag:$0x3], $0x30, s20, s21, $0xb8;
	[tilespmem:$0xDA80] =	vst v63  }
0x6b: {  	s1 =	simm.s32 @p0 $0x0;
	s0 =	sadd.s32 @p0 $0x40, s0  }
0x6c: {  	[tilespmem:s1], [sflag:$0x5] =	stream.linear.gather @p0 [hbm4b:s0+s1], $0x100, $0x38;
	[tilespmem:$0xDA80] =	vst v63  }
0x6d: {  	s0 =	simm.s32 @p0 $0x5  }
0x6e: {  	_ =	swait.ge @p0 [sflag:s0], $0x100  }
0x6f: {  	[sflag:s0] =	ssyncset.done @p0 $0x0  }
0x70: {  	s4 =	simm.s32 @p0 $0x3;
	[sflag:s0] =	ssyncadd.s32 @p0 $0xFFFFFF00  }
0x71: {  	_ =	swait.ge @p0 [sflag:s4], $0x3000  }
0x72: {  	s30 =	sadd.s32 @p0 s28, s11;
	[sflag:s4] =	ssyncset.done @p0 $0x0  }
0x73: {  	[sflag:s4] =	ssyncadd.s32 @p0 $0xFFFFD000;
	s4 =	sadd.s32 @p0 $0x40, s30;
	s30 =	simm.s32 @p0 $0x200  }
0x74: {  	[tilespmem:s30], [sflag:$0x5] =	stream.linear.gather @p0 [hbm4b:s4+s1], $0x100, $0x38;
	[tilespmem:$0xDA80] =	vst v63  }
0x75: {  	_ =	swait.ge @p0 [sflag:s0], $0x100  }
0x76: {  	[sflag:s0] =	ssyncset.done @p0 $0x0  }
0x77: {  	s4 =	simm.s32 @p0 $0x400;
	[sflag:s0] =	ssyncadd.s32 @p0 $0xFFFFFF00;
	s0 =	simm.s32 @p0 $0x100  }
0x78: {  	[tilespmem:s4], [sflag:$0x1] =	stream.indirect.gather @p0 [hbm4b:s5+s0], $0x30, s1, s0, $0xb8;
	[tilespmem:$0xDA80] =	vst v63  }
0x79: {  	s0 =	simm.s32 @!p0 $0x3  }
0x7a: {  	_ =	swait.ge @!p0 [sflag:s0], $0x3000  }
0x7b: {  	[sflag:s0] =	ssyncset.done @!p0 $0x0  }
0x7c: {  	[sflag:s0] =	ssyncadd.s32 @!p0 $0xFFFFD000  }
0x7d: {  	_ =	swait.ge [sflag:s25], $0x3000  }
0x7e: {  	p0 =	slt.u32 s29, s6;
	[sflag:s25] =	ssyncset.done $0x0  }
0x7f: {  	s0 =	sadd.s32 @p0 s28, s10;
	[sflag:s25] =	ssyncadd.s32 $0xFFFFD000  }
0x80: {  	[spmem:s2] =	stream.indirect.scatter.add.f32 [tilespmem:s23], [sflag:$0x4], $0x30, s22, s21, $0xb8;
	[tilespmem:$0xDA80] =	vst v63  }
0x81: {  	s1 =	simm.s32 @p0 $0x0;
	s4 =	simm.s32 @p0 $0x100;
	s0 =	sadd.s32 @p0 $0x60, s0  }
0x82: {  	[tilespmem:s4], [sflag:$0x5] =	stream.linear.gather @p0 [hbm4b:s0+s1], $0x100, $0x38;
	[tilespmem:$0xDA80] =	vst v63  }
0x83: {  	s0 =	simm.s32 @p0 $0x5  }
0x84: {  	_ =	swait.ge @p0 [sflag:s0], $0x100  }
0x85: {  	[sflag:s0] =	ssyncset.done @p0 $0x0  }
0x86: {  	s29 =	simm.s32 @p0 $0x4;
	[sflag:s0] =	ssyncadd.s32 @p0 $0xFFFFFF00  }
0x87: {  	_ =	swait.ge @p0 [sflag:s29], $0x3000  }
0x88: {  	s28 =	sadd.s32 @p0 s28, s11;
	[sflag:s29] =	ssyncset.done @p0 $0x0  }
0x89: {  	s28 =	sadd.s32 @p0 $0x60, s28;
	[sflag:s29] =	ssyncadd.s32 @p0 $0xFFFFD000;
	s29 =	simm.s32 @p0 $0x300  }
0x8a: {  	[tilespmem:s29], [sflag:$0x5] =	stream.linear.gather @p0 [hbm4b:s28+s1], $0x100, $0x38;
	[tilespmem:$0xDA80] =	vst v63  }
0x8b: {  	_ =	swait.ge @p0 [sflag:s0], $0x100  }
0x8c: {  	[sflag:s0] =	ssyncset.done @p0 $0x0  }
0x8d: {  	[sflag:s0] =	ssyncadd.s32 @p0 $0xFFFFFF00;
	s0 =	simm.s32 @p0 $0x3400  }
0x8e: {  	[tilespmem:s0], [sflag:$0x2] =	stream.indirect.gather @p0 [hbm4b:s5+s4], $0x30, s4, s4, $0xb8;
	[tilespmem:$0xDA80] =	vst v63  }
0x8f: {  	s0 =	simm.s32 @!p0 $0x4  }
0x90: {  	_ =	swait.ge @!p0 [sflag:s0], $0x3000  }
0x91: {  	[sflag:s0] =	ssyncset.done @!p0 $0x0  }
0x92: {  	[sflag:s0] =	ssyncadd.s32 @!p0 $0xFFFFD000  }
0x93: {  	[bflag:$0x0] =	sbarrier.arrive $0xFFFF  }
0x94: {  	[tilespmem:s18], [sflag:$0x5] =	stream.linear.gather [spmem:s7], $0x3000, $0x38;
	[tilespmem:$0xDA80] =	vst v63  }
0x95: {  	_ =	swait.ge [sflag:s19], $0x3000  }
0x96: {  	[sflag:s19] =	ssyncset.done $0x0  }
0x97: {  	[sflag:s19] =	ssyncadd.s32 $0xFFFFD000  }
0x98: {  	[hbm4b:s14+s3] =	stream.linear.scatter [tilespmem:s18], [sflag:$0x5], $0x3000, $0x38;
	[tilespmem:$0xDA80] =	vst v63  }
0x99: {  	_ =	swait.ge [sflag:s19], $0x3000  }
0x9a: {  	[sflag:s19] =	ssyncset.done $0x0  }
0x9b: {  	[sflag:s19] =	ssyncadd.s32 $0xFFFFD000  }
0x9c: {  	[tilespmem:s18], [sflag:$0x5] =	stream.linear.gather [spmem:s8], $0x3000, $0x38;
	[tilespmem:$0xDA80] =	vst v63  }
0x9d: {  	_ =	swait.ge [sflag:s19], $0x3000  }
0x9e: {  	[sflag:s19] =	ssyncset.done $0x0  }
0x9f: {  	[sflag:s19] =	ssyncadd.s32 $0xFFFFD000  }
0xa0: {  	[hbm4b:s15+s3] =	stream.linear.scatter [tilespmem:s18], [sflag:$0x5], $0x3000, $0x38;
	[tilespmem:$0xDA80] =	vst v63  }
0xa1: {  	_ =	swait.ge [sflag:s19], $0x3000  }
0xa2: {  	[sflag:s19] =	ssyncset.done $0x0  }
0xa3: {  	[sflag:s19] =	ssyncadd.s32 $0xFFFFD000  }
0xa4: {  	[tilespmem:s18], [sflag:$0x5] =	stream.linear.gather [spmem:s9], $0x1680, $0x38;
	[tilespmem:$0xDA80] =	vst v63  }
0xa5: {  	s26 =	sadd.s32 $0x1, s26;
	_ =	swait.ge [sflag:s19], $0x1680  }
0xa6: {  	p0 =	sne.s32 s26, s17;
	[sflag:s19] =	ssyncset.done $0x0  }
.Ltmp1:
0xa7: {  	[sflag:s19] =	ssyncadd.s32 $0xFFFFE980;
	(pc) =	sbr.rel @p0 .LBB2_1-.Ltmp1, $4  }
0xa8: {  	[hbm4b:s16+s3] =	stream.linear.scatter [tilespmem:s18], [sflag:$0x5], $0x1680, $0x38;
	[tilespmem:$0xDA80] =	vst v63  }
0xa9: {  	_ =	swait.ge [sflag:s19], $0x1680  }
0xaa: {  	[sflag:s19] =	ssyncset.done $0x0  }
0xab: {  	[sflag:s19] =	ssyncadd.s32 $0xFFFFE980  }
0xac: {  	_ =	sfence.sel $0x180000  }
0xad: {  	[bflag:$0x0] =	sbarrier.arrive $0xFFFF  }
0xae: {  	_ =	strace $0x9000004D  }
0xaf: {  	s0 =	stileid.u32;
	[bflag:$0x2] =	sbarrier.arrive $0xFFFF  }
0xb0: {  	p0 =	sne.s32 s0, $0x0;
	s0 =	rddreg [dreg:$0x3]  }
0xb1: {  	s0 =	sadd.s32 @!p0 $0x100000, s0  }
0xb2: {  	[sflag:s0] =	ssyncadd.tile.s32 @!p0 $0x1;
	_ =	shalt  }
.Lfunc_end2:
_tile_overlayer_lowered:
.L_overlay_start_2:
0xb3: {  	(tag) =	ssettag $0x2  }
0xb4: {  	s0 =	rddreg [dreg:$0x0];
	s2 =	stileid.u32  }
0xb5: {  	s1 =	rddreg [dreg:$0x1];
	p0 =	sne.s32 s2, $0x0  }
0xb6: {  	s3 =	rddreg [dreg:$0x2];
	[bflag:$0x3] =	sbarrier.arrive $0xFFFF;
	s2 =	simm.s32 @!p0 $0x1C05  }
0xb7: {  	[timem:s3], [sflag:s2] =	dma.local @!p0 [hbm:s0], s1  }
0xb8: {  	s0 =	simm.s32 @!p0 $0x5  }
0xb9: {  	_ =	swait.ge @!p0 [sflag:s0], s1  }
0xba: {  	s1 =	ssub.s32 @!p0 $0x0, s1;
	[sflag:s0] =	ssyncset.done @!p0 $0x0  }
0xbb: {  	[sflag:s0] =	ssyncadd.s32 @!p0 s1  }
0xbc: {  	[bflag:$0x3] =	sbarrier.arrive $0xFFFF  }
0xbd: {  	_ =	shalt  }

// kernel: kernel.8.cloned.1.call-start
scs
__scs_entry_jumppad:
0x0: {  	(pc) =	sbr.rel $0x88, $3  }
0x1: {  	(tag) =	ssettag $0x0;
	lr =	simm.s32 $0x1  }
0x2: {  	[smem:$0x3F91] =	sst lr;
	_ =	strace $0xD0000000  }
0x3: {  	_ = 	snop  }
0x4: {  	_ = 	snop  }
0x5: {  	_ = 	snop  }
0x6: {  	_ = 	snop  }
0x7: {  	_ = 	snop  }
__scs_overlays_trampoline_lowered:
0x8: {  	[smem:$0x3FA0] =	sst s0  }
0x9: {  	[smem:$0x3FA1] =	sst s1  }
0xa: {  	[smem:$0x3FA2] =	sst s2  }
0xb: {  	[smem:$0x3FA3] =	sst s3  }
0xc: {  	[smem:$0x3FA4] =	sst s4  }
0xd: {  	[smem:$0x3FA5] =	sst s5  }
0xe: {  	[smem:$0x3FA6] =	sst s6  }
0xf: {  	[smem:$0x3FA7] =	sst s7  }
0x10: {  	[smem:$0x3FA8] =	sst s8  }
0x11: {  	[smem:$0x3FA9] =	sst s9;
	s0 =	simm.s32 @!p0 $0x0  }
0x12: {  	s1 =	sld [smem:$0x3F8F];
	s0 =	simm.s32 @p0 $0x1  }
0x13: {  	[smem:$0x3FAA] =	sst s0;
	s0 =	simm.s32 @!p1 $0x0  }
0x14: {  	s2 =	sld [smem:$0x3F8E];
	s0 =	simm.s32 @p1 $0x1  }
0x15: {  	[smem:$0x3FAB] =	sst s0;
	s0 =	simm.s32 @!p2 $0x0  }
0x16: {  	s3 =	sld [smem:$0x3FDB];
	s0 =	simm.s32 @p2 $0x1  }
0x17: {  	s4 =	simm.s32 $0x1BF5;
	[smem:$0x3FAD] =	sst s0  }
0x18: {  	s0 =	sld [smem:$0x3F90];
	_ =	swait.ge [sflag:s4], $0x0  }
0x19: {  	s7 =	sld [smem:$0x3F91]  }
0x1a: {  	s8 =	sadd.s32 $0xFFFFE003, lr  }
0x1b: {  	s9 =	sadd.s32 $0xFFFFFEF7, lr;
	s5 =	simm.s32 $0xFFFFFFFF;
	p2 =	slt.u32 s8, $0xFFFFF086  }
0x1c: {  	p1 =	slt.u32 s9, $0xF7A;
	s5 =	simm.s32 @!p2 $0x0  }
0x1d: {  	s5 =	simm.s32 @p1 $0x1;
	p0 =	seq.s32 s7, s2  }
0x1e: {  	s7 =	smul.u32 @!p0 $0xF7A, s2;
	p2 =	seq.s32 @!p0 s5, $0x0  }
0x1f: {  	s9 =	smul.u32 $0xF7A, s1;
	s8 =	simm.s32 @!p0 $0x1BF5;
	p2 =	por !p2, p0  }
0x20: {  	[sflag:s8] =	ssyncset.s32 @!p0 $0xFFFFF086;
	s6 =	sadd.s32 @!p0 s3, s7;
	s7 =	simm.s32 @!p0 $0x108  }
0x21: {  	s3 =	sadd.s32 s3, s9;
	s6 =	sadd.s32 @!p0 $0x88, s6;
	s7 =	simm.s32 @p2 $0x1082  }
0x22: {  	[simem:s7], [sflag:s8] =	dma.local @!p0 [hbm:s6], $0xF7A  }
0x23: {  	s9 =	sor.u32 $0xD0000000, s2;
	s6 =	simm.s32 $0x108;
	_ =	swait.ge @!p0 [sflag:s8], $0x0  }
0x24: {  	s3 =	sadd.s32 $0x88, s3;
	s6 =	simm.s32 @!p1 $0x1082;
	[sflag:s4] =	ssyncset.s32 $0xFFFFF086  }
0x25: {  	[simem:s6], [sflag:s4] =	dma.local [hbm:s3], $0xF7A  }
0x26: {  	[smem:$0x3F91] =	sst s1;
	(tag) =	ssettag s2;
	_ =	strace s9  }
0x27: {  	s1 =	sld [smem:$0x3FA1]  }
0x28: {  	s2 =	sld [smem:$0x3FA2]  }
0x29: {  	s4 =	sld [smem:$0x3FA4]  }
0x2a: {  	p0 =	seq.s32 s5, $0x0;
	s5 =	sld [smem:$0x3FA5]  }
0x2b: {  	s6 =	sld [smem:$0x3FA6]  }
0x2c: {  	s7 =	sld [smem:$0x3FA7]  }
0x2d: {  	s3 =	simm.s32 $0x108;
	s8 =	sld [smem:$0x3FA8]  }
0x2e: {  	s3 =	simm.s32 @!p0 $0x1082;
	s9 =	sld [smem:$0x3FA9]  }
0x2f: {  	lr =	sadd.s32 s0, s3;
	s0 =	sld [smem:$0x3FA0]  }
0x30: {  	s3 =	sld [smem:$0x3FA3]  }
0x31: {  	[smem:$0x3FAC] =	sst s10  }
0x32: {  	s10 =	sld [smem:$0x3FAA];
	_ =	sdelay $0x3  }
0x33: {  	p0 =	seq.s32 s10, $0x1;
	s10 =	sld [smem:$0x3FAC];
	_ =	sdelay $0x3  }
0x34: {  	[smem:$0x3FAC] =	sst s10  }
0x35: {  	s10 =	sld [smem:$0x3FAB];
	_ =	sdelay $0x3  }
0x36: {  	p1 =	seq.s32 s10, $0x1;
	s10 =	sld [smem:$0x3FAC];
	_ =	sdelay $0x3  }
0x37: {  	[smem:$0x3FAC] =	sst s10  }
0x38: {  	s10 =	sld [smem:$0x3FAD]  }
0x39: {  	_ = 	snop;
	(pc) =	sbr.ind lr, $3  }
0x3a: {  	_ = 	snop  }
0x3b: {  	_ = 	snop  }
0x3c: {  	p2 =	seq.s32 s10, $0x1;
	s10 =	sld [smem:$0x3FAC]  }
0x3d: {  	_ =	shalt  }
0x3e: {  	_ =	shalt  }
0x3f: {  	_ =	shalt  }
0x40: {  	_ =	shalt  }
0x41: {  	_ =	shalt  }
0x42: {  	_ =	shalt  }
0x43: {  	_ =	shalt  }
0x44: {  	_ =	shalt  }
0x45: {  	_ =	shalt  }
0x46: {  	_ =	shalt  }
0x47: {  	_ =	shalt  }
0x48: {  	_ =	shalt  }
0x49: {  	_ =	shalt  }
0x4a: {  	_ =	shalt  }
0x4b: {  	_ =	shalt  }
0x4c: {  	_ =	shalt  }
0x4d: {  	_ =	shalt  }
0x4e: {  	_ =	shalt  }
0x4f: {  	_ =	shalt  }
0x50: {  	_ =	shalt  }
0x51: {  	_ =	shalt  }
0x52: {  	_ =	shalt  }
0x53: {  	_ =	shalt  }
0x54: {  	_ =	shalt  }
0x55: {  	_ =	shalt  }
0x56: {  	_ =	shalt  }
0x57: {  	_ =	shalt  }
0x58: {  	_ =	shalt  }
0x59: {  	_ =	shalt  }
0x5a: {  	_ =	shalt  }
0x5b: {  	_ =	shalt  }
0x5c: {  	_ =	shalt  }
0x5d: {  	_ =	shalt  }
0x5e: {  	_ =	shalt  }
0x5f: {  	_ =	shalt  }
0x60: {  	_ =	shalt  }
0x61: {  	_ =	shalt  }
0x62: {  	_ =	shalt  }
0x63: {  	_ =	shalt  }
0x64: {  	_ =	shalt  }
0x65: {  	_ =	shalt  }
0x66: {  	_ =	shalt  }
0x67: {  	_ =	shalt  }
0x68: {  	_ =	shalt  }
0x69: {  	_ =	shalt  }
0x6a: {  	_ =	shalt  }
0x6b: {  	_ =	shalt  }
0x6c: {  	_ =	shalt  }
0x6d: {  	_ =	shalt  }
0x6e: {  	_ =	shalt  }
0x6f: {  	_ =	shalt  }
0x70: {  	_ =	shalt  }
0x71: {  	_ =	shalt  }
0x72: {  	_ =	shalt  }
0x73: {  	_ =	shalt  }
0x74: {  	_ =	shalt  }
0x75: {  	_ =	shalt  }
0x76: {  	_ =	shalt  }
0x77: {  	_ =	shalt  }
0x78: {  	_ =	shalt  }
0x79: {  	_ =	shalt  }
0x7a: {  	_ =	shalt  }
0x7b: {  	_ =	shalt  }
0x7c: {  	_ =	shalt  }
0x7d: {  	_ =	shalt  }
0x7e: {  	_ =	shalt  }
0x7f: {  	_ =	shalt  }
0x80: {  	_ =	shalt  }
0x81: {  	_ =	shalt  }
0x82: {  	_ =	shalt  }
0x83: {  	_ =	shalt  }
0x84: {  	_ =	shalt  }
0x85: {  	_ =	shalt  }
0x86: {  	_ =	shalt  }
0x87: {  	_ =	shalt  }
.Lfunc_end0:
.L_simem_size_0:
called_computation_lowered:
.L_overlay_start_0:
0x88: {  	s2 =	sld [smem:$0x3FD9]  }
0x89: {  	s3 =	sld [smem:$0x3FFE];
	_ =	sdelay $0x1  }
0x8a: {  	s1 =	srdreg.scid  }
0x8b: {  	s0 =	sand.u32 $0x1, s1  }
0x8c: {  	s14 =	sshll.u32 s0, $0xA;
	s2 =	sadd.s32 s3, s2  }
0x8d: {  	s2 =	sadd.s32 s2, s14  }
0x8e: {  	[smem:$0x3FB8] =	sst s2  }
0x8f: {  	_ = 	snop  }
0x90: {  	s2 =	sld [smem:$0x3FD0];
	_ =	sdelay $0x2  }
0x91: {  	s4 =	simm.s32 $0xA;
	s5 =	simm.s32 $0x10;
	s15 =	sld [smem:$0x3FC9]  }
0x92: {  	[smem:s5], [sflag:s4] =	dma.local [hbm:s2], $0x1  }
0x93: {  	_ =	swait.eq [sflag:s4], $0x1  }
0x94: {  	s16 =	sld [smem:$0x10]  }
0x95: {  	s17 =	sld [smem:$0x11];
	[sflag:s4] =	ssyncset.done $0x0  }
0x96: {  	s6 =	sld [smem:$0x12];
	[sflag:s4] =	ssyncadd.s32 $0xFFFFFFFF  }
0x97: {  	s18 =	sld [smem:$0x13];
	(tm) =	ssettm $0x1  }
0x98: {  	s7 =	sld [smem:$0x3FFB];
	_ =	sdelay $0x3  }
0x99: {  	_ =	strace s7  }
0x9a: {  	s7 =	sld [smem:$0x3FFC];
	_ =	sdelay $0x3  }
0x9b: {  	_ =	strace s7  }
0x9c: {  	s7 =	sld [smem:$0x3FFD];
	_ =	sdelay $0x3  }
0x9d: {  	_ =	strace s7  }
0x9e: {  	_ =	strace $0x8FFFFFFF  }
0x9f: {  	s19 =	sld [smem:$0x3FDB];
	_ =	sdelay $0x1  }
0xa0: {  	s8 =	simm.s32 $_scs_section_size  }
0xa1: {  	s9 =	simm.s32 $_size__tile_overlayer_lowered;
	s10 =	simm.s32 $_tile_overlayer_lowered  }
0xa2: {  	s22 =	simm.s32 $0x1BFF;
	s21 =	sshll.u32 s10, $0x1;
	s7 =	sadd.s32 s8, s19  }
0xa3: {  	s11 =	simm.s32 $0x0;
	s20 =	sshll.u32 s9, $0x1;
	s9 =	sadd.s32 s21, s7  }
0xa4: {  	[timem:s11], [sflag:s22] =	dma.local [hbm:s9], s20  }
0xa5: {  	_ =	swait.ge [sflag:s22], s20  }
0xa6: {  	s8 =	ssub.s32 $0x0, s20;
	[sflag:s22] =	ssyncset.done $0x0  }
0xa7: {  	[sflag:s22] =	ssyncadd.s32 s8;
	_ =	sdelay $0x1  }
0xa8: {  	s23 =	simm.s32 $0x1B8B  }
0xa9: {  	_ =	swait.ge [sflag:s23], $0x1  }
0xaa: {  	[sflag:s23] =	ssyncset.done $0x0  }
0xab: {  	s25 =	simm.s32 $0x1B8E;
	s24 =	sld [smem:$0x3FFE];
	[sflag:s23] =	ssyncadd.s32 $0xFFFFFFFF  }
0xac: {  	s26 =	simm.s32 $execute0_lowered;
	[smem:$0x3FD2] =	sst s25  }
0xad: {  	s9 =	sshll.u32 s26, $0x1;
	_ =	strace $0x80000046;
	[dreg:$0x1] =	wrdreg $0xFFFFFFFF  }
0xae: {  	s28 =	simm.s32 $_size_execute0_lowered;
	s7 =	sadd.s32 s7, s9;
	[dreg:$0x0] =	wrdreg $0x0  }
0xaf: {  	s9 =	sshll.u32 s28, $0x1;
	[dreg:$0x2] =	wrdreg s7  }
0xb0: {  	[dreg:$0x3] =	wrdreg s9  }
0xb1: {  	[dreg:$0x4] =	wrdreg $0xC0  }
0xb2: {  	_ =	task [dreg:s11], $0x5FFFF  }
0xb3: {  	[dreg:$0x1] =	wrdreg $0xFFFFFFFF  }
0xb4: {  	[dreg:$0x0] =	wrdreg $0x60  }
0xb5: {  	[dreg:$0x2] =	wrdreg s15  }
0xb6: {  	[dreg:$0x3] =	wrdreg s24  }
0xb7: {  	[dreg:$0x4] =	wrdreg s16  }
0xb8: {  	[dreg:$0x5] =	wrdreg s18  }
0xb9: {  	[dreg:$0x6] =	wrdreg s6  }
0xba: {  	[dreg:$0x7] =	wrdreg s17  }
0xbb: {  	[dreg:$0x8] =	wrdreg $0x86000  }
0xbc: {  	[dreg:$0x9] =	wrdreg $0x1C2000  }
0xbd: {  	[dreg:$0xa] =	wrdreg $0x9  }
0xbe: {  	_ =	task.clear_ibuf [dreg:s11], $0xBFFFF;
	_ =	strace $0x90000046  }
0xbf: {  	s29 =	simm.s32 $0x9;
	_ =	strace $0x80000048  }
0xc0: {  	_ =	swait.ge [sflag:s29], $0x1  }
0xc1: {  	[sflag:s29] =	ssyncadd.s32 $0xFFFFFFFF  }
0xc2: {  	_ =	strace $0x90000048  }
0xc3: {  	_ =	sfence  }
0xc4: {  	s30 =	sld [smem:$0x0];
	_ =	sdelay $0x2  }
0xc5: {  	s31 =	sshll.u32 s1, $0xD;
	s1 =	sshrl.u32 s1, $0x2  }
0xc6: {  	s3 =	sand.u32 $0x4000, s31;
	s1 =	sadd.s32 s1, s30  }
0xc7: {  	s0 =	sor.u32 s3, s0;
	s1 =	sshll.u32 s1, $0x11  }
0xc8: {  	s0 =	sor.u32 s1, s0  }
0xc9: {  	s0 =	sadd.s32 $0x8F2B, s0  }
0xca: {  	[sflag:s0] =	ssyncadd.remote.s32 $0x1  }
0xcb: {  	_ =	sfence.sel $0xFFFF  }
0xcc: {  	[dreg:$0x0] =	wrdreg $0xFFFFFFFF;
	(pc) =	sbr.abs _section_cstart, $3  }
0xcd: {  	[dreg:$0x1] =	wrdreg $0xFFFFFFFF  }
0xce: {  	_ =	task.clear_ibuf [dreg:s11], $0x2FFFF;
	_ =	strace $0x9FFFFFFF  }
0xcf: {  	(tm) =	ssettm $0x7FFFFFFF  }
tec
execute0_lowered:
.L_overlay_start_1:
0x0: {  	(tag) =	ssettag $0x1  }
0x1: {  	s0 =	rddreg [dreg:$0x0]  }
0x2: {  	s1 =	rddreg [dreg:$0x1]  }
0x3: {  	s2 =	rddreg [dreg:$0x5]  }
0x4: {  	s5 =	rddreg [dreg:$0x6]  }
0x5: {  	s6 =	rddreg [dreg:$0x7];
	s7 =	simm.s32 $0x0;
	s18 =	stileid.u32  }
0x6: {  	s3 =	srdreg.scid;
	s4 =	sadd.s32 $0xE400, s1;
	s8 =	smul.u32 $0x30, s18  }
0x7: {  	s3 =	sand.u32 $0x1, s3;
	s10 =	sadd.s32 $0x4400, s1;
	s11 =	smul.u32 $0x70, s18  }
0x8: {  	s12 =	smul.u32 $0x278, s18;
	s1 =	sadd.s32 $0x18400, s1;
	s9 =	ssub.s32 $0x2, s3  }
0x9: {  	p0 =	seq.s32 s3, $0x0;
	s3 =	smul.u32 $0x2780, s3;
	s8 =	sadd.s32 $0x700, s8  }
0xa: {  	[smem:$0x7FF] =	sst s7;
	s13 =	sshrl.u32 s9, $0x1;
	s8 =	smov.u32 @p0 s11  }
0xb: {  	s11 =	ssub.s32 s9, s13;
	s3 =	sadd.s32 s12, s3;
	s29 =	sshll.u32 s8, $0x4  }
0xc: {  	s31 =	sadd.s32 $0x80, s3;
	s17 =	sshll.u32 s3, $0x4;
	s21 =	sadd.s32 $0x100, s3  }
0xd: {  	s14 =	sadd.s32 $0x180, s3;
	s15 =	sadd.s32 $0x200, s3;
	s24 =	sadd.s32 s2, s3  }
0xe: {  	s3 =	simm.s32 $0x200;
	s8 =	sadd.s32 s4, s29;
	s30 =	sor.u32 $0x10, s29  }
0xf: {  	s9 =	sadd.s32 s10, s29;
	s19 =	sshll.u32 s31, $0x4;
	s22 =	sshll.u32 s21, $0x4  }
0x10: {  	s23 =	sshll.u32 s14, $0x4;
	[dreg:$0x11] =	wrdreg s24;
	s25 =	sadd.s32 s2, s31  }
0x11: {  	s16 =	sshll.u32 s15, $0x4;
	s26 =	sadd.s32 s2, s21;
	[dreg:$0x12] =	wrdreg s25  }
0x12: {  	s29 =	smul.u32 $0x4F000, s18;
	s4 =	sadd.s32 s4, s30;
	[dreg:$0x13] =	wrdreg s26  }
0x13: {  	s31 =	smul.u32 $0x4F00, s18;
	s10 =	sadd.s32 s10, s30;
	[dreg:$0xa] =	wrdreg s4  }
0x14: {  	s20 =	sadd.s32 s1, s19;
	s13 =	sadd.s32 s1, s22;
	[dreg:$0xb] =	wrdreg s10  }
0x15: {  	s30 =	sadd.s32 s2, s14;
	s2 =	sadd.s32 s2, s15;
	[dreg:$0xd] =	wrdreg s20  }
0x16: {  	s15 =	sadd.s32 $0x100, s12;
	s19 =	sadd.s32 $0x180, s12;
	[dreg:$0xe] =	wrdreg s13  }
0x17: {  	s10 =	sadd.s32 s1, s17;
	s13 =	sadd.s32 s1, s23;
	[dreg:$0x14] =	wrdreg s30  }
0x18: {  	s1 =	sadd.s32 s1, s16;
	s17 =	simm.s32 $0x70;
	[dreg:$0x15] =	wrdreg s2  }
0x19: {  	s16 =	sshll.u32 s15, $0x7;
	s18 =	sshll.u32 s15, $0x3;
	[dreg:$0xc] =	wrdreg s10  }
0x1a: {  	s20 =	sadd.s32 $0x200, s12;
	s2 =	sshll.u32 s19, $0x3;
	[dreg:$0xf] =	wrdreg s13  }
0x1b: {  	s15 =	simm.s32 $0x4200;
	[dreg:$0x10] =	wrdreg s1;
	s17 =	simm.s32 @!p0 $0x30  }
0x1c: {  	s1 =	sshrl.u32 s29, $0x2;
	s10 =	sshrl.u32 s31, $0x2;
	s13 =	sadd.s32 $0x80, s12  }
0x1d: {  	s25 =	sadd.s32 s16, s5;
	s26 =	sadd.s32 s18, s6;
	s29 =	sshll.u32 s19, $0x7  }
0x1e: {  	s30 =	sshll.u32 s20, $0x7;
	s18 =	sadd.s32 s2, s6;
	s31 =	smax.u32 s11, $0x1  }
0x1f: {  	s11 =	simm.s32 $0x8200;
	s12 =	simm.s32 $0x100;
	s16 =	simm.s32 $0x1  }
0x20: {  	s19 =	simm.s32 $0x2;
	_ =	strace $0x80000047;
	s4 =	sshll.u32 s17, $0x4  }
0x21: {  	s21 =	sadd.s32 s1, s5;
	s22 =	sadd.s32 s10, s6;
	[dreg:$0x1b] =	wrdreg s31  }
0x22: {  	s14 =	sshll.u32 s13, $0x7;
	s1 =	sshll.u32 s13, $0x3;
	[dreg:$0x16] =	wrdreg s18  }
0x23: {  	s28 =	sadd.s32 s30, s5;
	s10 =	simm.s32 $0x5;
	[dreg:$0x9] =	wrdreg s4  }
0x24: {  	s13 =	simm.s32 $0x80;
	s4 =	sadd.s32 s29, s5;
	[dreg:$0x17] =	wrdreg s28  }
0x25: {  	s24 =	sadd.s32 s1, s6;
	s1 =	sshll.u32 s20, $0x3;
	[dreg:$0x18] =	wrdreg s4  }
0x26: {  	s23 =	sadd.s32 s14, s5;
	s1 =	sadd.s32 s1, s6;
	[dreg:$0x1a] =	wrdreg s24  }
0x27: {  	s14 =	simm.s32 $0x180;
	s20 =	simm.s32 $0x0;
	[dreg:$0x19] =	wrdreg s1  }
.LBB2_1:
0x28: {  	s2 =	rddreg [dreg:$0x2]  }
0x29: {  	[tilespmem:s3], [sflag:$0x5] =	stream.linear.gather [hbm4b:s2+s7], $0x4000, $0x38;
	[tilespmem:$0x1D5C0] =	vst v63  }
0x2a: {  	_ =	swait.ge [sflag:s10], $0x4000  }
0x2b: {  	[sflag:s10] =	ssyncset.done $0x0  }
0x2c: {  	[sflag:s10] =	ssyncadd.s32 $0xFFFFC000  }
0x2d: {  	s2 =	rddreg [dreg:$0x3]  }
0x2e: {  	[tilespmem:s11], [sflag:$0x5] =	stream.linear.gather [hbm4b:s2+s7], $0x400, $0x38;
	[tilespmem:$0x1D5C0] =	vst v63  }
0x2f: {  	_ =	swait.ge [sflag:s10], $0x400  }
0x30: {  	[sflag:s10] =	ssyncset.done $0x0  }
0x31: {  	[sflag:s10] =	ssyncadd.s32 $0xFFFFFC00  }
0x32: {  	[spmem:s21] =	stream.linear.scatter [tilespmem:s3], [sflag:$0x5], $0x4000, $0x38;
	[tilespmem:$0x1D5C0] =	vst v63  }
0x33: {  	_ =	swait.ge [sflag:s10], $0x4000  }
0x34: {  	[sflag:s10] =	ssyncset.done $0x0  }
0x35: {  	[sflag:s10] =	ssyncadd.s32 $0xFFFFC000  }
0x36: {  	[spmem:s22] =	stream.linear.scatter [tilespmem:s11], [sflag:$0x5], $0x400, $0x38;
	[tilespmem:$0x1D5C0] =	vst v63  }
0x37: {  	_ =	swait.ge [sflag:s10], $0x400  }
0x38: {  	[sflag:s10] =	ssyncset.done $0x0  }
0x39: {  	[sflag:s10] =	ssyncadd.s32 $0xFFFFFC00  }
0x3a: {  	[spmem:s23] =	stream.linear.scatter [tilespmem:s3], [sflag:$0x5], $0x4000, $0x38;
	[tilespmem:$0x1D5C0] =	vst v63  }
0x3b: {  	_ =	swait.ge [sflag:s10], $0x4000  }
0x3c: {  	[sflag:s10] =	ssyncset.done $0x0  }
0x3d: {  	[sflag:s10] =	ssyncadd.s32 $0xFFFFC000  }
0x3e: {  	[spmem:s24] =	stream.linear.scatter [tilespmem:s11], [sflag:$0x5], $0x400, $0x38;
	[tilespmem:$0x1D5C0] =	vst v63  }
0x3f: {  	_ =	swait.ge [sflag:s10], $0x400  }
0x40: {  	[sflag:s10] =	ssyncset.done $0x0  }
0x41: {  	[sflag:s10] =	ssyncadd.s32 $0xFFFFFC00  }
0x42: {  	[spmem:s25] =	stream.linear.scatter [tilespmem:s3], [sflag:$0x5], $0x4000, $0x38;
	[tilespmem:$0x1D5C0] =	vst v63  }
0x43: {  	_ =	swait.ge [sflag:s10], $0x4000  }
0x44: {  	[sflag:s10] =	ssyncset.done $0x0  }
0x45: {  	[sflag:s10] =	ssyncadd.s32 $0xFFFFC000  }
0x46: {  	[spmem:s26] =	stream.linear.scatter [tilespmem:s11], [sflag:$0x5], $0x400, $0x38;
	[tilespmem:$0x1D5C0] =	vst v63  }
0x47: {  	_ =	swait.ge [sflag:s10], $0x400  }
0x48: {  	[sflag:s10] =	ssyncset.done $0x0  }
0x49: {  	s24 =	smov.u32 s4;
	[sflag:s10] =	ssyncadd.s32 $0xFFFFFC00  }
0x4a: {  	[spmem:s24] =	stream.linear.scatter [tilespmem:s3], [sflag:$0x5], $0x4000, $0x38;
	[tilespmem:$0x1D5C0] =	vst v63  }
0x4b: {  	_ =	swait.ge [sflag:s10], $0x4000  }
0x4c: {  	[sflag:s10] =	ssyncset.done $0x0  }
0x4d: {  	s30 =	smov.u32 s23;
	s23 =	smov.u32 s18;
	[sflag:s10] =	ssyncadd.s32 $0xFFFFC000  }
0x4e: {  	[spmem:s23] =	stream.linear.scatter [tilespmem:s11], [sflag:$0x5], $0x400, $0x38;
	[tilespmem:$0x1D5C0] =	vst v63  }
0x4f: {  	_ =	swait.ge [sflag:s10], $0x400  }
0x50: {  	[sflag:s10] =	ssyncset.done $0x0  }
0x51: {  	[sflag:s10] =	ssyncadd.s32 $0xFFFFFC00  }
0x52: {  	[spmem:s28] =	stream.linear.scatter [tilespmem:s3], [sflag:$0x5], $0x3C00, $0x38;
	[tilespmem:$0x1D5C0] =	vst v63  }
0x53: {  	_ =	swait.ge [sflag:s10], $0x3C00  }
0x54: {  	[sflag:s10] =	ssyncset.done $0x0  }
0x55: {  	[sflag:s10] =	ssyncadd.s32 $0xFFFFC400  }
0x56: {  	[spmem:s1] =	stream.linear.scatter [tilespmem:s11], [sflag:$0x5], $0x3C0, $0x38;
	[tilespmem:$0x1D5C0] =	vst v63  }
0x57: {  	_ =	swait.ge [sflag:s10], $0x3C0  }
0x58: {  	[sflag:s10] =	ssyncset.done $0x0  }
0x59: {  	[sflag:s10] =	ssyncadd.s32 $0xFFFFFC40  }
0x5a: {  	s18 =	smov.u32 s25;
	s25 =	rddreg [dreg:$0x4]  }
0x5b: {  	[tilespmem:s11], [sflag:$0x5] =	stream.linear.gather [hbm4b:s25+s7], $0x400, $0x38;
	[tilespmem:$0x1D5C0] =	vst v63  }
0x5c: {  	_ =	swait.ge [sflag:s10], $0x400  }
0x5d: {  	[sflag:s10] =	ssyncset.done $0x0  }
0x5e: {  	[sflag:s10] =	ssyncadd.s32 $0xFFFFFC00  }
0x5f: {  	[bflag:$0x0] =	sbarrier.arrive $0xFFFF  }
0x60: {  	[tilespmem:s7], [sflag:$0x5] =	stream.linear.gather [hbm4b:s8+s7], $0x80, $0x38;
	[tilespmem:$0x1D5C0] =	vst v63  }
0x61: {  	_ =	swait.ge [sflag:s10], $0x80  }
0x62: {  	[sflag:s10] =	ssyncset.done $0x0  }
0x63: {  	[sflag:s10] =	ssyncadd.s32 $0xFFFFFF80  }
0x64: {  	[tilespmem:s12], [sflag:$0x5] =	stream.linear.gather [hbm4b:s9+s7], $0x80, $0x38;
	[tilespmem:$0x1D5C0] =	vst v63  }
0x65: {  	_ =	swait.ge [sflag:s10], $0x80  }
0x66: {  	[sflag:s10] =	ssyncset.done $0x0  }
0x67: {  	[sflag:s10] =	ssyncadd.s32 $0xFFFFFF80  }
0x68: {  	[tilespmem:s3], [sflag:$0x1] =	stream.indirect.gather [hbm4b:s0+s13], $0x80, s7, s13, $0xb8;
	[tilespmem:$0x1D5C0] =	vst v63  }
0x69: {  	s4 =	smov.u32 s26;
	s26 =	rddreg [dreg:$0xa]  }
0x6a: {  	[tilespmem:s13], [sflag:$0x5] =	stream.linear.gather [hbm4b:s26+s7], $0x80, $0x38;
	[tilespmem:$0x1D5C0] =	vst v63  }
0x6b: {  	_ =	swait.ge [sflag:s10], $0x80  }
0x6c: {  	[sflag:s10] =	ssyncset.done $0x0  }
0x6d: {  	s28 =	rddreg [dreg:$0xb];
	[sflag:s10] =	ssyncadd.s32 $0xFFFFFF80  }
0x6e: {  	[tilespmem:s14], [sflag:$0x5] =	stream.linear.gather [hbm4b:s28+s7], $0x80, $0x38;
	[tilespmem:$0x1D5C0] =	vst v63  }
0x6f: {  	_ =	swait.ge [sflag:s10], $0x80  }
0x70: {  	s31 =	smov.u32 s21;
	s29 =	smov.u32 s22;
	[sflag:s10] =	ssyncset.done $0x0  }
0x71: {  	s21 =	simm.s32 $0x2;
	s22 =	simm.s32 $0x0;
	[sflag:s10] =	ssyncadd.s32 $0xFFFFFF80  }
0x72: {  	[tilespmem:s15], [sflag:$0x2] =	stream.indirect.gather [hbm4b:s0+s13], $0x80, s13, s13, $0xb8;
	[tilespmem:$0x1D5C0] =	vst v63  }
.LBB2_2:
0x73: {  	_ =	swait.ge [sflag:s16], $0x4000  }
0x74: {  	[sflag:s16] =	ssyncset.done $0x0  }
0x75: {  	p0 =	sge.u32 s21, s17;
	[sflag:s16] =	ssyncadd.s32 $0xFFFFC000  }
0x76: {  	[spmem:s5] =	stream.indirect.scatter.add.f32 [tilespmem:s3], [sflag:$0x3], $0x80, s12, s13, $0xb8;
	[tilespmem:$0x1D5C0] =	vst v63  }
0x77: {  	s23 =	simm.s32 @p0 $0x3  }
0x78: {  	[spmem:s6] =	stream.indirect.scatter.add.f32 [tilespmem:s11], [sflag:$0x3], $0x8, s12, s13, $0xb8;
	[tilespmem:$0x1D5C0] =	vst v63  }
0x79: {  	_ =	swait.ge @p0 [sflag:s23], $0x4000  }
0x7a: {  	[sflag:s23] =	ssyncset.done @p0 $0x0  }
0x7b: {  	[sflag:s23] =	ssyncadd.s32 @p0 $0xFFFFC000  }
0x7c: {  	_ =	swait.ge @p0 [sflag:s23], $0x400  }
0x7d: {  	s2 =	sadd.s32 @!p0 s22, s8;
	[sflag:s23] =	ssyncset.done @p0 $0x0  }
0x7e: {  	s2 =	sadd.s32 @!p0 $0x20, s2;
	[sflag:s23] =	ssyncadd.s32 @p0 $0xFFFFFC00;
	s23 =	simm.s32 @!p0 $0x0  }
0x7f: {  	[tilespmem:s23], [sflag:$0x5] =	stream.linear.gather @!p0 [hbm4b:s2+s23], $0x80, $0x38;
	[tilespmem:$0x1D5C0] =	vst v63  }
0x80: {  	s2 =	simm.s32 @!p0 $0x5  }
0x81: {  	_ =	swait.ge @!p0 [sflag:s2], $0x80  }
0x82: {  	[sflag:s2] =	ssyncset.done @!p0 $0x0  }
0x83: {  	s24 =	simm.s32 @!p0 $0x3;
	[sflag:s2] =	ssyncadd.s32 @!p0 $0xFFFFFF80  }
0x84: {  	_ =	swait.ge @!p0 [sflag:s24], $0x4000  }
0x85: {  	[sflag:s24] =	ssyncset.done @!p0 $0x0  }
0x86: {  	[sflag:s24] =	ssyncadd.s32 @!p0 $0xFFFFC000  }
0x87: {  	_ =	swait.ge @!p0 [sflag:s24], $0x400  }
0x88: {  	s25 =	sadd.s32 @!p0 s22, s9;
	[sflag:s24] =	ssyncset.done @!p0 $0x0  }
0x89: {  	[sflag:s24] =	ssyncadd.s32 @!p0 $0xFFFFFC00;
	s24 =	sadd.s32 @!p0 $0x20, s25;
	s25 =	simm.s32 @!p0 $0x100  }
0x8a: {  	[tilespmem:s25], [sflag:$0x5] =	stream.linear.gather @!p0 [hbm4b:s24+s23], $0x80, $0x38;
	[tilespmem:$0x1D5C0] =	vst v63  }
0x8b: {  	_ =	swait.ge @!p0 [sflag:s2], $0x80  }
0x8c: {  	[sflag:s2] =	ssyncset.done @!p0 $0x0  }
0x8d: {  	s24 =	simm.s32 @!p0 $0x200;
	[sflag:s2] =	ssyncadd.s32 @!p0 $0xFFFFFF80;
	s2 =	simm.s32 @!p0 $0x80  }
0x8e: {  	[tilespmem:s24], [sflag:$0x1] =	stream.indirect.gather @!p0 [hbm4b:s0+s2], $0x80, s23, s2, $0xb8;
	[tilespmem:$0x1D5C0] =	vst v63  }
0x8f: {  	_ =	swait.ge [sflag:s19], $0x4000  }
0x90: {  	s26 =	sadd.s32 $0x1, s21;
	[sflag:s19] =	ssyncset.done $0x0  }
0x91: {  	p0 =	sge.u32 s26, s17;
	[sflag:s19] =	ssyncadd.s32 $0xFFFFC000  }
0x92: {  	[spmem:s5] =	stream.indirect.scatter.add.f32 [tilespmem:s15], [sflag:$0x4], $0x80, s14, s13, $0xb8;
	[tilespmem:$0x1D5C0] =	vst v63  }
0x93: {  	s2 =	simm.s32 @p0 $0x4  }
0x94: {  	[spmem:s6] =	stream.indirect.scatter.add.f32 [tilespmem:s11], [sflag:$0x4], $0x8, s14, s13, $0xb8;
	[tilespmem:$0x1D5C0] =	vst v63  }
0x95: {  	_ =	swait.ge @p0 [sflag:s2], $0x4000  }
0x96: {  	[sflag:s2] =	ssyncset.done @p0 $0x0  }
0x97: {  	[sflag:s2] =	ssyncadd.s32 @p0 $0xFFFFC000  }
0x98: {  	_ =	swait.ge @p0 [sflag:s2], $0x400  }
0x99: {  	[sflag:s2] =	ssyncset.done @p0 $0x0  }
0x9a: {  	[sflag:s2] =	ssyncadd.s32 @p0 $0xFFFFFC00;
	s2 =	sadd.s32 @!p0 s22, s8  }
0x9b: {  	s23 =	simm.s32 @!p0 $0x0;
	s24 =	simm.s32 @!p0 $0x80;
	s2 =	sadd.s32 @!p0 $0x30, s2  }
0x9c: {  	[tilespmem:s24], [sflag:$0x5] =	stream.linear.gather @!p0 [hbm4b:s2+s23], $0x80, $0x38;
	[tilespmem:$0x1D5C0] =	vst v63  }
0x9d: {  	s2 =	simm.s32 @!p0 $0x5  }
0x9e: {  	_ =	swait.ge @!p0 [sflag:s2], $0x80  }
0x9f: {  	[sflag:s2] =	ssyncset.done @!p0 $0x0  }
0xa0: {  	s25 =	simm.s32 @!p0 $0x4;
	[sflag:s2] =	ssyncadd.s32 @!p0 $0xFFFFFF80  }
0xa1: {  	_ =	swait.ge @!p0 [sflag:s25], $0x4000  }
0xa2: {  	[sflag:s25] =	ssyncset.done @!p0 $0x0  }
0xa3: {  	[sflag:s25] =	ssyncadd.s32 @!p0 $0xFFFFC000  }
0xa4: {  	_ =	swait.ge @!p0 [sflag:s25], $0x400  }
0xa5: {  	s26 =	sadd.s32 @!p0 s22, s9;
	[sflag:s25] =	ssyncset.done @!p0 $0x0  }
0xa6: {  	[sflag:s25] =	ssyncadd.s32 @!p0 $0xFFFFFC00;
	s25 =	sadd.s32 @!p0 $0x30, s26;
	s26 =	simm.s32 @!p0 $0x180  }
0xa7: {  	[tilespmem:s26], [sflag:$0x5] =	stream.linear.gather @!p0 [hbm4b:s25+s23], $0x80, $0x38;
	[tilespmem:$0x1D5C0] =	vst v63  }
0xa8: {  	_ =	swait.ge @!p0 [sflag:s2], $0x80  }
0xa9: {  	s22 =	sadd.s32 $0x20, s22;
	[sflag:s2] =	ssyncset.done @!p0 $0x0  }
0xaa: {  	s28 =	rddreg [dreg:$0x9];
	[sflag:s2] =	ssyncadd.s32 @!p0 $0xFFFFFF80;
	s2 =	simm.s32 @!p0 $0x4200  }
0xab: {  	[tilespmem:s2], [sflag:$0x2] =	stream.indirect.gather @!p0 [hbm4b:s0+s24], $0x80, s24, s24, $0xb8;
	[tilespmem:$0x1D5C0] =	vst v63  }
0xac: {  	p0 =	sne.s32 s28, s22  }
.Ltmp0:
0xad: {  	_ = 	snop;
	(pc) =	sbr.rel @p0 .LBB2_2-.Ltmp0, $2  }
0xae: {  	_ =	sdelay $0x2  }
0xaf: {  	s21 =	sadd.s32 $0x2, s21  }
0xb0: {  	[bflag:$0x0] =	sbarrier.arrive $0xFFFF  }
0xb1: {  	[tilespmem:s3], [sflag:$0x5] =	stream.linear.gather [spmem:s31], $0x4000, $0x38;
	[tilespmem:$0x1D5C0] =	vst v63  }
0xb2: {  	_ =	swait.ge [sflag:s10], $0x4000  }
0xb3: {  	[sflag:s10] =	ssyncset.done $0x0  }
0xb4: {  	s2 =	rddreg [dreg:$0xc];
	[sflag:s10] =	ssyncadd.s32 $0xFFFFC000  }
0xb5: {  	[hbm4b:s2+s7] =	stream.linear.scatter [tilespmem:s3], [sflag:$0x5], $0x4000, $0x38;
	[tilespmem:$0x1D5C0] =	vst v63  }
0xb6: {  	_ =	swait.ge [sflag:s10], $0x4000  }
0xb7: {  	[sflag:s10] =	ssyncset.done $0x0  }
0xb8: {  	[sflag:s10] =	ssyncadd.s32 $0xFFFFC000  }
0xb9: {  	[tilespmem:s11], [sflag:$0x5] =	stream.linear.gather [spmem:s29], $0x400, $0x38;
	[tilespmem:$0x1D5C0] =	vst v63  }
0xba: {  	_ =	swait.ge [sflag:s10], $0x400  }
0xbb: {  	[sflag:s10] =	ssyncset.done $0x0  }
0xbc: {  	s24 =	rddreg [dreg:$0x11];
	[sflag:s10] =	ssyncadd.s32 $0xFFFFFC00  }
0xbd: {  	[hbm4b:s24+s7] =	stream.linear.scatter [tilespmem:s11], [sflag:$0x5], $0x400, $0x38;
	[tilespmem:$0x1D5C0] =	vst v63  }
0xbe: {  	_ =	swait.ge [sflag:s10], $0x400  }
0xbf: {  	[sflag:s10] =	ssyncset.done $0x0  }
0xc0: {  	[sflag:s10] =	ssyncadd.s32 $0xFFFFFC00  }
0xc1: {  	[tilespmem:s3], [sflag:$0x5] =	stream.linear.gather [spmem:s30], $0x4000, $0x38;
	[tilespmem:$0x1D5C0] =	vst v63  }
0xc2: {  	_ =	swait.ge [sflag:s10], $0x4000  }
0xc3: {  	[sflag:s10] =	ssyncset.done $0x0  }
0xc4: {  	s25 =	rddreg [dreg:$0xd];
	[sflag:s10] =	ssyncadd.s32 $0xFFFFC000  }
0xc5: {  	[hbm4b:s25+s7] =	stream.linear.scatter [tilespmem:s3], [sflag:$0x5], $0x4000, $0x38;
	[tilespmem:$0x1D5C0] =	vst v63  }
0xc6: {  	_ =	swait.ge [sflag:s10], $0x4000  }
0xc7: {  	[sflag:s10] =	ssyncset.done $0x0  }
0xc8: {  	s24 =	rddreg [dreg:$0x1a];
	[sflag:s10] =	ssyncadd.s32 $0xFFFFC000  }
0xc9: {  	[tilespmem:s11], [sflag:$0x5] =	stream.linear.gather [spmem:s24], $0x400, $0x38;
	[tilespmem:$0x1D5C0] =	vst v63  }
0xca: {  	_ =	swait.ge [sflag:s10], $0x400  }
0xcb: {  	[sflag:s10] =	ssyncset.done $0x0  }
0xcc: {  	s26 =	rddreg [dreg:$0x12];
	[sflag:s10] =	ssyncadd.s32 $0xFFFFFC00  }
0xcd: {  	[hbm4b:s26+s7] =	stream.linear.scatter [tilespmem:s11], [sflag:$0x5], $0x400, $0x38;
	[tilespmem:$0x1D5C0] =	vst v63  }
0xce: {  	_ =	swait.ge [sflag:s10], $0x400  }
0xcf: {  	[sflag:s10] =	ssyncset.done $0x0  }
0xd0: {  	[sflag:s10] =	ssyncadd.s32 $0xFFFFFC00  }
0xd1: {  	[tilespmem:s3], [sflag:$0x5] =	stream.linear.gather [spmem:s18], $0x4000, $0x38;
	[tilespmem:$0x1D5C0] =	vst v63  }
0xd2: {  	_ =	swait.ge [sflag:s10], $0x4000  }
0xd3: {  	[sflag:s10] =	ssyncset.done $0x0  }
0xd4: {  	s22 =	smov.u32 s29;
	s29 =	rddreg [dreg:$0xe];
	[sflag:s10] =	ssyncadd.s32 $0xFFFFC000  }
0xd5: {  	[hbm4b:s29+s7] =	stream.linear.scatter [tilespmem:s3], [sflag:$0x5], $0x4000, $0x38;
	[tilespmem:$0x1D5C0] =	vst v63  }
0xd6: {  	_ =	swait.ge [sflag:s10], $0x4000  }
0xd7: {  	[sflag:s10] =	ssyncset.done $0x0  }
0xd8: {  	[sflag:s10] =	ssyncadd.s32 $0xFFFFC000  }
0xd9: {  	[tilespmem:s11], [sflag:$0x5] =	stream.linear.gather [spmem:s4], $0x400, $0x38;
	[tilespmem:$0x1D5C0] =	vst v63  }
0xda: {  	_ =	swait.ge [sflag:s10], $0x400  }
0xdb: {  	[sflag:s10] =	ssyncset.done $0x0  }
0xdc: {  	s23 =	smov.u32 s30;
	s30 =	rddreg [dreg:$0x13];
	[sflag:s10] =	ssyncadd.s32 $0xFFFFFC00  }
0xdd: {  	[hbm4b:s30+s7] =	stream.linear.scatter [tilespmem:s11], [sflag:$0x5], $0x400, $0x38;
	[tilespmem:$0x1D5C0] =	vst v63  }
0xde: {  	_ =	swait.ge [sflag:s10], $0x400  }
0xdf: {  	[sflag:s10] =	ssyncset.done $0x0  }
0xe0: {  	s26 =	smov.u32 s4;
	s4 =	rddreg [dreg:$0x18];
	[sflag:s10] =	ssyncadd.s32 $0xFFFFFC00  }
0xe1: {  	[tilespmem:s3], [sflag:$0x5] =	stream.linear.gather [spmem:s4], $0x4000, $0x38;
	[tilespmem:$0x1D5C0] =	vst v63  }
0xe2: {  	_ =	swait.ge [sflag:s10], $0x4000  }
0xe3: {  	[sflag:s10] =	ssyncset.done $0x0  }
0xe4: {  	s21 =	smov.u32 s31;
	s31 =	rddreg [dreg:$0xf];
	[sflag:s10] =	ssyncadd.s32 $0xFFFFC000  }
0xe5: {  	[hbm4b:s31+s7] =	stream.linear.scatter [tilespmem:s3], [sflag:$0x5], $0x4000, $0x38;
	[tilespmem:$0x1D5C0] =	vst v63  }
0xe6: {  	_ =	swait.ge [sflag:s10], $0x4000  }
0xe7: {  	[sflag:s10] =	ssyncset.done $0x0  }
0xe8: {  	s25 =	smov.u32 s18;
	s18 =	rddreg [dreg:$0x16];
	[sflag:s10] =	ssyncadd.s32 $0xFFFFC000  }
0xe9: {  	[tilespmem:s11], [sflag:$0x5] =	stream.linear.gather [spmem:s18], $0x400, $0x38;
	[tilespmem:$0x1D5C0] =	vst v63  }
0xea: {  	_ =	swait.ge [sflag:s10], $0x400  }
0xeb: {  	[sflag:s10] =	ssyncset.done $0x0  }
0xec: {  	s1 =	rddreg [dreg:$0x14];
	[sflag:s10] =	ssyncadd.s32 $0xFFFFFC00  }
0xed: {  	[hbm4b:s1+s7] =	stream.linear.scatter [tilespmem:s11], [sflag:$0x5], $0x400, $0x38;
	[tilespmem:$0x1D5C0] =	vst v63  }
0xee: {  	_ =	swait.ge [sflag:s10], $0x400  }
0xef: {  	[sflag:s10] =	ssyncset.done $0x0  }
0xf0: {  	s28 =	rddreg [dreg:$0x17];
	[sflag:s10] =	ssyncadd.s32 $0xFFFFFC00  }
0xf1: {  	[tilespmem:s3], [sflag:$0x5] =	stream.linear.gather [spmem:s28], $0x3C00, $0x38;
	[tilespmem:$0x1D5C0] =	vst v63  }
0xf2: {  	_ =	swait.ge [sflag:s10], $0x3C00  }
0xf3: {  	[sflag:s10] =	ssyncset.done $0x0  }
0xf4: {  	s29 =	rddreg [dreg:$0x10];
	[sflag:s10] =	ssyncadd.s32 $0xFFFFC400  }
0xf5: {  	[hbm4b:s29+s7] =	stream.linear.scatter [tilespmem:s3], [sflag:$0x5], $0x3C00, $0x38;
	[tilespmem:$0x1D5C0] =	vst v63  }
0xf6: {  	_ =	swait.ge [sflag:s10], $0x3C00  }
0xf7: {  	[sflag:s10] =	ssyncset.done $0x0  }
0xf8: {  	s1 =	rddreg [dreg:$0x19];
	[sflag:s10] =	ssyncadd.s32 $0xFFFFC400  }
0xf9: {  	[tilespmem:s11], [sflag:$0x5] =	stream.linear.gather [spmem:s1], $0x3C0, $0x38;
	[tilespmem:$0x1D5C0] =	vst v63  }
0xfa: {  	_ =	swait.ge [sflag:s10], $0x3C0  }
0xfb: {  	[sflag:s10] =	ssyncset.done $0x0  }
0xfc: {  	s30 =	rddreg [dreg:$0x15];
	[sflag:s10] =	ssyncadd.s32 $0xFFFFFC40  }
0xfd: {  	[hbm4b:s30+s7] =	stream.linear.scatter [tilespmem:s11], [sflag:$0x5], $0x3C0, $0x38;
	[tilespmem:$0x1D5C0] =	vst v63  }
0xfe: {  	_ =	swait.ge [sflag:s10], $0x3C0  }
0xff: {  	s20 =	sadd.s32 $0x1, s20;
	s31 =	rddreg [dreg:$0x1b]  }
0x100: {  	p0 =	sne.s32 s20, s31  }
.Ltmp1:
0x101: {  	_ = 	snop;
	(pc) =	sbr.rel @p0 .LBB2_1-.Ltmp1, $3  }
0x102: {  	_ =	sdelay $0x1  }
0x103: {  	[sflag:s10] =	ssyncset.done $0x0  }
0x104: {  	[sflag:s10] =	ssyncadd.s32 $0xFFFFFC40  }
0x105: {  	_ =	sfence.sel $0x180000  }
0x106: {  	[bflag:$0x0] =	sbarrier.arrive $0xFFFF  }
0x107: {  	_ =	strace $0x90000047  }
0x108: {  	s0 =	stileid.u32;
	[bflag:$0x2] =	sbarrier.arrive $0xFFFF  }
0x109: {  	p0 =	sne.s32 s0, $0x0;
	s0 =	rddreg [dreg:$0x8]  }
0x10a: {  	s0 =	sadd.s32 @!p0 $0x100000, s0  }
0x10b: {  	[sflag:s0] =	ssyncadd.tile.s32 @!p0 $0x1;
	_ =	shalt  }
.Lfunc_end2:
_tile_overlayer_lowered:
.L_overlay_start_2:
0x10c: {  	(tag) =	ssettag $0x2  }
0x10d: {  	s0 =	rddreg [dreg:$0x0];
	s2 =	stileid.u32  }
0x10e: {  	s1 =	rddreg [dreg:$0x1];
	p0 =	sne.s32 s2, $0x0  }
0x10f: {  	s3 =	rddreg [dreg:$0x2];
	[bflag:$0x3] =	sbarrier.arrive $0xFFFF;
	s2 =	simm.s32 @!p0 $0x1C05  }
0x110: {  	[timem:s3], [sflag:s2] =	dma.local @!p0 [hbm:s0], s1  }
0x111: {  	s0 =	simm.s32 @!p0 $0x5  }
0x112: {  	_ =	swait.ge @!p0 [sflag:s0], s1  }
0x113: {  	s1 =	ssub.s32 @!p0 $0x0, s1;
	[sflag:s0] =	ssyncset.done @!p0 $0x0  }
0x114: {  	[sflag:s0] =	ssyncadd.s32 @!p0 s1  }
0x115: {  	[bflag:$0x3] =	sbarrier.arrive $0xFFFF  }
0x116: {  	_ =	shalt  }

</sc_bundles>
